<compile_context>
chip_gen: v7x
topology: tpu7x:2x2x1
jax: 0.10.2.dev20260603
libtpu: 0.0.44.dev20260713+nightly
codegen_flags: <defaults>
</compile_context>

<pallas_src>
import functools

import jax
import jax.numpy as jnp
from jax import lax
from jax.experimental import pallas as pl
from jax.experimental.pallas import tpu as pltpu
from jax.experimental.pallas import tpu_sc as plsc

B, C, L, D = 64, 8, 576, 192
KEEP = 144
NW = 32
B_PER_W = B // NW
LCH = L // 16

RANK_BLK = 8


def _rank_body(noise_ref, rank_ref):
    li = lax.broadcasted_iota(jnp.int32, (L, L), 0)
    ji = lax.broadcasted_iota(jnp.int32, (L, L), 1)
    tie = ji < li
    for i in range(RANK_BLK):
        row = noise_ref[i, :]
        a = row[:, None]
        bt = row[None, :]
        cmp = (bt < a) | ((bt == a) & tie)
        rank_ref[i, :] = jnp.sum(cmp.astype(jnp.int32), axis=1)


def _compute_ranks(noise):
    return pl.pallas_call(
        _rank_body,
        grid=(B // RANK_BLK,),
        in_specs=[pl.BlockSpec((RANK_BLK, L), lambda b: (b, 0))],
        out_specs=pl.BlockSpec((RANK_BLK, L), lambda b: (b, 0)),
        out_shape=jax.ShapeDtypeStruct((B, L), jnp.int32),
    )(noise)


def _gather_body(rank_ref, x_ref, xk_ref):
    rank_row = rank_ref[0, 0, :]
    kk = lax.broadcasted_iota(jnp.int32, (KEEP, L), 0)
    for i in range(4):
        p = (rank_ref[i, 0, :][None, :] == kk).astype(jnp.bfloat16)
        for c in range(C):
            xb = x_ref[i, c]
            x_hi = xb.astype(jnp.bfloat16)
            x_lo = (xb - x_hi.astype(jnp.float32)).astype(jnp.bfloat16)
            hi = jnp.dot(p, x_hi, preferred_element_type=jnp.float32)
            lo = jnp.dot(p, x_lo, preferred_element_type=jnp.float32)
            xk_ref[i, c] = hi + lo


def _gather_kept(rank, x):
    return pl.pallas_call(
        _gather_body,
        grid=(B // 4,),
        in_specs=[
            pl.BlockSpec((4, 1, L), lambda b: (b, 0, 0)),
            pl.BlockSpec((4, C, L, D), lambda b: (b, 0, 0, 0)),
        ],
        out_specs=pl.BlockSpec((4, C, KEEP, D), lambda b: (b, 0, 0, 0)),
        out_shape=jax.ShapeDtypeStruct((B, C, KEEP, D), jnp.float32),
    )(rank.reshape(B, 1, L), x)


def _sc_body(rank_ref, x_ref, xk_ref, idr_ref, mask_ref, idk_ref,
             rank_row, keep, mrow, rows, sem):
    cid = lax.axis_index("c")
    sid = lax.axis_index("s")
    wid = sid * 2 + cid
    lane = lax.iota(jnp.int32, 16)
    for i in range(B_PER_W):
        b = wid * B_PER_W + i
        pltpu.sync_copy(rank_ref.at[pl.ds(b * L, L)], rank_row)
        for k in range(LCH):
            r = rank_row[pl.ds(k * 16, 16)]
            lvec = lax.iota(jnp.int32, 16) + (k * 16)
            m = r < KEEP
            idx = jnp.where(m, r, 0)
            plsc.store_scatter(keep, [idx], lvec, mask=m)
            mrow[pl.ds(k * 16, 16)] = jnp.where(
                m, jnp.float32(0.0), jnp.float32(1.0))

        def per_c(c, carry, b=b):
            bc = b * C + c
            pltpu.sync_copy(
                rank_row, idr_ref.at[pl.ds(pl.multiple_of(bc * L, 8), L)])
            pltpu.sync_copy(
                mrow, mask_ref.at[pl.ds(pl.multiple_of(bc * L, 8), L)])
            pltpu.sync_copy(
                keep, idk_ref.at[pl.ds(pl.multiple_of(bc * KEEP, 8), KEEP)])
            for kc in range(KEEP // 16):
                kchunk = keep[pl.ds(kc * 16, 16)]

                def issue(j, c2, kchunk=kchunk, kc=kc):
                    l_idx = jnp.sum(jnp.where(lane == j, kchunk, 0))
                    pltpu.async_copy(
                        x_ref.at[b, c, pl.ds(l_idx, 1), :],
                        rows.at[pl.ds(kc * 16 + j, 1), :], sem)
                    return c2

                lax.fori_loop(0, 16, issue, 0)

            def drain(k, c2):
                pltpu.make_async_copy(
                    x_ref.at[0, 0, pl.ds(0, 1), :],
                    rows.at[pl.ds(k, 1), :], sem).wait()
                return c2

            lax.fori_loop(0, KEEP, drain, 0)
            pltpu.sync_copy(rows, xk_ref.at[b, c])
            return carry

        lax.fori_loop(0, C, per_c, 0)


@functools.cache
def _sc_dropout():
    return pl.kernel(
        _sc_body,
        out_type=(
            jax.ShapeDtypeStruct((B, C, KEEP, D), jnp.float32),
            jax.ShapeDtypeStruct((B * C * L,), jnp.int32),
            jax.ShapeDtypeStruct((B * C * L,), jnp.float32),
            jax.ShapeDtypeStruct((B * C * KEEP,), jnp.int32),
        ),
        mesh=plsc.VectorSubcoreMesh(core_axis_name="c", subcore_axis_name="s"),
        scratch_types=[
            pltpu.VMEM((L,), jnp.int32),
            pltpu.VMEM((KEEP,), jnp.int32),
            pltpu.VMEM((L,), jnp.float32),
            pltpu.VMEM((KEEP, D), jnp.float32),
            pltpu.SemaphoreType.DMA,
        ],
        compiler_params=pltpu.CompilerParams(needs_layout_passes=False),
    )


def kernel(x):
    assert x.shape == (B, C, L, D), x.shape
    noise = jax.random.uniform(jax.random.key(1), (B, L), dtype=jnp.float32)
    rank = _compute_ranks(noise)
    xk, idr, mask, idk = _sc_dropout()(rank.reshape(B * L), x)
    return (xk, idr.reshape(B, C, L),
            mask.reshape(B, C, L), idk.reshape(B, C, KEEP))

# --- scband reference (transcript-rebuilt; emitter-appended) ---
"""Pipeline reference for scband-random-patch-dropout-29222957482774 (READ-ONLY COPY).

The authoritative reference and input builder live on the scoring server;
editing this copy changes nothing except your own understanding.
"""

import jax, jax.numpy as jnp
import numpy as np

PROB = 0.75
SYNC_MASK = True


def setup_inputs(seed: int = 0) -> dict:
    key = jax.random.key(seed)
    x = jax.random.normal(key, (64, 8, 576, 192), dtype=jnp.float32)
    return {"x": x}


def reference(x):
    # Faithful JAX translation of RandomPatchDropout.forward in training mode.
    B, C, L, D = x.shape
    noise_key = jax.random.key(1)
    if SYNC_MASK:
        random_noise = jax.random.uniform(noise_key, (B, L), dtype=jnp.float32)
        ids_shuffle = jnp.argsort(random_noise, axis=1)  # [B, L]
        ids_shuffle = jnp.broadcast_to(ids_shuffle[:, None, :], (B, C, L))
    else:
        random_noise = jax.random.uniform(noise_key, (B, C, L), dtype=jnp.float32)
        ids_shuffle = jnp.argsort(random_noise, axis=-1)
    ids_restore = jnp.argsort(ids_shuffle, axis=-1)  # [B, C, L]
    len_keep = max(1, int(L * (1 - PROB)))
    ids_keep = ids_shuffle[..., :len_keep]  # [B, C, len_keep]
    gather_idx = jnp.broadcast_to(ids_keep[..., None], (B, C, len_keep, D))
    x_kept = jnp.take_along_axis(x, gather_idx, axis=2)  # [B, C, len_keep, D]
    mask = jnp.ones((B, C, L), dtype=x.dtype)
    mask = mask.at[..., :len_keep].set(0.0)
    mask = jnp.take_along_axis(mask, ids_restore, axis=-1)
    return (x_kept, ids_restore, mask, ids_keep)

if __name__ == "__main__":
    import jax
    _d = setup_inputs()
    print(jax.jit(kernel)(*tuple(_d.values())))

</pallas_src>

<mosaic_0001>
#map = affine_map<(d0, d1) -> (0)>
#map1 = affine_map<(d0, d1) -> (0, 0, 0, 0)>
module attributes {stable_mosaic.version = 14 : i64} {
  func.func @_sc_body(%arg0: i32, %arg1: i32, %arg2: memref<36864xi32, #tpu.memory_space<hbm>>, %arg3: memref<64x8x576x192xf32, #tpu.memory_space<hbm>>, %arg4: memref<64x8x144x192xf32, #tpu.memory_space<hbm>>, %arg5: memref<294912xi32, #tpu.memory_space<hbm>>, %arg6: memref<294912xf32, #tpu.memory_space<hbm>>, %arg7: memref<73728xi32, #tpu.memory_space<hbm>>, %arg8: memref<576xi32, #tpu.memory_space<vmem>>, %arg9: memref<144xi32, #tpu.memory_space<vmem>>, %arg10: memref<576xf32, #tpu.memory_space<vmem>>, %arg11: memref<144x192xf32, #tpu.memory_space<vmem>>, %arg12: memref<!tpu.dma_semaphore, #tpu.memory_space<semaphore_mem>>) attributes {dimension_semantics = [#tpu.dimension_semantics<core_parallel>, #tpu.dimension_semantics<subcore_parallel>], iteration_bounds = array<i64: 2, 16>, scalar_prefetch = 0 : i64, scratch_operands = 5 : i64, tpu.core_type = #tpu.core_type<sc_vector_subcore>, window_params = [{transform_indices = #map}, {transform_indices = #map1}, {transform_indices = #map1}, {transform_indices = #map}, {transform_indices = #map}, {transform_indices = #map}]} {
    %mul3A = arith.constant 2 : i32
    %mul3A_0 = arith.muli %arg1, %mul3A : i32
    %add3A = arith.addi %mul3A_0, %arg0 : i32
    %iota3A = tpu.iota {dimensions = array<i32: 0>} : vector<16xi32>
    %mul3A_1 = arith.constant 2 : i32
    %mul3A_2 = arith.muli %add3A, %mul3A_1 : i32
    %add3A_3 = arith.constant 0 : i32
    %add3A_4 = arith.addi %mul3A_2, %add3A_3 : i32
    %mul3A_5 = arith.constant 576 : i32
    %mul3A_6 = arith.muli %add3A_4, %mul3A_5 : i32
    "tpu.region"() ({
      %run_scoped3A = tpu.sem_alloc : memref<!tpu.dma_semaphore, #tpu.memory_space<semaphore_mem>>
      %dma_start3A = tpu.memref_slice %arg2[%mul3A_6] : memref<36864xi32, #tpu.memory_space<hbm>> -> memref<576xi32, #tpu.memory_space<hbm>>
      %dma_start3A_1386 = tpu.memref_slice %arg2[%mul3A_6] : memref<36864xi32, #tpu.memory_space<hbm>> -> memref<576xi32, #tpu.memory_space<hbm>>
      tpu.enqueue_dma source(%dma_start3A_1386 : memref<576xi32, #tpu.memory_space<hbm>>) target(%arg8 : memref<576xi32, #tpu.memory_space<vmem>>) target_semaphore(%run_scoped3A : memref<!tpu.dma_semaphore, #tpu.memory_space<semaphore_mem>>)
      %dma_wait3A = tpu.memref_slice %arg2[%mul3A_6] : memref<36864xi32, #tpu.memory_space<hbm>> -> memref<576xi32, #tpu.memory_space<hbm>>
      %dma_wait3A_1387 = tpu.memref_slice %arg2[%mul3A_6] : memref<36864xi32, #tpu.memory_space<hbm>> -> memref<576xi32, #tpu.memory_space<hbm>>
      tpu.wait_dma2 semaphore(%run_scoped3A : memref<!tpu.dma_semaphore, #tpu.memory_space<semaphore_mem>>) src(%dma_wait3A_1387 : memref<576xi32, #tpu.memory_space<hbm>>) dst(%arg8 : memref<576xi32, #tpu.memory_space<vmem>>)
      tpu.yield
    }) : () -> ()
    %get3A = arith.constant 0 : index
    %get3A_7 = tpu.vector_load %arg8[%get3A] {strides = array<i32>} : memref<576xi32, #tpu.memory_space<vmem>>, vector<16xi32>,
    %iota3A_8 = tpu.iota {dimensions = array<i32: 0>} : vector<16xi32>
    %add3A_9 = arith.constant 0 : i32
    %add3A_10 = vector.broadcast %add3A_9 : i32 to vector<16xi32>
    %add3A_11 = arith.addi %iota3A_8, %add3A_10 : vector<16xi32>
    %lt3A = arith.constant 144 : i32
    %lt3A_12 = vector.broadcast %lt3A : i32 to vector<16xi32>
    %lt3A_13 = arith.cmpi slt, %get3A_7, %lt3A_12 : vector<16xi32>
    %jit3A = arith.constant 0 : i32
    %broadcast_in_dim3A = vector.broadcast %jit3A : i32 to vector<16xi32>
    %select_n3A = arith.select %lt3A_13, %get3A_7, %broadcast_in_dim3A : vector<16xi1>, vector<16xi32>
    tpu.vector_store_idx %arg9[%select_n3A], %add3A_11 masked %lt3A_13 : memref<144xi32, #tpu.memory_space<vmem>>[vector<16xi32>], vector<16xi32>, vector<16xi1>
    %jit3A_14 = arith.constant 0.000000e+00 : f32
    %jit3A_15 = arith.constant 1.000000e+00 : f32
    %broadcast_in_dim3A_16 = vector.broadcast %jit3A_14 : f32 to vector<16xf32>
    %broadcast_in_dim3A_17 = vector.broadcast %jit3A_15 : f32 to vector<16xf32>
    %select_n3A_18 = arith.select %lt3A_13, %broadcast_in_dim3A_16, %broadcast_in_dim3A_17 : vector<16xi1>, vector<16xf32>
    %swap3A = arith.constant 0 : index
    %swap3A_19 = tpu.vector_load %arg10[%swap3A] {strides = array<i32>} : memref<576xf32, #tpu.memory_space<vmem>>, vector<16xf32>,
    tpu.vector_store %arg10[%swap3A], %select_n3A_18 {strides = array<i32>} : memref<576xf32, #tpu.memory_space<vmem>>, vector<16xf32>,
    %get3A_20 = arith.constant 16 : index
    %get3A_21 = tpu.vector_load %arg8[%get3A_20] {strides = array<i32>} : memref<576xi32, #tpu.memory_space<vmem>>, vector<16xi32>,
    %iota3A_22 = tpu.iota {dimensions = array<i32: 0>} : vector<16xi32>
    %add3A_23 = arith.constant 16 : i32
    %add3A_24 = vector.broadcast %add3A_23 : i32 to vector<16xi32>
    %add3A_25 = arith.addi %iota3A_22, %add3A_24 : vector<16xi32>
    %lt3A_26 = arith.constant 144 : i32
    %lt3A_27 = vector.broadcast %lt3A_26 : i32 to vector<16xi32>
    %lt3A_28 = arith.cmpi slt, %get3A_21, %lt3A_27 : vector<16xi32>
    %jit3A_29 = arith.constant 0 : i32
    %broadcast_in_dim3A_30 = vector.broadcast %jit3A_29 : i32 to vector<16xi32>
    %select_n3A_31 = arith.select %lt3A_28, %get3A_21, %broadcast_in_dim3A_30 : vector<16xi1>, vector<16xi32>
    tpu.vector_store_idx %arg9[%select_n3A_31], %add3A_25 masked %lt3A_28 : memref<144xi32, #tpu.memory_space<vmem>>[vector<16xi32>], vector<16xi32>, vector<16xi1>
    %jit3A_32 = arith.constant 0.000000e+00 : f32
    %jit3A_33 = arith.constant 1.000000e+00 : f32
    %broadcast_in_dim3A_34 = vector.broadcast %jit3A_32 : f32 to vector<16xf32>
    %broadcast_in_dim3A_35 = vector.broadcast %jit3A_33 : f32 to vector<16xf32>
    %select_n3A_36 = arith.select %lt3A_28, %broadcast_in_dim3A_34, %broadcast_in_dim3A_35 : vector<16xi1>, vector<16xf32>
    %swap3A_37 = arith.constant 16 : index
    %swap3A_38 = tpu.vector_load %arg10[%swap3A_37] {strides = array<i32>} : memref<576xf32, #tpu.memory_space<vmem>>, vector<16xf32>,
    tpu.vector_store %arg10[%swap3A_37], %select_n3A_36 {strides = array<i32>} : memref<576xf32, #tpu.memory_space<vmem>>, vector<16xf32>,
    %get3A_39 = arith.constant 32 : index
    %get3A_40 = tpu.vector_load %arg8[%get3A_39] {strides = array<i32>} : memref<576xi32, #tpu.memory_space<vmem>>, vector<16xi32>,
    %iota3A_41 = tpu.iota {dimensions = array<i32: 0>} : vector<16xi32>
    %add3A_42 = arith.constant 32 : i32
    %add3A_43 = vector.broadcast %add3A_42 : i32 to vector<16xi32>
    %add3A_44 = arith.addi %iota3A_41, %add3A_43 : vector<16xi32>
    %lt3A_45 = arith.constant 144 : i32
    %lt3A_46 = vector.broadcast %lt3A_45 : i32 to vector<16xi32>
    %lt3A_47 = arith.cmpi slt, %get3A_40, %lt3A_46 : vector<16xi32>
    %jit3A_48 = arith.constant 0 : i32
    %broadcast_in_dim3A_49 = vector.broadcast %jit3A_48 : i32 to vector<16xi32>
    %select_n3A_50 = arith.select %lt3A_47, %get3A_40, %broadcast_in_dim3A_49 : vector<16xi1>, vector<16xi32>
    tpu.vector_store_idx %arg9[%select_n3A_50], %add3A_44 masked %lt3A_47 : memref<144xi32, #tpu.memory_space<vmem>>[vector<16xi32>], vector<16xi32>, vector<16xi1>
    %jit3A_51 = arith.constant 0.000000e+00 : f32
    %jit3A_52 = arith.constant 1.000000e+00 : f32
    %broadcast_in_dim3A_53 = vector.broadcast %jit3A_51 : f32 to vector<16xf32>
    %broadcast_in_dim3A_54 = vector.broadcast %jit3A_52 : f32 to vector<16xf32>
    %select_n3A_55 = arith.select %lt3A_47, %broadcast_in_dim3A_53, %broadcast_in_dim3A_54 : vector<16xi1>, vector<16xf32>
    %swap3A_56 = arith.constant 32 : index
    %swap3A_57 = tpu.vector_load %arg10[%swap3A_56] {strides = array<i32>} : memref<576xf32, #tpu.memory_space<vmem>>, vector<16xf32>,
    tpu.vector_store %arg10[%swap3A_56], %select_n3A_55 {strides = array<i32>} : memref<576xf32, #tpu.memory_space<vmem>>, vector<16xf32>,
    %get3A_58 = arith.constant 48 : index
    %get3A_59 = tpu.vector_load %arg8[%get3A_58] {strides = array<i32>} : memref<576xi32, #tpu.memory_space<vmem>>, vector<16xi32>,
    %iota3A_60 = tpu.iota {dimensions = array<i32: 0>} : vector<16xi32>
    %add3A_61 = arith.constant 48 : i32
    %add3A_62 = vector.broadcast %add3A_61 : i32 to vector<16xi32>
    %add3A_63 = arith.addi %iota3A_60, %add3A_62 : vector<16xi32>
    %lt3A_64 = arith.constant 144 : i32
    %lt3A_65 = vector.broadcast %lt3A_64 : i32 to vector<16xi32>
    %lt3A_66 = arith.cmpi slt, %get3A_59, %lt3A_65 : vector<16xi32>
    %jit3A_67 = arith.constant 0 : i32
    %broadcast_in_dim3A_68 = vector.broadcast %jit3A_67 : i32 to vector<16xi32>
    %select_n3A_69 = arith.select %lt3A_66, %get3A_59, %broadcast_in_dim3A_68 : vector<16xi1>, vector<16xi32>
    tpu.vector_store_idx %arg9[%select_n3A_69], %add3A_63 masked %lt3A_66 : memref<144xi32, #tpu.memory_space<vmem>>[vector<16xi32>], vector<16xi32>, vector<16xi1>
    %jit3A_70 = arith.constant 0.000000e+00 : f32
    %jit3A_71 = arith.constant 1.000000e+00 : f32
    %broadcast_in_dim3A_72 = vector.broadcast %jit3A_70 : f32 to vector<16xf32>
    %broadcast_in_dim3A_73 = vector.broadcast %jit3A_71 : f32 to vector<16xf32>
    %select_n3A_74 = arith.select %lt3A_66, %broadcast_in_dim3A_72, %broadcast_in_dim3A_73 : vector<16xi1>, vector<16xf32>
    %swap3A_75 = arith.constant 48 : index
    %swap3A_76 = tpu.vector_load %arg10[%swap3A_75] {strides = array<i32>} : memref<576xf32, #tpu.memory_space<vmem>>, vector<16xf32>,
    tpu.vector_store %arg10[%swap3A_75], %select_n3A_74 {strides = array<i32>} : memref<576xf32, #tpu.memory_space<vmem>>, vector<16xf32>,
    %get3A_77 = arith.constant 64 : index
    %get3A_78 = tpu.vector_load %arg8[%get3A_77] {strides = array<i32>} : memref<576xi32, #tpu.memory_space<vmem>>, vector<16xi32>,
    %iota3A_79 = tpu.iota {dimensions = array<i32: 0>} : vector<16xi32>
    %add3A_80 = arith.constant 64 : i32
    %add3A_81 = vector.broadcast %add3A_80 : i32 to vector<16xi32>
    %add3A_82 = arith.addi %iota3A_79, %add3A_81 : vector<16xi32>
    %lt3A_83 = arith.constant 144 : i32
    %lt3A_84 = vector.broadcast %lt3A_83 : i32 to vector<16xi32>
    %lt3A_85 = arith.cmpi slt, %get3A_78, %lt3A_84 : vector<16xi32>
    %jit3A_86 = arith.constant 0 : i32
    %broadcast_in_dim3A_87 = vector.broadcast %jit3A_86 : i32 to vector<16xi32>
    %select_n3A_88 = arith.select %lt3A_85, %get3A_78, %broadcast_in_dim3A_87 : vector<16xi1>, vector<16xi32>
    tpu.vector_store_idx %arg9[%select_n3A_88], %add3A_82 masked %lt3A_85 : memref<144xi32, #tpu.memory_space<vmem>>[vector<16xi32>], vector<16xi32>, vector<16xi1>
    %jit3A_89 = arith.constant 0.000000e+00 : f32
    %jit3A_90 = arith.constant 1.000000e+00 : f32
    %broadcast_in_dim3A_91 = vector.broadcast %jit3A_89 : f32 to vector<16xf32>
    %broadcast_in_dim3A_92 = vector.broadcast %jit3A_90 : f32 to vector<16xf32>
    %select_n3A_93 = arith.select %lt3A_85, %broadcast_in_dim3A_91, %broadcast_in_dim3A_92 : vector<16xi1>, vector<16xf32>
    %swap3A_94 = arith.constant 64 : index
    %swap3A_95 = tpu.vector_load %arg10[%swap3A_94] {strides = array<i32>} : memref<576xf32, #tpu.memory_space<vmem>>, vector<16xf32>,
    tpu.vector_store %arg10[%swap3A_94], %select_n3A_93 {strides = array<i32>} : memref<576xf32, #tpu.memory_space<vmem>>, vector<16xf32>,
    %get3A_96 = arith.constant 80 : index
    %get3A_97 = tpu.vector_load %arg8[%get3A_96] {strides = array<i32>} : memref<576xi32, #tpu.memory_space<vmem>>, vector<16xi32>,
    %iota3A_98 = tpu.iota {dimensions = array<i32: 0>} : vector<16xi32>
    %add3A_99 = arith.constant 80 : i32
    %add3A_100 = vector.broadcast %add3A_99 : i32 to vector<16xi32>
    %add3A_101 = arith.addi %iota3A_98, %add3A_100 : vector<16xi32>
    %lt3A_102 = arith.constant 144 : i32
    %lt3A_103 = vector.broadcast %lt3A_102 : i32 to vector<16xi32>
    %lt3A_104 = arith.cmpi slt, %get3A_97, %lt3A_103 : vector<16xi32>
    %jit3A_105 = arith.constant 0 : i32
    %broadcast_in_dim3A_106 = vector.broadcast %jit3A_105 : i32 to vector<16xi32>
    %select_n3A_107 = arith.select %lt3A_104, %get3A_97, %broadcast_in_dim3A_106 : vector<16xi1>, vector<16xi32>
    tpu.vector_store_idx %arg9[%select_n3A_107], %add3A_101 masked %lt3A_104 : memref<144xi32, #tpu.memory_space<vmem>>[vector<16xi32>], vector<16xi32>, vector<16xi1>
    %jit3A_108 = arith.constant 0.000000e+00 : f32
    %jit3A_109 = arith.constant 1.000000e+00 : f32
    %broadcast_in_dim3A_110 = vector.broadcast %jit3A_108 : f32 to vector<16xf32>
    %broadcast_in_dim3A_111 = vector.broadcast %jit3A_109 : f32 to vector<16xf32>
    %select_n3A_112 = arith.select %lt3A_104, %broadcast_in_dim3A_110, %broadcast_in_dim3A_111 : vector<16xi1>, vector<16xf32>
    %swap3A_113 = arith.constant 80 : index
    %swap3A_114 = tpu.vector_load %arg10[%swap3A_113] {strides = array<i32>} : memref<576xf32, #tpu.memory_space<vmem>>, vector<16xf32>,
    tpu.vector_store %arg10[%swap3A_113], %select_n3A_112 {strides = array<i32>} : memref<576xf32, #tpu.memory_space<vmem>>, vector<16xf32>,
    %get3A_115 = arith.constant 96 : index
    %get3A_116 = tpu.vector_load %arg8[%get3A_115] {strides = array<i32>} : memref<576xi32, #tpu.memory_space<vmem>>, vector<16xi32>,
    %iota3A_117 = tpu.iota {dimensions = array<i32: 0>} : vector<16xi32>
    %add3A_118 = arith.constant 96 : i32
    %add3A_119 = vector.broadcast %add3A_118 : i32 to vector<16xi32>
    %add3A_120 = arith.addi %iota3A_117, %add3A_119 : vector<16xi32>
    %lt3A_121 = arith.constant 144 : i32
    %lt3A_122 = vector.broadcast %lt3A_121 : i32 to vector<16xi32>
    %lt3A_123 = arith.cmpi slt, %get3A_116, %lt3A_122 : vector<16xi32>
    %jit3A_124 = arith.constant 0 : i32
    %broadcast_in_dim3A_125 = vector.broadcast %jit3A_124 : i32 to vector<16xi32>
    %select_n3A_126 = arith.select %lt3A_123, %get3A_116, %broadcast_in_dim3A_125 : vector<16xi1>, vector<16xi32>
    tpu.vector_store_idx %arg9[%select_n3A_126], %add3A_120 masked %lt3A_123 : memref<144xi32, #tpu.memory_space<vmem>>[vector<16xi32>], vector<16xi32>, vector<16xi1>
    %jit3A_127 = arith.constant 0.000000e+00 : f32
    %jit3A_128 = arith.constant 1.000000e+00 : f32
    %broadcast_in_dim3A_129 = vector.broadcast %jit3A_127 : f32 to vector<16xf32>
    %broadcast_in_dim3A_130 = vector.broadcast %jit3A_128 : f32 to vector<16xf32>
    %select_n3A_131 = arith.select %lt3A_123, %broadcast_in_dim3A_129, %broadcast_in_dim3A_130 : vector<16xi1>, vector<16xf32>
    %swap3A_132 = arith.constant 96 : index
    %swap3A_133 = tpu.vector_load %arg10[%swap3A_132] {strides = array<i32>} : memref<576xf32, #tpu.memory_space<vmem>>, vector<16xf32>,
    tpu.vector_store %arg10[%swap3A_132], %select_n3A_131 {strides = array<i32>} : memref<576xf32, #tpu.memory_space<vmem>>, vector<16xf32>,
    %get3A_134 = arith.constant 112 : index
    %get3A_135 = tpu.vector_load %arg8[%get3A_134] {strides = array<i32>} : memref<576xi32, #tpu.memory_space<vmem>>, vector<16xi32>,
    %iota3A_136 = tpu.iota {dimensions = array<i32: 0>} : vector<16xi32>
    %add3A_137 = arith.constant 112 : i32
    %add3A_138 = vector.broadcast %add3A_137 : i32 to vector<16xi32>
    %add3A_139 = arith.addi %iota3A_136, %add3A_138 : vector<16xi32>
    %lt3A_140 = arith.constant 144 : i32
    %lt3A_141 = vector.broadcast %lt3A_140 : i32 to vector<16xi32>
    %lt3A_142 = arith.cmpi slt, %get3A_135, %lt3A_141 : vector<16xi32>
    %jit3A_143 = arith.constant 0 : i32
    %broadcast_in_dim3A_144 = vector.broadcast %jit3A_143 : i32 to vector<16xi32>
    %select_n3A_145 = arith.select %lt3A_142, %get3A_135, %broadcast_in_dim3A_144 : vector<16xi1>, vector<16xi32>
    tpu.vector_store_idx %arg9[%select_n3A_145], %add3A_139 masked %lt3A_142 : memref<144xi32, #tpu.memory_space<vmem>>[vector<16xi32>], vector<16xi32>, vector<16xi1>
    %jit3A_146 = arith.constant 0.000000e+00 : f32
    %jit3A_147 = arith.constant 1.000000e+00 : f32
    %broadcast_in_dim3A_148 = vector.broadcast %jit3A_146 : f32 to vector<16xf32>
    %broadcast_in_dim3A_149 = vector.broadcast %jit3A_147 : f32 to vector<16xf32>
    %select_n3A_150 = arith.select %lt3A_142, %broadcast_in_dim3A_148, %broadcast_in_dim3A_149 : vector<16xi1>, vector<16xf32>
    %swap3A_151 = arith.constant 112 : index
    %swap3A_152 = tpu.vector_load %arg10[%swap3A_151] {strides = array<i32>} : memref<576xf32, #tpu.memory_space<vmem>>, vector<16xf32>,
    tpu.vector_store %arg10[%swap3A_151], %select_n3A_150 {strides = array<i32>} : memref<576xf32, #tpu.memory_space<vmem>>, vector<16xf32>,
    %get3A_153 = arith.constant 128 : index
    %get3A_154 = tpu.vector_load %arg8[%get3A_153] {strides = array<i32>} : memref<576xi32, #tpu.memory_space<vmem>>, vector<16xi32>,
    %iota3A_155 = tpu.iota {dimensions = array<i32: 0>} : vector<16xi32>
    %add3A_156 = arith.constant 128 : i32
    %add3A_157 = vector.broadcast %add3A_156 : i32 to vector<16xi32>
    %add3A_158 = arith.addi %iota3A_155, %add3A_157 : vector<16xi32>
    %lt3A_159 = arith.constant 144 : i32
    %lt3A_160 = vector.broadcast %lt3A_159 : i32 to vector<16xi32>
    %lt3A_161 = arith.cmpi slt, %get3A_154, %lt3A_160 : vector<16xi32>
    %jit3A_162 = arith.constant 0 : i32
    %broadcast_in_dim3A_163 = vector.broadcast %jit3A_162 : i32 to vector<16xi32>
    %select_n3A_164 = arith.select %lt3A_161, %get3A_154, %broadcast_in_dim3A_163 : vector<16xi1>, vector<16xi32>
    tpu.vector_store_idx %arg9[%select_n3A_164], %add3A_158 masked %lt3A_161 : memref<144xi32, #tpu.memory_space<vmem>>[vector<16xi32>], vector<16xi32>, vector<16xi1>
    %jit3A_165 = arith.constant 0.000000e+00 : f32
    %jit3A_166 = arith.constant 1.000000e+00 : f32
    %broadcast_in_dim3A_167 = vector.broadcast %jit3A_165 : f32 to vector<16xf32>
    %broadcast_in_dim3A_168 = vector.broadcast %jit3A_166 : f32 to vector<16xf32>
    %select_n3A_169 = arith.select %lt3A_161, %broadcast_in_dim3A_167, %broadcast_in_dim3A_168 : vector<16xi1>, vector<16xf32>
    %swap3A_170 = arith.constant 128 : index
    %swap3A_171 = tpu.vector_load %arg10[%swap3A_170] {strides = array<i32>} : memref<576xf32, #tpu.memory_space<vmem>>, vector<16xf32>,
    tpu.vector_store %arg10[%swap3A_170], %select_n3A_169 {strides = array<i32>} : memref<576xf32, #tpu.memory_space<vmem>>, vector<16xf32>,
    %get3A_172 = arith.constant 144 : index
    %get3A_173 = tpu.vector_load %arg8[%get3A_172] {strides = array<i32>} : memref<576xi32, #tpu.memory_space<vmem>>, vector<16xi32>,
    %iota3A_174 = tpu.iota {dimensions = array<i32: 0>} : vector<16xi32>
    %add3A_175 = arith.constant 144 : i32
    %add3A_176 = vector.broadcast %add3A_175 : i32 to vector<16xi32>
    %add3A_177 = arith.addi %iota3A_174, %add3A_176 : vector<16xi32>
    %lt3A_178 = arith.constant 144 : i32
    %lt3A_179 = vector.broadcast %lt3A_178 : i32 to vector<16xi32>
    %lt3A_180 = arith.cmpi slt, %get3A_173, %lt3A_179 : vector<16xi32>
    %jit3A_181 = arith.constant 0 : i32
    %broadcast_in_dim3A_182 = vector.broadcast %jit3A_181 : i32 to vector<16xi32>
    %select_n3A_183 = arith.select %lt3A_180, %get3A_173, %broadcast_in_dim3A_182 : vector<16xi1>, vector<16xi32>
    tpu.vector_store_idx %arg9[%select_n3A_183], %add3A_177 masked %lt3A_180 : memref<144xi32, #tpu.memory_space<vmem>>[vector<16xi32>], vector<16xi32>, vector<16xi1>
    %jit3A_184 = arith.constant 0.000000e+00 : f32
    %jit3A_185 = arith.constant 1.000000e+00 : f32
    %broadcast_in_dim3A_186 = vector.broadcast %jit3A_184 : f32 to vector<16xf32>
    %broadcast_in_dim3A_187 = vector.broadcast %jit3A_185 : f32 to vector<16xf32>
    %select_n3A_188 = arith.select %lt3A_180, %broadcast_in_dim3A_186, %broadcast_in_dim3A_187 : vector<16xi1>, vector<16xf32>
    %swap3A_189 = arith.constant 144 : index
    %swap3A_190 = tpu.vector_load %arg10[%swap3A_189] {strides = array<i32>} : memref<576xf32, #tpu.memory_space<vmem>>, vector<16xf32>,
    tpu.vector_store %arg10[%swap3A_189], %select_n3A_188 {strides = array<i32>} : memref<576xf32, #tpu.memory_space<vmem>>, vector<16xf32>,
    %get3A_191 = arith.constant 160 : index
    %get3A_192 = tpu.vector_load %arg8[%get3A_191] {strides = array<i32>} : memref<576xi32, #tpu.memory_space<vmem>>, vector<16xi32>,
    %iota3A_193 = tpu.iota {dimensions = array<i32: 0>} : vector<16xi32>
    %add3A_194 = arith.constant 160 : i32
    %add3A_195 = vector.broadcast %add3A_194 : i32 to vector<16xi32>
    %add3A_196 = arith.addi %iota3A_193, %add3A_195 : vector<16xi32>
    %lt3A_197 = arith.constant 144 : i32
    %lt3A_198 = vector.broadcast %lt3A_197 : i32 to vector<16xi32>
    %lt3A_199 = arith.cmpi slt, %get3A_192, %lt3A_198 : vector<16xi32>
    %jit3A_200 = arith.constant 0 : i32
    %broadcast_in_dim3A_201 = vector.broadcast %jit3A_200 : i32 to vector<16xi32>
    %select_n3A_202 = arith.select %lt3A_199, %get3A_192, %broadcast_in_dim3A_201 : vector<16xi1>, vector<16xi32>
    tpu.vector_store_idx %arg9[%select_n3A_202], %add3A_196 masked %lt3A_199 : memref<144xi32, #tpu.memory_space<vmem>>[vector<16xi32>], vector<16xi32>, vector<16xi1>
    %jit3A_203 = arith.constant 0.000000e+00 : f32
    %jit3A_204 = arith.constant 1.000000e+00 : f32
    %broadcast_in_dim3A_205 = vector.broadcast %jit3A_203 : f32 to vector<16xf32>
    %broadcast_in_dim3A_206 = vector.broadcast %jit3A_204 : f32 to vector<16xf32>
    %select_n3A_207 = arith.select %lt3A_199, %broadcast_in_dim3A_205, %broadcast_in_dim3A_206 : vector<16xi1>, vector<16xf32>
    %swap3A_208 = arith.constant 160 : index
    %swap3A_209 = tpu.vector_load %arg10[%swap3A_208] {strides = array<i32>} : memref<576xf32, #tpu.memory_space<vmem>>, vector<16xf32>,
    tpu.vector_store %arg10[%swap3A_208], %select_n3A_207 {strides = array<i32>} : memref<576xf32, #tpu.memory_space<vmem>>, vector<16xf32>,
    %get3A_210 = arith.constant 176 : index
    %get3A_211 = tpu.vector_load %arg8[%get3A_210] {strides = array<i32>} : memref<576xi32, #tpu.memory_space<vmem>>, vector<16xi32>,
    %iota3A_212 = tpu.iota {dimensions = array<i32: 0>} : vector<16xi32>
    %add3A_213 = arith.constant 176 : i32
    %add3A_214 = vector.broadcast %add3A_213 : i32 to vector<16xi32>
    %add3A_215 = arith.addi %iota3A_212, %add3A_214 : vector<16xi32>
    %lt3A_216 = arith.constant 144 : i32
    %lt3A_217 = vector.broadcast %lt3A_216 : i32 to vector<16xi32>
    %lt3A_218 = arith.cmpi slt, %get3A_211, %lt3A_217 : vector<16xi32>
    %jit3A_219 = arith.constant 0 : i32
    %broadcast_in_dim3A_220 = vector.broadcast %jit3A_219 : i32 to vector<16xi32>
    %select_n3A_221 = arith.select %lt3A_218, %get3A_211, %broadcast_in_dim3A_220 : vector<16xi1>, vector<16xi32>
    tpu.vector_store_idx %arg9[%select_n3A_221], %add3A_215 masked %lt3A_218 : memref<144xi32, #tpu.memory_space<vmem>>[vector<16xi32>], vector<16xi32>, vector<16xi1>
    %jit3A_222 = arith.constant 0.000000e+00 : f32
    %jit3A_223 = arith.constant 1.000000e+00 : f32
    %broadcast_in_dim3A_224 = vector.broadcast %jit3A_222 : f32 to vector<16xf32>
    %broadcast_in_dim3A_225 = vector.broadcast %jit3A_223 : f32 to vector<16xf32>
    %select_n3A_226 = arith.select %lt3A_218, %broadcast_in_dim3A_224, %broadcast_in_dim3A_225 : vector<16xi1>, vector<16xf32>
    %swap3A_227 = arith.constant 176 : index
    %swap3A_228 = tpu.vector_load %arg10[%swap3A_227] {strides = array<i32>} : memref<576xf32, #tpu.memory_space<vmem>>, vector<16xf32>,
    tpu.vector_store %arg10[%swap3A_227], %select_n3A_226 {strides = array<i32>} : memref<576xf32, #tpu.memory_space<vmem>>, vector<16xf32>,
    %get3A_229 = arith.constant 192 : index
    %get3A_230 = tpu.vector_load %arg8[%get3A_229] {strides = array<i32>} : memref<576xi32, #tpu.memory_space<vmem>>, vector<16xi32>,
    %iota3A_231 = tpu.iota {dimensions = array<i32: 0>} : vector<16xi32>
    %add3A_232 = arith.constant 192 : i32
    %add3A_233 = vector.broadcast %add3A_232 : i32 to vector<16xi32>
    %add3A_234 = arith.addi %iota3A_231, %add3A_233 : vector<16xi32>
    %lt3A_235 = arith.constant 144 : i32
    %lt3A_236 = vector.broadcast %lt3A_235 : i32 to vector<16xi32>
    %lt3A_237 = arith.cmpi slt, %get3A_230, %lt3A_236 : vector<16xi32>
    %jit3A_238 = arith.constant 0 : i32
    %broadcast_in_dim3A_239 = vector.broadcast %jit3A_238 : i32 to vector<16xi32>
    %select_n3A_240 = arith.select %lt3A_237, %get3A_230, %broadcast_in_dim3A_239 : vector<16xi1>, vector<16xi32>
    tpu.vector_store_idx %arg9[%select_n3A_240], %add3A_234 masked %lt3A_237 : memref<144xi32, #tpu.memory_space<vmem>>[vector<16xi32>], vector<16xi32>, vector<16xi1>
    %jit3A_241 = arith.constant 0.000000e+00 : f32
    %jit3A_242 = arith.constant 1.000000e+00 : f32
    %broadcast_in_dim3A_243 = vector.broadcast %jit3A_241 : f32 to vector<16xf32>
    %broadcast_in_dim3A_244 = vector.broadcast %jit3A_242 : f32 to vector<16xf32>
    %select_n3A_245 = arith.select %lt3A_237, %broadcast_in_dim3A_243, %broadcast_in_dim3A_244 : vector<16xi1>, vector<16xf32>
    %swap3A_246 = arith.constant 192 : index
    %swap3A_247 = tpu.vector_load %arg10[%swap3A_246] {strides = array<i32>} : memref<576xf32, #tpu.memory_space<vmem>>, vector<16xf32>,
    tpu.vector_store %arg10[%swap3A_246], %select_n3A_245 {strides = array<i32>} : memref<576xf32, #tpu.memory_space<vmem>>, vector<16xf32>,
    %get3A_248 = arith.constant 208 : index
    %get3A_249 = tpu.vector_load %arg8[%get3A_248] {strides = array<i32>} : memref<576xi32, #tpu.memory_space<vmem>>, vector<16xi32>,
    %iota3A_250 = tpu.iota {dimensions = array<i32: 0>} : vector<16xi32>
    %add3A_251 = arith.constant 208 : i32
    %add3A_252 = vector.broadcast %add3A_251 : i32 to vector<16xi32>
    %add3A_253 = arith.addi %iota3A_250, %add3A_252 : vector<16xi32>
    %lt3A_254 = arith.constant 144 : i32
    %lt3A_255 = vector.broadcast %lt3A_254 : i32 to vector<16xi32>
    %lt3A_256 = arith.cmpi slt, %get3A_249, %lt3A_255 : vector<16xi32>
    %jit3A_257 = arith.constant 0 : i32
    %broadcast_in_dim3A_258 = vector.broadcast %jit3A_257 : i32 to vector<16xi32>
    %select_n3A_259 = arith.select %lt3A_256, %get3A_249, %broadcast_in_dim3A_258 : vector<16xi1>, vector<16xi32>
    tpu.vector_store_idx %arg9[%select_n3A_259], %add3A_253 masked %lt3A_256 : memref<144xi32, #tpu.memory_space<vmem>>[vector<16xi32>], vector<16xi32>, vector<16xi1>
    %jit3A_260 = arith.constant 0.000000e+00 : f32
    %jit3A_261 = arith.constant 1.000000e+00 : f32
    %broadcast_in_dim3A_262 = vector.broadcast %jit3A_260 : f32 to vector<16xf32>
    %broadcast_in_dim3A_263 = vector.broadcast %jit3A_261 : f32 to vector<16xf32>
    %select_n3A_264 = arith.select %lt3A_256, %broadcast_in_dim3A_262, %broadcast_in_dim3A_263 : vector<16xi1>, vector<16xf32>
    %swap3A_265 = arith.constant 208 : index
    %swap3A_266 = tpu.vector_load %arg10[%swap3A_265] {strides = array<i32>} : memref<576xf32, #tpu.memory_space<vmem>>, vector<16xf32>,
    tpu.vector_store %arg10[%swap3A_265], %select_n3A_264 {strides = array<i32>} : memref<576xf32, #tpu.memory_space<vmem>>, vector<16xf32>,
    %get3A_267 = arith.constant 224 : index
    %get3A_268 = tpu.vector_load %arg8[%get3A_267] {strides = array<i32>} : memref<576xi32, #tpu.memory_space<vmem>>, vector<16xi32>,
    %iota3A_269 = tpu.iota {dimensions = array<i32: 0>} : vector<16xi32>
    %add3A_270 = arith.constant 224 : i32
    %add3A_271 = vector.broadcast %add3A_270 : i32 to vector<16xi32>
    %add3A_272 = arith.addi %iota3A_269, %add3A_271 : vector<16xi32>
    %lt3A_273 = arith.constant 144 : i32
    %lt3A_274 = vector.broadcast %lt3A_273 : i32 to vector<16xi32>
    %lt3A_275 = arith.cmpi slt, %get3A_268, %lt3A_274 : vector<16xi32>
    %jit3A_276 = arith.constant 0 : i32
    %broadcast_in_dim3A_277 = vector.broadcast %jit3A_276 : i32 to vector<16xi32>
    %select_n3A_278 = arith.select %lt3A_275, %get3A_268, %broadcast_in_dim3A_277 : vector<16xi1>, vector<16xi32>
    tpu.vector_store_idx %arg9[%select_n3A_278], %add3A_272 masked %lt3A_275 : memref<144xi32, #tpu.memory_space<vmem>>[vector<16xi32>], vector<16xi32>, vector<16xi1>
    %jit3A_279 = arith.constant 0.000000e+00 : f32
    %jit3A_280 = arith.constant 1.000000e+00 : f32
    %broadcast_in_dim3A_281 = vector.broadcast %jit3A_279 : f32 to vector<16xf32>
    %broadcast_in_dim3A_282 = vector.broadcast %jit3A_280 : f32 to vector<16xf32>
    %select_n3A_283 = arith.select %lt3A_275, %broadcast_in_dim3A_281, %broadcast_in_dim3A_282 : vector<16xi1>, vector<16xf32>
    %swap3A_284 = arith.constant 224 : index
    %swap3A_285 = tpu.vector_load %arg10[%swap3A_284] {strides = array<i32>} : memref<576xf32, #tpu.memory_space<vmem>>, vector<16xf32>,
    tpu.vector_store %arg10[%swap3A_284], %select_n3A_283 {strides = array<i32>} : memref<576xf32, #tpu.memory_space<vmem>>, vector<16xf32>,
    %get3A_286 = arith.constant 240 : index
    %get3A_287 = tpu.vector_load %arg8[%get3A_286] {strides = array<i32>} : memref<576xi32, #tpu.memory_space<vmem>>, vector<16xi32>,
    %iota3A_288 = tpu.iota {dimensions = array<i32: 0>} : vector<16xi32>
    %add3A_289 = arith.constant 240 : i32
    %add3A_290 = vector.broadcast %add3A_289 : i32 to vector<16xi32>
    %add3A_291 = arith.addi %iota3A_288, %add3A_290 : vector<16xi32>
    %lt3A_292 = arith.constant 144 : i32
    %lt3A_293 = vector.broadcast %lt3A_292 : i32 to vector<16xi32>
    %lt3A_294 = arith.cmpi slt, %get3A_287, %lt3A_293 : vector<16xi32>
    %jit3A_295 = arith.constant 0 : i32
    %broadcast_in_dim3A_296 = vector.broadcast %jit3A_295 : i32 to vector<16xi32>
    %select_n3A_297 = arith.select %lt3A_294, %get3A_287, %broadcast_in_dim3A_296 : vector<16xi1>, vector<16xi32>
    tpu.vector_store_idx %arg9[%select_n3A_297], %add3A_291 masked %lt3A_294 : memref<144xi32, #tpu.memory_space<vmem>>[vector<16xi32>], vector<16xi32>, vector<16xi1>
    %jit3A_298 = arith.constant 0.000000e+00 : f32
    %jit3A_299 = arith.constant 1.000000e+00 : f32
    %broadcast_in_dim3A_300 = vector.broadcast %jit3A_298 : f32 to vector<16xf32>
    %broadcast_in_dim3A_301 = vector.broadcast %jit3A_299 : f32 to vector<16xf32>
    %select_n3A_302 = arith.select %lt3A_294, %broadcast_in_dim3A_300, %broadcast_in_dim3A_301 : vector<16xi1>, vector<16xf32>
    %swap3A_303 = arith.constant 240 : index
    %swap3A_304 = tpu.vector_load %arg10[%swap3A_303] {strides = array<i32>} : memref<576xf32, #tpu.memory_space<vmem>>, vector<16xf32>,
    tpu.vector_store %arg10[%swap3A_303], %select_n3A_302 {strides = array<i32>} : memref<576xf32, #tpu.memory_space<vmem>>, vector<16xf32>,
    %get3A_305 = arith.constant 256 : index
    %get3A_306 = tpu.vector_load %arg8[%get3A_305] {strides = array<i32>} : memref<576xi32, #tpu.memory_space<vmem>>, vector<16xi32>,
    %iota3A_307 = tpu.iota {dimensions = array<i32: 0>} : vector<16xi32>
    %add3A_308 = arith.constant 256 : i32
    %add3A_309 = vector.broadcast %add3A_308 : i32 to vector<16xi32>
    %add3A_310 = arith.addi %iota3A_307, %add3A_309 : vector<16xi32>
    %lt3A_311 = arith.constant 144 : i32
    %lt3A_312 = vector.broadcast %lt3A_311 : i32 to vector<16xi32>
    %lt3A_313 = arith.cmpi slt, %get3A_306, %lt3A_312 : vector<16xi32>
    %jit3A_314 = arith.constant 0 : i32
    %broadcast_in_dim3A_315 = vector.broadcast %jit3A_314 : i32 to vector<16xi32>
    %select_n3A_316 = arith.select %lt3A_313, %get3A_306, %broadcast_in_dim3A_315 : vector<16xi1>, vector<16xi32>
    tpu.vector_store_idx %arg9[%select_n3A_316], %add3A_310 masked %lt3A_313 : memref<144xi32, #tpu.memory_space<vmem>>[vector<16xi32>], vector<16xi32>, vector<16xi1>
    %jit3A_317 = arith.constant 0.000000e+00 : f32
    %jit3A_318 = arith.constant 1.000000e+00 : f32
    %broadcast_in_dim3A_319 = vector.broadcast %jit3A_317 : f32 to vector<16xf32>
    %broadcast_in_dim3A_320 = vector.broadcast %jit3A_318 : f32 to vector<16xf32>
    %select_n3A_321 = arith.select %lt3A_313, %broadcast_in_dim3A_319, %broadcast_in_dim3A_320 : vector<16xi1>, vector<16xf32>
    %swap3A_322 = arith.constant 256 : index
    %swap3A_323 = tpu.vector_load %arg10[%swap3A_322] {strides = array<i32>} : memref<576xf32, #tpu.memory_space<vmem>>, vector<16xf32>,
    tpu.vector_store %arg10[%swap3A_322], %select_n3A_321 {strides = array<i32>} : memref<576xf32, #tpu.memory_space<vmem>>, vector<16xf32>,
    %get3A_324 = arith.constant 272 : index
    %get3A_325 = tpu.vector_load %arg8[%get3A_324] {strides = array<i32>} : memref<576xi32, #tpu.memory_space<vmem>>, vector<16xi32>,
    %iota3A_326 = tpu.iota {dimensions = array<i32: 0>} : vector<16xi32>
    %add3A_327 = arith.constant 272 : i32
    %add3A_328 = vector.broadcast %add3A_327 : i32 to vector<16xi32>
    %add3A_329 = arith.addi %iota3A_326, %add3A_328 : vector<16xi32>
    %lt3A_330 = arith.constant 144 : i32
    %lt3A_331 = vector.broadcast %lt3A_330 : i32 to vector<16xi32>
    %lt3A_332 = arith.cmpi slt, %get3A_325, %lt3A_331 : vector<16xi32>
    %jit3A_333 = arith.constant 0 : i32
    %broadcast_in_dim3A_334 = vector.broadcast %jit3A_333 : i32 to vector<16xi32>
    %select_n3A_335 = arith.select %lt3A_332, %get3A_325, %broadcast_in_dim3A_334 : vector<16xi1>, vector<16xi32>
    tpu.vector_store_idx %arg9[%select_n3A_335], %add3A_329 masked %lt3A_332 : memref<144xi32, #tpu.memory_space<vmem>>[vector<16xi32>], vector<16xi32>, vector<16xi1>
    %jit3A_336 = arith.constant 0.000000e+00 : f32
    %jit3A_337 = arith.constant 1.000000e+00 : f32
    %broadcast_in_dim3A_338 = vector.broadcast %jit3A_336 : f32 to vector<16xf32>
    %broadcast_in_dim3A_339 = vector.broadcast %jit3A_337 : f32 to vector<16xf32>
    %select_n3A_340 = arith.select %lt3A_332, %broadcast_in_dim3A_338, %broadcast_in_dim3A_339 : vector<16xi1>, vector<16xf32>
    %swap3A_341 = arith.constant 272 : index
    %swap3A_342 = tpu.vector_load %arg10[%swap3A_341] {strides = array<i32>} : memref<576xf32, #tpu.memory_space<vmem>>, vector<16xf32>,
    tpu.vector_store %arg10[%swap3A_341], %select_n3A_340 {strides = array<i32>} : memref<576xf32, #tpu.memory_space<vmem>>, vector<16xf32>,
    %get3A_343 = arith.constant 288 : index
    %get3A_344 = tpu.vector_load %arg8[%get3A_343] {strides = array<i32>} : memref<576xi32, #tpu.memory_space<vmem>>, vector<16xi32>,
    %iota3A_345 = tpu.iota {dimensions = array<i32: 0>} : vector<16xi32>
    %add3A_346 = arith.constant 288 : i32
    %add3A_347 = vector.broadcast %add3A_346 : i32 to vector<16xi32>
    %add3A_348 = arith.addi %iota3A_345, %add3A_347 : vector<16xi32>
    %lt3A_349 = arith.constant 144 : i32
    %lt3A_350 = vector.broadcast %lt3A_349 : i32 to vector<16xi32>
    %lt3A_351 = arith.cmpi slt, %get3A_344, %lt3A_350 : vector<16xi32>
    %jit3A_352 = arith.constant 0 : i32
    %broadcast_in_dim3A_353 = vector.broadcast %jit3A_352 : i32 to vector<16xi32>
    %select_n3A_354 = arith.select %lt3A_351, %get3A_344, %broadcast_in_dim3A_353 : vector<16xi1>, vector<16xi32>
    tpu.vector_store_idx %arg9[%select_n3A_354], %add3A_348 masked %lt3A_351 : memref<144xi32, #tpu.memory_space<vmem>>[vector<16xi32>], vector<16xi32>, vector<16xi1>
    %jit3A_355 = arith.constant 0.000000e+00 : f32
    %jit3A_356 = arith.constant 1.000000e+00 : f32
    %broadcast_in_dim3A_357 = vector.broadcast %jit3A_355 : f32 to vector<16xf32>
    %broadcast_in_dim3A_358 = vector.broadcast %jit3A_356 : f32 to vector<16xf32>
    %select_n3A_359 = arith.select %lt3A_351, %broadcast_in_dim3A_357, %broadcast_in_dim3A_358 : vector<16xi1>, vector<16xf32>
    %swap3A_360 = arith.constant 288 : index
    %swap3A_361 = tpu.vector_load %arg10[%swap3A_360] {strides = array<i32>} : memref<576xf32, #tpu.memory_space<vmem>>, vector<16xf32>,
    tpu.vector_store %arg10[%swap3A_360], %select_n3A_359 {strides = array<i32>} : memref<576xf32, #tpu.memory_space<vmem>>, vector<16xf32>,
    %get3A_362 = arith.constant 304 : index
    %get3A_363 = tpu.vector_load %arg8[%get3A_362] {strides = array<i32>} : memref<576xi32, #tpu.memory_space<vmem>>, vector<16xi32>,
    %iota3A_364 = tpu.iota {dimensions = array<i32: 0>} : vector<16xi32>
    %add3A_365 = arith.constant 304 : i32
    %add3A_366 = vector.broadcast %add3A_365 : i32 to vector<16xi32>
    %add3A_367 = arith.addi %iota3A_364, %add3A_366 : vector<16xi32>
    %lt3A_368 = arith.constant 144 : i32
    %lt3A_369 = vector.broadcast %lt3A_368 : i32 to vector<16xi32>
    %lt3A_370 = arith.cmpi slt, %get3A_363, %lt3A_369 : vector<16xi32>
    %jit3A_371 = arith.constant 0 : i32
    %broadcast_in_dim3A_372 = vector.broadcast %jit3A_371 : i32 to vector<16xi32>
    %select_n3A_373 = arith.select %lt3A_370, %get3A_363, %broadcast_in_dim3A_372 : vector<16xi1>, vector<16xi32>
    tpu.vector_store_idx %arg9[%select_n3A_373], %add3A_367 masked %lt3A_370 : memref<144xi32, #tpu.memory_space<vmem>>[vector<16xi32>], vector<16xi32>, vector<16xi1>
    %jit3A_374 = arith.constant 0.000000e+00 : f32
    %jit3A_375 = arith.constant 1.000000e+00 : f32
    %broadcast_in_dim3A_376 = vector.broadcast %jit3A_374 : f32 to vector<16xf32>
    %broadcast_in_dim3A_377 = vector.broadcast %jit3A_375 : f32 to vector<16xf32>
    %select_n3A_378 = arith.select %lt3A_370, %broadcast_in_dim3A_376, %broadcast_in_dim3A_377 : vector<16xi1>, vector<16xf32>
    %swap3A_379 = arith.constant 304 : index
    %swap3A_380 = tpu.vector_load %arg10[%swap3A_379] {strides = array<i32>} : memref<576xf32, #tpu.memory_space<vmem>>, vector<16xf32>,
    tpu.vector_store %arg10[%swap3A_379], %select_n3A_378 {strides = array<i32>} : memref<576xf32, #tpu.memory_space<vmem>>, vector<16xf32>,
    %get3A_381 = arith.constant 320 : index
    %get3A_382 = tpu.vector_load %arg8[%get3A_381] {strides = array<i32>} : memref<576xi32, #tpu.memory_space<vmem>>, vector<16xi32>,
    %iota3A_383 = tpu.iota {dimensions = array<i32: 0>} : vector<16xi32>
    %add3A_384 = arith.constant 320 : i32
    %add3A_385 = vector.broadcast %add3A_384 : i32 to vector<16xi32>
    %add3A_386 = arith.addi %iota3A_383, %add3A_385 : vector<16xi32>
    %lt3A_387 = arith.constant 144 : i32
    %lt3A_388 = vector.broadcast %lt3A_387 : i32 to vector<16xi32>
    %lt3A_389 = arith.cmpi slt, %get3A_382, %lt3A_388 : vector<16xi32>
    %jit3A_390 = arith.constant 0 : i32
    %broadcast_in_dim3A_391 = vector.broadcast %jit3A_390 : i32 to vector<16xi32>
    %select_n3A_392 = arith.select %lt3A_389, %get3A_382, %broadcast_in_dim3A_391 : vector<16xi1>, vector<16xi32>
    tpu.vector_store_idx %arg9[%select_n3A_392], %add3A_386 masked %lt3A_389 : memref<144xi32, #tpu.memory_space<vmem>>[vector<16xi32>], vector<16xi32>, vector<16xi1>
    %jit3A_393 = arith.constant 0.000000e+00 : f32
    %jit3A_394 = arith.constant 1.000000e+00 : f32
    %broadcast_in_dim3A_395 = vector.broadcast %jit3A_393 : f32 to vector<16xf32>
    %broadcast_in_dim3A_396 = vector.broadcast %jit3A_394 : f32 to vector<16xf32>
    %select_n3A_397 = arith.select %lt3A_389, %broadcast_in_dim3A_395, %broadcast_in_dim3A_396 : vector<16xi1>, vector<16xf32>
    %swap3A_398 = arith.constant 320 : index
    %swap3A_399 = tpu.vector_load %arg10[%swap3A_398] {strides = array<i32>} : memref<576xf32, #tpu.memory_space<vmem>>, vector<16xf32>,
    tpu.vector_store %arg10[%swap3A_398], %select_n3A_397 {strides = array<i32>} : memref<576xf32, #tpu.memory_space<vmem>>, vector<16xf32>,
    %get3A_400 = arith.constant 336 : index
    %get3A_401 = tpu.vector_load %arg8[%get3A_400] {strides = array<i32>} : memref<576xi32, #tpu.memory_space<vmem>>, vector<16xi32>,
    %iota3A_402 = tpu.iota {dimensions = array<i32: 0>} : vector<16xi32>
    %add3A_403 = arith.constant 336 : i32
    %add3A_404 = vector.broadcast %add3A_403 : i32 to vector<16xi32>
    %add3A_405 = arith.addi %iota3A_402, %add3A_404 : vector<16xi32>
    %lt3A_406 = arith.constant 144 : i32
    %lt3A_407 = vector.broadcast %lt3A_406 : i32 to vector<16xi32>
    %lt3A_408 = arith.cmpi slt, %get3A_401, %lt3A_407 : vector<16xi32>
    %jit3A_409 = arith.constant 0 : i32
    %broadcast_in_dim3A_410 = vector.broadcast %jit3A_409 : i32 to vector<16xi32>
    %select_n3A_411 = arith.select %lt3A_408, %get3A_401, %broadcast_in_dim3A_410 : vector<16xi1>, vector<16xi32>
    tpu.vector_store_idx %arg9[%select_n3A_411], %add3A_405 masked %lt3A_408 : memref<144xi32, #tpu.memory_space<vmem>>[vector<16xi32>], vector<16xi32>, vector<16xi1>
    %jit3A_412 = arith.constant 0.000000e+00 : f32
    %jit3A_413 = arith.constant 1.000000e+00 : f32
    %broadcast_in_dim3A_414 = vector.broadcast %jit3A_412 : f32 to vector<16xf32>
    %broadcast_in_dim3A_415 = vector.broadcast %jit3A_413 : f32 to vector<16xf32>
    %select_n3A_416 = arith.select %lt3A_408, %broadcast_in_dim3A_414, %broadcast_in_dim3A_415 : vector<16xi1>, vector<16xf32>
    %swap3A_417 = arith.constant 336 : index
    %swap3A_418 = tpu.vector_load %arg10[%swap3A_417] {strides = array<i32>} : memref<576xf32, #tpu.memory_space<vmem>>, vector<16xf32>,
    tpu.vector_store %arg10[%swap3A_417], %select_n3A_416 {strides = array<i32>} : memref<576xf32, #tpu.memory_space<vmem>>, vector<16xf32>,
    %get3A_419 = arith.constant 352 : index
    %get3A_420 = tpu.vector_load %arg8[%get3A_419] {strides = array<i32>} : memref<576xi32, #tpu.memory_space<vmem>>, vector<16xi32>,
    %iota3A_421 = tpu.iota {dimensions = array<i32: 0>} : vector<16xi32>
    %add3A_422 = arith.constant 352 : i32
    %add3A_423 = vector.broadcast %add3A_422 : i32 to vector<16xi32>
    %add3A_424 = arith.addi %iota3A_421, %add3A_423 : vector<16xi32>
    %lt3A_425 = arith.constant 144 : i32
    %lt3A_426 = vector.broadcast %lt3A_425 : i32 to vector<16xi32>
    %lt3A_427 = arith.cmpi slt, %get3A_420, %lt3A_426 : vector<16xi32>
    %jit3A_428 = arith.constant 0 : i32
    %broadcast_in_dim3A_429 = vector.broadcast %jit3A_428 : i32 to vector<16xi32>
    %select_n3A_430 = arith.select %lt3A_427, %get3A_420, %broadcast_in_dim3A_429 : vector<16xi1>, vector<16xi32>
    tpu.vector_store_idx %arg9[%select_n3A_430], %add3A_424 masked %lt3A_427 : memref<144xi32, #tpu.memory_space<vmem>>[vector<16xi32>], vector<16xi32>, vector<16xi1>
    %jit3A_431 = arith.constant 0.000000e+00 : f32
    %jit3A_432 = arith.constant 1.000000e+00 : f32
    %broadcast_in_dim3A_433 = vector.broadcast %jit3A_431 : f32 to vector<16xf32>
    %broadcast_in_dim3A_434 = vector.broadcast %jit3A_432 : f32 to vector<16xf32>
    %select_n3A_435 = arith.select %lt3A_427, %broadcast_in_dim3A_433, %broadcast_in_dim3A_434 : vector<16xi1>, vector<16xf32>
    %swap3A_436 = arith.constant 352 : index
    %swap3A_437 = tpu.vector_load %arg10[%swap3A_436] {strides = array<i32>} : memref<576xf32, #tpu.memory_space<vmem>>, vector<16xf32>,
    tpu.vector_store %arg10[%swap3A_436], %select_n3A_435 {strides = array<i32>} : memref<576xf32, #tpu.memory_space<vmem>>, vector<16xf32>,
    %get3A_438 = arith.constant 368 : index
    %get3A_439 = tpu.vector_load %arg8[%get3A_438] {strides = array<i32>} : memref<576xi32, #tpu.memory_space<vmem>>, vector<16xi32>,
    %iota3A_440 = tpu.iota {dimensions = array<i32: 0>} : vector<16xi32>
    %add3A_441 = arith.constant 368 : i32
    %add3A_442 = vector.broadcast %add3A_441 : i32 to vector<16xi32>
    %add3A_443 = arith.addi %iota3A_440, %add3A_442 : vector<16xi32>
    %lt3A_444 = arith.constant 144 : i32
    %lt3A_445 = vector.broadcast %lt3A_444 : i32 to vector<16xi32>
    %lt3A_446 = arith.cmpi slt, %get3A_439, %lt3A_445 : vector<16xi32>
    %jit3A_447 = arith.constant 0 : i32
    %broadcast_in_dim3A_448 = vector.broadcast %jit3A_447 : i32 to vector<16xi32>
    %select_n3A_449 = arith.select %lt3A_446, %get3A_439, %broadcast_in_dim3A_448 : vector<16xi1>, vector<16xi32>
    tpu.vector_store_idx %arg9[%select_n3A_449], %add3A_443 masked %lt3A_446 : memref<144xi32, #tpu.memory_space<vmem>>[vector<16xi32>], vector<16xi32>, vector<16xi1>
    %jit3A_450 = arith.constant 0.000000e+00 : f32
    %jit3A_451 = arith.constant 1.000000e+00 : f32
    %broadcast_in_dim3A_452 = vector.broadcast %jit3A_450 : f32 to vector<16xf32>
    %broadcast_in_dim3A_453 = vector.broadcast %jit3A_451 : f32 to vector<16xf32>
    %select_n3A_454 = arith.select %lt3A_446, %broadcast_in_dim3A_452, %broadcast_in_dim3A_453 : vector<16xi1>, vector<16xf32>
    %swap3A_455 = arith.constant 368 : index
    %swap3A_456 = tpu.vector_load %arg10[%swap3A_455] {strides = array<i32>} : memref<576xf32, #tpu.memory_space<vmem>>, vector<16xf32>,
    tpu.vector_store %arg10[%swap3A_455], %select_n3A_454 {strides = array<i32>} : memref<576xf32, #tpu.memory_space<vmem>>, vector<16xf32>,
    %get3A_457 = arith.constant 384 : index
    %get3A_458 = tpu.vector_load %arg8[%get3A_457] {strides = array<i32>} : memref<576xi32, #tpu.memory_space<vmem>>, vector<16xi32>,
    %iota3A_459 = tpu.iota {dimensions = array<i32: 0>} : vector<16xi32>
    %add3A_460 = arith.constant 384 : i32
    %add3A_461 = vector.broadcast %add3A_460 : i32 to vector<16xi32>
    %add3A_462 = arith.addi %iota3A_459, %add3A_461 : vector<16xi32>
    %lt3A_463 = arith.constant 144 : i32
    %lt3A_464 = vector.broadcast %lt3A_463 : i32 to vector<16xi32>
    %lt3A_465 = arith.cmpi slt, %get3A_458, %lt3A_464 : vector<16xi32>
    %jit3A_466 = arith.constant 0 : i32
    %broadcast_in_dim3A_467 = vector.broadcast %jit3A_466 : i32 to vector<16xi32>
    %select_n3A_468 = arith.select %lt3A_465, %get3A_458, %broadcast_in_dim3A_467 : vector<16xi1>, vector<16xi32>
    tpu.vector_store_idx %arg9[%select_n3A_468], %add3A_462 masked %lt3A_465 : memref<144xi32, #tpu.memory_space<vmem>>[vector<16xi32>], vector<16xi32>, vector<16xi1>
    %jit3A_469 = arith.constant 0.000000e+00 : f32
    %jit3A_470 = arith.constant 1.000000e+00 : f32
    %broadcast_in_dim3A_471 = vector.broadcast %jit3A_469 : f32 to vector<16xf32>
    %broadcast_in_dim3A_472 = vector.broadcast %jit3A_470 : f32 to vector<16xf32>
    %select_n3A_473 = arith.select %lt3A_465, %broadcast_in_dim3A_471, %broadcast_in_dim3A_472 : vector<16xi1>, vector<16xf32>
    %swap3A_474 = arith.constant 384 : index
    %swap3A_475 = tpu.vector_load %arg10[%swap3A_474] {strides = array<i32>} : memref<576xf32, #tpu.memory_space<vmem>>, vector<16xf32>,
    tpu.vector_store %arg10[%swap3A_474], %select_n3A_473 {strides = array<i32>} : memref<576xf32, #tpu.memory_space<vmem>>, vector<16xf32>,
    %get3A_476 = arith.constant 400 : index
    %get3A_477 = tpu.vector_load %arg8[%get3A_476] {strides = array<i32>} : memref<576xi32, #tpu.memory_space<vmem>>, vector<16xi32>,
    %iota3A_478 = tpu.iota {dimensions = array<i32: 0>} : vector<16xi32>
    %add3A_479 = arith.constant 400 : i32
    %add3A_480 = vector.broadcast %add3A_479 : i32 to vector<16xi32>
    %add3A_481 = arith.addi %iota3A_478, %add3A_480 : vector<16xi32>
    %lt3A_482 = arith.constant 144 : i32
    %lt3A_483 = vector.broadcast %lt3A_482 : i32 to vector<16xi32>
    %lt3A_484 = arith.cmpi slt, %get3A_477, %lt3A_483 : vector<16xi32>
    %jit3A_485 = arith.constant 0 : i32
    %broadcast_in_dim3A_486 = vector.broadcast %jit3A_485 : i32 to vector<16xi32>
    %select_n3A_487 = arith.select %lt3A_484, %get3A_477, %broadcast_in_dim3A_486 : vector<16xi1>, vector<16xi32>
    tpu.vector_store_idx %arg9[%select_n3A_487], %add3A_481 masked %lt3A_484 : memref<144xi32, #tpu.memory_space<vmem>>[vector<16xi32>], vector<16xi32>, vector<16xi1>
    %jit3A_488 = arith.constant 0.000000e+00 : f32
    %jit3A_489 = arith.constant 1.000000e+00 : f32
    %broadcast_in_dim3A_490 = vector.broadcast %jit3A_488 : f32 to vector<16xf32>
    %broadcast_in_dim3A_491 = vector.broadcast %jit3A_489 : f32 to vector<16xf32>
    %select_n3A_492 = arith.select %lt3A_484, %broadcast_in_dim3A_490, %broadcast_in_dim3A_491 : vector<16xi1>, vector<16xf32>
    %swap3A_493 = arith.constant 400 : index
    %swap3A_494 = tpu.vector_load %arg10[%swap3A_493] {strides = array<i32>} : memref<576xf32, #tpu.memory_space<vmem>>, vector<16xf32>,
    tpu.vector_store %arg10[%swap3A_493], %select_n3A_492 {strides = array<i32>} : memref<576xf32, #tpu.memory_space<vmem>>, vector<16xf32>,
    %get3A_495 = arith.constant 416 : index
    %get3A_496 = tpu.vector_load %arg8[%get3A_495] {strides = array<i32>} : memref<576xi32, #tpu.memory_space<vmem>>, vector<16xi32>,
    %iota3A_497 = tpu.iota {dimensions = array<i32: 0>} : vector<16xi32>
    %add3A_498 = arith.constant 416 : i32
    %add3A_499 = vector.broadcast %add3A_498 : i32 to vector<16xi32>
    %add3A_500 = arith.addi %iota3A_497, %add3A_499 : vector<16xi32>
    %lt3A_501 = arith.constant 144 : i32
    %lt3A_502 = vector.broadcast %lt3A_501 : i32 to vector<16xi32>
    %lt3A_503 = arith.cmpi slt, %get3A_496, %lt3A_502 : vector<16xi32>
    %jit3A_504 = arith.constant 0 : i32
    %broadcast_in_dim3A_505 = vector.broadcast %jit3A_504 : i32 to vector<16xi32>
    %select_n3A_506 = arith.select %lt3A_503, %get3A_496, %broadcast_in_dim3A_505 : vector<16xi1>, vector<16xi32>
    tpu.vector_store_idx %arg9[%select_n3A_506], %add3A_500 masked %lt3A_503 : memref<144xi32, #tpu.memory_space<vmem>>[vector<16xi32>], vector<16xi32>, vector<16xi1>
    %jit3A_507 = arith.constant 0.000000e+00 : f32
    %jit3A_508 = arith.constant 1.000000e+00 : f32
    %broadcast_in_dim3A_509 = vector.broadcast %jit3A_507 : f32 to vector<16xf32>
    %broadcast_in_dim3A_510 = vector.broadcast %jit3A_508 : f32 to vector<16xf32>
    %select_n3A_511 = arith.select %lt3A_503, %broadcast_in_dim3A_509, %broadcast_in_dim3A_510 : vector<16xi1>, vector<16xf32>
    %swap3A_512 = arith.constant 416 : index
    %swap3A_513 = tpu.vector_load %arg10[%swap3A_512] {strides = array<i32>} : memref<576xf32, #tpu.memory_space<vmem>>, vector<16xf32>,
    tpu.vector_store %arg10[%swap3A_512], %select_n3A_511 {strides = array<i32>} : memref<576xf32, #tpu.memory_space<vmem>>, vector<16xf32>,
    %get3A_514 = arith.constant 432 : index
    %get3A_515 = tpu.vector_load %arg8[%get3A_514] {strides = array<i32>} : memref<576xi32, #tpu.memory_space<vmem>>, vector<16xi32>,
    %iota3A_516 = tpu.iota {dimensions = array<i32: 0>} : vector<16xi32>
    %add3A_517 = arith.constant 432 : i32
    %add3A_518 = vector.broadcast %add3A_517 : i32 to vector<16xi32>
    %add3A_519 = arith.addi %iota3A_516, %add3A_518 : vector<16xi32>
    %lt3A_520 = arith.constant 144 : i32
    %lt3A_521 = vector.broadcast %lt3A_520 : i32 to vector<16xi32>
    %lt3A_522 = arith.cmpi slt, %get3A_515, %lt3A_521 : vector<16xi32>
    %jit3A_523 = arith.constant 0 : i32
    %broadcast_in_dim3A_524 = vector.broadcast %jit3A_523 : i32 to vector<16xi32>
    %select_n3A_525 = arith.select %lt3A_522, %get3A_515, %broadcast_in_dim3A_524 : vector<16xi1>, vector<16xi32>
    tpu.vector_store_idx %arg9[%select_n3A_525], %add3A_519 masked %lt3A_522 : memref<144xi32, #tpu.memory_space<vmem>>[vector<16xi32>], vector<16xi32>, vector<16xi1>
    %jit3A_526 = arith.constant 0.000000e+00 : f32
    %jit3A_527 = arith.constant 1.000000e+00 : f32
    %broadcast_in_dim3A_528 = vector.broadcast %jit3A_526 : f32 to vector<16xf32>
    %broadcast_in_dim3A_529 = vector.broadcast %jit3A_527 : f32 to vector<16xf32>
    %select_n3A_530 = arith.select %lt3A_522, %broadcast_in_dim3A_528, %broadcast_in_dim3A_529 : vector<16xi1>, vector<16xf32>
    %swap3A_531 = arith.constant 432 : index
    %swap3A_532 = tpu.vector_load %arg10[%swap3A_531] {strides = array<i32>} : memref<576xf32, #tpu.memory_space<vmem>>, vector<16xf32>,
    tpu.vector_store %arg10[%swap3A_531], %select_n3A_530 {strides = array<i32>} : memref<576xf32, #tpu.memory_space<vmem>>, vector<16xf32>,
    %get3A_533 = arith.constant 448 : index
    %get3A_534 = tpu.vector_load %arg8[%get3A_533] {strides = array<i32>} : memref<576xi32, #tpu.memory_space<vmem>>, vector<16xi32>,
    %iota3A_535 = tpu.iota {dimensions = array<i32: 0>} : vector<16xi32>
    %add3A_536 = arith.constant 448 : i32
    %add3A_537 = vector.broadcast %add3A_536 : i32 to vector<16xi32>
    %add3A_538 = arith.addi %iota3A_535, %add3A_537 : vector<16xi32>
    %lt3A_539 = arith.constant 144 : i32
    %lt3A_540 = vector.broadcast %lt3A_539 : i32 to vector<16xi32>
    %lt3A_541 = arith.cmpi slt, %get3A_534, %lt3A_540 : vector<16xi32>
    %jit3A_542 = arith.constant 0 : i32
    %broadcast_in_dim3A_543 = vector.broadcast %jit3A_542 : i32 to vector<16xi32>
    %select_n3A_544 = arith.select %lt3A_541, %get3A_534, %broadcast_in_dim3A_543 : vector<16xi1>, vector<16xi32>
    tpu.vector_store_idx %arg9[%select_n3A_544], %add3A_538 masked %lt3A_541 : memref<144xi32, #tpu.memory_space<vmem>>[vector<16xi32>], vector<16xi32>, vector<16xi1>
    %jit3A_545 = arith.constant 0.000000e+00 : f32
    %jit3A_546 = arith.constant 1.000000e+00 : f32
    %broadcast_in_dim3A_547 = vector.broadcast %jit3A_545 : f32 to vector<16xf32>
    %broadcast_in_dim3A_548 = vector.broadcast %jit3A_546 : f32 to vector<16xf32>
    %select_n3A_549 = arith.select %lt3A_541, %broadcast_in_dim3A_547, %broadcast_in_dim3A_548 : vector<16xi1>, vector<16xf32>
    %swap3A_550 = arith.constant 448 : index
    %swap3A_551 = tpu.vector_load %arg10[%swap3A_550] {strides = array<i32>} : memref<576xf32, #tpu.memory_space<vmem>>, vector<16xf32>,
    tpu.vector_store %arg10[%swap3A_550], %select_n3A_549 {strides = array<i32>} : memref<576xf32, #tpu.memory_space<vmem>>, vector<16xf32>,
    %get3A_552 = arith.constant 464 : index
    %get3A_553 = tpu.vector_load %arg8[%get3A_552] {strides = array<i32>} : memref<576xi32, #tpu.memory_space<vmem>>, vector<16xi32>,
    %iota3A_554 = tpu.iota {dimensions = array<i32: 0>} : vector<16xi32>
    %add3A_555 = arith.constant 464 : i32
    %add3A_556 = vector.broadcast %add3A_555 : i32 to vector<16xi32>
    %add3A_557 = arith.addi %iota3A_554, %add3A_556 : vector<16xi32>
    %lt3A_558 = arith.constant 144 : i32
    %lt3A_559 = vector.broadcast %lt3A_558 : i32 to vector<16xi32>
    %lt3A_560 = arith.cmpi slt, %get3A_553, %lt3A_559 : vector<16xi32>
    %jit3A_561 = arith.constant 0 : i32
    %broadcast_in_dim3A_562 = vector.broadcast %jit3A_561 : i32 to vector<16xi32>
    %select_n3A_563 = arith.select %lt3A_560, %get3A_553, %broadcast_in_dim3A_562 : vector<16xi1>, vector<16xi32>
    tpu.vector_store_idx %arg9[%select_n3A_563], %add3A_557 masked %lt3A_560 : memref<144xi32, #tpu.memory_space<vmem>>[vector<16xi32>], vector<16xi32>, vector<16xi1>
    %jit3A_564 = arith.constant 0.000000e+00 : f32
    %jit3A_565 = arith.constant 1.000000e+00 : f32
    %broadcast_in_dim3A_566 = vector.broadcast %jit3A_564 : f32 to vector<16xf32>
    %broadcast_in_dim3A_567 = vector.broadcast %jit3A_565 : f32 to vector<16xf32>
    %select_n3A_568 = arith.select %lt3A_560, %broadcast_in_dim3A_566, %broadcast_in_dim3A_567 : vector<16xi1>, vector<16xf32>
    %swap3A_569 = arith.constant 464 : index
    %swap3A_570 = tpu.vector_load %arg10[%swap3A_569] {strides = array<i32>} : memref<576xf32, #tpu.memory_space<vmem>>, vector<16xf32>,
    tpu.vector_store %arg10[%swap3A_569], %select_n3A_568 {strides = array<i32>} : memref<576xf32, #tpu.memory_space<vmem>>, vector<16xf32>,
    %get3A_571 = arith.constant 480 : index
    %get3A_572 = tpu.vector_load %arg8[%get3A_571] {strides = array<i32>} : memref<576xi32, #tpu.memory_space<vmem>>, vector<16xi32>,
    %iota3A_573 = tpu.iota {dimensions = array<i32: 0>} : vector<16xi32>
    %add3A_574 = arith.constant 480 : i32
    %add3A_575 = vector.broadcast %add3A_574 : i32 to vector<16xi32>
    %add3A_576 = arith.addi %iota3A_573, %add3A_575 : vector<16xi32>
    %lt3A_577 = arith.constant 144 : i32
    %lt3A_578 = vector.broadcast %lt3A_577 : i32 to vector<16xi32>
    %lt3A_579 = arith.cmpi slt, %get3A_572, %lt3A_578 : vector<16xi32>
    %jit3A_580 = arith.constant 0 : i32
    %broadcast_in_dim3A_581 = vector.broadcast %jit3A_580 : i32 to vector<16xi32>
    %select_n3A_582 = arith.select %lt3A_579, %get3A_572, %broadcast_in_dim3A_581 : vector<16xi1>, vector<16xi32>
    tpu.vector_store_idx %arg9[%select_n3A_582], %add3A_576 masked %lt3A_579 : memref<144xi32, #tpu.memory_space<vmem>>[vector<16xi32>], vector<16xi32>, vector<16xi1>
    %jit3A_583 = arith.constant 0.000000e+00 : f32
    %jit3A_584 = arith.constant 1.000000e+00 : f32
    %broadcast_in_dim3A_585 = vector.broadcast %jit3A_583 : f32 to vector<16xf32>
    %broadcast_in_dim3A_586 = vector.broadcast %jit3A_584 : f32 to vector<16xf32>
    %select_n3A_587 = arith.select %lt3A_579, %broadcast_in_dim3A_585, %broadcast_in_dim3A_586 : vector<16xi1>, vector<16xf32>
    %swap3A_588 = arith.constant 480 : index
    %swap3A_589 = tpu.vector_load %arg10[%swap3A_588] {strides = array<i32>} : memref<576xf32, #tpu.memory_space<vmem>>, vector<16xf32>,
    tpu.vector_store %arg10[%swap3A_588], %select_n3A_587 {strides = array<i32>} : memref<576xf32, #tpu.memory_space<vmem>>, vector<16xf32>,
    %get3A_590 = arith.constant 496 : index
    %get3A_591 = tpu.vector_load %arg8[%get3A_590] {strides = array<i32>} : memref<576xi32, #tpu.memory_space<vmem>>, vector<16xi32>,
    %iota3A_592 = tpu.iota {dimensions = array<i32: 0>} : vector<16xi32>
    %add3A_593 = arith.constant 496 : i32
    %add3A_594 = vector.broadcast %add3A_593 : i32 to vector<16xi32>
    %add3A_595 = arith.addi %iota3A_592, %add3A_594 : vector<16xi32>
    %lt3A_596 = arith.constant 144 : i32
    %lt3A_597 = vector.broadcast %lt3A_596 : i32 to vector<16xi32>
    %lt3A_598 = arith.cmpi slt, %get3A_591, %lt3A_597 : vector<16xi32>
    %jit3A_599 = arith.constant 0 : i32
    %broadcast_in_dim3A_600 = vector.broadcast %jit3A_599 : i32 to vector<16xi32>
    %select_n3A_601 = arith.select %lt3A_598, %get3A_591, %broadcast_in_dim3A_600 : vector<16xi1>, vector<16xi32>
    tpu.vector_store_idx %arg9[%select_n3A_601], %add3A_595 masked %lt3A_598 : memref<144xi32, #tpu.memory_space<vmem>>[vector<16xi32>], vector<16xi32>, vector<16xi1>
    %jit3A_602 = arith.constant 0.000000e+00 : f32
    %jit3A_603 = arith.constant 1.000000e+00 : f32
    %broadcast_in_dim3A_604 = vector.broadcast %jit3A_602 : f32 to vector<16xf32>
    %broadcast_in_dim3A_605 = vector.broadcast %jit3A_603 : f32 to vector<16xf32>
    %select_n3A_606 = arith.select %lt3A_598, %broadcast_in_dim3A_604, %broadcast_in_dim3A_605 : vector<16xi1>, vector<16xf32>
    %swap3A_607 = arith.constant 496 : index
    %swap3A_608 = tpu.vector_load %arg10[%swap3A_607] {strides = array<i32>} : memref<576xf32, #tpu.memory_space<vmem>>, vector<16xf32>,
    tpu.vector_store %arg10[%swap3A_607], %select_n3A_606 {strides = array<i32>} : memref<576xf32, #tpu.memory_space<vmem>>, vector<16xf32>,
    %get3A_609 = arith.constant 512 : index
    %get3A_610 = tpu.vector_load %arg8[%get3A_609] {strides = array<i32>} : memref<576xi32, #tpu.memory_space<vmem>>, vector<16xi32>,
    %iota3A_611 = tpu.iota {dimensions = array<i32: 0>} : vector<16xi32>
    %add3A_612 = arith.constant 512 : i32
    %add3A_613 = vector.broadcast %add3A_612 : i32 to vector<16xi32>
    %add3A_614 = arith.addi %iota3A_611, %add3A_613 : vector<16xi32>
    %lt3A_615 = arith.constant 144 : i32
    %lt3A_616 = vector.broadcast %lt3A_615 : i32 to vector<16xi32>
    %lt3A_617 = arith.cmpi slt, %get3A_610, %lt3A_616 : vector<16xi32>
    %jit3A_618 = arith.constant 0 : i32
    %broadcast_in_dim3A_619 = vector.broadcast %jit3A_618 : i32 to vector<16xi32>
    %select_n3A_620 = arith.select %lt3A_617, %get3A_610, %broadcast_in_dim3A_619 : vector<16xi1>, vector<16xi32>
    tpu.vector_store_idx %arg9[%select_n3A_620], %add3A_614 masked %lt3A_617 : memref<144xi32, #tpu.memory_space<vmem>>[vector<16xi32>], vector<16xi32>, vector<16xi1>
    %jit3A_621 = arith.constant 0.000000e+00 : f32
    %jit3A_622 = arith.constant 1.000000e+00 : f32
    %broadcast_in_dim3A_623 = vector.broadcast %jit3A_621 : f32 to vector<16xf32>
    %broadcast_in_dim3A_624 = vector.broadcast %jit3A_622 : f32 to vector<16xf32>
    %select_n3A_625 = arith.select %lt3A_617, %broadcast_in_dim3A_623, %broadcast_in_dim3A_624 : vector<16xi1>, vector<16xf32>
    %swap3A_626 = arith.constant 512 : index
    %swap3A_627 = tpu.vector_load %arg10[%swap3A_626] {strides = array<i32>} : memref<576xf32, #tpu.memory_space<vmem>>, vector<16xf32>,
    tpu.vector_store %arg10[%swap3A_626], %select_n3A_625 {strides = array<i32>} : memref<576xf32, #tpu.memory_space<vmem>>, vector<16xf32>,
    %get3A_628 = arith.constant 528 : index
    %get3A_629 = tpu.vector_load %arg8[%get3A_628] {strides = array<i32>} : memref<576xi32, #tpu.memory_space<vmem>>, vector<16xi32>,
    %iota3A_630 = tpu.iota {dimensions = array<i32: 0>} : vector<16xi32>
    %add3A_631 = arith.constant 528 : i32
    %add3A_632 = vector.broadcast %add3A_631 : i32 to vector<16xi32>
    %add3A_633 = arith.addi %iota3A_630, %add3A_632 : vector<16xi32>
    %lt3A_634 = arith.constant 144 : i32
    %lt3A_635 = vector.broadcast %lt3A_634 : i32 to vector<16xi32>
    %lt3A_636 = arith.cmpi slt, %get3A_629, %lt3A_635 : vector<16xi32>
    %jit3A_637 = arith.constant 0 : i32
    %broadcast_in_dim3A_638 = vector.broadcast %jit3A_637 : i32 to vector<16xi32>
    %select_n3A_639 = arith.select %lt3A_636, %get3A_629, %broadcast_in_dim3A_638 : vector<16xi1>, vector<16xi32>
    tpu.vector_store_idx %arg9[%select_n3A_639], %add3A_633 masked %lt3A_636 : memref<144xi32, #tpu.memory_space<vmem>>[vector<16xi32>], vector<16xi32>, vector<16xi1>
    %jit3A_640 = arith.constant 0.000000e+00 : f32
    %jit3A_641 = arith.constant 1.000000e+00 : f32
    %broadcast_in_dim3A_642 = vector.broadcast %jit3A_640 : f32 to vector<16xf32>
    %broadcast_in_dim3A_643 = vector.broadcast %jit3A_641 : f32 to vector<16xf32>
    %select_n3A_644 = arith.select %lt3A_636, %broadcast_in_dim3A_642, %broadcast_in_dim3A_643 : vector<16xi1>, vector<16xf32>
    %swap3A_645 = arith.constant 528 : index
    %swap3A_646 = tpu.vector_load %arg10[%swap3A_645] {strides = array<i32>} : memref<576xf32, #tpu.memory_space<vmem>>, vector<16xf32>,
    tpu.vector_store %arg10[%swap3A_645], %select_n3A_644 {strides = array<i32>} : memref<576xf32, #tpu.memory_space<vmem>>, vector<16xf32>,
    %get3A_647 = arith.constant 544 : index
    %get3A_648 = tpu.vector_load %arg8[%get3A_647] {strides = array<i32>} : memref<576xi32, #tpu.memory_space<vmem>>, vector<16xi32>,
    %iota3A_649 = tpu.iota {dimensions = array<i32: 0>} : vector<16xi32>
    %add3A_650 = arith.constant 544 : i32
    %add3A_651 = vector.broadcast %add3A_650 : i32 to vector<16xi32>
    %add3A_652 = arith.addi %iota3A_649, %add3A_651 : vector<16xi32>
    %lt3A_653 = arith.constant 144 : i32
    %lt3A_654 = vector.broadcast %lt3A_653 : i32 to vector<16xi32>
    %lt3A_655 = arith.cmpi slt, %get3A_648, %lt3A_654 : vector<16xi32>
    %jit3A_656 = arith.constant 0 : i32
    %broadcast_in_dim3A_657 = vector.broadcast %jit3A_656 : i32 to vector<16xi32>
    %select_n3A_658 = arith.select %lt3A_655, %get3A_648, %broadcast_in_dim3A_657 : vector<16xi1>, vector<16xi32>
    tpu.vector_store_idx %arg9[%select_n3A_658], %add3A_652 masked %lt3A_655 : memref<144xi32, #tpu.memory_space<vmem>>[vector<16xi32>], vector<16xi32>, vector<16xi1>
    %jit3A_659 = arith.constant 0.000000e+00 : f32
    %jit3A_660 = arith.constant 1.000000e+00 : f32
    %broadcast_in_dim3A_661 = vector.broadcast %jit3A_659 : f32 to vector<16xf32>
    %broadcast_in_dim3A_662 = vector.broadcast %jit3A_660 : f32 to vector<16xf32>
    %select_n3A_663 = arith.select %lt3A_655, %broadcast_in_dim3A_661, %broadcast_in_dim3A_662 : vector<16xi1>, vector<16xf32>
    %swap3A_664 = arith.constant 544 : index
    %swap3A_665 = tpu.vector_load %arg10[%swap3A_664] {strides = array<i32>} : memref<576xf32, #tpu.memory_space<vmem>>, vector<16xf32>,
    tpu.vector_store %arg10[%swap3A_664], %select_n3A_663 {strides = array<i32>} : memref<576xf32, #tpu.memory_space<vmem>>, vector<16xf32>,
    %get3A_666 = arith.constant 560 : index
    %get3A_667 = tpu.vector_load %arg8[%get3A_666] {strides = array<i32>} : memref<576xi32, #tpu.memory_space<vmem>>, vector<16xi32>,
    %iota3A_668 = tpu.iota {dimensions = array<i32: 0>} : vector<16xi32>
    %add3A_669 = arith.constant 560 : i32
    %add3A_670 = vector.broadcast %add3A_669 : i32 to vector<16xi32>
    %add3A_671 = arith.addi %iota3A_668, %add3A_670 : vector<16xi32>
    %lt3A_672 = arith.constant 144 : i32
    %lt3A_673 = vector.broadcast %lt3A_672 : i32 to vector<16xi32>
    %lt3A_674 = arith.cmpi slt, %get3A_667, %lt3A_673 : vector<16xi32>
    %jit3A_675 = arith.constant 0 : i32
    %broadcast_in_dim3A_676 = vector.broadcast %jit3A_675 : i32 to vector<16xi32>
    %select_n3A_677 = arith.select %lt3A_674, %get3A_667, %broadcast_in_dim3A_676 : vector<16xi1>, vector<16xi32>
    tpu.vector_store_idx %arg9[%select_n3A_677], %add3A_671 masked %lt3A_674 : memref<144xi32, #tpu.memory_space<vmem>>[vector<16xi32>], vector<16xi32>, vector<16xi1>
    %jit3A_678 = arith.constant 0.000000e+00 : f32
    %jit3A_679 = arith.constant 1.000000e+00 : f32
    %broadcast_in_dim3A_680 = vector.broadcast %jit3A_678 : f32 to vector<16xf32>
    %broadcast_in_dim3A_681 = vector.broadcast %jit3A_679 : f32 to vector<16xf32>
    %select_n3A_682 = arith.select %lt3A_674, %broadcast_in_dim3A_680, %broadcast_in_dim3A_681 : vector<16xi1>, vector<16xf32>
    %swap3A_683 = arith.constant 560 : index
    %swap3A_684 = tpu.vector_load %arg10[%swap3A_683] {strides = array<i32>} : memref<576xf32, #tpu.memory_space<vmem>>, vector<16xf32>,
    tpu.vector_store %arg10[%swap3A_683], %select_n3A_682 {strides = array<i32>} : memref<576xf32, #tpu.memory_space<vmem>>, vector<16xf32>,
    %scan3A = arith.constant 0 : i32
    %scan3A_685 = arith.constant 0 : i32
    %scan3A_686 = arith.constant 8 : i32
    %scan3A_687 = arith.addi %scan3A_685, %scan3A_686 : i32
    %scan3A_688 = arith.constant 1 : i32
    scf.for %scan3A_1386 = %scan3A_685 to %scan3A_687 step %scan3A_688  : i32 {
      %mul3A_1387 = arith.constant 8 : i32
      %mul3A_1388 = arith.muli %add3A_4, %mul3A_1387 : i32
      %add3A_1389 = arith.addi %mul3A_1388, %scan3A_1386 : i32
      %mul3A_1390 = arith.constant 576 : i32
      %mul3A_1391 = arith.muli %add3A_1389, %mul3A_1390 : i32
      %multiple_of3A = tpu.assume_multiple %mul3A_1391, 8 : i32
      "tpu.region"() ({
        %run_scoped3A = tpu.sem_alloc : memref<!tpu.dma_semaphore, #tpu.memory_space<semaphore_mem>>
        %dma_start3A = tpu.memref_slice %arg5[%multiple_of3A] : memref<294912xi32, #tpu.memory_space<hbm>> -> memref<576xi32, #tpu.memory_space<hbm>>
        %dma_start3A_1476 = tpu.memref_slice %arg5[%multiple_of3A] : memref<294912xi32, #tpu.memory_space<hbm>> -> memref<576xi32, #tpu.memory_space<hbm>>
        tpu.enqueue_dma source(%arg8 : memref<576xi32, #tpu.memory_space<vmem>>) target(%dma_start3A_1476 : memref<576xi32, #tpu.memory_space<hbm>>) target_semaphore(%run_scoped3A : memref<!tpu.dma_semaphore, #tpu.memory_space<semaphore_mem>>)
        %dma_wait3A = tpu.memref_slice %arg5[%multiple_of3A] : memref<294912xi32, #tpu.memory_space<hbm>> -> memref<576xi32, #tpu.memory_space<hbm>>
        %dma_wait3A_1477 = tpu.memref_slice %arg5[%multiple_of3A] : memref<294912xi32, #tpu.memory_space<hbm>> -> memref<576xi32, #tpu.memory_space<hbm>>
        tpu.wait_dma2 semaphore(%run_scoped3A : memref<!tpu.dma_semaphore, #tpu.memory_space<semaphore_mem>>) src(%arg8 : memref<576xi32, #tpu.memory_space<vmem>>) dst(%dma_wait3A_1477 : memref<576xi32, #tpu.memory_space<hbm>>)
        tpu.yield
      }) : () -> ()
      %mul3A_1392 = arith.constant 576 : i32
      %mul3A_1393 = arith.muli %add3A_1389, %mul3A_1392 : i32
      %multiple_of3A_1394 = tpu.assume_multiple %mul3A_1393, 8 : i32
      "tpu.region"() ({
        %run_scoped3A = tpu.sem_alloc : memref<!tpu.dma_semaphore, #tpu.memory_space<semaphore_mem>>
        %dma_start3A = tpu.memref_slice %arg6[%multiple_of3A_1394] : memref<294912xf32, #tpu.memory_space<hbm>> -> memref<576xf32, #tpu.memory_space<hbm>>
        %dma_start3A_1476 = tpu.memref_slice %arg6[%multiple_of3A_1394] : memref<294912xf32, #tpu.memory_space<hbm>> -> memref<576xf32, #tpu.memory_space<hbm>>
        tpu.enqueue_dma source(%arg10 : memref<576xf32, #tpu.memory_space<vmem>>) target(%dma_start3A_1476 : memref<576xf32, #tpu.memory_space<hbm>>) target_semaphore(%run_scoped3A : memref<!tpu.dma_semaphore, #tpu.memory_space<semaphore_mem>>)
        %dma_wait3A = tpu.memref_slice %arg6[%multiple_of3A_1394] : memref<294912xf32, #tpu.memory_space<hbm>> -> memref<576xf32, #tpu.memory_space<hbm>>
        %dma_wait3A_1477 = tpu.memref_slice %arg6[%multiple_of3A_1394] : memref<294912xf32, #tpu.memory_space<hbm>> -> memref<576xf32, #tpu.memory_space<hbm>>
        tpu.wait_dma2 semaphore(%run_scoped3A : memref<!tpu.dma_semaphore, #tpu.memory_space<semaphore_mem>>) src(%arg10 : memref<576xf32, #tpu.memory_space<vmem>>) dst(%dma_wait3A_1477 : memref<576xf32, #tpu.memory_space<hbm>>)
        tpu.yield
      }) : () -> ()
      %mul3A_1395 = arith.constant 144 : i32
      %mul3A_1396 = arith.muli %add3A_1389, %mul3A_1395 : i32
      %multiple_of3A_1397 = tpu.assume_multiple %mul3A_1396, 8 : i32
      "tpu.region"() ({
        %run_scoped3A = tpu.sem_alloc : memref<!tpu.dma_semaphore, #tpu.memory_space<semaphore_mem>>
        %dma_start3A = tpu.memref_slice %arg7[%multiple_of3A_1397] : memref<73728xi32, #tpu.memory_space<hbm>> -> memref<144xi32, #tpu.memory_space<hbm>>
        %dma_start3A_1476 = tpu.memref_slice %arg7[%multiple_of3A_1397] : memref<73728xi32, #tpu.memory_space<hbm>> -> memref<144xi32, #tpu.memory_space<hbm>>
        tpu.enqueue_dma source(%arg9 : memref<144xi32, #tpu.memory_space<vmem>>) target(%dma_start3A_1476 : memref<144xi32, #tpu.memory_space<hbm>>) target_semaphore(%run_scoped3A : memref<!tpu.dma_semaphore, #tpu.memory_space<semaphore_mem>>)
        %dma_wait3A = tpu.memref_slice %arg7[%multiple_of3A_1397] : memref<73728xi32, #tpu.memory_space<hbm>> -> memref<144xi32, #tpu.memory_space<hbm>>
        %dma_wait3A_1477 = tpu.memref_slice %arg7[%multiple_of3A_1397] : memref<73728xi32, #tpu.memory_space<hbm>> -> memref<144xi32, #tpu.memory_space<hbm>>
        tpu.wait_dma2 semaphore(%run_scoped3A : memref<!tpu.dma_semaphore, #tpu.memory_space<semaphore_mem>>) src(%arg9 : memref<144xi32, #tpu.memory_space<vmem>>) dst(%dma_wait3A_1477 : memref<144xi32, #tpu.memory_space<hbm>>)
        tpu.yield
      }) : () -> ()
      %get3A_1398 = arith.constant 0 : index
      %get3A_1399 = tpu.vector_load %arg9[%get3A_1398] {strides = array<i32>} : memref<144xi32, #tpu.memory_space<vmem>>, vector<16xi32>,
      %scan3A_1400 = arith.constant 0 : i32
      %scan3A_1401 = arith.constant 0 : i32
      %scan3A_1402 = arith.constant 16 : i32
      %scan3A_1403 = arith.addi %scan3A_1401, %scan3A_1402 : i32
      %scan3A_1404 = arith.constant 1 : i32
      scf.for %scan3A_1476 = %scan3A_1401 to %scan3A_1403 step %scan3A_1404  : i32 {
        %eq3A = vector.broadcast %scan3A_1476 : i32 to vector<16xi32>
        %eq3A_1477 = arith.cmpi eq, %iota3A, %eq3A : vector<16xi32>
        %jit3A_1478 = arith.constant 0 : i32
        %broadcast_in_dim3A_1479 = vector.broadcast %jit3A_1478 : i32 to vector<16xi32>
        %select_n3A_1480 = arith.select %eq3A_1477, %get3A_1399, %broadcast_in_dim3A_1479 : vector<16xi1>, vector<16xi32>
        %reduce_sum3A = arith.constant true
        %reduce_sum3A_1481 = vector.broadcast %reduce_sum3A : i1 to vector<16xi1>
        %reduce_sum3A_1482 = tpu.scan <sum>, %select_n3A_1480 masked %reduce_sum3A_1481 : vector<16xi32>, vector<16xi1> -> vector<16xi32>
        %reduce_sum3A_1483 = vector.extract %reduce_sum3A_1482[15] : i32 from vector<16xi32>
        %add3A_1484 = arith.constant 0 : i32
        %add3A_1485 = arith.addi %add3A_1484, %scan3A_1476 : i32
        %dma_start3A = arith.constant 0 : i32
        %dma_start3A_1486 = tpu.memref_slice %arg11[%add3A_1485, %dma_start3A] : memref<144x192xf32, #tpu.memory_space<vmem>> -> memref<1x192xf32, #tpu.memory_space<vmem>>
        %dma_start3A_1487 = arith.constant 0 : i32
        %dma_start3A_1488 = tpu.memref_slice %arg3[%add3A_4, %scan3A_1386, %reduce_sum3A_1483, %dma_start3A_1487] : memref<64x8x576x192xf32, #tpu.memory_space<hbm>> -> memref<1x1x1x192xf32, #tpu.memory_space<hbm>>
        %dma_start3A_1489 = tpu.memref_squeeze %dma_start3A_1488 : memref<1x1x1x192xf32, #tpu.memory_space<hbm>> -> memref<1x192xf32, #tpu.memory_space<hbm>>
        %dma_start3A_1490 = arith.constant 0 : i32
        %dma_start3A_1491 = tpu.memref_slice %arg11[%add3A_1485, %dma_start3A_1490] : memref<144x192xf32, #tpu.memory_space<vmem>> -> memref<1x192xf32, #tpu.memory_space<vmem>>
        %dma_start3A_1492 = arith.constant 0 : i32
        %dma_start3A_1493 = tpu.memref_slice %arg3[%add3A_4, %scan3A_1386, %reduce_sum3A_1483, %dma_start3A_1492] : memref<64x8x576x192xf32, #tpu.memory_space<hbm>> -> memref<1x1x1x192xf32, #tpu.memory_space<hbm>>
        %dma_start3A_1494 = tpu.memref_squeeze %dma_start3A_1493 : memref<1x1x1x192xf32, #tpu.memory_space<hbm>> -> memref<1x192xf32, #tpu.memory_space<hbm>>
        tpu.enqueue_dma source(%dma_start3A_1494 : memref<1x192xf32, #tpu.memory_space<hbm>>) target(%dma_start3A_1491 : memref<1x192xf32, #tpu.memory_space<vmem>>) target_semaphore(%arg12 : memref<!tpu.dma_semaphore, #tpu.memory_space<semaphore_mem>>)
      }
      %scan3A_1405 = arith.constant 16 : i32
      %get3A_1406 = arith.constant 16 : index
      %get3A_1407 = tpu.vector_load %arg9[%get3A_1406] {strides = array<i32>} : memref<144xi32, #tpu.memory_space<vmem>>, vector<16xi32>,
      %scan3A_1408 = arith.constant 0 : i32
      %scan3A_1409 = arith.constant 0 : i32
      %scan3A_1410 = arith.constant 16 : i32
      %scan3A_1411 = arith.addi %scan3A_1409, %scan3A_1410 : i32
      %scan3A_1412 = arith.constant 1 : i32
      scf.for %scan3A_1476 = %scan3A_1409 to %scan3A_1411 step %scan3A_1412  : i32 {
        %eq3A = vector.broadcast %scan3A_1476 : i32 to vector<16xi32>
        %eq3A_1477 = arith.cmpi eq, %iota3A, %eq3A : vector<16xi32>
        %jit3A_1478 = arith.constant 0 : i32
        %broadcast_in_dim3A_1479 = vector.broadcast %jit3A_1478 : i32 to vector<16xi32>
        %select_n3A_1480 = arith.select %eq3A_1477, %get3A_1407, %broadcast_in_dim3A_1479 : vector<16xi1>, vector<16xi32>
        %reduce_sum3A = arith.constant true
        %reduce_sum3A_1481 = vector.broadcast %reduce_sum3A : i1 to vector<16xi1>
        %reduce_sum3A_1482 = tpu.scan <sum>, %select_n3A_1480 masked %reduce_sum3A_1481 : vector<16xi32>, vector<16xi1> -> vector<16xi32>
        %reduce_sum3A_1483 = vector.extract %reduce_sum3A_1482[15] : i32 from vector<16xi32>
        %add3A_1484 = arith.constant 16 : i32
        %add3A_1485 = arith.addi %add3A_1484, %scan3A_1476 : i32
        %dma_start3A = arith.constant 0 : i32
        %dma_start3A_1486 = tpu.memref_slice %arg11[%add3A_1485, %dma_start3A] : memref<144x192xf32, #tpu.memory_space<vmem>> -> memref<1x192xf32, #tpu.memory_space<vmem>>
        %dma_start3A_1487 = arith.constant 0 : i32
        %dma_start3A_1488 = tpu.memref_slice %arg3[%add3A_4, %scan3A_1386, %reduce_sum3A_1483, %dma_start3A_1487] : memref<64x8x576x192xf32, #tpu.memory_space<hbm>> -> memref<1x1x1x192xf32, #tpu.memory_space<hbm>>
        %dma_start3A_1489 = tpu.memref_squeeze %dma_start3A_1488 : memref<1x1x1x192xf32, #tpu.memory_space<hbm>> -> memref<1x192xf32, #tpu.memory_space<hbm>>
        %dma_start3A_1490 = arith.constant 0 : i32
        %dma_start3A_1491 = tpu.memref_slice %arg11[%add3A_1485, %dma_start3A_1490] : memref<144x192xf32, #tpu.memory_space<vmem>> -> memref<1x192xf32, #tpu.memory_space<vmem>>
        %dma_start3A_1492 = arith.constant 0 : i32
        %dma_start3A_1493 = tpu.memref_slice %arg3[%add3A_4, %scan3A_1386, %reduce_sum3A_1483, %dma_start3A_1492] : memref<64x8x576x192xf32, #tpu.memory_space<hbm>> -> memref<1x1x1x192xf32, #tpu.memory_space<hbm>>
        %dma_start3A_1494 = tpu.memref_squeeze %dma_start3A_1493 : memref<1x1x1x192xf32, #tpu.memory_space<hbm>> -> memref<1x192xf32, #tpu.memory_space<hbm>>
        tpu.enqueue_dma source(%dma_start3A_1494 : memref<1x192xf32, #tpu.memory_space<hbm>>) target(%dma_start3A_1491 : memref<1x192xf32, #tpu.memory_space<vmem>>) target_semaphore(%arg12 : memref<!tpu.dma_semaphore, #tpu.memory_space<semaphore_mem>>)
      }
      %scan3A_1413 = arith.constant 16 : i32
      %get3A_1414 = arith.constant 32 : index
      %get3A_1415 = tpu.vector_load %arg9[%get3A_1414] {strides = array<i32>} : memref<144xi32, #tpu.memory_space<vmem>>, vector<16xi32>,
      %scan3A_1416 = arith.constant 0 : i32
      %scan3A_1417 = arith.constant 0 : i32
      %scan3A_1418 = arith.constant 16 : i32
      %scan3A_1419 = arith.addi %scan3A_1417, %scan3A_1418 : i32
      %scan3A_1420 = arith.constant 1 : i32
      scf.for %scan3A_1476 = %scan3A_1417 to %scan3A_1419 step %scan3A_1420  : i32 {
        %eq3A = vector.broadcast %scan3A_1476 : i32 to vector<16xi32>
        %eq3A_1477 = arith.cmpi eq, %iota3A, %eq3A : vector<16xi32>
        %jit3A_1478 = arith.constant 0 : i32
        %broadcast_in_dim3A_1479 = vector.broadcast %jit3A_1478 : i32 to vector<16xi32>
        %select_n3A_1480 = arith.select %eq3A_1477, %get3A_1415, %broadcast_in_dim3A_1479 : vector<16xi1>, vector<16xi32>
        %reduce_sum3A = arith.constant true
        %reduce_sum3A_1481 = vector.broadcast %reduce_sum3A : i1 to vector<16xi1>
        %reduce_sum3A_1482 = tpu.scan <sum>, %select_n3A_1480 masked %reduce_sum3A_1481 : vector<16xi32>, vector<16xi1> -> vector<16xi32>
        %reduce_sum3A_1483 = vector.extract %reduce_sum3A_1482[15] : i32 from vector<16xi32>
        %add3A_1484 = arith.constant 32 : i32
        %add3A_1485 = arith.addi %add3A_1484, %scan3A_1476 : i32
        %dma_start3A = arith.constant 0 : i32
        %dma_start3A_1486 = tpu.memref_slice %arg11[%add3A_1485, %dma_start3A] : memref<144x192xf32, #tpu.memory_space<vmem>> -> memref<1x192xf32, #tpu.memory_space<vmem>>
        %dma_start3A_1487 = arith.constant 0 : i32
        %dma_start3A_1488 = tpu.memref_slice %arg3[%add3A_4, %scan3A_1386, %reduce_sum3A_1483, %dma_start3A_1487] : memref<64x8x576x192xf32, #tpu.memory_space<hbm>> -> memref<1x1x1x192xf32, #tpu.memory_space<hbm>>
        %dma_start3A_1489 = tpu.memref_squeeze %dma_start3A_1488 : memref<1x1x1x192xf32, #tpu.memory_space<hbm>> -> memref<1x192xf32, #tpu.memory_space<hbm>>
        %dma_start3A_1490 = arith.constant 0 : i32
        %dma_start3A_1491 = tpu.memref_slice %arg11[%add3A_1485, %dma_start3A_1490] : memref<144x192xf32, #tpu.memory_space<vmem>> -> memref<1x192xf32, #tpu.memory_space<vmem>>
        %dma_start3A_1492 = arith.constant 0 : i32
        %dma_start3A_1493 = tpu.memref_slice %arg3[%add3A_4, %scan3A_1386, %reduce_sum3A_1483, %dma_start3A_1492] : memref<64x8x576x192xf32, #tpu.memory_space<hbm>> -> memref<1x1x1x192xf32, #tpu.memory_space<hbm>>
        %dma_start3A_1494 = tpu.memref_squeeze %dma_start3A_1493 : memref<1x1x1x192xf32, #tpu.memory_space<hbm>> -> memref<1x192xf32, #tpu.memory_space<hbm>>
        tpu.enqueue_dma source(%dma_start3A_1494 : memref<1x192xf32, #tpu.memory_space<hbm>>) target(%dma_start3A_1491 : memref<1x192xf32, #tpu.memory_space<vmem>>) target_semaphore(%arg12 : memref<!tpu.dma_semaphore, #tpu.memory_space<semaphore_mem>>)
      }
      %scan3A_1421 = arith.constant 16 : i32
      %get3A_1422 = arith.constant 48 : index
      %get3A_1423 = tpu.vector_load %arg9[%get3A_1422] {strides = array<i32>} : memref<144xi32, #tpu.memory_space<vmem>>, vector<16xi32>,
      %scan3A_1424 = arith.constant 0 : i32
      %scan3A_1425 = arith.constant 0 : i32
      %scan3A_1426 = arith.constant 16 : i32
      %scan3A_1427 = arith.addi %scan3A_1425, %scan3A_1426 : i32
      %scan3A_1428 = arith.constant 1 : i32
      scf.for %scan3A_1476 = %scan3A_1425 to %scan3A_1427 step %scan3A_1428  : i32 {
        %eq3A = vector.broadcast %scan3A_1476 : i32 to vector<16xi32>
        %eq3A_1477 = arith.cmpi eq, %iota3A, %eq3A : vector<16xi32>
        %jit3A_1478 = arith.constant 0 : i32
        %broadcast_in_dim3A_1479 = vector.broadcast %jit3A_1478 : i32 to vector<16xi32>
        %select_n3A_1480 = arith.select %eq3A_1477, %get3A_1423, %broadcast_in_dim3A_1479 : vector<16xi1>, vector<16xi32>
        %reduce_sum3A = arith.constant true
        %reduce_sum3A_1481 = vector.broadcast %reduce_sum3A : i1 to vector<16xi1>
        %reduce_sum3A_1482 = tpu.scan <sum>, %select_n3A_1480 masked %reduce_sum3A_1481 : vector<16xi32>, vector<16xi1> -> vector<16xi32>
        %reduce_sum3A_1483 = vector.extract %reduce_sum3A_1482[15] : i32 from vector<16xi32>
        %add3A_1484 = arith.constant 48 : i32
        %add3A_1485 = arith.addi %add3A_1484, %scan3A_1476 : i32
        %dma_start3A = arith.constant 0 : i32
        %dma_start3A_1486 = tpu.memref_slice %arg11[%add3A_1485, %dma_start3A] : memref<144x192xf32, #tpu.memory_space<vmem>> -> memref<1x192xf32, #tpu.memory_space<vmem>>
        %dma_start3A_1487 = arith.constant 0 : i32
        %dma_start3A_1488 = tpu.memref_slice %arg3[%add3A_4, %scan3A_1386, %reduce_sum3A_1483, %dma_start3A_1487] : memref<64x8x576x192xf32, #tpu.memory_space<hbm>> -> memref<1x1x1x192xf32, #tpu.memory_space<hbm>>
        %dma_start3A_1489 = tpu.memref_squeeze %dma_start3A_1488 : memref<1x1x1x192xf32, #tpu.memory_space<hbm>> -> memref<1x192xf32, #tpu.memory_space<hbm>>
        %dma_start3A_1490 = arith.constant 0 : i32
        %dma_start3A_1491 = tpu.memref_slice %arg11[%add3A_1485, %dma_start3A_1490] : memref<144x192xf32, #tpu.memory_space<vmem>> -> memref<1x192xf32, #tpu.memory_space<vmem>>
        %dma_start3A_1492 = arith.constant 0 : i32
        %dma_start3A_1493 = tpu.memref_slice %arg3[%add3A_4, %scan3A_1386, %reduce_sum3A_1483, %dma_start3A_1492] : memref<64x8x576x192xf32, #tpu.memory_space<hbm>> -> memref<1x1x1x192xf32, #tpu.memory_space<hbm>>
        %dma_start3A_1494 = tpu.memref_squeeze %dma_start3A_1493 : memref<1x1x1x192xf32, #tpu.memory_space<hbm>> -> memref<1x192xf32, #tpu.memory_space<hbm>>
        tpu.enqueue_dma source(%dma_start3A_1494 : memref<1x192xf32, #tpu.memory_space<hbm>>) target(%dma_start3A_1491 : memref<1x192xf32, #tpu.memory_space<vmem>>) target_semaphore(%arg12 : memref<!tpu.dma_semaphore, #tpu.memory_space<semaphore_mem>>)
      }
      %scan3A_1429 = arith.constant 16 : i32
      %get3A_1430 = arith.constant 64 : index
      %get3A_1431 = tpu.vector_load %arg9[%get3A_1430] {strides = array<i32>} : memref<144xi32, #tpu.memory_space<vmem>>, vector<16xi32>,
      %scan3A_1432 = arith.constant 0 : i32
      %scan3A_1433 = arith.constant 0 : i32
      %scan3A_1434 = arith.constant 16 : i32
      %scan3A_1435 = arith.addi %scan3A_1433, %scan3A_1434 : i32
      %scan3A_1436 = arith.constant 1 : i32
      scf.for %scan3A_1476 = %scan3A_1433 to %scan3A_1435 step %scan3A_1436  : i32 {
        %eq3A = vector.broadcast %scan3A_1476 : i32 to vector<16xi32>
        %eq3A_1477 = arith.cmpi eq, %iota3A, %eq3A : vector<16xi32>
        %jit3A_1478 = arith.constant 0 : i32
        %broadcast_in_dim3A_1479 = vector.broadcast %jit3A_1478 : i32 to vector<16xi32>
        %select_n3A_1480 = arith.select %eq3A_1477, %get3A_1431, %broadcast_in_dim3A_1479 : vector<16xi1>, vector<16xi32>
        %reduce_sum3A = arith.constant true
        %reduce_sum3A_1481 = vector.broadcast %reduce_sum3A : i1 to vector<16xi1>
        %reduce_sum3A_1482 = tpu.scan <sum>, %select_n3A_1480 masked %reduce_sum3A_1481 : vector<16xi32>, vector<16xi1> -> vector<16xi32>
        %reduce_sum3A_1483 = vector.extract %reduce_sum3A_1482[15] : i32 from vector<16xi32>
        %add3A_1484 = arith.constant 64 : i32
        %add3A_1485 = arith.addi %add3A_1484, %scan3A_1476 : i32
        %dma_start3A = arith.constant 0 : i32
        %dma_start3A_1486 = tpu.memref_slice %arg11[%add3A_1485, %dma_start3A] : memref<144x192xf32, #tpu.memory_space<vmem>> -> memref<1x192xf32, #tpu.memory_space<vmem>>
        %dma_start3A_1487 = arith.constant 0 : i32
        %dma_start3A_1488 = tpu.memref_slice %arg3[%add3A_4, %scan3A_1386, %reduce_sum3A_1483, %dma_start3A_1487] : memref<64x8x576x192xf32, #tpu.memory_space<hbm>> -> memref<1x1x1x192xf32, #tpu.memory_space<hbm>>
        %dma_start3A_1489 = tpu.memref_squeeze %dma_start3A_1488 : memref<1x1x1x192xf32, #tpu.memory_space<hbm>> -> memref<1x192xf32, #tpu.memory_space<hbm>>
        %dma_start3A_1490 = arith.constant 0 : i32
        %dma_start3A_1491 = tpu.memref_slice %arg11[%add3A_1485, %dma_start3A_1490] : memref<144x192xf32, #tpu.memory_space<vmem>> -> memref<1x192xf32, #tpu.memory_space<vmem>>
        %dma_start3A_1492 = arith.constant 0 : i32
        %dma_start3A_1493 = tpu.memref_slice %arg3[%add3A_4, %scan3A_1386, %reduce_sum3A_1483, %dma_start3A_1492] : memref<64x8x576x192xf32, #tpu.memory_space<hbm>> -> memref<1x1x1x192xf32, #tpu.memory_space<hbm>>
        %dma_start3A_1494 = tpu.memref_squeeze %dma_start3A_1493 : memref<1x1x1x192xf32, #tpu.memory_space<hbm>> -> memref<1x192xf32, #tpu.memory_space<hbm>>
        tpu.enqueue_dma source(%dma_start3A_1494 : memref<1x192xf32, #tpu.memory_space<hbm>>) target(%dma_start3A_1491 : memref<1x192xf32, #tpu.memory_space<vmem>>) target_semaphore(%arg12 : memref<!tpu.dma_semaphore, #tpu.memory_space<semaphore_mem>>)
      }
      %scan3A_1437 = arith.constant 16 : i32
      %get3A_1438 = arith.constant 80 : index
      %get3A_1439 = tpu.vector_load %arg9[%get3A_1438] {strides = array<i32>} : memref<144xi32, #tpu.memory_space<vmem>>, vector<16xi32>,
      %scan3A_1440 = arith.constant 0 : i32
      %scan3A_1441 = arith.constant 0 : i32
      %scan3A_1442 = arith.constant 16 : i32
      %scan3A_1443 = arith.addi %scan3A_1441, %scan3A_1442 : i32
      %scan3A_1444 = arith.constant 1 : i32
      scf.for %scan3A_1476 = %scan3A_1441 to %scan3A_1443 step %scan3A_1444  : i32 {
        %eq3A = vector.broadcast %scan3A_1476 : i32 to vector<16xi32>
        %eq3A_1477 = arith.cmpi eq, %iota3A, %eq3A : vector<16xi32>
        %jit3A_1478 = arith.constant 0 : i32
        %broadcast_in_dim3A_1479 = vector.broadcast %jit3A_1478 : i32 to vector<16xi32>
        %select_n3A_1480 = arith.select %eq3A_1477, %get3A_1439, %broadcast_in_dim3A_1479 : vector<16xi1>, vector<16xi32>
        %reduce_sum3A = arith.constant true
        %reduce_sum3A_1481 = vector.broadcast %reduce_sum3A : i1 to vector<16xi1>
        %reduce_sum3A_1482 = tpu.scan <sum>, %select_n3A_1480 masked %reduce_sum3A_1481 : vector<16xi32>, vector<16xi1> -> vector<16xi32>
        %reduce_sum3A_1483 = vector.extract %reduce_sum3A_1482[15] : i32 from vector<16xi32>
        %add3A_1484 = arith.constant 80 : i32
        %add3A_1485 = arith.addi %add3A_1484, %scan3A_1476 : i32
        %dma_start3A = arith.constant 0 : i32
        %dma_start3A_1486 = tpu.memref_slice %arg11[%add3A_1485, %dma_start3A] : memref<144x192xf32, #tpu.memory_space<vmem>> -> memref<1x192xf32, #tpu.memory_space<vmem>>
        %dma_start3A_1487 = arith.constant 0 : i32
        %dma_start3A_1488 = tpu.memref_slice %arg3[%add3A_4, %scan3A_1386, %reduce_sum3A_1483, %dma_start3A_1487] : memref<64x8x576x192xf32, #tpu.memory_space<hbm>> -> memref<1x1x1x192xf32, #tpu.memory_space<hbm>>
        %dma_start3A_1489 = tpu.memref_squeeze %dma_start3A_1488 : memref<1x1x1x192xf32, #tpu.memory_space<hbm>> -> memref<1x192xf32, #tpu.memory_space<hbm>>
        %dma_start3A_1490 = arith.constant 0 : i32
        %dma_start3A_1491 = tpu.memref_slice %arg11[%add3A_1485, %dma_start3A_1490] : memref<144x192xf32, #tpu.memory_space<vmem>> -> memref<1x192xf32, #tpu.memory_space<vmem>>
        %dma_start3A_1492 = arith.constant 0 : i32
        %dma_start3A_1493 = tpu.memref_slice %arg3[%add3A_4, %scan3A_1386, %reduce_sum3A_1483, %dma_start3A_1492] : memref<64x8x576x192xf32, #tpu.memory_space<hbm>> -> memref<1x1x1x192xf32, #tpu.memory_space<hbm>>
        %dma_start3A_1494 = tpu.memref_squeeze %dma_start3A_1493 : memref<1x1x1x192xf32, #tpu.memory_space<hbm>> -> memref<1x192xf32, #tpu.memory_space<hbm>>
        tpu.enqueue_dma source(%dma_start3A_1494 : memref<1x192xf32, #tpu.memory_space<hbm>>) target(%dma_start3A_1491 : memref<1x192xf32, #tpu.memory_space<vmem>>) target_semaphore(%arg12 : memref<!tpu.dma_semaphore, #tpu.memory_space<semaphore_mem>>)
      }
      %scan3A_1445 = arith.constant 16 : i32
      %get3A_1446 = arith.constant 96 : index
      %get3A_1447 = tpu.vector_load %arg9[%get3A_1446] {strides = array<i32>} : memref<144xi32, #tpu.memory_space<vmem>>, vector<16xi32>,
      %scan3A_1448 = arith.constant 0 : i32
      %scan3A_1449 = arith.constant 0 : i32
      %scan3A_1450 = arith.constant 16 : i32
      %scan3A_1451 = arith.addi %scan3A_1449, %scan3A_1450 : i32
      %scan3A_1452 = arith.constant 1 : i32
      scf.for %scan3A_1476 = %scan3A_1449 to %scan3A_1451 step %scan3A_1452  : i32 {
        %eq3A = vector.broadcast %scan3A_1476 : i32 to vector<16xi32>
        %eq3A_1477 = arith.cmpi eq, %iota3A, %eq3A : vector<16xi32>
        %jit3A_1478 = arith.constant 0 : i32
        %broadcast_in_dim3A_1479 = vector.broadcast %jit3A_1478 : i32 to vector<16xi32>
        %select_n3A_1480 = arith.select %eq3A_1477, %get3A_1447, %broadcast_in_dim3A_1479 : vector<16xi1>, vector<16xi32>
        %reduce_sum3A = arith.constant true
        %reduce_sum3A_1481 = vector.broadcast %reduce_sum3A : i1 to vector<16xi1>
        %reduce_sum3A_1482 = tpu.scan <sum>, %select_n3A_1480 masked %reduce_sum3A_1481 : vector<16xi32>, vector<16xi1> -> vector<16xi32>
        %reduce_sum3A_1483 = vector.extract %reduce_sum3A_1482[15] : i32 from vector<16xi32>
        %add3A_1484 = arith.constant 96 : i32
        %add3A_1485 = arith.addi %add3A_1484, %scan3A_1476 : i32
        %dma_start3A = arith.constant 0 : i32
        %dma_start3A_1486 = tpu.memref_slice %arg11[%add3A_1485, %dma_start3A] : memref<144x192xf32, #tpu.memory_space<vmem>> -> memref<1x192xf32, #tpu.memory_space<vmem>>
        %dma_start3A_1487 = arith.constant 0 : i32
        %dma_start3A_1488 = tpu.memref_slice %arg3[%add3A_4, %scan3A_1386, %reduce_sum3A_1483, %dma_start3A_1487] : memref<64x8x576x192xf32, #tpu.memory_space<hbm>> -> memref<1x1x1x192xf32, #tpu.memory_space<hbm>>
        %dma_start3A_1489 = tpu.memref_squeeze %dma_start3A_1488 : memref<1x1x1x192xf32, #tpu.memory_space<hbm>> -> memref<1x192xf32, #tpu.memory_space<hbm>>
        %dma_start3A_1490 = arith.constant 0 : i32
        %dma_start3A_1491 = tpu.memref_slice %arg11[%add3A_1485, %dma_start3A_1490] : memref<144x192xf32, #tpu.memory_space<vmem>> -> memref<1x192xf32, #tpu.memory_space<vmem>>
        %dma_start3A_1492 = arith.constant 0 : i32
        %dma_start3A_1493 = tpu.memref_slice %arg3[%add3A_4, %scan3A_1386, %reduce_sum3A_1483, %dma_start3A_1492] : memref<64x8x576x192xf32, #tpu.memory_space<hbm>> -> memref<1x1x1x192xf32, #tpu.memory_space<hbm>>
        %dma_start3A_1494 = tpu.memref_squeeze %dma_start3A_1493 : memref<1x1x1x192xf32, #tpu.memory_space<hbm>> -> memref<1x192xf32, #tpu.memory_space<hbm>>
        tpu.enqueue_dma source(%dma_start3A_1494 : memref<1x192xf32, #tpu.memory_space<hbm>>) target(%dma_start3A_1491 : memref<1x192xf32, #tpu.memory_space<vmem>>) target_semaphore(%arg12 : memref<!tpu.dma_semaphore, #tpu.memory_space<semaphore_mem>>)
      }
      %scan3A_1453 = arith.constant 16 : i32
      %get3A_1454 = arith.constant 112 : index
      %get3A_1455 = tpu.vector_load %arg9[%get3A_1454] {strides = array<i32>} : memref<144xi32, #tpu.memory_space<vmem>>, vector<16xi32>,
      %scan3A_1456 = arith.constant 0 : i32
      %scan3A_1457 = arith.constant 0 : i32
      %scan3A_1458 = arith.constant 16 : i32
      %scan3A_1459 = arith.addi %scan3A_1457, %scan3A_1458 : i32
      %scan3A_1460 = arith.constant 1 : i32
      scf.for %scan3A_1476 = %scan3A_1457 to %scan3A_1459 step %scan3A_1460  : i32 {
        %eq3A = vector.broadcast %scan3A_1476 : i32 to vector<16xi32>
        %eq3A_1477 = arith.cmpi eq, %iota3A, %eq3A : vector<16xi32>
        %jit3A_1478 = arith.constant 0 : i32
        %broadcast_in_dim3A_1479 = vector.broadcast %jit3A_1478 : i32 to vector<16xi32>
        %select_n3A_1480 = arith.select %eq3A_1477, %get3A_1455, %broadcast_in_dim3A_1479 : vector<16xi1>, vector<16xi32>
        %reduce_sum3A = arith.constant true
        %reduce_sum3A_1481 = vector.broadcast %reduce_sum3A : i1 to vector<16xi1>
        %reduce_sum3A_1482 = tpu.scan <sum>, %select_n3A_1480 masked %reduce_sum3A_1481 : vector<16xi32>, vector<16xi1> -> vector<16xi32>
        %reduce_sum3A_1483 = vector.extract %reduce_sum3A_1482[15] : i32 from vector<16xi32>
        %add3A_1484 = arith.constant 112 : i32
        %add3A_1485 = arith.addi %add3A_1484, %scan3A_1476 : i32
        %dma_start3A = arith.constant 0 : i32
        %dma_start3A_1486 = tpu.memref_slice %arg11[%add3A_1485, %dma_start3A] : memref<144x192xf32, #tpu.memory_space<vmem>> -> memref<1x192xf32, #tpu.memory_space<vmem>>
        %dma_start3A_1487 = arith.constant 0 : i32
        %dma_start3A_1488 = tpu.memref_slice %arg3[%add3A_4, %scan3A_1386, %reduce_sum3A_1483, %dma_start3A_1487] : memref<64x8x576x192xf32, #tpu.memory_space<hbm>> -> memref<1x1x1x192xf32, #tpu.memory_space<hbm>>
        %dma_start3A_1489 = tpu.memref_squeeze %dma_start3A_1488 : memref<1x1x1x192xf32, #tpu.memory_space<hbm>> -> memref<1x192xf32, #tpu.memory_space<hbm>>
        %dma_start3A_1490 = arith.constant 0 : i32
        %dma_start3A_1491 = tpu.memref_slice %arg11[%add3A_1485, %dma_start3A_1490] : memref<144x192xf32, #tpu.memory_space<vmem>> -> memref<1x192xf32, #tpu.memory_space<vmem>>
        %dma_start3A_1492 = arith.constant 0 : i32
        %dma_start3A_1493 = tpu.memref_slice %arg3[%add3A_4, %scan3A_1386, %reduce_sum3A_1483, %dma_start3A_1492] : memref<64x8x576x192xf32, #tpu.memory_space<hbm>> -> memref<1x1x1x192xf32, #tpu.memory_space<hbm>>
        %dma_start3A_1494 = tpu.memref_squeeze %dma_start3A_1493 : memref<1x1x1x192xf32, #tpu.memory_space<hbm>> -> memref<1x192xf32, #tpu.memory_space<hbm>>
        tpu.enqueue_dma source(%dma_start3A_1494 : memref<1x192xf32, #tpu.memory_space<hbm>>) target(%dma_start3A_1491 : memref<1x192xf32, #tpu.memory_space<vmem>>) target_semaphore(%arg12 : memref<!tpu.dma_semaphore, #tpu.memory_space<semaphore_mem>>)
      }
      %scan3A_1461 = arith.constant 16 : i32
      %get3A_1462 = arith.constant 128 : index
      %get3A_1463 = tpu.vector_load %arg9[%get3A_1462] {strides = array<i32>} : memref<144xi32, #tpu.memory_space<vmem>>, vector<16xi32>,
      %scan3A_1464 = arith.constant 0 : i32
      %scan3A_1465 = arith.constant 0 : i32
      %scan3A_1466 = arith.constant 16 : i32
      %scan3A_1467 = arith.addi %scan3A_1465, %scan3A_1466 : i32
      %scan3A_1468 = arith.constant 1 : i32
      scf.for %scan3A_1476 = %scan3A_1465 to %scan3A_1467 step %scan3A_1468  : i32 {
        %eq3A = vector.broadcast %scan3A_1476 : i32 to vector<16xi32>
        %eq3A_1477 = arith.cmpi eq, %iota3A, %eq3A : vector<16xi32>
        %jit3A_1478 = arith.constant 0 : i32
        %broadcast_in_dim3A_1479 = vector.broadcast %jit3A_1478 : i32 to vector<16xi32>
        %select_n3A_1480 = arith.select %eq3A_1477, %get3A_1463, %broadcast_in_dim3A_1479 : vector<16xi1>, vector<16xi32>
        %reduce_sum3A = arith.constant true
        %reduce_sum3A_1481 = vector.broadcast %reduce_sum3A : i1 to vector<16xi1>
        %reduce_sum3A_1482 = tpu.scan <sum>, %select_n3A_1480 masked %reduce_sum3A_1481 : vector<16xi32>, vector<16xi1> -> vector<16xi32>
        %reduce_sum3A_1483 = vector.extract %reduce_sum3A_1482[15] : i32 from vector<16xi32>
        %add3A_1484 = arith.constant 128 : i32
        %add3A_1485 = arith.addi %add3A_1484, %scan3A_1476 : i32
        %dma_start3A = arith.constant 0 : i32
        %dma_start3A_1486 = tpu.memref_slice %arg11[%add3A_1485, %dma_start3A] : memref<144x192xf32, #tpu.memory_space<vmem>> -> memref<1x192xf32, #tpu.memory_space<vmem>>
        %dma_start3A_1487 = arith.constant 0 : i32
        %dma_start3A_1488 = tpu.memref_slice %arg3[%add3A_4, %scan3A_1386, %reduce_sum3A_1483, %dma_start3A_1487] : memref<64x8x576x192xf32, #tpu.memory_space<hbm>> -> memref<1x1x1x192xf32, #tpu.memory_space<hbm>>
        %dma_start3A_1489 = tpu.memref_squeeze %dma_start3A_1488 : memref<1x1x1x192xf32, #tpu.memory_space<hbm>> -> memref<1x192xf32, #tpu.memory_space<hbm>>
        %dma_start3A_1490 = arith.constant 0 : i32
        %dma_start3A_1491 = tpu.memref_slice %arg11[%add3A_1485, %dma_start3A_1490] : memref<144x192xf32, #tpu.memory_space<vmem>> -> memref<1x192xf32, #tpu.memory_space<vmem>>
        %dma_start3A_1492 = arith.constant 0 : i32
        %dma_start3A_1493 = tpu.memref_slice %arg3[%add3A_4, %scan3A_1386, %reduce_sum3A_1483, %dma_start3A_1492] : memref<64x8x576x192xf32, #tpu.memory_space<hbm>> -> memref<1x1x1x192xf32, #tpu.memory_space<hbm>>
        %dma_start3A_1494 = tpu.memref_squeeze %dma_start3A_1493 : memref<1x1x1x192xf32, #tpu.memory_space<hbm>> -> memref<1x192xf32, #tpu.memory_space<hbm>>
        tpu.enqueue_dma source(%dma_start3A_1494 : memref<1x192xf32, #tpu.memory_space<hbm>>) target(%dma_start3A_1491 : memref<1x192xf32, #tpu.memory_space<vmem>>) target_semaphore(%arg12 : memref<!tpu.dma_semaphore, #tpu.memory_space<semaphore_mem>>)
      }
      %scan3A_1469 = arith.constant 16 : i32
      %scan3A_1470 = arith.constant 0 : i32
      %scan3A_1471 = arith.constant 0 : i32
      %scan3A_1472 = arith.constant 144 : i32
      %scan3A_1473 = arith.addi %scan3A_1471, %scan3A_1472 : i32
      %scan3A_1474 = arith.constant 1 : i32
      scf.for %scan3A_1476 = %scan3A_1471 to %scan3A_1473 step %scan3A_1474  : i32 {
        %dma_wait3A = arith.constant 0 : i32
        %dma_wait3A_1477 = arith.constant 0 : i32
        %dma_wait3A_1478 = arith.constant 0 : i32
        %dma_wait3A_1479 = tpu.memref_slice %arg11[%scan3A_1476, %dma_wait3A_1478] : memref<144x192xf32, #tpu.memory_space<vmem>> -> memref<1x192xf32, #tpu.memory_space<vmem>>
        %dma_wait3A_1480 = arith.constant 0 : i32
        %dma_wait3A_1481 = arith.constant 0 : i32
        %dma_wait3A_1482 = tpu.memref_slice %arg3[%dma_wait3A, %dma_wait3A_1477, %dma_wait3A_1480, %dma_wait3A_1481] : memref<64x8x576x192xf32, #tpu.memory_space<hbm>> -> memref<1x1x1x192xf32, #tpu.memory_space<hbm>>
        %dma_wait3A_1483 = tpu.memref_squeeze %dma_wait3A_1482 : memref<1x1x1x192xf32, #tpu.memory_space<hbm>> -> memref<1x192xf32, #tpu.memory_space<hbm>>
        %dma_wait3A_1484 = arith.constant 0 : i32
        %dma_wait3A_1485 = tpu.memref_slice %arg11[%scan3A_1476, %dma_wait3A_1484] : memref<144x192xf32, #tpu.memory_space<vmem>> -> memref<1x192xf32, #tpu.memory_space<vmem>>
        %dma_wait3A_1486 = arith.constant 0 : i32
        %dma_wait3A_1487 = arith.constant 0 : i32
        %dma_wait3A_1488 = tpu.memref_slice %arg3[%dma_wait3A, %dma_wait3A_1477, %dma_wait3A_1486, %dma_wait3A_1487] : memref<64x8x576x192xf32, #tpu.memory_space<hbm>> -> memref<1x1x1x192xf32, #tpu.memory_space<hbm>>
        %dma_wait3A_1489 = tpu.memref_squeeze %dma_wait3A_1488 : memref<1x1x1x192xf32, #tpu.memory_space<hbm>> -> memref<1x192xf32, #tpu.memory_space<hbm>>
        tpu.wait_dma2 semaphore(%arg12 : memref<!tpu.dma_semaphore, #tpu.memory_space<semaphore_mem>>) src(%dma_wait3A_1489 : memref<1x192xf32, #tpu.memory_space<hbm>>) dst(%dma_wait3A_1485 : memref<1x192xf32, #tpu.memory_space<vmem>>)
      }
      %scan3A_1475 = arith.constant 144 : i32
      "tpu.region"() ({
        %run_scoped3A = tpu.sem_alloc : memref<!tpu.dma_semaphore, #tpu.memory_space<semaphore_mem>>
        %dma_start3A = arith.constant 0 : i32
        %dma_start3A_1476 = arith.constant 0 : i32
        %dma_start3A_1477 = tpu.memref_slice %arg4[%add3A_4, %scan3A_1386, %dma_start3A, %dma_start3A_1476] : memref<64x8x144x192xf32, #tpu.memory_space<hbm>> -> memref<1x1x144x192xf32, #tpu.memory_space<hbm>>
        %dma_start3A_1478 = tpu.memref_squeeze %dma_start3A_1477 : memref<1x1x144x192xf32, #tpu.memory_space<hbm>> -> memref<144x192xf32, #tpu.memory_space<hbm>>
        %dma_start3A_1479 = arith.constant 0 : i32
        %dma_start3A_1480 = arith.constant 0 : i32
        %dma_start3A_1481 = tpu.memref_slice %arg4[%add3A_4, %scan3A_1386, %dma_start3A_1479, %dma_start3A_1480] : memref<64x8x144x192xf32, #tpu.memory_space<hbm>> -> memref<1x1x144x192xf32, #tpu.memory_space<hbm>>
        %dma_start3A_1482 = tpu.memref_squeeze %dma_start3A_1481 : memref<1x1x144x192xf32, #tpu.memory_space<hbm>> -> memref<144x192xf32, #tpu.memory_space<hbm>>
        tpu.enqueue_dma source(%arg11 : memref<144x192xf32, #tpu.memory_space<vmem>>) target(%dma_start3A_1482 : memref<144x192xf32, #tpu.memory_space<hbm>>) target_semaphore(%run_scoped3A : memref<!tpu.dma_semaphore, #tpu.memory_space<semaphore_mem>>)
        %dma_wait3A = arith.constant 0 : i32
        %dma_wait3A_1483 = arith.constant 0 : i32
        %dma_wait3A_1484 = tpu.memref_slice %arg4[%add3A_4, %scan3A_1386, %dma_wait3A, %dma_wait3A_1483] : memref<64x8x144x192xf32, #tpu.memory_space<hbm>> -> memref<1x1x144x192xf32, #tpu.memory_space<hbm>>
        %dma_wait3A_1485 = tpu.memref_squeeze %dma_wait3A_1484 : memref<1x1x144x192xf32, #tpu.memory_space<hbm>> -> memref<144x192xf32, #tpu.memory_space<hbm>>
        %dma_wait3A_1486 = arith.constant 0 : i32
        %dma_wait3A_1487 = arith.constant 0 : i32
        %dma_wait3A_1488 = tpu.memref_slice %arg4[%add3A_4, %scan3A_1386, %dma_wait3A_1486, %dma_wait3A_1487] : memref<64x8x144x192xf32, #tpu.memory_space<hbm>> -> memref<1x1x144x192xf32, #tpu.memory_space<hbm>>
        %dma_wait3A_1489 = tpu.memref_squeeze %dma_wait3A_1488 : memref<1x1x144x192xf32, #tpu.memory_space<hbm>> -> memref<144x192xf32, #tpu.memory_space<hbm>>
        tpu.wait_dma2 semaphore(%run_scoped3A : memref<!tpu.dma_semaphore, #tpu.memory_space<semaphore_mem>>) src(%arg11 : memref<144x192xf32, #tpu.memory_space<vmem>>) dst(%dma_wait3A_1489 : memref<144x192xf32, #tpu.memory_space<hbm>>)
        tpu.yield
      }) : () -> ()
    }
    %scan3A_689 = arith.constant 8 : i32
    %mul3A_690 = arith.constant 2 : i32
    %mul3A_691 = arith.muli %add3A, %mul3A_690 : i32
    %add3A_692 = arith.constant 1 : i32
    %add3A_693 = arith.addi %mul3A_691, %add3A_692 : i32
    %mul3A_694 = arith.constant 576 : i32
    %mul3A_695 = arith.muli %add3A_693, %mul3A_694 : i32
    "tpu.region"() ({
      %run_scoped3A = tpu.sem_alloc : memref<!tpu.dma_semaphore, #tpu.memory_space<semaphore_mem>>
      %dma_start3A = tpu.memref_slice %arg2[%mul3A_695] : memref<36864xi32, #tpu.memory_space<hbm>> -> memref<576xi32, #tpu.memory_space<hbm>>
      %dma_start3A_1386 = tpu.memref_slice %arg2[%mul3A_695] : memref<36864xi32, #tpu.memory_space<hbm>> -> memref<576xi32, #tpu.memory_space<hbm>>
      tpu.enqueue_dma source(%dma_start3A_1386 : memref<576xi32, #tpu.memory_space<hbm>>) target(%arg8 : memref<576xi32, #tpu.memory_space<vmem>>) target_semaphore(%run_scoped3A : memref<!tpu.dma_semaphore, #tpu.memory_space<semaphore_mem>>)
      %dma_wait3A = tpu.memref_slice %arg2[%mul3A_695] : memref<36864xi32, #tpu.memory_space<hbm>> -> memref<576xi32, #tpu.memory_space<hbm>>
      %dma_wait3A_1387 = tpu.memref_slice %arg2[%mul3A_695] : memref<36864xi32, #tpu.memory_space<hbm>> -> memref<576xi32, #tpu.memory_space<hbm>>
      tpu.wait_dma2 semaphore(%run_scoped3A : memref<!tpu.dma_semaphore, #tpu.memory_space<semaphore_mem>>) src(%dma_wait3A_1387 : memref<576xi32, #tpu.memory_space<hbm>>) dst(%arg8 : memref<576xi32, #tpu.memory_space<vmem>>)
      tpu.yield
    }) : () -> ()
    %get3A_696 = arith.constant 0 : index
    %get3A_697 = tpu.vector_load %arg8[%get3A_696] {strides = array<i32>} : memref<576xi32, #tpu.memory_space<vmem>>, vector<16xi32>,
    %iota3A_698 = tpu.iota {dimensions = array<i32: 0>} : vector<16xi32>
    %add3A_699 = arith.constant 0 : i32
    %add3A_700 = vector.broadcast %add3A_699 : i32 to vector<16xi32>
    %add3A_701 = arith.addi %iota3A_698, %add3A_700 : vector<16xi32>
    %lt3A_702 = arith.constant 144 : i32
    %lt3A_703 = vector.broadcast %lt3A_702 : i32 to vector<16xi32>
    %lt3A_704 = arith.cmpi slt, %get3A_697, %lt3A_703 : vector<16xi32>
    %jit3A_705 = arith.constant 0 : i32
    %broadcast_in_dim3A_706 = vector.broadcast %jit3A_705 : i32 to vector<16xi32>
    %select_n3A_707 = arith.select %lt3A_704, %get3A_697, %broadcast_in_dim3A_706 : vector<16xi1>, vector<16xi32>
    tpu.vector_store_idx %arg9[%select_n3A_707], %add3A_701 masked %lt3A_704 : memref<144xi32, #tpu.memory_space<vmem>>[vector<16xi32>], vector<16xi32>, vector<16xi1>
    %jit3A_708 = arith.constant 0.000000e+00 : f32
    %jit3A_709 = arith.constant 1.000000e+00 : f32
    %broadcast_in_dim3A_710 = vector.broadcast %jit3A_708 : f32 to vector<16xf32>
    %broadcast_in_dim3A_711 = vector.broadcast %jit3A_709 : f32 to vector<16xf32>
    %select_n3A_712 = arith.select %lt3A_704, %broadcast_in_dim3A_710, %broadcast_in_dim3A_711 : vector<16xi1>, vector<16xf32>
    %swap3A_713 = arith.constant 0 : index
    %swap3A_714 = tpu.vector_load %arg10[%swap3A_713] {strides = array<i32>} : memref<576xf32, #tpu.memory_space<vmem>>, vector<16xf32>,
    tpu.vector_store %arg10[%swap3A_713], %select_n3A_712 {strides = array<i32>} : memref<576xf32, #tpu.memory_space<vmem>>, vector<16xf32>,
    %get3A_715 = arith.constant 16 : index
    %get3A_716 = tpu.vector_load %arg8[%get3A_715] {strides = array<i32>} : memref<576xi32, #tpu.memory_space<vmem>>, vector<16xi32>,
    %iota3A_717 = tpu.iota {dimensions = array<i32: 0>} : vector<16xi32>
    %add3A_718 = arith.constant 16 : i32
    %add3A_719 = vector.broadcast %add3A_718 : i32 to vector<16xi32>
    %add3A_720 = arith.addi %iota3A_717, %add3A_719 : vector<16xi32>
    %lt3A_721 = arith.constant 144 : i32
    %lt3A_722 = vector.broadcast %lt3A_721 : i32 to vector<16xi32>
    %lt3A_723 = arith.cmpi slt, %get3A_716, %lt3A_722 : vector<16xi32>
    %jit3A_724 = arith.constant 0 : i32
    %broadcast_in_dim3A_725 = vector.broadcast %jit3A_724 : i32 to vector<16xi32>
    %select_n3A_726 = arith.select %lt3A_723, %get3A_716, %broadcast_in_dim3A_725 : vector<16xi1>, vector<16xi32>
    tpu.vector_store_idx %arg9[%select_n3A_726], %add3A_720 masked %lt3A_723 : memref<144xi32, #tpu.memory_space<vmem>>[vector<16xi32>], vector<16xi32>, vector<16xi1>
    %jit3A_727 = arith.constant 0.000000e+00 : f32
    %jit3A_728 = arith.constant 1.000000e+00 : f32
    %broadcast_in_dim3A_729 = vector.broadcast %jit3A_727 : f32 to vector<16xf32>
    %broadcast_in_dim3A_730 = vector.broadcast %jit3A_728 : f32 to vector<16xf32>
    %select_n3A_731 = arith.select %lt3A_723, %broadcast_in_dim3A_729, %broadcast_in_dim3A_730 : vector<16xi1>, vector<16xf32>
    %swap3A_732 = arith.constant 16 : index
    %swap3A_733 = tpu.vector_load %arg10[%swap3A_732] {strides = array<i32>} : memref<576xf32, #tpu.memory_space<vmem>>, vector<16xf32>,
    tpu.vector_store %arg10[%swap3A_732], %select_n3A_731 {strides = array<i32>} : memref<576xf32, #tpu.memory_space<vmem>>, vector<16xf32>,
    %get3A_734 = arith.constant 32 : index
    %get3A_735 = tpu.vector_load %arg8[%get3A_734] {strides = array<i32>} : memref<576xi32, #tpu.memory_space<vmem>>, vector<16xi32>,
    %iota3A_736 = tpu.iota {dimensions = array<i32: 0>} : vector<16xi32>
    %add3A_737 = arith.constant 32 : i32
    %add3A_738 = vector.broadcast %add3A_737 : i32 to vector<16xi32>
    %add3A_739 = arith.addi %iota3A_736, %add3A_738 : vector<16xi32>
    %lt3A_740 = arith.constant 144 : i32
    %lt3A_741 = vector.broadcast %lt3A_740 : i32 to vector<16xi32>
    %lt3A_742 = arith.cmpi slt, %get3A_735, %lt3A_741 : vector<16xi32>
    %jit3A_743 = arith.constant 0 : i32
    %broadcast_in_dim3A_744 = vector.broadcast %jit3A_743 : i32 to vector<16xi32>
    %select_n3A_745 = arith.select %lt3A_742, %get3A_735, %broadcast_in_dim3A_744 : vector<16xi1>, vector<16xi32>
    tpu.vector_store_idx %arg9[%select_n3A_745], %add3A_739 masked %lt3A_742 : memref<144xi32, #tpu.memory_space<vmem>>[vector<16xi32>], vector<16xi32>, vector<16xi1>
    %jit3A_746 = arith.constant 0.000000e+00 : f32
    %jit3A_747 = arith.constant 1.000000e+00 : f32
    %broadcast_in_dim3A_748 = vector.broadcast %jit3A_746 : f32 to vector<16xf32>
    %broadcast_in_dim3A_749 = vector.broadcast %jit3A_747 : f32 to vector<16xf32>
    %select_n3A_750 = arith.select %lt3A_742, %broadcast_in_dim3A_748, %broadcast_in_dim3A_749 : vector<16xi1>, vector<16xf32>
    %swap3A_751 = arith.constant 32 : index
    %swap3A_752 = tpu.vector_load %arg10[%swap3A_751] {strides = array<i32>} : memref<576xf32, #tpu.memory_space<vmem>>, vector<16xf32>,
    tpu.vector_store %arg10[%swap3A_751], %select_n3A_750 {strides = array<i32>} : memref<576xf32, #tpu.memory_space<vmem>>, vector<16xf32>,
    %get3A_753 = arith.constant 48 : index
    %get3A_754 = tpu.vector_load %arg8[%get3A_753] {strides = array<i32>} : memref<576xi32, #tpu.memory_space<vmem>>, vector<16xi32>,
    %iota3A_755 = tpu.iota {dimensions = array<i32: 0>} : vector<16xi32>
    %add3A_756 = arith.constant 48 : i32
    %add3A_757 = vector.broadcast %add3A_756 : i32 to vector<16xi32>
    %add3A_758 = arith.addi %iota3A_755, %add3A_757 : vector<16xi32>
    %lt3A_759 = arith.constant 144 : i32
    %lt3A_760 = vector.broadcast %lt3A_759 : i32 to vector<16xi32>
    %lt3A_761 = arith.cmpi slt, %get3A_754, %lt3A_760 : vector<16xi32>
    %jit3A_762 = arith.constant 0 : i32
    %broadcast_in_dim3A_763 = vector.broadcast %jit3A_762 : i32 to vector<16xi32>
    %select_n3A_764 = arith.select %lt3A_761, %get3A_754, %broadcast_in_dim3A_763 : vector<16xi1>, vector<16xi32>
    tpu.vector_store_idx %arg9[%select_n3A_764], %add3A_758 masked %lt3A_761 : memref<144xi32, #tpu.memory_space<vmem>>[vector<16xi32>], vector<16xi32>, vector<16xi1>
    %jit3A_765 = arith.constant 0.000000e+00 : f32
    %jit3A_766 = arith.constant 1.000000e+00 : f32
    %broadcast_in_dim3A_767 = vector.broadcast %jit3A_765 : f32 to vector<16xf32>
    %broadcast_in_dim3A_768 = vector.broadcast %jit3A_766 : f32 to vector<16xf32>
    %select_n3A_769 = arith.select %lt3A_761, %broadcast_in_dim3A_767, %broadcast_in_dim3A_768 : vector<16xi1>, vector<16xf32>
    %swap3A_770 = arith.constant 48 : index
    %swap3A_771 = tpu.vector_load %arg10[%swap3A_770] {strides = array<i32>} : memref<576xf32, #tpu.memory_space<vmem>>, vector<16xf32>,
    tpu.vector_store %arg10[%swap3A_770], %select_n3A_769 {strides = array<i32>} : memref<576xf32, #tpu.memory_space<vmem>>, vector<16xf32>,
    %get3A_772 = arith.constant 64 : index
    %get3A_773 = tpu.vector_load %arg8[%get3A_772] {strides = array<i32>} : memref<576xi32, #tpu.memory_space<vmem>>, vector<16xi32>,
    %iota3A_774 = tpu.iota {dimensions = array<i32: 0>} : vector<16xi32>
    %add3A_775 = arith.constant 64 : i32
    %add3A_776 = vector.broadcast %add3A_775 : i32 to vector<16xi32>
    %add3A_777 = arith.addi %iota3A_774, %add3A_776 : vector<16xi32>
    %lt3A_778 = arith.constant 144 : i32
    %lt3A_779 = vector.broadcast %lt3A_778 : i32 to vector<16xi32>
    %lt3A_780 = arith.cmpi slt, %get3A_773, %lt3A_779 : vector<16xi32>
    %jit3A_781 = arith.constant 0 : i32
    %broadcast_in_dim3A_782 = vector.broadcast %jit3A_781 : i32 to vector<16xi32>
    %select_n3A_783 = arith.select %lt3A_780, %get3A_773, %broadcast_in_dim3A_782 : vector<16xi1>, vector<16xi32>
    tpu.vector_store_idx %arg9[%select_n3A_783], %add3A_777 masked %lt3A_780 : memref<144xi32, #tpu.memory_space<vmem>>[vector<16xi32>], vector<16xi32>, vector<16xi1>
    %jit3A_784 = arith.constant 0.000000e+00 : f32
    %jit3A_785 = arith.constant 1.000000e+00 : f32
    %broadcast_in_dim3A_786 = vector.broadcast %jit3A_784 : f32 to vector<16xf32>
    %broadcast_in_dim3A_787 = vector.broadcast %jit3A_785 : f32 to vector<16xf32>
    %select_n3A_788 = arith.select %lt3A_780, %broadcast_in_dim3A_786, %broadcast_in_dim3A_787 : vector<16xi1>, vector<16xf32>
    %swap3A_789 = arith.constant 64 : index
    %swap3A_790 = tpu.vector_load %arg10[%swap3A_789] {strides = array<i32>} : memref<576xf32, #tpu.memory_space<vmem>>, vector<16xf32>,
    tpu.vector_store %arg10[%swap3A_789], %select_n3A_788 {strides = array<i32>} : memref<576xf32, #tpu.memory_space<vmem>>, vector<16xf32>,
    %get3A_791 = arith.constant 80 : index
    %get3A_792 = tpu.vector_load %arg8[%get3A_791] {strides = array<i32>} : memref<576xi32, #tpu.memory_space<vmem>>, vector<16xi32>,
    %iota3A_793 = tpu.iota {dimensions = array<i32: 0>} : vector<16xi32>
    %add3A_794 = arith.constant 80 : i32
    %add3A_795 = vector.broadcast %add3A_794 : i32 to vector<16xi32>
    %add3A_796 = arith.addi %iota3A_793, %add3A_795 : vector<16xi32>
    %lt3A_797 = arith.constant 144 : i32
    %lt3A_798 = vector.broadcast %lt3A_797 : i32 to vector<16xi32>
    %lt3A_799 = arith.cmpi slt, %get3A_792, %lt3A_798 : vector<16xi32>
    %jit3A_800 = arith.constant 0 : i32
    %broadcast_in_dim3A_801 = vector.broadcast %jit3A_800 : i32 to vector<16xi32>
    %select_n3A_802 = arith.select %lt3A_799, %get3A_792, %broadcast_in_dim3A_801 : vector<16xi1>, vector<16xi32>
    tpu.vector_store_idx %arg9[%select_n3A_802], %add3A_796 masked %lt3A_799 : memref<144xi32, #tpu.memory_space<vmem>>[vector<16xi32>], vector<16xi32>, vector<16xi1>
    %jit3A_803 = arith.constant 0.000000e+00 : f32
    %jit3A_804 = arith.constant 1.000000e+00 : f32
    %broadcast_in_dim3A_805 = vector.broadcast %jit3A_803 : f32 to vector<16xf32>
    %broadcast_in_dim3A_806 = vector.broadcast %jit3A_804 : f32 to vector<16xf32>
    %select_n3A_807 = arith.select %lt3A_799, %broadcast_in_dim3A_805, %broadcast_in_dim3A_806 : vector<16xi1>, vector<16xf32>
    %swap3A_808 = arith.constant 80 : index
    %swap3A_809 = tpu.vector_load %arg10[%swap3A_808] {strides = array<i32>} : memref<576xf32, #tpu.memory_space<vmem>>, vector<16xf32>,
    tpu.vector_store %arg10[%swap3A_808], %select_n3A_807 {strides = array<i32>} : memref<576xf32, #tpu.memory_space<vmem>>, vector<16xf32>,
    %get3A_810 = arith.constant 96 : index
    %get3A_811 = tpu.vector_load %arg8[%get3A_810] {strides = array<i32>} : memref<576xi32, #tpu.memory_space<vmem>>, vector<16xi32>,
    %iota3A_812 = tpu.iota {dimensions = array<i32: 0>} : vector<16xi32>
    %add3A_813 = arith.constant 96 : i32
    %add3A_814 = vector.broadcast %add3A_813 : i32 to vector<16xi32>
    %add3A_815 = arith.addi %iota3A_812, %add3A_814 : vector<16xi32>
    %lt3A_816 = arith.constant 144 : i32
    %lt3A_817 = vector.broadcast %lt3A_816 : i32 to vector<16xi32>
    %lt3A_818 = arith.cmpi slt, %get3A_811, %lt3A_817 : vector<16xi32>
    %jit3A_819 = arith.constant 0 : i32
    %broadcast_in_dim3A_820 = vector.broadcast %jit3A_819 : i32 to vector<16xi32>
    %select_n3A_821 = arith.select %lt3A_818, %get3A_811, %broadcast_in_dim3A_820 : vector<16xi1>, vector<16xi32>
    tpu.vector_store_idx %arg9[%select_n3A_821], %add3A_815 masked %lt3A_818 : memref<144xi32, #tpu.memory_space<vmem>>[vector<16xi32>], vector<16xi32>, vector<16xi1>
    %jit3A_822 = arith.constant 0.000000e+00 : f32
    %jit3A_823 = arith.constant 1.000000e+00 : f32
    %broadcast_in_dim3A_824 = vector.broadcast %jit3A_822 : f32 to vector<16xf32>
    %broadcast_in_dim3A_825 = vector.broadcast %jit3A_823 : f32 to vector<16xf32>
    %select_n3A_826 = arith.select %lt3A_818, %broadcast_in_dim3A_824, %broadcast_in_dim3A_825 : vector<16xi1>, vector<16xf32>
    %swap3A_827 = arith.constant 96 : index
    %swap3A_828 = tpu.vector_load %arg10[%swap3A_827] {strides = array<i32>} : memref<576xf32, #tpu.memory_space<vmem>>, vector<16xf32>,
    tpu.vector_store %arg10[%swap3A_827], %select_n3A_826 {strides = array<i32>} : memref<576xf32, #tpu.memory_space<vmem>>, vector<16xf32>,
    %get3A_829 = arith.constant 112 : index
    %get3A_830 = tpu.vector_load %arg8[%get3A_829] {strides = array<i32>} : memref<576xi32, #tpu.memory_space<vmem>>, vector<16xi32>,
    %iota3A_831 = tpu.iota {dimensions = array<i32: 0>} : vector<16xi32>
    %add3A_832 = arith.constant 112 : i32
    %add3A_833 = vector.broadcast %add3A_832 : i32 to vector<16xi32>
    %add3A_834 = arith.addi %iota3A_831, %add3A_833 : vector<16xi32>
    %lt3A_835 = arith.constant 144 : i32
    %lt3A_836 = vector.broadcast %lt3A_835 : i32 to vector<16xi32>
    %lt3A_837 = arith.cmpi slt, %get3A_830, %lt3A_836 : vector<16xi32>
    %jit3A_838 = arith.constant 0 : i32
    %broadcast_in_dim3A_839 = vector.broadcast %jit3A_838 : i32 to vector<16xi32>
    %select_n3A_840 = arith.select %lt3A_837, %get3A_830, %broadcast_in_dim3A_839 : vector<16xi1>, vector<16xi32>
    tpu.vector_store_idx %arg9[%select_n3A_840], %add3A_834 masked %lt3A_837 : memref<144xi32, #tpu.memory_space<vmem>>[vector<16xi32>], vector<16xi32>, vector<16xi1>
    %jit3A_841 = arith.constant 0.000000e+00 : f32
    %jit3A_842 = arith.constant 1.000000e+00 : f32
    %broadcast_in_dim3A_843 = vector.broadcast %jit3A_841 : f32 to vector<16xf32>
    %broadcast_in_dim3A_844 = vector.broadcast %jit3A_842 : f32 to vector<16xf32>
    %select_n3A_845 = arith.select %lt3A_837, %broadcast_in_dim3A_843, %broadcast_in_dim3A_844 : vector<16xi1>, vector<16xf32>
    %swap3A_846 = arith.constant 112 : index
    %swap3A_847 = tpu.vector_load %arg10[%swap3A_846] {strides = array<i32>} : memref<576xf32, #tpu.memory_space<vmem>>, vector<16xf32>,
    tpu.vector_store %arg10[%swap3A_846], %select_n3A_845 {strides = array<i32>} : memref<576xf32, #tpu.memory_space<vmem>>, vector<16xf32>,
    %get3A_848 = arith.constant 128 : index
    %get3A_849 = tpu.vector_load %arg8[%get3A_848] {strides = array<i32>} : memref<576xi32, #tpu.memory_space<vmem>>, vector<16xi32>,
    %iota3A_850 = tpu.iota {dimensions = array<i32: 0>} : vector<16xi32>
    %add3A_851 = arith.constant 128 : i32
    %add3A_852 = vector.broadcast %add3A_851 : i32 to vector<16xi32>
    %add3A_853 = arith.addi %iota3A_850, %add3A_852 : vector<16xi32>
    %lt3A_854 = arith.constant 144 : i32
    %lt3A_855 = vector.broadcast %lt3A_854 : i32 to vector<16xi32>
    %lt3A_856 = arith.cmpi slt, %get3A_849, %lt3A_855 : vector<16xi32>
    %jit3A_857 = arith.constant 0 : i32
    %broadcast_in_dim3A_858 = vector.broadcast %jit3A_857 : i32 to vector<16xi32>
    %select_n3A_859 = arith.select %lt3A_856, %get3A_849, %broadcast_in_dim3A_858 : vector<16xi1>, vector<16xi32>
    tpu.vector_store_idx %arg9[%select_n3A_859], %add3A_853 masked %lt3A_856 : memref<144xi32, #tpu.memory_space<vmem>>[vector<16xi32>], vector<16xi32>, vector<16xi1>
    %jit3A_860 = arith.constant 0.000000e+00 : f32
    %jit3A_861 = arith.constant 1.000000e+00 : f32
    %broadcast_in_dim3A_862 = vector.broadcast %jit3A_860 : f32 to vector<16xf32>
    %broadcast_in_dim3A_863 = vector.broadcast %jit3A_861 : f32 to vector<16xf32>
    %select_n3A_864 = arith.select %lt3A_856, %broadcast_in_dim3A_862, %broadcast_in_dim3A_863 : vector<16xi1>, vector<16xf32>
    %swap3A_865 = arith.constant 128 : index
    %swap3A_866 = tpu.vector_load %arg10[%swap3A_865] {strides = array<i32>} : memref<576xf32, #tpu.memory_space<vmem>>, vector<16xf32>,
    tpu.vector_store %arg10[%swap3A_865], %select_n3A_864 {strides = array<i32>} : memref<576xf32, #tpu.memory_space<vmem>>, vector<16xf32>,
    %get3A_867 = arith.constant 144 : index
    %get3A_868 = tpu.vector_load %arg8[%get3A_867] {strides = array<i32>} : memref<576xi32, #tpu.memory_space<vmem>>, vector<16xi32>,
    %iota3A_869 = tpu.iota {dimensions = array<i32: 0>} : vector<16xi32>
    %add3A_870 = arith.constant 144 : i32
    %add3A_871 = vector.broadcast %add3A_870 : i32 to vector<16xi32>
    %add3A_872 = arith.addi %iota3A_869, %add3A_871 : vector<16xi32>
    %lt3A_873 = arith.constant 144 : i32
    %lt3A_874 = vector.broadcast %lt3A_873 : i32 to vector<16xi32>
    %lt3A_875 = arith.cmpi slt, %get3A_868, %lt3A_874 : vector<16xi32>
    %jit3A_876 = arith.constant 0 : i32
    %broadcast_in_dim3A_877 = vector.broadcast %jit3A_876 : i32 to vector<16xi32>
    %select_n3A_878 = arith.select %lt3A_875, %get3A_868, %broadcast_in_dim3A_877 : vector<16xi1>, vector<16xi32>
    tpu.vector_store_idx %arg9[%select_n3A_878], %add3A_872 masked %lt3A_875 : memref<144xi32, #tpu.memory_space<vmem>>[vector<16xi32>], vector<16xi32>, vector<16xi1>
    %jit3A_879 = arith.constant 0.000000e+00 : f32
    %jit3A_880 = arith.constant 1.000000e+00 : f32
    %broadcast_in_dim3A_881 = vector.broadcast %jit3A_879 : f32 to vector<16xf32>
    %broadcast_in_dim3A_882 = vector.broadcast %jit3A_880 : f32 to vector<16xf32>
    %select_n3A_883 = arith.select %lt3A_875, %broadcast_in_dim3A_881, %broadcast_in_dim3A_882 : vector<16xi1>, vector<16xf32>
    %swap3A_884 = arith.constant 144 : index
    %swap3A_885 = tpu.vector_load %arg10[%swap3A_884] {strides = array<i32>} : memref<576xf32, #tpu.memory_space<vmem>>, vector<16xf32>,
    tpu.vector_store %arg10[%swap3A_884], %select_n3A_883 {strides = array<i32>} : memref<576xf32, #tpu.memory_space<vmem>>, vector<16xf32>,
    %get3A_886 = arith.constant 160 : index
    %get3A_887 = tpu.vector_load %arg8[%get3A_886] {strides = array<i32>} : memref<576xi32, #tpu.memory_space<vmem>>, vector<16xi32>,
    %iota3A_888 = tpu.iota {dimensions = array<i32: 0>} : vector<16xi32>
    %add3A_889 = arith.constant 160 : i32
    %add3A_890 = vector.broadcast %add3A_889 : i32 to vector<16xi32>
    %add3A_891 = arith.addi %iota3A_888, %add3A_890 : vector<16xi32>
    %lt3A_892 = arith.constant 144 : i32
    %lt3A_893 = vector.broadcast %lt3A_892 : i32 to vector<16xi32>
    %lt3A_894 = arith.cmpi slt, %get3A_887, %lt3A_893 : vector<16xi32>
    %jit3A_895 = arith.constant 0 : i32
    %broadcast_in_dim3A_896 = vector.broadcast %jit3A_895 : i32 to vector<16xi32>
    %select_n3A_897 = arith.select %lt3A_894, %get3A_887, %broadcast_in_dim3A_896 : vector<16xi1>, vector<16xi32>
    tpu.vector_store_idx %arg9[%select_n3A_897], %add3A_891 masked %lt3A_894 : memref<144xi32, #tpu.memory_space<vmem>>[vector<16xi32>], vector<16xi32>, vector<16xi1>
    %jit3A_898 = arith.constant 0.000000e+00 : f32
    %jit3A_899 = arith.constant 1.000000e+00 : f32
    %broadcast_in_dim3A_900 = vector.broadcast %jit3A_898 : f32 to vector<16xf32>
    %broadcast_in_dim3A_901 = vector.broadcast %jit3A_899 : f32 to vector<16xf32>
    %select_n3A_902 = arith.select %lt3A_894, %broadcast_in_dim3A_900, %broadcast_in_dim3A_901 : vector<16xi1>, vector<16xf32>
    %swap3A_903 = arith.constant 160 : index
    %swap3A_904 = tpu.vector_load %arg10[%swap3A_903] {strides = array<i32>} : memref<576xf32, #tpu.memory_space<vmem>>, vector<16xf32>,
    tpu.vector_store %arg10[%swap3A_903], %select_n3A_902 {strides = array<i32>} : memref<576xf32, #tpu.memory_space<vmem>>, vector<16xf32>,
    %get3A_905 = arith.constant 176 : index
    %get3A_906 = tpu.vector_load %arg8[%get3A_905] {strides = array<i32>} : memref<576xi32, #tpu.memory_space<vmem>>, vector<16xi32>,
    %iota3A_907 = tpu.iota {dimensions = array<i32: 0>} : vector<16xi32>
    %add3A_908 = arith.constant 176 : i32
    %add3A_909 = vector.broadcast %add3A_908 : i32 to vector<16xi32>
    %add3A_910 = arith.addi %iota3A_907, %add3A_909 : vector<16xi32>
    %lt3A_911 = arith.constant 144 : i32
    %lt3A_912 = vector.broadcast %lt3A_911 : i32 to vector<16xi32>
    %lt3A_913 = arith.cmpi slt, %get3A_906, %lt3A_912 : vector<16xi32>
    %jit3A_914 = arith.constant 0 : i32
    %broadcast_in_dim3A_915 = vector.broadcast %jit3A_914 : i32 to vector<16xi32>
    %select_n3A_916 = arith.select %lt3A_913, %get3A_906, %broadcast_in_dim3A_915 : vector<16xi1>, vector<16xi32>
    tpu.vector_store_idx %arg9[%select_n3A_916], %add3A_910 masked %lt3A_913 : memref<144xi32, #tpu.memory_space<vmem>>[vector<16xi32>], vector<16xi32>, vector<16xi1>
    %jit3A_917 = arith.constant 0.000000e+00 : f32
    %jit3A_918 = arith.constant 1.000000e+00 : f32
    %broadcast_in_dim3A_919 = vector.broadcast %jit3A_917 : f32 to vector<16xf32>
    %broadcast_in_dim3A_920 = vector.broadcast %jit3A_918 : f32 to vector<16xf32>
    %select_n3A_921 = arith.select %lt3A_913, %broadcast_in_dim3A_919, %broadcast_in_dim3A_920 : vector<16xi1>, vector<16xf32>
    %swap3A_922 = arith.constant 176 : index
    %swap3A_923 = tpu.vector_load %arg10[%swap3A_922] {strides = array<i32>} : memref<576xf32, #tpu.memory_space<vmem>>, vector<16xf32>,
    tpu.vector_store %arg10[%swap3A_922], %select_n3A_921 {strides = array<i32>} : memref<576xf32, #tpu.memory_space<vmem>>, vector<16xf32>,
    %get3A_924 = arith.constant 192 : index
    %get3A_925 = tpu.vector_load %arg8[%get3A_924] {strides = array<i32>} : memref<576xi32, #tpu.memory_space<vmem>>, vector<16xi32>,
    %iota3A_926 = tpu.iota {dimensions = array<i32: 0>} : vector<16xi32>
    %add3A_927 = arith.constant 192 : i32
    %add3A_928 = vector.broadcast %add3A_927 : i32 to vector<16xi32>
    %add3A_929 = arith.addi %iota3A_926, %add3A_928 : vector<16xi32>
    %lt3A_930 = arith.constant 144 : i32
    %lt3A_931 = vector.broadcast %lt3A_930 : i32 to vector<16xi32>
    %lt3A_932 = arith.cmpi slt, %get3A_925, %lt3A_931 : vector<16xi32>
    %jit3A_933 = arith.constant 0 : i32
    %broadcast_in_dim3A_934 = vector.broadcast %jit3A_933 : i32 to vector<16xi32>
    %select_n3A_935 = arith.select %lt3A_932, %get3A_925, %broadcast_in_dim3A_934 : vector<16xi1>, vector<16xi32>
    tpu.vector_store_idx %arg9[%select_n3A_935], %add3A_929 masked %lt3A_932 : memref<144xi32, #tpu.memory_space<vmem>>[vector<16xi32>], vector<16xi32>, vector<16xi1>
    %jit3A_936 = arith.constant 0.000000e+00 : f32
    %jit3A_937 = arith.constant 1.000000e+00 : f32
    %broadcast_in_dim3A_938 = vector.broadcast %jit3A_936 : f32 to vector<16xf32>
    %broadcast_in_dim3A_939 = vector.broadcast %jit3A_937 : f32 to vector<16xf32>
    %select_n3A_940 = arith.select %lt3A_932, %broadcast_in_dim3A_938, %broadcast_in_dim3A_939 : vector<16xi1>, vector<16xf32>
    %swap3A_941 = arith.constant 192 : index
    %swap3A_942 = tpu.vector_load %arg10[%swap3A_941] {strides = array<i32>} : memref<576xf32, #tpu.memory_space<vmem>>, vector<16xf32>,
    tpu.vector_store %arg10[%swap3A_941], %select_n3A_940 {strides = array<i32>} : memref<576xf32, #tpu.memory_space<vmem>>, vector<16xf32>,
    %get3A_943 = arith.constant 208 : index
    %get3A_944 = tpu.vector_load %arg8[%get3A_943] {strides = array<i32>} : memref<576xi32, #tpu.memory_space<vmem>>, vector<16xi32>,
    %iota3A_945 = tpu.iota {dimensions = array<i32: 0>} : vector<16xi32>
    %add3A_946 = arith.constant 208 : i32
    %add3A_947 = vector.broadcast %add3A_946 : i32 to vector<16xi32>
    %add3A_948 = arith.addi %iota3A_945, %add3A_947 : vector<16xi32>
    %lt3A_949 = arith.constant 144 : i32
    %lt3A_950 = vector.broadcast %lt3A_949 : i32 to vector<16xi32>
    %lt3A_951 = arith.cmpi slt, %get3A_944, %lt3A_950 : vector<16xi32>
    %jit3A_952 = arith.constant 0 : i32
    %broadcast_in_dim3A_953 = vector.broadcast %jit3A_952 : i32 to vector<16xi32>
    %select_n3A_954 = arith.select %lt3A_951, %get3A_944, %broadcast_in_dim3A_953 : vector<16xi1>, vector<16xi32>
    tpu.vector_store_idx %arg9[%select_n3A_954], %add3A_948 masked %lt3A_951 : memref<144xi32, #tpu.memory_space<vmem>>[vector<16xi32>], vector<16xi32>, vector<16xi1>
    %jit3A_955 = arith.constant 0.000000e+00 : f32
    %jit3A_956 = arith.constant 1.000000e+00 : f32
    %broadcast_in_dim3A_957 = vector.broadcast %jit3A_955 : f32 to vector<16xf32>
    %broadcast_in_dim3A_958 = vector.broadcast %jit3A_956 : f32 to vector<16xf32>
    %select_n3A_959 = arith.select %lt3A_951, %broadcast_in_dim3A_957, %broadcast_in_dim3A_958 : vector<16xi1>, vector<16xf32>
    %swap3A_960 = arith.constant 208 : index
    %swap3A_961 = tpu.vector_load %arg10[%swap3A_960] {strides = array<i32>} : memref<576xf32, #tpu.memory_space<vmem>>, vector<16xf32>,
    tpu.vector_store %arg10[%swap3A_960], %select_n3A_959 {strides = array<i32>} : memref<576xf32, #tpu.memory_space<vmem>>, vector<16xf32>,
    %get3A_962 = arith.constant 224 : index
    %get3A_963 = tpu.vector_load %arg8[%get3A_962] {strides = array<i32>} : memref<576xi32, #tpu.memory_space<vmem>>, vector<16xi32>,
    %iota3A_964 = tpu.iota {dimensions = array<i32: 0>} : vector<16xi32>
    %add3A_965 = arith.constant 224 : i32
    %add3A_966 = vector.broadcast %add3A_965 : i32 to vector<16xi32>
    %add3A_967 = arith.addi %iota3A_964, %add3A_966 : vector<16xi32>
    %lt3A_968 = arith.constant 144 : i32
    %lt3A_969 = vector.broadcast %lt3A_968 : i32 to vector<16xi32>
    %lt3A_970 = arith.cmpi slt, %get3A_963, %lt3A_969 : vector<16xi32>
    %jit3A_971 = arith.constant 0 : i32
    %broadcast_in_dim3A_972 = vector.broadcast %jit3A_971 : i32 to vector<16xi32>
    %select_n3A_973 = arith.select %lt3A_970, %get3A_963, %broadcast_in_dim3A_972 : vector<16xi1>, vector<16xi32>
    tpu.vector_store_idx %arg9[%select_n3A_973], %add3A_967 masked %lt3A_970 : memref<144xi32, #tpu.memory_space<vmem>>[vector<16xi32>], vector<16xi32>, vector<16xi1>
    %jit3A_974 = arith.constant 0.000000e+00 : f32
    %jit3A_975 = arith.constant 1.000000e+00 : f32
    %broadcast_in_dim3A_976 = vector.broadcast %jit3A_974 : f32 to vector<16xf32>
    %broadcast_in_dim3A_977 = vector.broadcast %jit3A_975 : f32 to vector<16xf32>
    %select_n3A_978 = arith.select %lt3A_970, %broadcast_in_dim3A_976, %broadcast_in_dim3A_977 : vector<16xi1>, vector<16xf32>
    %swap3A_979 = arith.constant 224 : index
    %swap3A_980 = tpu.vector_load %arg10[%swap3A_979] {strides = array<i32>} : memref<576xf32, #tpu.memory_space<vmem>>, vector<16xf32>,
    tpu.vector_store %arg10[%swap3A_979], %select_n3A_978 {strides = array<i32>} : memref<576xf32, #tpu.memory_space<vmem>>, vector<16xf32>,
    %get3A_981 = arith.constant 240 : index
    %get3A_982 = tpu.vector_load %arg8[%get3A_981] {strides = array<i32>} : memref<576xi32, #tpu.memory_space<vmem>>, vector<16xi32>,
    %iota3A_983 = tpu.iota {dimensions = array<i32: 0>} : vector<16xi32>
    %add3A_984 = arith.constant 240 : i32
    %add3A_985 = vector.broadcast %add3A_984 : i32 to vector<16xi32>
    %add3A_986 = arith.addi %iota3A_983, %add3A_985 : vector<16xi32>
    %lt3A_987 = arith.constant 144 : i32
    %lt3A_988 = vector.broadcast %lt3A_987 : i32 to vector<16xi32>
    %lt3A_989 = arith.cmpi slt, %get3A_982, %lt3A_988 : vector<16xi32>
    %jit3A_990 = arith.constant 0 : i32
    %broadcast_in_dim3A_991 = vector.broadcast %jit3A_990 : i32 to vector<16xi32>
    %select_n3A_992 = arith.select %lt3A_989, %get3A_982, %broadcast_in_dim3A_991 : vector<16xi1>, vector<16xi32>
    tpu.vector_store_idx %arg9[%select_n3A_992], %add3A_986 masked %lt3A_989 : memref<144xi32, #tpu.memory_space<vmem>>[vector<16xi32>], vector<16xi32>, vector<16xi1>
    %jit3A_993 = arith.constant 0.000000e+00 : f32
    %jit3A_994 = arith.constant 1.000000e+00 : f32
    %broadcast_in_dim3A_995 = vector.broadcast %jit3A_993 : f32 to vector<16xf32>
    %broadcast_in_dim3A_996 = vector.broadcast %jit3A_994 : f32 to vector<16xf32>
    %select_n3A_997 = arith.select %lt3A_989, %broadcast_in_dim3A_995, %broadcast_in_dim3A_996 : vector<16xi1>, vector<16xf32>
    %swap3A_998 = arith.constant 240 : index
    %swap3A_999 = tpu.vector_load %arg10[%swap3A_998] {strides = array<i32>} : memref<576xf32, #tpu.memory_space<vmem>>, vector<16xf32>,
    tpu.vector_store %arg10[%swap3A_998], %select_n3A_997 {strides = array<i32>} : memref<576xf32, #tpu.memory_space<vmem>>, vector<16xf32>,
    %get3A_1000 = arith.constant 256 : index
    %get3A_1001 = tpu.vector_load %arg8[%get3A_1000] {strides = array<i32>} : memref<576xi32, #tpu.memory_space<vmem>>, vector<16xi32>,
    %iota3A_1002 = tpu.iota {dimensions = array<i32: 0>} : vector<16xi32>
    %add3A_1003 = arith.constant 256 : i32
    %add3A_1004 = vector.broadcast %add3A_1003 : i32 to vector<16xi32>
    %add3A_1005 = arith.addi %iota3A_1002, %add3A_1004 : vector<16xi32>
    %lt3A_1006 = arith.constant 144 : i32
    %lt3A_1007 = vector.broadcast %lt3A_1006 : i32 to vector<16xi32>
    %lt3A_1008 = arith.cmpi slt, %get3A_1001, %lt3A_1007 : vector<16xi32>
    %jit3A_1009 = arith.constant 0 : i32
    %broadcast_in_dim3A_1010 = vector.broadcast %jit3A_1009 : i32 to vector<16xi32>
    %select_n3A_1011 = arith.select %lt3A_1008, %get3A_1001, %broadcast_in_dim3A_1010 : vector<16xi1>, vector<16xi32>
    tpu.vector_store_idx %arg9[%select_n3A_1011], %add3A_1005 masked %lt3A_1008 : memref<144xi32, #tpu.memory_space<vmem>>[vector<16xi32>], vector<16xi32>, vector<16xi1>
    %jit3A_1012 = arith.constant 0.000000e+00 : f32
    %jit3A_1013 = arith.constant 1.000000e+00 : f32
    %broadcast_in_dim3A_1014 = vector.broadcast %jit3A_1012 : f32 to vector<16xf32>
    %broadcast_in_dim3A_1015 = vector.broadcast %jit3A_1013 : f32 to vector<16xf32>
    %select_n3A_1016 = arith.select %lt3A_1008, %broadcast_in_dim3A_1014, %broadcast_in_dim3A_1015 : vector<16xi1>, vector<16xf32>
    %swap3A_1017 = arith.constant 256 : index
    %swap3A_1018 = tpu.vector_load %arg10[%swap3A_1017] {strides = array<i32>} : memref<576xf32, #tpu.memory_space<vmem>>, vector<16xf32>,
    tpu.vector_store %arg10[%swap3A_1017], %select_n3A_1016 {strides = array<i32>} : memref<576xf32, #tpu.memory_space<vmem>>, vector<16xf32>,
    %get3A_1019 = arith.constant 272 : index
    %get3A_1020 = tpu.vector_load %arg8[%get3A_1019] {strides = array<i32>} : memref<576xi32, #tpu.memory_space<vmem>>, vector<16xi32>,
    %iota3A_1021 = tpu.iota {dimensions = array<i32: 0>} : vector<16xi32>
    %add3A_1022 = arith.constant 272 : i32
    %add3A_1023 = vector.broadcast %add3A_1022 : i32 to vector<16xi32>
    %add3A_1024 = arith.addi %iota3A_1021, %add3A_1023 : vector<16xi32>
    %lt3A_1025 = arith.constant 144 : i32
    %lt3A_1026 = vector.broadcast %lt3A_1025 : i32 to vector<16xi32>
    %lt3A_1027 = arith.cmpi slt, %get3A_1020, %lt3A_1026 : vector<16xi32>
    %jit3A_1028 = arith.constant 0 : i32
    %broadcast_in_dim3A_1029 = vector.broadcast %jit3A_1028 : i32 to vector<16xi32>
    %select_n3A_1030 = arith.select %lt3A_1027, %get3A_1020, %broadcast_in_dim3A_1029 : vector<16xi1>, vector<16xi32>
    tpu.vector_store_idx %arg9[%select_n3A_1030], %add3A_1024 masked %lt3A_1027 : memref<144xi32, #tpu.memory_space<vmem>>[vector<16xi32>], vector<16xi32>, vector<16xi1>
    %jit3A_1031 = arith.constant 0.000000e+00 : f32
    %jit3A_1032 = arith.constant 1.000000e+00 : f32
    %broadcast_in_dim3A_1033 = vector.broadcast %jit3A_1031 : f32 to vector<16xf32>
    %broadcast_in_dim3A_1034 = vector.broadcast %jit3A_1032 : f32 to vector<16xf32>
    %select_n3A_1035 = arith.select %lt3A_1027, %broadcast_in_dim3A_1033, %broadcast_in_dim3A_1034 : vector<16xi1>, vector<16xf32>
    %swap3A_1036 = arith.constant 272 : index
    %swap3A_1037 = tpu.vector_load %arg10[%swap3A_1036] {strides = array<i32>} : memref<576xf32, #tpu.memory_space<vmem>>, vector<16xf32>,
    tpu.vector_store %arg10[%swap3A_1036], %select_n3A_1035 {strides = array<i32>} : memref<576xf32, #tpu.memory_space<vmem>>, vector<16xf32>,
    %get3A_1038 = arith.constant 288 : index
    %get3A_1039 = tpu.vector_load %arg8[%get3A_1038] {strides = array<i32>} : memref<576xi32, #tpu.memory_space<vmem>>, vector<16xi32>,
    %iota3A_1040 = tpu.iota {dimensions = array<i32: 0>} : vector<16xi32>
    %add3A_1041 = arith.constant 288 : i32
    %add3A_1042 = vector.broadcast %add3A_1041 : i32 to vector<16xi32>
    %add3A_1043 = arith.addi %iota3A_1040, %add3A_1042 : vector<16xi32>
    %lt3A_1044 = arith.constant 144 : i32
    %lt3A_1045 = vector.broadcast %lt3A_1044 : i32 to vector<16xi32>
    %lt3A_1046 = arith.cmpi slt, %get3A_1039, %lt3A_1045 : vector<16xi32>
    %jit3A_1047 = arith.constant 0 : i32
    %broadcast_in_dim3A_1048 = vector.broadcast %jit3A_1047 : i32 to vector<16xi32>
    %select_n3A_1049 = arith.select %lt3A_1046, %get3A_1039, %broadcast_in_dim3A_1048 : vector<16xi1>, vector<16xi32>
    tpu.vector_store_idx %arg9[%select_n3A_1049], %add3A_1043 masked %lt3A_1046 : memref<144xi32, #tpu.memory_space<vmem>>[vector<16xi32>], vector<16xi32>, vector<16xi1>
    %jit3A_1050 = arith.constant 0.000000e+00 : f32
    %jit3A_1051 = arith.constant 1.000000e+00 : f32
    %broadcast_in_dim3A_1052 = vector.broadcast %jit3A_1050 : f32 to vector<16xf32>
    %broadcast_in_dim3A_1053 = vector.broadcast %jit3A_1051 : f32 to vector<16xf32>
    %select_n3A_1054 = arith.select %lt3A_1046, %broadcast_in_dim3A_1052, %broadcast_in_dim3A_1053 : vector<16xi1>, vector<16xf32>
    %swap3A_1055 = arith.constant 288 : index
    %swap3A_1056 = tpu.vector_load %arg10[%swap3A_1055] {strides = array<i32>} : memref<576xf32, #tpu.memory_space<vmem>>, vector<16xf32>,
    tpu.vector_store %arg10[%swap3A_1055], %select_n3A_1054 {strides = array<i32>} : memref<576xf32, #tpu.memory_space<vmem>>, vector<16xf32>,
    %get3A_1057 = arith.constant 304 : index
    %get3A_1058 = tpu.vector_load %arg8[%get3A_1057] {strides = array<i32>} : memref<576xi32, #tpu.memory_space<vmem>>, vector<16xi32>,
    %iota3A_1059 = tpu.iota {dimensions = array<i32: 0>} : vector<16xi32>
    %add3A_1060 = arith.constant 304 : i32
    %add3A_1061 = vector.broadcast %add3A_1060 : i32 to vector<16xi32>
    %add3A_1062 = arith.addi %iota3A_1059, %add3A_1061 : vector<16xi32>
    %lt3A_1063 = arith.constant 144 : i32
    %lt3A_1064 = vector.broadcast %lt3A_1063 : i32 to vector<16xi32>
    %lt3A_1065 = arith.cmpi slt, %get3A_1058, %lt3A_1064 : vector<16xi32>
    %jit3A_1066 = arith.constant 0 : i32
    %broadcast_in_dim3A_1067 = vector.broadcast %jit3A_1066 : i32 to vector<16xi32>
    %select_n3A_1068 = arith.select %lt3A_1065, %get3A_1058, %broadcast_in_dim3A_1067 : vector<16xi1>, vector<16xi32>
    tpu.vector_store_idx %arg9[%select_n3A_1068], %add3A_1062 masked %lt3A_1065 : memref<144xi32, #tpu.memory_space<vmem>>[vector<16xi32>], vector<16xi32>, vector<16xi1>
    %jit3A_1069 = arith.constant 0.000000e+00 : f32
    %jit3A_1070 = arith.constant 1.000000e+00 : f32
    %broadcast_in_dim3A_1071 = vector.broadcast %jit3A_1069 : f32 to vector<16xf32>
    %broadcast_in_dim3A_1072 = vector.broadcast %jit3A_1070 : f32 to vector<16xf32>
    %select_n3A_1073 = arith.select %lt3A_1065, %broadcast_in_dim3A_1071, %broadcast_in_dim3A_1072 : vector<16xi1>, vector<16xf32>
    %swap3A_1074 = arith.constant 304 : index
    %swap3A_1075 = tpu.vector_load %arg10[%swap3A_1074] {strides = array<i32>} : memref<576xf32, #tpu.memory_space<vmem>>, vector<16xf32>,
    tpu.vector_store %arg10[%swap3A_1074], %select_n3A_1073 {strides = array<i32>} : memref<576xf32, #tpu.memory_space<vmem>>, vector<16xf32>,
    %get3A_1076 = arith.constant 320 : index
    %get3A_1077 = tpu.vector_load %arg8[%get3A_1076] {strides = array<i32>} : memref<576xi32, #tpu.memory_space<vmem>>, vector<16xi32>,
    %iota3A_1078 = tpu.iota {dimensions = array<i32: 0>} : vector<16xi32>
    %add3A_1079 = arith.constant 320 : i32
    %add3A_1080 = vector.broadcast %add3A_1079 : i32 to vector<16xi32>
    %add3A_1081 = arith.addi %iota3A_1078, %add3A_1080 : vector<16xi32>
    %lt3A_1082 = arith.constant 144 : i32
    %lt3A_1083 = vector.broadcast %lt3A_1082 : i32 to vector<16xi32>
    %lt3A_1084 = arith.cmpi slt, %get3A_1077, %lt3A_1083 : vector<16xi32>
    %jit3A_1085 = arith.constant 0 : i32
    %broadcast_in_dim3A_1086 = vector.broadcast %jit3A_1085 : i32 to vector<16xi32>
    %select_n3A_1087 = arith.select %lt3A_1084, %get3A_1077, %broadcast_in_dim3A_1086 : vector<16xi1>, vector<16xi32>
    tpu.vector_store_idx %arg9[%select_n3A_1087], %add3A_1081 masked %lt3A_1084 : memref<144xi32, #tpu.memory_space<vmem>>[vector<16xi32>], vector<16xi32>, vector<16xi1>
    %jit3A_1088 = arith.constant 0.000000e+00 : f32
    %jit3A_1089 = arith.constant 1.000000e+00 : f32
    %broadcast_in_dim3A_1090 = vector.broadcast %jit3A_1088 : f32 to vector<16xf32>
    %broadcast_in_dim3A_1091 = vector.broadcast %jit3A_1089 : f32 to vector<16xf32>
    %select_n3A_1092 = arith.select %lt3A_1084, %broadcast_in_dim3A_1090, %broadcast_in_dim3A_1091 : vector<16xi1>, vector<16xf32>
    %swap3A_1093 = arith.constant 320 : index
    %swap3A_1094 = tpu.vector_load %arg10[%swap3A_1093] {strides = array<i32>} : memref<576xf32, #tpu.memory_space<vmem>>, vector<16xf32>,
    tpu.vector_store %arg10[%swap3A_1093], %select_n3A_1092 {strides = array<i32>} : memref<576xf32, #tpu.memory_space<vmem>>, vector<16xf32>,
    %get3A_1095 = arith.constant 336 : index
    %get3A_1096 = tpu.vector_load %arg8[%get3A_1095] {strides = array<i32>} : memref<576xi32, #tpu.memory_space<vmem>>, vector<16xi32>,
    %iota3A_1097 = tpu.iota {dimensions = array<i32: 0>} : vector<16xi32>
    %add3A_1098 = arith.constant 336 : i32
    %add3A_1099 = vector.broadcast %add3A_1098 : i32 to vector<16xi32>
    %add3A_1100 = arith.addi %iota3A_1097, %add3A_1099 : vector<16xi32>
    %lt3A_1101 = arith.constant 144 : i32
    %lt3A_1102 = vector.broadcast %lt3A_1101 : i32 to vector<16xi32>
    %lt3A_1103 = arith.cmpi slt, %get3A_1096, %lt3A_1102 : vector<16xi32>
    %jit3A_1104 = arith.constant 0 : i32
    %broadcast_in_dim3A_1105 = vector.broadcast %jit3A_1104 : i32 to vector<16xi32>
    %select_n3A_1106 = arith.select %lt3A_1103, %get3A_1096, %broadcast_in_dim3A_1105 : vector<16xi1>, vector<16xi32>
    tpu.vector_store_idx %arg9[%select_n3A_1106], %add3A_1100 masked %lt3A_1103 : memref<144xi32, #tpu.memory_space<vmem>>[vector<16xi32>], vector<16xi32>, vector<16xi1>
    %jit3A_1107 = arith.constant 0.000000e+00 : f32
    %jit3A_1108 = arith.constant 1.000000e+00 : f32
    %broadcast_in_dim3A_1109 = vector.broadcast %jit3A_1107 : f32 to vector<16xf32>
    %broadcast_in_dim3A_1110 = vector.broadcast %jit3A_1108 : f32 to vector<16xf32>
    %select_n3A_1111 = arith.select %lt3A_1103, %broadcast_in_dim3A_1109, %broadcast_in_dim3A_1110 : vector<16xi1>, vector<16xf32>
    %swap3A_1112 = arith.constant 336 : index
    %swap3A_1113 = tpu.vector_load %arg10[%swap3A_1112] {strides = array<i32>} : memref<576xf32, #tpu.memory_space<vmem>>, vector<16xf32>,
    tpu.vector_store %arg10[%swap3A_1112], %select_n3A_1111 {strides = array<i32>} : memref<576xf32, #tpu.memory_space<vmem>>, vector<16xf32>,
    %get3A_1114 = arith.constant 352 : index
    %get3A_1115 = tpu.vector_load %arg8[%get3A_1114] {strides = array<i32>} : memref<576xi32, #tpu.memory_space<vmem>>, vector<16xi32>,
    %iota3A_1116 = tpu.iota {dimensions = array<i32: 0>} : vector<16xi32>
    %add3A_1117 = arith.constant 352 : i32
    %add3A_1118 = vector.broadcast %add3A_1117 : i32 to vector<16xi32>
    %add3A_1119 = arith.addi %iota3A_1116, %add3A_1118 : vector<16xi32>
    %lt3A_1120 = arith.constant 144 : i32
    %lt3A_1121 = vector.broadcast %lt3A_1120 : i32 to vector<16xi32>
    %lt3A_1122 = arith.cmpi slt, %get3A_1115, %lt3A_1121 : vector<16xi32>
    %jit3A_1123 = arith.constant 0 : i32
    %broadcast_in_dim3A_1124 = vector.broadcast %jit3A_1123 : i32 to vector<16xi32>
    %select_n3A_1125 = arith.select %lt3A_1122, %get3A_1115, %broadcast_in_dim3A_1124 : vector<16xi1>, vector<16xi32>
    tpu.vector_store_idx %arg9[%select_n3A_1125], %add3A_1119 masked %lt3A_1122 : memref<144xi32, #tpu.memory_space<vmem>>[vector<16xi32>], vector<16xi32>, vector<16xi1>
    %jit3A_1126 = arith.constant 0.000000e+00 : f32
    %jit3A_1127 = arith.constant 1.000000e+00 : f32
    %broadcast_in_dim3A_1128 = vector.broadcast %jit3A_1126 : f32 to vector<16xf32>
    %broadcast_in_dim3A_1129 = vector.broadcast %jit3A_1127 : f32 to vector<16xf32>
    %select_n3A_1130 = arith.select %lt3A_1122, %broadcast_in_dim3A_1128, %broadcast_in_dim3A_1129 : vector<16xi1>, vector<16xf32>
    %swap3A_1131 = arith.constant 352 : index
    %swap3A_1132 = tpu.vector_load %arg10[%swap3A_1131] {strides = array<i32>} : memref<576xf32, #tpu.memory_space<vmem>>, vector<16xf32>,
    tpu.vector_store %arg10[%swap3A_1131], %select_n3A_1130 {strides = array<i32>} : memref<576xf32, #tpu.memory_space<vmem>>, vector<16xf32>,
    %get3A_1133 = arith.constant 368 : index
    %get3A_1134 = tpu.vector_load %arg8[%get3A_1133] {strides = array<i32>} : memref<576xi32, #tpu.memory_space<vmem>>, vector<16xi32>,
    %iota3A_1135 = tpu.iota {dimensions = array<i32: 0>} : vector<16xi32>
    %add3A_1136 = arith.constant 368 : i32
    %add3A_1137 = vector.broadcast %add3A_1136 : i32 to vector<16xi32>
    %add3A_1138 = arith.addi %iota3A_1135, %add3A_1137 : vector<16xi32>
    %lt3A_1139 = arith.constant 144 : i32
    %lt3A_1140 = vector.broadcast %lt3A_1139 : i32 to vector<16xi32>
    %lt3A_1141 = arith.cmpi slt, %get3A_1134, %lt3A_1140 : vector<16xi32>
    %jit3A_1142 = arith.constant 0 : i32
    %broadcast_in_dim3A_1143 = vector.broadcast %jit3A_1142 : i32 to vector<16xi32>
    %select_n3A_1144 = arith.select %lt3A_1141, %get3A_1134, %broadcast_in_dim3A_1143 : vector<16xi1>, vector<16xi32>
    tpu.vector_store_idx %arg9[%select_n3A_1144], %add3A_1138 masked %lt3A_1141 : memref<144xi32, #tpu.memory_space<vmem>>[vector<16xi32>], vector<16xi32>, vector<16xi1>
    %jit3A_1145 = arith.constant 0.000000e+00 : f32
    %jit3A_1146 = arith.constant 1.000000e+00 : f32
    %broadcast_in_dim3A_1147 = vector.broadcast %jit3A_1145 : f32 to vector<16xf32>
    %broadcast_in_dim3A_1148 = vector.broadcast %jit3A_1146 : f32 to vector<16xf32>
    %select_n3A_1149 = arith.select %lt3A_1141, %broadcast_in_dim3A_1147, %broadcast_in_dim3A_1148 : vector<16xi1>, vector<16xf32>
    %swap3A_1150 = arith.constant 368 : index
    %swap3A_1151 = tpu.vector_load %arg10[%swap3A_1150] {strides = array<i32>} : memref<576xf32, #tpu.memory_space<vmem>>, vector<16xf32>,
    tpu.vector_store %arg10[%swap3A_1150], %select_n3A_1149 {strides = array<i32>} : memref<576xf32, #tpu.memory_space<vmem>>, vector<16xf32>,
    %get3A_1152 = arith.constant 384 : index
    %get3A_1153 = tpu.vector_load %arg8[%get3A_1152] {strides = array<i32>} : memref<576xi32, #tpu.memory_space<vmem>>, vector<16xi32>,
    %iota3A_1154 = tpu.iota {dimensions = array<i32: 0>} : vector<16xi32>
    %add3A_1155 = arith.constant 384 : i32
    %add3A_1156 = vector.broadcast %add3A_1155 : i32 to vector<16xi32>
    %add3A_1157 = arith.addi %iota3A_1154, %add3A_1156 : vector<16xi32>
    %lt3A_1158 = arith.constant 144 : i32
    %lt3A_1159 = vector.broadcast %lt3A_1158 : i32 to vector<16xi32>
    %lt3A_1160 = arith.cmpi slt, %get3A_1153, %lt3A_1159 : vector<16xi32>
    %jit3A_1161 = arith.constant 0 : i32
    %broadcast_in_dim3A_1162 = vector.broadcast %jit3A_1161 : i32 to vector<16xi32>
    %select_n3A_1163 = arith.select %lt3A_1160, %get3A_1153, %broadcast_in_dim3A_1162 : vector<16xi1>, vector<16xi32>
    tpu.vector_store_idx %arg9[%select_n3A_1163], %add3A_1157 masked %lt3A_1160 : memref<144xi32, #tpu.memory_space<vmem>>[vector<16xi32>], vector<16xi32>, vector<16xi1>
    %jit3A_1164 = arith.constant 0.000000e+00 : f32
    %jit3A_1165 = arith.constant 1.000000e+00 : f32
    %broadcast_in_dim3A_1166 = vector.broadcast %jit3A_1164 : f32 to vector<16xf32>
    %broadcast_in_dim3A_1167 = vector.broadcast %jit3A_1165 : f32 to vector<16xf32>
    %select_n3A_1168 = arith.select %lt3A_1160, %broadcast_in_dim3A_1166, %broadcast_in_dim3A_1167 : vector<16xi1>, vector<16xf32>
    %swap3A_1169 = arith.constant 384 : index
    %swap3A_1170 = tpu.vector_load %arg10[%swap3A_1169] {strides = array<i32>} : memref<576xf32, #tpu.memory_space<vmem>>, vector<16xf32>,
    tpu.vector_store %arg10[%swap3A_1169], %select_n3A_1168 {strides = array<i32>} : memref<576xf32, #tpu.memory_space<vmem>>, vector<16xf32>,
    %get3A_1171 = arith.constant 400 : index
    %get3A_1172 = tpu.vector_load %arg8[%get3A_1171] {strides = array<i32>} : memref<576xi32, #tpu.memory_space<vmem>>, vector<16xi32>,
    %iota3A_1173 = tpu.iota {dimensions = array<i32: 0>} : vector<16xi32>
    %add3A_1174 = arith.constant 400 : i32
    %add3A_1175 = vector.broadcast %add3A_1174 : i32 to vector<16xi32>
    %add3A_1176 = arith.addi %iota3A_1173, %add3A_1175 : vector<16xi32>
    %lt3A_1177 = arith.constant 144 : i32
    %lt3A_1178 = vector.broadcast %lt3A_1177 : i32 to vector<16xi32>
    %lt3A_1179 = arith.cmpi slt, %get3A_1172, %lt3A_1178 : vector<16xi32>
    %jit3A_1180 = arith.constant 0 : i32
    %broadcast_in_dim3A_1181 = vector.broadcast %jit3A_1180 : i32 to vector<16xi32>
    %select_n3A_1182 = arith.select %lt3A_1179, %get3A_1172, %broadcast_in_dim3A_1181 : vector<16xi1>, vector<16xi32>
    tpu.vector_store_idx %arg9[%select_n3A_1182], %add3A_1176 masked %lt3A_1179 : memref<144xi32, #tpu.memory_space<vmem>>[vector<16xi32>], vector<16xi32>, vector<16xi1>
    %jit3A_1183 = arith.constant 0.000000e+00 : f32
    %jit3A_1184 = arith.constant 1.000000e+00 : f32
    %broadcast_in_dim3A_1185 = vector.broadcast %jit3A_1183 : f32 to vector<16xf32>
    %broadcast_in_dim3A_1186 = vector.broadcast %jit3A_1184 : f32 to vector<16xf32>
    %select_n3A_1187 = arith.select %lt3A_1179, %broadcast_in_dim3A_1185, %broadcast_in_dim3A_1186 : vector<16xi1>, vector<16xf32>
    %swap3A_1188 = arith.constant 400 : index
    %swap3A_1189 = tpu.vector_load %arg10[%swap3A_1188] {strides = array<i32>} : memref<576xf32, #tpu.memory_space<vmem>>, vector<16xf32>,
    tpu.vector_store %arg10[%swap3A_1188], %select_n3A_1187 {strides = array<i32>} : memref<576xf32, #tpu.memory_space<vmem>>, vector<16xf32>,
    %get3A_1190 = arith.constant 416 : index
    %get3A_1191 = tpu.vector_load %arg8[%get3A_1190] {strides = array<i32>} : memref<576xi32, #tpu.memory_space<vmem>>, vector<16xi32>,
    %iota3A_1192 = tpu.iota {dimensions = array<i32: 0>} : vector<16xi32>
    %add3A_1193 = arith.constant 416 : i32
    %add3A_1194 = vector.broadcast %add3A_1193 : i32 to vector<16xi32>
    %add3A_1195 = arith.addi %iota3A_1192, %add3A_1194 : vector<16xi32>
    %lt3A_1196 = arith.constant 144 : i32
    %lt3A_1197 = vector.broadcast %lt3A_1196 : i32 to vector<16xi32>
    %lt3A_1198 = arith.cmpi slt, %get3A_1191, %lt3A_1197 : vector<16xi32>
    %jit3A_1199 = arith.constant 0 : i32
    %broadcast_in_dim3A_1200 = vector.broadcast %jit3A_1199 : i32 to vector<16xi32>
    %select_n3A_1201 = arith.select %lt3A_1198, %get3A_1191, %broadcast_in_dim3A_1200 : vector<16xi1>, vector<16xi32>
    tpu.vector_store_idx %arg9[%select_n3A_1201], %add3A_1195 masked %lt3A_1198 : memref<144xi32, #tpu.memory_space<vmem>>[vector<16xi32>], vector<16xi32>, vector<16xi1>
    %jit3A_1202 = arith.constant 0.000000e+00 : f32
    %jit3A_1203 = arith.constant 1.000000e+00 : f32
    %broadcast_in_dim3A_1204 = vector.broadcast %jit3A_1202 : f32 to vector<16xf32>
    %broadcast_in_dim3A_1205 = vector.broadcast %jit3A_1203 : f32 to vector<16xf32>
    %select_n3A_1206 = arith.select %lt3A_1198, %broadcast_in_dim3A_1204, %broadcast_in_dim3A_1205 : vector<16xi1>, vector<16xf32>
    %swap3A_1207 = arith.constant 416 : index
    %swap3A_1208 = tpu.vector_load %arg10[%swap3A_1207] {strides = array<i32>} : memref<576xf32, #tpu.memory_space<vmem>>, vector<16xf32>,
    tpu.vector_store %arg10[%swap3A_1207], %select_n3A_1206 {strides = array<i32>} : memref<576xf32, #tpu.memory_space<vmem>>, vector<16xf32>,
    %get3A_1209 = arith.constant 432 : index
    %get3A_1210 = tpu.vector_load %arg8[%get3A_1209] {strides = array<i32>} : memref<576xi32, #tpu.memory_space<vmem>>, vector<16xi32>,
    %iota3A_1211 = tpu.iota {dimensions = array<i32: 0>} : vector<16xi32>
    %add3A_1212 = arith.constant 432 : i32
    %add3A_1213 = vector.broadcast %add3A_1212 : i32 to vector<16xi32>
    %add3A_1214 = arith.addi %iota3A_1211, %add3A_1213 : vector<16xi32>
    %lt3A_1215 = arith.constant 144 : i32
    %lt3A_1216 = vector.broadcast %lt3A_1215 : i32 to vector<16xi32>
    %lt3A_1217 = arith.cmpi slt, %get3A_1210, %lt3A_1216 : vector<16xi32>
    %jit3A_1218 = arith.constant 0 : i32
    %broadcast_in_dim3A_1219 = vector.broadcast %jit3A_1218 : i32 to vector<16xi32>
    %select_n3A_1220 = arith.select %lt3A_1217, %get3A_1210, %broadcast_in_dim3A_1219 : vector<16xi1>, vector<16xi32>
    tpu.vector_store_idx %arg9[%select_n3A_1220], %add3A_1214 masked %lt3A_1217 : memref<144xi32, #tpu.memory_space<vmem>>[vector<16xi32>], vector<16xi32>, vector<16xi1>
    %jit3A_1221 = arith.constant 0.000000e+00 : f32
    %jit3A_1222 = arith.constant 1.000000e+00 : f32
    %broadcast_in_dim3A_1223 = vector.broadcast %jit3A_1221 : f32 to vector<16xf32>
    %broadcast_in_dim3A_1224 = vector.broadcast %jit3A_1222 : f32 to vector<16xf32>
    %select_n3A_1225 = arith.select %lt3A_1217, %broadcast_in_dim3A_1223, %broadcast_in_dim3A_1224 : vector<16xi1>, vector<16xf32>
    %swap3A_1226 = arith.constant 432 : index
    %swap3A_1227 = tpu.vector_load %arg10[%swap3A_1226] {strides = array<i32>} : memref<576xf32, #tpu.memory_space<vmem>>, vector<16xf32>,
    tpu.vector_store %arg10[%swap3A_1226], %select_n3A_1225 {strides = array<i32>} : memref<576xf32, #tpu.memory_space<vmem>>, vector<16xf32>,
    %get3A_1228 = arith.constant 448 : index
    %get3A_1229 = tpu.vector_load %arg8[%get3A_1228] {strides = array<i32>} : memref<576xi32, #tpu.memory_space<vmem>>, vector<16xi32>,
    %iota3A_1230 = tpu.iota {dimensions = array<i32: 0>} : vector<16xi32>
    %add3A_1231 = arith.constant 448 : i32
    %add3A_1232 = vector.broadcast %add3A_1231 : i32 to vector<16xi32>
    %add3A_1233 = arith.addi %iota3A_1230, %add3A_1232 : vector<16xi32>
    %lt3A_1234 = arith.constant 144 : i32
    %lt3A_1235 = vector.broadcast %lt3A_1234 : i32 to vector<16xi32>
    %lt3A_1236 = arith.cmpi slt, %get3A_1229, %lt3A_1235 : vector<16xi32>
    %jit3A_1237 = arith.constant 0 : i32
    %broadcast_in_dim3A_1238 = vector.broadcast %jit3A_1237 : i32 to vector<16xi32>
    %select_n3A_1239 = arith.select %lt3A_1236, %get3A_1229, %broadcast_in_dim3A_1238 : vector<16xi1>, vector<16xi32>
    tpu.vector_store_idx %arg9[%select_n3A_1239], %add3A_1233 masked %lt3A_1236 : memref<144xi32, #tpu.memory_space<vmem>>[vector<16xi32>], vector<16xi32>, vector<16xi1>
    %jit3A_1240 = arith.constant 0.000000e+00 : f32
    %jit3A_1241 = arith.constant 1.000000e+00 : f32
    %broadcast_in_dim3A_1242 = vector.broadcast %jit3A_1240 : f32 to vector<16xf32>
    %broadcast_in_dim3A_1243 = vector.broadcast %jit3A_1241 : f32 to vector<16xf32>
    %select_n3A_1244 = arith.select %lt3A_1236, %broadcast_in_dim3A_1242, %broadcast_in_dim3A_1243 : vector<16xi1>, vector<16xf32>
    %swap3A_1245 = arith.constant 448 : index
    %swap3A_1246 = tpu.vector_load %arg10[%swap3A_1245] {strides = array<i32>} : memref<576xf32, #tpu.memory_space<vmem>>, vector<16xf32>,
    tpu.vector_store %arg10[%swap3A_1245], %select_n3A_1244 {strides = array<i32>} : memref<576xf32, #tpu.memory_space<vmem>>, vector<16xf32>,
    %get3A_1247 = arith.constant 464 : index
    %get3A_1248 = tpu.vector_load %arg8[%get3A_1247] {strides = array<i32>} : memref<576xi32, #tpu.memory_space<vmem>>, vector<16xi32>,
    %iota3A_1249 = tpu.iota {dimensions = array<i32: 0>} : vector<16xi32>
    %add3A_1250 = arith.constant 464 : i32
    %add3A_1251 = vector.broadcast %add3A_1250 : i32 to vector<16xi32>
    %add3A_1252 = arith.addi %iota3A_1249, %add3A_1251 : vector<16xi32>
    %lt3A_1253 = arith.constant 144 : i32
    %lt3A_1254 = vector.broadcast %lt3A_1253 : i32 to vector<16xi32>
    %lt3A_1255 = arith.cmpi slt, %get3A_1248, %lt3A_1254 : vector<16xi32>
    %jit3A_1256 = arith.constant 0 : i32
    %broadcast_in_dim3A_1257 = vector.broadcast %jit3A_1256 : i32 to vector<16xi32>
    %select_n3A_1258 = arith.select %lt3A_1255, %get3A_1248, %broadcast_in_dim3A_1257 : vector<16xi1>, vector<16xi32>
    tpu.vector_store_idx %arg9[%select_n3A_1258], %add3A_1252 masked %lt3A_1255 : memref<144xi32, #tpu.memory_space<vmem>>[vector<16xi32>], vector<16xi32>, vector<16xi1>
    %jit3A_1259 = arith.constant 0.000000e+00 : f32
    %jit3A_1260 = arith.constant 1.000000e+00 : f32
    %broadcast_in_dim3A_1261 = vector.broadcast %jit3A_1259 : f32 to vector<16xf32>
    %broadcast_in_dim3A_1262 = vector.broadcast %jit3A_1260 : f32 to vector<16xf32>
    %select_n3A_1263 = arith.select %lt3A_1255, %broadcast_in_dim3A_1261, %broadcast_in_dim3A_1262 : vector<16xi1>, vector<16xf32>
    %swap3A_1264 = arith.constant 464 : index
    %swap3A_1265 = tpu.vector_load %arg10[%swap3A_1264] {strides = array<i32>} : memref<576xf32, #tpu.memory_space<vmem>>, vector<16xf32>,
    tpu.vector_store %arg10[%swap3A_1264], %select_n3A_1263 {strides = array<i32>} : memref<576xf32, #tpu.memory_space<vmem>>, vector<16xf32>,
    %get3A_1266 = arith.constant 480 : index
    %get3A_1267 = tpu.vector_load %arg8[%get3A_1266] {strides = array<i32>} : memref<576xi32, #tpu.memory_space<vmem>>, vector<16xi32>,
    %iota3A_1268 = tpu.iota {dimensions = array<i32: 0>} : vector<16xi32>
    %add3A_1269 = arith.constant 480 : i32
    %add3A_1270 = vector.broadcast %add3A_1269 : i32 to vector<16xi32>
    %add3A_1271 = arith.addi %iota3A_1268, %add3A_1270 : vector<16xi32>
    %lt3A_1272 = arith.constant 144 : i32
    %lt3A_1273 = vector.broadcast %lt3A_1272 : i32 to vector<16xi32>
    %lt3A_1274 = arith.cmpi slt, %get3A_1267, %lt3A_1273 : vector<16xi32>
    %jit3A_1275 = arith.constant 0 : i32
    %broadcast_in_dim3A_1276 = vector.broadcast %jit3A_1275 : i32 to vector<16xi32>
    %select_n3A_1277 = arith.select %lt3A_1274, %get3A_1267, %broadcast_in_dim3A_1276 : vector<16xi1>, vector<16xi32>
    tpu.vector_store_idx %arg9[%select_n3A_1277], %add3A_1271 masked %lt3A_1274 : memref<144xi32, #tpu.memory_space<vmem>>[vector<16xi32>], vector<16xi32>, vector<16xi1>
    %jit3A_1278 = arith.constant 0.000000e+00 : f32
    %jit3A_1279 = arith.constant 1.000000e+00 : f32
    %broadcast_in_dim3A_1280 = vector.broadcast %jit3A_1278 : f32 to vector<16xf32>
    %broadcast_in_dim3A_1281 = vector.broadcast %jit3A_1279 : f32 to vector<16xf32>
    %select_n3A_1282 = arith.select %lt3A_1274, %broadcast_in_dim3A_1280, %broadcast_in_dim3A_1281 : vector<16xi1>, vector<16xf32>
    %swap3A_1283 = arith.constant 480 : index
    %swap3A_1284 = tpu.vector_load %arg10[%swap3A_1283] {strides = array<i32>} : memref<576xf32, #tpu.memory_space<vmem>>, vector<16xf32>,
    tpu.vector_store %arg10[%swap3A_1283], %select_n3A_1282 {strides = array<i32>} : memref<576xf32, #tpu.memory_space<vmem>>, vector<16xf32>,
    %get3A_1285 = arith.constant 496 : index
    %get3A_1286 = tpu.vector_load %arg8[%get3A_1285] {strides = array<i32>} : memref<576xi32, #tpu.memory_space<vmem>>, vector<16xi32>,
    %iota3A_1287 = tpu.iota {dimensions = array<i32: 0>} : vector<16xi32>
    %add3A_1288 = arith.constant 496 : i32
    %add3A_1289 = vector.broadcast %add3A_1288 : i32 to vector<16xi32>
    %add3A_1290 = arith.addi %iota3A_1287, %add3A_1289 : vector<16xi32>
    %lt3A_1291 = arith.constant 144 : i32
    %lt3A_1292 = vector.broadcast %lt3A_1291 : i32 to vector<16xi32>
    %lt3A_1293 = arith.cmpi slt, %get3A_1286, %lt3A_1292 : vector<16xi32>
    %jit3A_1294 = arith.constant 0 : i32
    %broadcast_in_dim3A_1295 = vector.broadcast %jit3A_1294 : i32 to vector<16xi32>
    %select_n3A_1296 = arith.select %lt3A_1293, %get3A_1286, %broadcast_in_dim3A_1295 : vector<16xi1>, vector<16xi32>
    tpu.vector_store_idx %arg9[%select_n3A_1296], %add3A_1290 masked %lt3A_1293 : memref<144xi32, #tpu.memory_space<vmem>>[vector<16xi32>], vector<16xi32>, vector<16xi1>
    %jit3A_1297 = arith.constant 0.000000e+00 : f32
    %jit3A_1298 = arith.constant 1.000000e+00 : f32
    %broadcast_in_dim3A_1299 = vector.broadcast %jit3A_1297 : f32 to vector<16xf32>
    %broadcast_in_dim3A_1300 = vector.broadcast %jit3A_1298 : f32 to vector<16xf32>
    %select_n3A_1301 = arith.select %lt3A_1293, %broadcast_in_dim3A_1299, %broadcast_in_dim3A_1300 : vector<16xi1>, vector<16xf32>
    %swap3A_1302 = arith.constant 496 : index
    %swap3A_1303 = tpu.vector_load %arg10[%swap3A_1302] {strides = array<i32>} : memref<576xf32, #tpu.memory_space<vmem>>, vector<16xf32>,
    tpu.vector_store %arg10[%swap3A_1302], %select_n3A_1301 {strides = array<i32>} : memref<576xf32, #tpu.memory_space<vmem>>, vector<16xf32>,
    %get3A_1304 = arith.constant 512 : index
    %get3A_1305 = tpu.vector_load %arg8[%get3A_1304] {strides = array<i32>} : memref<576xi32, #tpu.memory_space<vmem>>, vector<16xi32>,
    %iota3A_1306 = tpu.iota {dimensions = array<i32: 0>} : vector<16xi32>
    %add3A_1307 = arith.constant 512 : i32
    %add3A_1308 = vector.broadcast %add3A_1307 : i32 to vector<16xi32>
    %add3A_1309 = arith.addi %iota3A_1306, %add3A_1308 : vector<16xi32>
    %lt3A_1310 = arith.constant 144 : i32
    %lt3A_1311 = vector.broadcast %lt3A_1310 : i32 to vector<16xi32>
    %lt3A_1312 = arith.cmpi slt, %get3A_1305, %lt3A_1311 : vector<16xi32>
    %jit3A_1313 = arith.constant 0 : i32
    %broadcast_in_dim3A_1314 = vector.broadcast %jit3A_1313 : i32 to vector<16xi32>
    %select_n3A_1315 = arith.select %lt3A_1312, %get3A_1305, %broadcast_in_dim3A_1314 : vector<16xi1>, vector<16xi32>
    tpu.vector_store_idx %arg9[%select_n3A_1315], %add3A_1309 masked %lt3A_1312 : memref<144xi32, #tpu.memory_space<vmem>>[vector<16xi32>], vector<16xi32>, vector<16xi1>
    %jit3A_1316 = arith.constant 0.000000e+00 : f32
    %jit3A_1317 = arith.constant 1.000000e+00 : f32
    %broadcast_in_dim3A_1318 = vector.broadcast %jit3A_1316 : f32 to vector<16xf32>
    %broadcast_in_dim3A_1319 = vector.broadcast %jit3A_1317 : f32 to vector<16xf32>
    %select_n3A_1320 = arith.select %lt3A_1312, %broadcast_in_dim3A_1318, %broadcast_in_dim3A_1319 : vector<16xi1>, vector<16xf32>
    %swap3A_1321 = arith.constant 512 : index
    %swap3A_1322 = tpu.vector_load %arg10[%swap3A_1321] {strides = array<i32>} : memref<576xf32, #tpu.memory_space<vmem>>, vector<16xf32>,
    tpu.vector_store %arg10[%swap3A_1321], %select_n3A_1320 {strides = array<i32>} : memref<576xf32, #tpu.memory_space<vmem>>, vector<16xf32>,
    %get3A_1323 = arith.constant 528 : index
    %get3A_1324 = tpu.vector_load %arg8[%get3A_1323] {strides = array<i32>} : memref<576xi32, #tpu.memory_space<vmem>>, vector<16xi32>,
    %iota3A_1325 = tpu.iota {dimensions = array<i32: 0>} : vector<16xi32>
    %add3A_1326 = arith.constant 528 : i32
    %add3A_1327 = vector.broadcast %add3A_1326 : i32 to vector<16xi32>
    %add3A_1328 = arith.addi %iota3A_1325, %add3A_1327 : vector<16xi32>
    %lt3A_1329 = arith.constant 144 : i32
    %lt3A_1330 = vector.broadcast %lt3A_1329 : i32 to vector<16xi32>
    %lt3A_1331 = arith.cmpi slt, %get3A_1324, %lt3A_1330 : vector<16xi32>
    %jit3A_1332 = arith.constant 0 : i32
    %broadcast_in_dim3A_1333 = vector.broadcast %jit3A_1332 : i32 to vector<16xi32>
    %select_n3A_1334 = arith.select %lt3A_1331, %get3A_1324, %broadcast_in_dim3A_1333 : vector<16xi1>, vector<16xi32>
    tpu.vector_store_idx %arg9[%select_n3A_1334], %add3A_1328 masked %lt3A_1331 : memref<144xi32, #tpu.memory_space<vmem>>[vector<16xi32>], vector<16xi32>, vector<16xi1>
    %jit3A_1335 = arith.constant 0.000000e+00 : f32
    %jit3A_1336 = arith.constant 1.000000e+00 : f32
    %broadcast_in_dim3A_1337 = vector.broadcast %jit3A_1335 : f32 to vector<16xf32>
    %broadcast_in_dim3A_1338 = vector.broadcast %jit3A_1336 : f32 to vector<16xf32>
    %select_n3A_1339 = arith.select %lt3A_1331, %broadcast_in_dim3A_1337, %broadcast_in_dim3A_1338 : vector<16xi1>, vector<16xf32>
    %swap3A_1340 = arith.constant 528 : index
    %swap3A_1341 = tpu.vector_load %arg10[%swap3A_1340] {strides = array<i32>} : memref<576xf32, #tpu.memory_space<vmem>>, vector<16xf32>,
    tpu.vector_store %arg10[%swap3A_1340], %select_n3A_1339 {strides = array<i32>} : memref<576xf32, #tpu.memory_space<vmem>>, vector<16xf32>,
    %get3A_1342 = arith.constant 544 : index
    %get3A_1343 = tpu.vector_load %arg8[%get3A_1342] {strides = array<i32>} : memref<576xi32, #tpu.memory_space<vmem>>, vector<16xi32>,
    %iota3A_1344 = tpu.iota {dimensions = array<i32: 0>} : vector<16xi32>
    %add3A_1345 = arith.constant 544 : i32
    %add3A_1346 = vector.broadcast %add3A_1345 : i32 to vector<16xi32>
    %add3A_1347 = arith.addi %iota3A_1344, %add3A_1346 : vector<16xi32>
    %lt3A_1348 = arith.constant 144 : i32
    %lt3A_1349 = vector.broadcast %lt3A_1348 : i32 to vector<16xi32>
    %lt3A_1350 = arith.cmpi slt, %get3A_1343, %lt3A_1349 : vector<16xi32>
    %jit3A_1351 = arith.constant 0 : i32
    %broadcast_in_dim3A_1352 = vector.broadcast %jit3A_1351 : i32 to vector<16xi32>
    %select_n3A_1353 = arith.select %lt3A_1350, %get3A_1343, %broadcast_in_dim3A_1352 : vector<16xi1>, vector<16xi32>
    tpu.vector_store_idx %arg9[%select_n3A_1353], %add3A_1347 masked %lt3A_1350 : memref<144xi32, #tpu.memory_space<vmem>>[vector<16xi32>], vector<16xi32>, vector<16xi1>
    %jit3A_1354 = arith.constant 0.000000e+00 : f32
    %jit3A_1355 = arith.constant 1.000000e+00 : f32
    %broadcast_in_dim3A_1356 = vector.broadcast %jit3A_1354 : f32 to vector<16xf32>
    %broadcast_in_dim3A_1357 = vector.broadcast %jit3A_1355 : f32 to vector<16xf32>
    %select_n3A_1358 = arith.select %lt3A_1350, %broadcast_in_dim3A_1356, %broadcast_in_dim3A_1357 : vector<16xi1>, vector<16xf32>
    %swap3A_1359 = arith.constant 544 : index
    %swap3A_1360 = tpu.vector_load %arg10[%swap3A_1359] {strides = array<i32>} : memref<576xf32, #tpu.memory_space<vmem>>, vector<16xf32>,
    tpu.vector_store %arg10[%swap3A_1359], %select_n3A_1358 {strides = array<i32>} : memref<576xf32, #tpu.memory_space<vmem>>, vector<16xf32>,
    %get3A_1361 = arith.constant 560 : index
    %get3A_1362 = tpu.vector_load %arg8[%get3A_1361] {strides = array<i32>} : memref<576xi32, #tpu.memory_space<vmem>>, vector<16xi32>,
    %iota3A_1363 = tpu.iota {dimensions = array<i32: 0>} : vector<16xi32>
    %add3A_1364 = arith.constant 560 : i32
    %add3A_1365 = vector.broadcast %add3A_1364 : i32 to vector<16xi32>
    %add3A_1366 = arith.addi %iota3A_1363, %add3A_1365 : vector<16xi32>
    %lt3A_1367 = arith.constant 144 : i32
    %lt3A_1368 = vector.broadcast %lt3A_1367 : i32 to vector<16xi32>
    %lt3A_1369 = arith.cmpi slt, %get3A_1362, %lt3A_1368 : vector<16xi32>
    %jit3A_1370 = arith.constant 0 : i32
    %broadcast_in_dim3A_1371 = vector.broadcast %jit3A_1370 : i32 to vector<16xi32>
    %select_n3A_1372 = arith.select %lt3A_1369, %get3A_1362, %broadcast_in_dim3A_1371 : vector<16xi1>, vector<16xi32>
    tpu.vector_store_idx %arg9[%select_n3A_1372], %add3A_1366 masked %lt3A_1369 : memref<144xi32, #tpu.memory_space<vmem>>[vector<16xi32>], vector<16xi32>, vector<16xi1>
    %jit3A_1373 = arith.constant 0.000000e+00 : f32
    %jit3A_1374 = arith.constant 1.000000e+00 : f32
    %broadcast_in_dim3A_1375 = vector.broadcast %jit3A_1373 : f32 to vector<16xf32>
    %broadcast_in_dim3A_1376 = vector.broadcast %jit3A_1374 : f32 to vector<16xf32>
    %select_n3A_1377 = arith.select %lt3A_1369, %broadcast_in_dim3A_1375, %broadcast_in_dim3A_1376 : vector<16xi1>, vector<16xf32>
    %swap3A_1378 = arith.constant 560 : index
    %swap3A_1379 = tpu.vector_load %arg10[%swap3A_1378] {strides = array<i32>} : memref<576xf32, #tpu.memory_space<vmem>>, vector<16xf32>,
    tpu.vector_store %arg10[%swap3A_1378], %select_n3A_1377 {strides = array<i32>} : memref<576xf32, #tpu.memory_space<vmem>>, vector<16xf32>,
    %scan3A_1380 = arith.constant 0 : i32
    %scan3A_1381 = arith.constant 0 : i32
    %scan3A_1382 = arith.constant 8 : i32
    %scan3A_1383 = arith.addi %scan3A_1381, %scan3A_1382 : i32
    %scan3A_1384 = arith.constant 1 : i32
    scf.for %scan3A_1386 = %scan3A_1381 to %scan3A_1383 step %scan3A_1384  : i32 {
      %mul3A_1387 = arith.constant 8 : i32
      %mul3A_1388 = arith.muli %add3A_693, %mul3A_1387 : i32
      %add3A_1389 = arith.addi %mul3A_1388, %scan3A_1386 : i32
      %mul3A_1390 = arith.constant 576 : i32
      %mul3A_1391 = arith.muli %add3A_1389, %mul3A_1390 : i32
      %multiple_of3A = tpu.assume_multiple %mul3A_1391, 8 : i32
      "tpu.region"() ({
        %run_scoped3A = tpu.sem_alloc : memref<!tpu.dma_semaphore, #tpu.memory_space<semaphore_mem>>
        %dma_start3A = tpu.memref_slice %arg5[%multiple_of3A] : memref<294912xi32, #tpu.memory_space<hbm>> -> memref<576xi32, #tpu.memory_space<hbm>>
        %dma_start3A_1476 = tpu.memref_slice %arg5[%multiple_of3A] : memref<294912xi32, #tpu.memory_space<hbm>> -> memref<576xi32, #tpu.memory_space<hbm>>
        tpu.enqueue_dma source(%arg8 : memref<576xi32, #tpu.memory_space<vmem>>) target(%dma_start3A_1476 : memref<576xi32, #tpu.memory_space<hbm>>) target_semaphore(%run_scoped3A : memref<!tpu.dma_semaphore, #tpu.memory_space<semaphore_mem>>)
        %dma_wait3A = tpu.memref_slice %arg5[%multiple_of3A] : memref<294912xi32, #tpu.memory_space<hbm>> -> memref<576xi32, #tpu.memory_space<hbm>>
        %dma_wait3A_1477 = tpu.memref_slice %arg5[%multiple_of3A] : memref<294912xi32, #tpu.memory_space<hbm>> -> memref<576xi32, #tpu.memory_space<hbm>>
        tpu.wait_dma2 semaphore(%run_scoped3A : memref<!tpu.dma_semaphore, #tpu.memory_space<semaphore_mem>>) src(%arg8 : memref<576xi32, #tpu.memory_space<vmem>>) dst(%dma_wait3A_1477 : memref<576xi32, #tpu.memory_space<hbm>>)
        tpu.yield
      }) : () -> ()
      %mul3A_1392 = arith.constant 576 : i32
      %mul3A_1393 = arith.muli %add3A_1389, %mul3A_1392 : i32
      %multiple_of3A_1394 = tpu.assume_multiple %mul3A_1393, 8 : i32
      "tpu.region"() ({
        %run_scoped3A = tpu.sem_alloc : memref<!tpu.dma_semaphore, #tpu.memory_space<semaphore_mem>>
        %dma_start3A = tpu.memref_slice %arg6[%multiple_of3A_1394] : memref<294912xf32, #tpu.memory_space<hbm>> -> memref<576xf32, #tpu.memory_space<hbm>>
        %dma_start3A_1476 = tpu.memref_slice %arg6[%multiple_of3A_1394] : memref<294912xf32, #tpu.memory_space<hbm>> -> memref<576xf32, #tpu.memory_space<hbm>>
        tpu.enqueue_dma source(%arg10 : memref<576xf32, #tpu.memory_space<vmem>>) target(%dma_start3A_1476 : memref<576xf32, #tpu.memory_space<hbm>>) target_semaphore(%run_scoped3A : memref<!tpu.dma_semaphore, #tpu.memory_space<semaphore_mem>>)
        %dma_wait3A = tpu.memref_slice %arg6[%multiple_of3A_1394] : memref<294912xf32, #tpu.memory_space<hbm>> -> memref<576xf32, #tpu.memory_space<hbm>>
        %dma_wait3A_1477 = tpu.memref_slice %arg6[%multiple_of3A_1394] : memref<294912xf32, #tpu.memory_space<hbm>> -> memref<576xf32, #tpu.memory_space<hbm>>
        tpu.wait_dma2 semaphore(%run_scoped3A : memref<!tpu.dma_semaphore, #tpu.memory_space<semaphore_mem>>) src(%arg10 : memref<576xf32, #tpu.memory_space<vmem>>) dst(%dma_wait3A_1477 : memref<576xf32, #tpu.memory_space<hbm>>)
        tpu.yield
      }) : () -> ()
      %mul3A_1395 = arith.constant 144 : i32
      %mul3A_1396 = arith.muli %add3A_1389, %mul3A_1395 : i32
      %multiple_of3A_1397 = tpu.assume_multiple %mul3A_1396, 8 : i32
      "tpu.region"() ({
        %run_scoped3A = tpu.sem_alloc : memref<!tpu.dma_semaphore, #tpu.memory_space<semaphore_mem>>
        %dma_start3A = tpu.memref_slice %arg7[%multiple_of3A_1397] : memref<73728xi32, #tpu.memory_space<hbm>> -> memref<144xi32, #tpu.memory_space<hbm>>
        %dma_start3A_1476 = tpu.memref_slice %arg7[%multiple_of3A_1397] : memref<73728xi32, #tpu.memory_space<hbm>> -> memref<144xi32, #tpu.memory_space<hbm>>
        tpu.enqueue_dma source(%arg9 : memref<144xi32, #tpu.memory_space<vmem>>) target(%dma_start3A_1476 : memref<144xi32, #tpu.memory_space<hbm>>) target_semaphore(%run_scoped3A : memref<!tpu.dma_semaphore, #tpu.memory_space<semaphore_mem>>)
        %dma_wait3A = tpu.memref_slice %arg7[%multiple_of3A_1397] : memref<73728xi32, #tpu.memory_space<hbm>> -> memref<144xi32, #tpu.memory_space<hbm>>
        %dma_wait3A_1477 = tpu.memref_slice %arg7[%multiple_of3A_1397] : memref<73728xi32, #tpu.memory_space<hbm>> -> memref<144xi32, #tpu.memory_space<hbm>>
        tpu.wait_dma2 semaphore(%run_scoped3A : memref<!tpu.dma_semaphore, #tpu.memory_space<semaphore_mem>>) src(%arg9 : memref<144xi32, #tpu.memory_space<vmem>>) dst(%dma_wait3A_1477 : memref<144xi32, #tpu.memory_space<hbm>>)
        tpu.yield
      }) : () -> ()
      %get3A_1398 = arith.constant 0 : index
      %get3A_1399 = tpu.vector_load %arg9[%get3A_1398] {strides = array<i32>} : memref<144xi32, #tpu.memory_space<vmem>>, vector<16xi32>,
      %scan3A_1400 = arith.constant 0 : i32
      %scan3A_1401 = arith.constant 0 : i32
      %scan3A_1402 = arith.constant 16 : i32
      %scan3A_1403 = arith.addi %scan3A_1401, %scan3A_1402 : i32
      %scan3A_1404 = arith.constant 1 : i32
      scf.for %scan3A_1476 = %scan3A_1401 to %scan3A_1403 step %scan3A_1404  : i32 {
        %eq3A = vector.broadcast %scan3A_1476 : i32 to vector<16xi32>
        %eq3A_1477 = arith.cmpi eq, %iota3A, %eq3A : vector<16xi32>
        %jit3A_1478 = arith.constant 0 : i32
        %broadcast_in_dim3A_1479 = vector.broadcast %jit3A_1478 : i32 to vector<16xi32>
        %select_n3A_1480 = arith.select %eq3A_1477, %get3A_1399, %broadcast_in_dim3A_1479 : vector<16xi1>, vector<16xi32>
        %reduce_sum3A = arith.constant true
        %reduce_sum3A_1481 = vector.broadcast %reduce_sum3A : i1 to vector<16xi1>
        %reduce_sum3A_1482 = tpu.scan <sum>, %select_n3A_1480 masked %reduce_sum3A_1481 : vector<16xi32>, vector<16xi1> -> vector<16xi32>
        %reduce_sum3A_1483 = vector.extract %reduce_sum3A_1482[15] : i32 from vector<16xi32>
        %add3A_1484 = arith.constant 0 : i32
        %add3A_1485 = arith.addi %add3A_1484, %scan3A_1476 : i32
        %dma_start3A = arith.constant 0 : i32
        %dma_start3A_1486 = tpu.memref_slice %arg11[%add3A_1485, %dma_start3A] : memref<144x192xf32, #tpu.memory_space<vmem>> -> memref<1x192xf32, #tpu.memory_space<vmem>>
        %dma_start3A_1487 = arith.constant 0 : i32
        %dma_start3A_1488 = tpu.memref_slice %arg3[%add3A_693, %scan3A_1386, %reduce_sum3A_1483, %dma_start3A_1487] : memref<64x8x576x192xf32, #tpu.memory_space<hbm>> -> memref<1x1x1x192xf32, #tpu.memory_space<hbm>>
        %dma_start3A_1489 = tpu.memref_squeeze %dma_start3A_1488 : memref<1x1x1x192xf32, #tpu.memory_space<hbm>> -> memref<1x192xf32, #tpu.memory_space<hbm>>
        %dma_start3A_1490 = arith.constant 0 : i32
        %dma_start3A_1491 = tpu.memref_slice %arg11[%add3A_1485, %dma_start3A_1490] : memref<144x192xf32, #tpu.memory_space<vmem>> -> memref<1x192xf32, #tpu.memory_space<vmem>>
        %dma_start3A_1492 = arith.constant 0 : i32
        %dma_start3A_1493 = tpu.memref_slice %arg3[%add3A_693, %scan3A_1386, %reduce_sum3A_1483, %dma_start3A_1492] : memref<64x8x576x192xf32, #tpu.memory_space<hbm>> -> memref<1x1x1x192xf32, #tpu.memory_space<hbm>>
        %dma_start3A_1494 = tpu.memref_squeeze %dma_start3A_1493 : memref<1x1x1x192xf32, #tpu.memory_space<hbm>> -> memref<1x192xf32, #tpu.memory_space<hbm>>
        tpu.enqueue_dma source(%dma_start3A_1494 : memref<1x192xf32, #tpu.memory_space<hbm>>) target(%dma_start3A_1491 : memref<1x192xf32, #tpu.memory_space<vmem>>) target_semaphore(%arg12 : memref<!tpu.dma_semaphore, #tpu.memory_space<semaphore_mem>>)
      }
      %scan3A_1405 = arith.constant 16 : i32
      %get3A_1406 = arith.constant 16 : index
      %get3A_1407 = tpu.vector_load %arg9[%get3A_1406] {strides = array<i32>} : memref<144xi32, #tpu.memory_space<vmem>>, vector<16xi32>,
      %scan3A_1408 = arith.constant 0 : i32
      %scan3A_1409 = arith.constant 0 : i32
      %scan3A_1410 = arith.constant 16 : i32
      %scan3A_1411 = arith.addi %scan3A_1409, %scan3A_1410 : i32
      %scan3A_1412 = arith.constant 1 : i32
      scf.for %scan3A_1476 = %scan3A_1409 to %scan3A_1411 step %scan3A_1412  : i32 {
        %eq3A = vector.broadcast %scan3A_1476 : i32 to vector<16xi32>
        %eq3A_1477 = arith.cmpi eq, %iota3A, %eq3A : vector<16xi32>
        %jit3A_1478 = arith.constant 0 : i32
        %broadcast_in_dim3A_1479 = vector.broadcast %jit3A_1478 : i32 to vector<16xi32>
        %select_n3A_1480 = arith.select %eq3A_1477, %get3A_1407, %broadcast_in_dim3A_1479 : vector<16xi1>, vector<16xi32>
        %reduce_sum3A = arith.constant true
        %reduce_sum3A_1481 = vector.broadcast %reduce_sum3A : i1 to vector<16xi1>
        %reduce_sum3A_1482 = tpu.scan <sum>, %select_n3A_1480 masked %reduce_sum3A_1481 : vector<16xi32>, vector<16xi1> -> vector<16xi32>
        %reduce_sum3A_1483 = vector.extract %reduce_sum3A_1482[15] : i32 from vector<16xi32>
        %add3A_1484 = arith.constant 16 : i32
        %add3A_1485 = arith.addi %add3A_1484, %scan3A_1476 : i32
        %dma_start3A = arith.constant 0 : i32
        %dma_start3A_1486 = tpu.memref_slice %arg11[%add3A_1485, %dma_start3A] : memref<144x192xf32, #tpu.memory_space<vmem>> -> memref<1x192xf32, #tpu.memory_space<vmem>>
        %dma_start3A_1487 = arith.constant 0 : i32
        %dma_start3A_1488 = tpu.memref_slice %arg3[%add3A_693, %scan3A_1386, %reduce_sum3A_1483, %dma_start3A_1487] : memref<64x8x576x192xf32, #tpu.memory_space<hbm>> -> memref<1x1x1x192xf32, #tpu.memory_space<hbm>>
        %dma_start3A_1489 = tpu.memref_squeeze %dma_start3A_1488 : memref<1x1x1x192xf32, #tpu.memory_space<hbm>> -> memref<1x192xf32, #tpu.memory_space<hbm>>
        %dma_start3A_1490 = arith.constant 0 : i32
        %dma_start3A_1491 = tpu.memref_slice %arg11[%add3A_1485, %dma_start3A_1490] : memref<144x192xf32, #tpu.memory_space<vmem>> -> memref<1x192xf32, #tpu.memory_space<vmem>>
        %dma_start3A_1492 = arith.constant 0 : i32
        %dma_start3A_1493 = tpu.memref_slice %arg3[%add3A_693, %scan3A_1386, %reduce_sum3A_1483, %dma_start3A_1492] : memref<64x8x576x192xf32, #tpu.memory_space<hbm>> -> memref<1x1x1x192xf32, #tpu.memory_space<hbm>>
        %dma_start3A_1494 = tpu.memref_squeeze %dma_start3A_1493 : memref<1x1x1x192xf32, #tpu.memory_space<hbm>> -> memref<1x192xf32, #tpu.memory_space<hbm>>
        tpu.enqueue_dma source(%dma_start3A_1494 : memref<1x192xf32, #tpu.memory_space<hbm>>) target(%dma_start3A_1491 : memref<1x192xf32, #tpu.memory_space<vmem>>) target_semaphore(%arg12 : memref<!tpu.dma_semaphore, #tpu.memory_space<semaphore_mem>>)
      }
      %scan3A_1413 = arith.constant 16 : i32
      %get3A_1414 = arith.constant 32 : index
      %get3A_1415 = tpu.vector_load %arg9[%get3A_1414] {strides = array<i32>} : memref<144xi32, #tpu.memory_space<vmem>>, vector<16xi32>,
      %scan3A_1416 = arith.constant 0 : i32
      %scan3A_1417 = arith.constant 0 : i32
      %scan3A_1418 = arith.constant 16 : i32
      %scan3A_1419 = arith.addi %scan3A_1417, %scan3A_1418 : i32
      %scan3A_1420 = arith.constant 1 : i32
      scf.for %scan3A_1476 = %scan3A_1417 to %scan3A_1419 step %scan3A_1420  : i32 {
        %eq3A = vector.broadcast %scan3A_1476 : i32 to vector<16xi32>
        %eq3A_1477 = arith.cmpi eq, %iota3A, %eq3A : vector<16xi32>
        %jit3A_1478 = arith.constant 0 : i32
        %broadcast_in_dim3A_1479 = vector.broadcast %jit3A_1478 : i32 to vector<16xi32>
        %select_n3A_1480 = arith.select %eq3A_1477, %get3A_1415, %broadcast_in_dim3A_1479 : vector<16xi1>, vector<16xi32>
        %reduce_sum3A = arith.constant true
        %reduce_sum3A_1481 = vector.broadcast %reduce_sum3A : i1 to vector<16xi1>
        %reduce_sum3A_1482 = tpu.scan <sum>, %select_n3A_1480 masked %reduce_sum3A_1481 : vector<16xi32>, vector<16xi1> -> vector<16xi32>
        %reduce_sum3A_1483 = vector.extract %reduce_sum3A_1482[15] : i32 from vector<16xi32>
        %add3A_1484 = arith.constant 32 : i32
        %add3A_1485 = arith.addi %add3A_1484, %scan3A_1476 : i32
        %dma_start3A = arith.constant 0 : i32
        %dma_start3A_1486 = tpu.memref_slice %arg11[%add3A_1485, %dma_start3A] : memref<144x192xf32, #tpu.memory_space<vmem>> -> memref<1x192xf32, #tpu.memory_space<vmem>>
        %dma_start3A_1487 = arith.constant 0 : i32
        %dma_start3A_1488 = tpu.memref_slice %arg3[%add3A_693, %scan3A_1386, %reduce_sum3A_1483, %dma_start3A_1487] : memref<64x8x576x192xf32, #tpu.memory_space<hbm>> -> memref<1x1x1x192xf32, #tpu.memory_space<hbm>>
        %dma_start3A_1489 = tpu.memref_squeeze %dma_start3A_1488 : memref<1x1x1x192xf32, #tpu.memory_space<hbm>> -> memref<1x192xf32, #tpu.memory_space<hbm>>
        %dma_start3A_1490 = arith.constant 0 : i32
        %dma_start3A_1491 = tpu.memref_slice %arg11[%add3A_1485, %dma_start3A_1490] : memref<144x192xf32, #tpu.memory_space<vmem>> -> memref<1x192xf32, #tpu.memory_space<vmem>>
        %dma_start3A_1492 = arith.constant 0 : i32
        %dma_start3A_1493 = tpu.memref_slice %arg3[%add3A_693, %scan3A_1386, %reduce_sum3A_1483, %dma_start3A_1492] : memref<64x8x576x192xf32, #tpu.memory_space<hbm>> -> memref<1x1x1x192xf32, #tpu.memory_space<hbm>>
        %dma_start3A_1494 = tpu.memref_squeeze %dma_start3A_1493 : memref<1x1x1x192xf32, #tpu.memory_space<hbm>> -> memref<1x192xf32, #tpu.memory_space<hbm>>
        tpu.enqueue_dma source(%dma_start3A_1494 : memref<1x192xf32, #tpu.memory_space<hbm>>) target(%dma_start3A_1491 : memref<1x192xf32, #tpu.memory_space<vmem>>) target_semaphore(%arg12 : memref<!tpu.dma_semaphore, #tpu.memory_space<semaphore_mem>>)
      }
      %scan3A_1421 = arith.constant 16 : i32
      %get3A_1422 = arith.constant 48 : index
      %get3A_1423 = tpu.vector_load %arg9[%get3A_1422] {strides = array<i32>} : memref<144xi32, #tpu.memory_space<vmem>>, vector<16xi32>,
      %scan3A_1424 = arith.constant 0 : i32
      %scan3A_1425 = arith.constant 0 : i32
      %scan3A_1426 = arith.constant 16 : i32
      %scan3A_1427 = arith.addi %scan3A_1425, %scan3A_1426 : i32
      %scan3A_1428 = arith.constant 1 : i32
      scf.for %scan3A_1476 = %scan3A_1425 to %scan3A_1427 step %scan3A_1428  : i32 {
        %eq3A = vector.broadcast %scan3A_1476 : i32 to vector<16xi32>
        %eq3A_1477 = arith.cmpi eq, %iota3A, %eq3A : vector<16xi32>
        %jit3A_1478 = arith.constant 0 : i32
        %broadcast_in_dim3A_1479 = vector.broadcast %jit3A_1478 : i32 to vector<16xi32>
        %select_n3A_1480 = arith.select %eq3A_1477, %get3A_1423, %broadcast_in_dim3A_1479 : vector<16xi1>, vector<16xi32>
        %reduce_sum3A = arith.constant true
        %reduce_sum3A_1481 = vector.broadcast %reduce_sum3A : i1 to vector<16xi1>
        %reduce_sum3A_1482 = tpu.scan <sum>, %select_n3A_1480 masked %reduce_sum3A_1481 : vector<16xi32>, vector<16xi1> -> vector<16xi32>
        %reduce_sum3A_1483 = vector.extract %reduce_sum3A_1482[15] : i32 from vector<16xi32>
        %add3A_1484 = arith.constant 48 : i32
        %add3A_1485 = arith.addi %add3A_1484, %scan3A_1476 : i32
        %dma_start3A = arith.constant 0 : i32
        %dma_start3A_1486 = tpu.memref_slice %arg11[%add3A_1485, %dma_start3A] : memref<144x192xf32, #tpu.memory_space<vmem>> -> memref<1x192xf32, #tpu.memory_space<vmem>>
        %dma_start3A_1487 = arith.constant 0 : i32
        %dma_start3A_1488 = tpu.memref_slice %arg3[%add3A_693, %scan3A_1386, %reduce_sum3A_1483, %dma_start3A_1487] : memref<64x8x576x192xf32, #tpu.memory_space<hbm>> -> memref<1x1x1x192xf32, #tpu.memory_space<hbm>>
        %dma_start3A_1489 = tpu.memref_squeeze %dma_start3A_1488 : memref<1x1x1x192xf32, #tpu.memory_space<hbm>> -> memref<1x192xf32, #tpu.memory_space<hbm>>
        %dma_start3A_1490 = arith.constant 0 : i32
        %dma_start3A_1491 = tpu.memref_slice %arg11[%add3A_1485, %dma_start3A_1490] : memref<144x192xf32, #tpu.memory_space<vmem>> -> memref<1x192xf32, #tpu.memory_space<vmem>>
        %dma_start3A_1492 = arith.constant 0 : i32
        %dma_start3A_1493 = tpu.memref_slice %arg3[%add3A_693, %scan3A_1386, %reduce_sum3A_1483, %dma_start3A_1492] : memref<64x8x576x192xf32, #tpu.memory_space<hbm>> -> memref<1x1x1x192xf32, #tpu.memory_space<hbm>>
        %dma_start3A_1494 = tpu.memref_squeeze %dma_start3A_1493 : memref<1x1x1x192xf32, #tpu.memory_space<hbm>> -> memref<1x192xf32, #tpu.memory_space<hbm>>
        tpu.enqueue_dma source(%dma_start3A_1494 : memref<1x192xf32, #tpu.memory_space<hbm>>) target(%dma_start3A_1491 : memref<1x192xf32, #tpu.memory_space<vmem>>) target_semaphore(%arg12 : memref<!tpu.dma_semaphore, #tpu.memory_space<semaphore_mem>>)
      }
      %scan3A_1429 = arith.constant 16 : i32
      %get3A_1430 = arith.constant 64 : index
      %get3A_1431 = tpu.vector_load %arg9[%get3A_1430] {strides = array<i32>} : memref<144xi32, #tpu.memory_space<vmem>>, vector<16xi32>,
      %scan3A_1432 = arith.constant 0 : i32
      %scan3A_1433 = arith.constant 0 : i32
      %scan3A_1434 = arith.constant 16 : i32
      %scan3A_1435 = arith.addi %scan3A_1433, %scan3A_1434 : i32
      %scan3A_1436 = arith.constant 1 : i32
      scf.for %scan3A_1476 = %scan3A_1433 to %scan3A_1435 step %scan3A_1436  : i32 {
        %eq3A = vector.broadcast %scan3A_1476 : i32 to vector<16xi32>
        %eq3A_1477 = arith.cmpi eq, %iota3A, %eq3A : vector<16xi32>
        %jit3A_1478 = arith.constant 0 : i32
        %broadcast_in_dim3A_1479 = vector.broadcast %jit3A_1478 : i32 to vector<16xi32>
        %select_n3A_1480 = arith.select %eq3A_1477, %get3A_1431, %broadcast_in_dim3A_1479 : vector<16xi1>, vector<16xi32>
        %reduce_sum3A = arith.constant true
        %reduce_sum3A_1481 = vector.broadcast %reduce_sum3A : i1 to vector<16xi1>
        %reduce_sum3A_1482 = tpu.scan <sum>, %select_n3A_1480 masked %reduce_sum3A_1481 : vector<16xi32>, vector<16xi1> -> vector<16xi32>
        %reduce_sum3A_1483 = vector.extract %reduce_sum3A_1482[15] : i32 from vector<16xi32>
        %add3A_1484 = arith.constant 64 : i32
        %add3A_1485 = arith.addi %add3A_1484, %scan3A_1476 : i32
        %dma_start3A = arith.constant 0 : i32
        %dma_start3A_1486 = tpu.memref_slice %arg11[%add3A_1485, %dma_start3A] : memref<144x192xf32, #tpu.memory_space<vmem>> -> memref<1x192xf32, #tpu.memory_space<vmem>>
        %dma_start3A_1487 = arith.constant 0 : i32
        %dma_start3A_1488 = tpu.memref_slice %arg3[%add3A_693, %scan3A_1386, %reduce_sum3A_1483, %dma_start3A_1487] : memref<64x8x576x192xf32, #tpu.memory_space<hbm>> -> memref<1x1x1x192xf32, #tpu.memory_space<hbm>>
        %dma_start3A_1489 = tpu.memref_squeeze %dma_start3A_1488 : memref<1x1x1x192xf32, #tpu.memory_space<hbm>> -> memref<1x192xf32, #tpu.memory_space<hbm>>
        %dma_start3A_1490 = arith.constant 0 : i32
        %dma_start3A_1491 = tpu.memref_slice %arg11[%add3A_1485, %dma_start3A_1490] : memref<144x192xf32, #tpu.memory_space<vmem>> -> memref<1x192xf32, #tpu.memory_space<vmem>>
        %dma_start3A_1492 = arith.constant 0 : i32
        %dma_start3A_1493 = tpu.memref_slice %arg3[%add3A_693, %scan3A_1386, %reduce_sum3A_1483, %dma_start3A_1492] : memref<64x8x576x192xf32, #tpu.memory_space<hbm>> -> memref<1x1x1x192xf32, #tpu.memory_space<hbm>>
        %dma_start3A_1494 = tpu.memref_squeeze %dma_start3A_1493 : memref<1x1x1x192xf32, #tpu.memory_space<hbm>> -> memref<1x192xf32, #tpu.memory_space<hbm>>
        tpu.enqueue_dma source(%dma_start3A_1494 : memref<1x192xf32, #tpu.memory_space<hbm>>) target(%dma_start3A_1491 : memref<1x192xf32, #tpu.memory_space<vmem>>) target_semaphore(%arg12 : memref<!tpu.dma_semaphore, #tpu.memory_space<semaphore_mem>>)
      }
      %scan3A_1437 = arith.constant 16 : i32
      %get3A_1438 = arith.constant 80 : index
      %get3A_1439 = tpu.vector_load %arg9[%get3A_1438] {strides = array<i32>} : memref<144xi32, #tpu.memory_space<vmem>>, vector<16xi32>,
      %scan3A_1440 = arith.constant 0 : i32
      %scan3A_1441 = arith.constant 0 : i32
      %scan3A_1442 = arith.constant 16 : i32
      %scan3A_1443 = arith.addi %scan3A_1441, %scan3A_1442 : i32
      %scan3A_1444 = arith.constant 1 : i32
      scf.for %scan3A_1476 = %scan3A_1441 to %scan3A_1443 step %scan3A_1444  : i32 {
        %eq3A = vector.broadcast %scan3A_1476 : i32 to vector<16xi32>
        %eq3A_1477 = arith.cmpi eq, %iota3A, %eq3A : vector<16xi32>
        %jit3A_1478 = arith.constant 0 : i32
        %broadcast_in_dim3A_1479 = vector.broadcast %jit3A_1478 : i32 to vector<16xi32>
        %select_n3A_1480 = arith.select %eq3A_1477, %get3A_1439, %broadcast_in_dim3A_1479 : vector<16xi1>, vector<16xi32>
        %reduce_sum3A = arith.constant true
        %reduce_sum3A_1481 = vector.broadcast %reduce_sum3A : i1 to vector<16xi1>
        %reduce_sum3A_1482 = tpu.scan <sum>, %select_n3A_1480 masked %reduce_sum3A_1481 : vector<16xi32>, vector<16xi1> -> vector<16xi32>
        %reduce_sum3A_1483 = vector.extract %reduce_sum3A_1482[15] : i32 from vector<16xi32>
        %add3A_1484 = arith.constant 80 : i32
        %add3A_1485 = arith.addi %add3A_1484, %scan3A_1476 : i32
        %dma_start3A = arith.constant 0 : i32
        %dma_start3A_1486 = tpu.memref_slice %arg11[%add3A_1485, %dma_start3A] : memref<144x192xf32, #tpu.memory_space<vmem>> -> memref<1x192xf32, #tpu.memory_space<vmem>>
        %dma_start3A_1487 = arith.constant 0 : i32
        %dma_start3A_1488 = tpu.memref_slice %arg3[%add3A_693, %scan3A_1386, %reduce_sum3A_1483, %dma_start3A_1487] : memref<64x8x576x192xf32, #tpu.memory_space<hbm>> -> memref<1x1x1x192xf32, #tpu.memory_space<hbm>>
        %dma_start3A_1489 = tpu.memref_squeeze %dma_start3A_1488 : memref<1x1x1x192xf32, #tpu.memory_space<hbm>> -> memref<1x192xf32, #tpu.memory_space<hbm>>
        %dma_start3A_1490 = arith.constant 0 : i32
        %dma_start3A_1491 = tpu.memref_slice %arg11[%add3A_1485, %dma_start3A_1490] : memref<144x192xf32, #tpu.memory_space<vmem>> -> memref<1x192xf32, #tpu.memory_space<vmem>>
        %dma_start3A_1492 = arith.constant 0 : i32
        %dma_start3A_1493 = tpu.memref_slice %arg3[%add3A_693, %scan3A_1386, %reduce_sum3A_1483, %dma_start3A_1492] : memref<64x8x576x192xf32, #tpu.memory_space<hbm>> -> memref<1x1x1x192xf32, #tpu.memory_space<hbm>>
        %dma_start3A_1494 = tpu.memref_squeeze %dma_start3A_1493 : memref<1x1x1x192xf32, #tpu.memory_space<hbm>> -> memref<1x192xf32, #tpu.memory_space<hbm>>
        tpu.enqueue_dma source(%dma_start3A_1494 : memref<1x192xf32, #tpu.memory_space<hbm>>) target(%dma_start3A_1491 : memref<1x192xf32, #tpu.memory_space<vmem>>) target_semaphore(%arg12 : memref<!tpu.dma_semaphore, #tpu.memory_space<semaphore_mem>>)
      }
      %scan3A_1445 = arith.constant 16 : i32
      %get3A_1446 = arith.constant 96 : index
      %get3A_1447 = tpu.vector_load %arg9[%get3A_1446] {strides = array<i32>} : memref<144xi32, #tpu.memory_space<vmem>>, vector<16xi32>,
      %scan3A_1448 = arith.constant 0 : i32
      %scan3A_1449 = arith.constant 0 : i32
      %scan3A_1450 = arith.constant 16 : i32
      %scan3A_1451 = arith.addi %scan3A_1449, %scan3A_1450 : i32
      %scan3A_1452 = arith.constant 1 : i32
      scf.for %scan3A_1476 = %scan3A_1449 to %scan3A_1451 step %scan3A_1452  : i32 {
        %eq3A = vector.broadcast %scan3A_1476 : i32 to vector<16xi32>
        %eq3A_1477 = arith.cmpi eq, %iota3A, %eq3A : vector<16xi32>
        %jit3A_1478 = arith.constant 0 : i32
        %broadcast_in_dim3A_1479 = vector.broadcast %jit3A_1478 : i32 to vector<16xi32>
        %select_n3A_1480 = arith.select %eq3A_1477, %get3A_1447, %broadcast_in_dim3A_1479 : vector<16xi1>, vector<16xi32>
        %reduce_sum3A = arith.constant true
        %reduce_sum3A_1481 = vector.broadcast %reduce_sum3A : i1 to vector<16xi1>
        %reduce_sum3A_1482 = tpu.scan <sum>, %select_n3A_1480 masked %reduce_sum3A_1481 : vector<16xi32>, vector<16xi1> -> vector<16xi32>
        %reduce_sum3A_1483 = vector.extract %reduce_sum3A_1482[15] : i32 from vector<16xi32>
        %add3A_1484 = arith.constant 96 : i32
        %add3A_1485 = arith.addi %add3A_1484, %scan3A_1476 : i32
        %dma_start3A = arith.constant 0 : i32
        %dma_start3A_1486 = tpu.memref_slice %arg11[%add3A_1485, %dma_start3A] : memref<144x192xf32, #tpu.memory_space<vmem>> -> memref<1x192xf32, #tpu.memory_space<vmem>>
        %dma_start3A_1487 = arith.constant 0 : i32
        %dma_start3A_1488 = tpu.memref_slice %arg3[%add3A_693, %scan3A_1386, %reduce_sum3A_1483, %dma_start3A_1487] : memref<64x8x576x192xf32, #tpu.memory_space<hbm>> -> memref<1x1x1x192xf32, #tpu.memory_space<hbm>>
        %dma_start3A_1489 = tpu.memref_squeeze %dma_start3A_1488 : memref<1x1x1x192xf32, #tpu.memory_space<hbm>> -> memref<1x192xf32, #tpu.memory_space<hbm>>
        %dma_start3A_1490 = arith.constant 0 : i32
        %dma_start3A_1491 = tpu.memref_slice %arg11[%add3A_1485, %dma_start3A_1490] : memref<144x192xf32, #tpu.memory_space<vmem>> -> memref<1x192xf32, #tpu.memory_space<vmem>>
        %dma_start3A_1492 = arith.constant 0 : i32
        %dma_start3A_1493 = tpu.memref_slice %arg3[%add3A_693, %scan3A_1386, %reduce_sum3A_1483, %dma_start3A_1492] : memref<64x8x576x192xf32, #tpu.memory_space<hbm>> -> memref<1x1x1x192xf32, #tpu.memory_space<hbm>>
        %dma_start3A_1494 = tpu.memref_squeeze %dma_start3A_1493 : memref<1x1x1x192xf32, #tpu.memory_space<hbm>> -> memref<1x192xf32, #tpu.memory_space<hbm>>
        tpu.enqueue_dma source(%dma_start3A_1494 : memref<1x192xf32, #tpu.memory_space<hbm>>) target(%dma_start3A_1491 : memref<1x192xf32, #tpu.memory_space<vmem>>) target_semaphore(%arg12 : memref<!tpu.dma_semaphore, #tpu.memory_space<semaphore_mem>>)
      }
      %scan3A_1453 = arith.constant 16 : i32
      %get3A_1454 = arith.constant 112 : index
      %get3A_1455 = tpu.vector_load %arg9[%get3A_1454] {strides = array<i32>} : memref<144xi32, #tpu.memory_space<vmem>>, vector<16xi32>,
      %scan3A_1456 = arith.constant 0 : i32
      %scan3A_1457 = arith.constant 0 : i32
      %scan3A_1458 = arith.constant 16 : i32
      %scan3A_1459 = arith.addi %scan3A_1457, %scan3A_1458 : i32
      %scan3A_1460 = arith.constant 1 : i32
      scf.for %scan3A_1476 = %scan3A_1457 to %scan3A_1459 step %scan3A_1460  : i32 {
        %eq3A = vector.broadcast %scan3A_1476 : i32 to vector<16xi32>
        %eq3A_1477 = arith.cmpi eq, %iota3A, %eq3A : vector<16xi32>
        %jit3A_1478 = arith.constant 0 : i32
        %broadcast_in_dim3A_1479 = vector.broadcast %jit3A_1478 : i32 to vector<16xi32>
        %select_n3A_1480 = arith.select %eq3A_1477, %get3A_1455, %broadcast_in_dim3A_1479 : vector<16xi1>, vector<16xi32>
        %reduce_sum3A = arith.constant true
        %reduce_sum3A_1481 = vector.broadcast %reduce_sum3A : i1 to vector<16xi1>
        %reduce_sum3A_1482 = tpu.scan <sum>, %select_n3A_1480 masked %reduce_sum3A_1481 : vector<16xi32>, vector<16xi1> -> vector<16xi32>
        %reduce_sum3A_1483 = vector.extract %reduce_sum3A_1482[15] : i32 from vector<16xi32>
        %add3A_1484 = arith.constant 112 : i32
        %add3A_1485 = arith.addi %add3A_1484, %scan3A_1476 : i32
        %dma_start3A = arith.constant 0 : i32
        %dma_start3A_1486 = tpu.memref_slice %arg11[%add3A_1485, %dma_start3A] : memref<144x192xf32, #tpu.memory_space<vmem>> -> memref<1x192xf32, #tpu.memory_space<vmem>>
        %dma_start3A_1487 = arith.constant 0 : i32
        %dma_start3A_1488 = tpu.memref_slice %arg3[%add3A_693, %scan3A_1386, %reduce_sum3A_1483, %dma_start3A_1487] : memref<64x8x576x192xf32, #tpu.memory_space<hbm>> -> memref<1x1x1x192xf32, #tpu.memory_space<hbm>>
        %dma_start3A_1489 = tpu.memref_squeeze %dma_start3A_1488 : memref<1x1x1x192xf32, #tpu.memory_space<hbm>> -> memref<1x192xf32, #tpu.memory_space<hbm>>
        %dma_start3A_1490 = arith.constant 0 : i32
        %dma_start3A_1491 = tpu.memref_slice %arg11[%add3A_1485, %dma_start3A_1490] : memref<144x192xf32, #tpu.memory_space<vmem>> -> memref<1x192xf32, #tpu.memory_space<vmem>>
        %dma_start3A_1492 = arith.constant 0 : i32
        %dma_start3A_1493 = tpu.memref_slice %arg3[%add3A_693, %scan3A_1386, %reduce_sum3A_1483, %dma_start3A_1492] : memref<64x8x576x192xf32, #tpu.memory_space<hbm>> -> memref<1x1x1x192xf32, #tpu.memory_space<hbm>>
        %dma_start3A_1494 = tpu.memref_squeeze %dma_start3A_1493 : memref<1x1x1x192xf32, #tpu.memory_space<hbm>> -> memref<1x192xf32, #tpu.memory_space<hbm>>
        tpu.enqueue_dma source(%dma_start3A_1494 : memref<1x192xf32, #tpu.memory_space<hbm>>) target(%dma_start3A_1491 : memref<1x192xf32, #tpu.memory_space<vmem>>) target_semaphore(%arg12 : memref<!tpu.dma_semaphore, #tpu.memory_space<semaphore_mem>>)
      }
      %scan3A_1461 = arith.constant 16 : i32
      %get3A_1462 = arith.constant 128 : index
      %get3A_1463 = tpu.vector_load %arg9[%get3A_1462] {strides = array<i32>} : memref<144xi32, #tpu.memory_space<vmem>>, vector<16xi32>,
      %scan3A_1464 = arith.constant 0 : i32
      %scan3A_1465 = arith.constant 0 : i32
      %scan3A_1466 = arith.constant 16 : i32
      %scan3A_1467 = arith.addi %scan3A_1465, %scan3A_1466 : i32
      %scan3A_1468 = arith.constant 1 : i32
      scf.for %scan3A_1476 = %scan3A_1465 to %scan3A_1467 step %scan3A_1468  : i32 {
        %eq3A = vector.broadcast %scan3A_1476 : i32 to vector<16xi32>
        %eq3A_1477 = arith.cmpi eq, %iota3A, %eq3A : vector<16xi32>
        %jit3A_1478 = arith.constant 0 : i32
        %broadcast_in_dim3A_1479 = vector.broadcast %jit3A_1478 : i32 to vector<16xi32>
        %select_n3A_1480 = arith.select %eq3A_1477, %get3A_1463, %broadcast_in_dim3A_1479 : vector<16xi1>, vector<16xi32>
        %reduce_sum3A = arith.constant true
        %reduce_sum3A_1481 = vector.broadcast %reduce_sum3A : i1 to vector<16xi1>
        %reduce_sum3A_1482 = tpu.scan <sum>, %select_n3A_1480 masked %reduce_sum3A_1481 : vector<16xi32>, vector<16xi1> -> vector<16xi32>
        %reduce_sum3A_1483 = vector.extract %reduce_sum3A_1482[15] : i32 from vector<16xi32>
        %add3A_1484 = arith.constant 128 : i32
        %add3A_1485 = arith.addi %add3A_1484, %scan3A_1476 : i32
        %dma_start3A = arith.constant 0 : i32
        %dma_start3A_1486 = tpu.memref_slice %arg11[%add3A_1485, %dma_start3A] : memref<144x192xf32, #tpu.memory_space<vmem>> -> memref<1x192xf32, #tpu.memory_space<vmem>>
        %dma_start3A_1487 = arith.constant 0 : i32
        %dma_start3A_1488 = tpu.memref_slice %arg3[%add3A_693, %scan3A_1386, %reduce_sum3A_1483, %dma_start3A_1487] : memref<64x8x576x192xf32, #tpu.memory_space<hbm>> -> memref<1x1x1x192xf32, #tpu.memory_space<hbm>>
        %dma_start3A_1489 = tpu.memref_squeeze %dma_start3A_1488 : memref<1x1x1x192xf32, #tpu.memory_space<hbm>> -> memref<1x192xf32, #tpu.memory_space<hbm>>
        %dma_start3A_1490 = arith.constant 0 : i32
        %dma_start3A_1491 = tpu.memref_slice %arg11[%add3A_1485, %dma_start3A_1490] : memref<144x192xf32, #tpu.memory_space<vmem>> -> memref<1x192xf32, #tpu.memory_space<vmem>>
        %dma_start3A_1492 = arith.constant 0 : i32
        %dma_start3A_1493 = tpu.memref_slice %arg3[%add3A_693, %scan3A_1386, %reduce_sum3A_1483, %dma_start3A_1492] : memref<64x8x576x192xf32, #tpu.memory_space<hbm>> -> memref<1x1x1x192xf32, #tpu.memory_space<hbm>>
        %dma_start3A_1494 = tpu.memref_squeeze %dma_start3A_1493 : memref<1x1x1x192xf32, #tpu.memory_space<hbm>> -> memref<1x192xf32, #tpu.memory_space<hbm>>
        tpu.enqueue_dma source(%dma_start3A_1494 : memref<1x192xf32, #tpu.memory_space<hbm>>) target(%dma_start3A_1491 : memref<1x192xf32, #tpu.memory_space<vmem>>) target_semaphore(%arg12 : memref<!tpu.dma_semaphore, #tpu.memory_space<semaphore_mem>>)
      }
      %scan3A_1469 = arith.constant 16 : i32
      %scan3A_1470 = arith.constant 0 : i32
      %scan3A_1471 = arith.constant 0 : i32
      %scan3A_1472 = arith.constant 144 : i32
      %scan3A_1473 = arith.addi %scan3A_1471, %scan3A_1472 : i32
      %scan3A_1474 = arith.constant 1 : i32
      scf.for %scan3A_1476 = %scan3A_1471 to %scan3A_1473 step %scan3A_1474  : i32 {
        %dma_wait3A = arith.constant 0 : i32
        %dma_wait3A_1477 = arith.constant 0 : i32
        %dma_wait3A_1478 = arith.constant 0 : i32
        %dma_wait3A_1479 = tpu.memref_slice %arg11[%scan3A_1476, %dma_wait3A_1478] : memref<144x192xf32, #tpu.memory_space<vmem>> -> memref<1x192xf32, #tpu.memory_space<vmem>>
        %dma_wait3A_1480 = arith.constant 0 : i32
        %dma_wait3A_1481 = arith.constant 0 : i32
        %dma_wait3A_1482 = tpu.memref_slice %arg3[%dma_wait3A, %dma_wait3A_1477, %dma_wait3A_1480, %dma_wait3A_1481] : memref<64x8x576x192xf32, #tpu.memory_space<hbm>> -> memref<1x1x1x192xf32, #tpu.memory_space<hbm>>
        %dma_wait3A_1483 = tpu.memref_squeeze %dma_wait3A_1482 : memref<1x1x1x192xf32, #tpu.memory_space<hbm>> -> memref<1x192xf32, #tpu.memory_space<hbm>>
        %dma_wait3A_1484 = arith.constant 0 : i32
        %dma_wait3A_1485 = tpu.memref_slice %arg11[%scan3A_1476, %dma_wait3A_1484] : memref<144x192xf32, #tpu.memory_space<vmem>> -> memref<1x192xf32, #tpu.memory_space<vmem>>
        %dma_wait3A_1486 = arith.constant 0 : i32
        %dma_wait3A_1487 = arith.constant 0 : i32
        %dma_wait3A_1488 = tpu.memref_slice %arg3[%dma_wait3A, %dma_wait3A_1477, %dma_wait3A_1486, %dma_wait3A_1487] : memref<64x8x576x192xf32, #tpu.memory_space<hbm>> -> memref<1x1x1x192xf32, #tpu.memory_space<hbm>>
        %dma_wait3A_1489 = tpu.memref_squeeze %dma_wait3A_1488 : memref<1x1x1x192xf32, #tpu.memory_space<hbm>> -> memref<1x192xf32, #tpu.memory_space<hbm>>
        tpu.wait_dma2 semaphore(%arg12 : memref<!tpu.dma_semaphore, #tpu.memory_space<semaphore_mem>>) src(%dma_wait3A_1489 : memref<1x192xf32, #tpu.memory_space<hbm>>) dst(%dma_wait3A_1485 : memref<1x192xf32, #tpu.memory_space<vmem>>)
      }
      %scan3A_1475 = arith.constant 144 : i32
      "tpu.region"() ({
        %run_scoped3A = tpu.sem_alloc : memref<!tpu.dma_semaphore, #tpu.memory_space<semaphore_mem>>
        %dma_start3A = arith.constant 0 : i32
        %dma_start3A_1476 = arith.constant 0 : i32
        %dma_start3A_1477 = tpu.memref_slice %arg4[%add3A_693, %scan3A_1386, %dma_start3A, %dma_start3A_1476] : memref<64x8x144x192xf32, #tpu.memory_space<hbm>> -> memref<1x1x144x192xf32, #tpu.memory_space<hbm>>
        %dma_start3A_1478 = tpu.memref_squeeze %dma_start3A_1477 : memref<1x1x144x192xf32, #tpu.memory_space<hbm>> -> memref<144x192xf32, #tpu.memory_space<hbm>>
        %dma_start3A_1479 = arith.constant 0 : i32
        %dma_start3A_1480 = arith.constant 0 : i32
        %dma_start3A_1481 = tpu.memref_slice %arg4[%add3A_693, %scan3A_1386, %dma_start3A_1479, %dma_start3A_1480] : memref<64x8x144x192xf32, #tpu.memory_space<hbm>> -> memref<1x1x144x192xf32, #tpu.memory_space<hbm>>
        %dma_start3A_1482 = tpu.memref_squeeze %dma_start3A_1481 : memref<1x1x144x192xf32, #tpu.memory_space<hbm>> -> memref<144x192xf32, #tpu.memory_space<hbm>>
        tpu.enqueue_dma source(%arg11 : memref<144x192xf32, #tpu.memory_space<vmem>>) target(%dma_start3A_1482 : memref<144x192xf32, #tpu.memory_space<hbm>>) target_semaphore(%run_scoped3A : memref<!tpu.dma_semaphore, #tpu.memory_space<semaphore_mem>>)
        %dma_wait3A = arith.constant 0 : i32
        %dma_wait3A_1483 = arith.constant 0 : i32
        %dma_wait3A_1484 = tpu.memref_slice %arg4[%add3A_693, %scan3A_1386, %dma_wait3A, %dma_wait3A_1483] : memref<64x8x144x192xf32, #tpu.memory_space<hbm>> -> memref<1x1x144x192xf32, #tpu.memory_space<hbm>>
        %dma_wait3A_1485 = tpu.memref_squeeze %dma_wait3A_1484 : memref<1x1x144x192xf32, #tpu.memory_space<hbm>> -> memref<144x192xf32, #tpu.memory_space<hbm>>
        %dma_wait3A_1486 = arith.constant 0 : i32
        %dma_wait3A_1487 = arith.constant 0 : i32
        %dma_wait3A_1488 = tpu.memref_slice %arg4[%add3A_693, %scan3A_1386, %dma_wait3A_1486, %dma_wait3A_1487] : memref<64x8x144x192xf32, #tpu.memory_space<hbm>> -> memref<1x1x144x192xf32, #tpu.memory_space<hbm>>
        %dma_wait3A_1489 = tpu.memref_squeeze %dma_wait3A_1488 : memref<1x1x144x192xf32, #tpu.memory_space<hbm>> -> memref<144x192xf32, #tpu.memory_space<hbm>>
        tpu.wait_dma2 semaphore(%run_scoped3A : memref<!tpu.dma_semaphore, #tpu.memory_space<semaphore_mem>>) src(%arg11 : memref<144x192xf32, #tpu.memory_space<vmem>>) dst(%dma_wait3A_1489 : memref<144x192xf32, #tpu.memory_space<hbm>>)
        tpu.yield
      }) : () -> ()
    }
    %scan3A_1385 = arith.constant 8 : i32
    return
  }
}

module attributes {stable_mosaic.version = 14 : i64} {
  func.func @_rank_body(%arg0: i32, %arg1: memref<8x576xf32, #tpu.memory_space<vmem>>, %arg2: memref<8x576xi32, #tpu.memory_space<vmem>>) attributes {dimension_semantics = [#tpu.dimension_semantics<arbitrary>], iteration_bounds = array<i64: 8>, scalar_prefetch = 0 : i64, scratch_operands = 0 : i64, tpu.core_type = #tpu.core_type<tc>, window_params = [{transform_indices = @transform_0, window_bounds = array<i64: 8, 576>}, {transform_indices = @transform_1, window_bounds = array<i64: 8, 576>}]} {
    %iota3A = tpu.iota {dimensions = array<i32: 0>} : vector<576x576xi32>
    %iota3A_0 = tpu.iota {dimensions = array<i32: 1>} : vector<576x576xi32>
    %lt3A = arith.cmpi slt, %iota3A_0, %iota3A : vector<576x576xi32>
    %get3A = arith.constant 0 : index
    %get3A_1 = arith.constant 0 : index
    %get3A_2 = vector.load %arg1[%get3A, %get3A_1] : memref<8x576xf32, #tpu.memory_space<vmem>>, vector<1x576xf32>
    %get3A_3 = vector.shape_cast %get3A_2 : vector<1x576xf32> to vector<576xf32>
    %broadcast_in_dim3A = vector.shape_cast %get3A_3 : vector<576xf32> to vector<576x1xf32>
    %broadcast_in_dim3A_4 = vector.shape_cast %get3A_3 : vector<576xf32> to vector<1x576xf32>
    %lt3A_5 = vector.broadcast %broadcast_in_dim3A_4 : vector<1x576xf32> to vector<576x576xf32>
    %lt3A_6 = vector.broadcast %broadcast_in_dim3A : vector<576x1xf32> to vector<576x576xf32>
    %lt3A_7 = arith.cmpf olt, %lt3A_5, %lt3A_6 : vector<576x576xf32>
    %eq3A = vector.broadcast %broadcast_in_dim3A_4 : vector<1x576xf32> to vector<576x576xf32>
    %eq3A_8 = vector.broadcast %broadcast_in_dim3A : vector<576x1xf32> to vector<576x576xf32>
    %eq3A_9 = arith.cmpf oeq, %eq3A, %eq3A_8 : vector<576x576xf32>
    %and3A = arith.andi %eq3A_9, %lt3A : vector<576x576xi1>
    %or3A = arith.ori %lt3A_7, %and3A : vector<576x576xi1>
    %convert_element_type3A = arith.extui %or3A : vector<576x576xi1> to vector<576x576xi32>
    %reduce_sum3A = arith.constant dense<0> : vector<576xi32>
    %reduce_sum3A_10 = vector.multi_reduction <add>, %convert_element_type3A, %reduce_sum3A [1] : vector<576x576xi32> to vector<576xi32>
    %swap3A = arith.constant 0 : index
    %swap3A_11 = arith.constant 0 : index
    %swap3A_12 = vector.load %arg2[%swap3A, %swap3A_11] : memref<8x576xi32, #tpu.memory_space<vmem>>, vector<1x576xi32>
    %swap3A_13 = vector.shape_cast %swap3A_12 : vector<1x576xi32> to vector<576xi32>
    %swap3A_14 = vector.shape_cast %reduce_sum3A_10 : vector<576xi32> to vector<1x576xi32>
    tpu.vector_store %arg2[%swap3A, %swap3A_11], %swap3A_14 {strides = array<i32>} : memref<8x576xi32, #tpu.memory_space<vmem>>, vector<1x576xi32>,
    %get3A_15 = arith.constant 1 : index
    %get3A_16 = arith.constant 0 : index
    %get3A_17 = vector.load %arg1[%get3A_15, %get3A_16] : memref<8x576xf32, #tpu.memory_space<vmem>>, vector<1x576xf32>
    %get3A_18 = vector.shape_cast %get3A_17 : vector<1x576xf32> to vector<576xf32>
    %broadcast_in_dim3A_19 = vector.shape_cast %get3A_18 : vector<576xf32> to vector<576x1xf32>
    %broadcast_in_dim3A_20 = vector.shape_cast %get3A_18 : vector<576xf32> to vector<1x576xf32>
    %lt3A_21 = vector.broadcast %broadcast_in_dim3A_20 : vector<1x576xf32> to vector<576x576xf32>
    %lt3A_22 = vector.broadcast %broadcast_in_dim3A_19 : vector<576x1xf32> to vector<576x576xf32>
    %lt3A_23 = arith.cmpf olt, %lt3A_21, %lt3A_22 : vector<576x576xf32>
    %eq3A_24 = vector.broadcast %broadcast_in_dim3A_20 : vector<1x576xf32> to vector<576x576xf32>
    %eq3A_25 = vector.broadcast %broadcast_in_dim3A_19 : vector<576x1xf32> to vector<576x576xf32>
    %eq3A_26 = arith.cmpf oeq, %eq3A_24, %eq3A_25 : vector<576x576xf32>
    %and3A_27 = arith.andi %eq3A_26, %lt3A : vector<576x576xi1>
    %or3A_28 = arith.ori %lt3A_23, %and3A_27 : vector<576x576xi1>
    %convert_element_type3A_29 = arith.extui %or3A_28 : vector<576x576xi1> to vector<576x576xi32>
    %reduce_sum3A_30 = arith.constant dense<0> : vector<576xi32>
    %reduce_sum3A_31 = vector.multi_reduction <add>, %convert_element_type3A_29, %reduce_sum3A_30 [1] : vector<576x576xi32> to vector<576xi32>
    %swap3A_32 = arith.constant 1 : index
    %swap3A_33 = arith.constant 0 : index
    %swap3A_34 = vector.load %arg2[%swap3A_32, %swap3A_33] : memref<8x576xi32, #tpu.memory_space<vmem>>, vector<1x576xi32>
    %swap3A_35 = vector.shape_cast %swap3A_34 : vector<1x576xi32> to vector<576xi32>
    %swap3A_36 = vector.shape_cast %reduce_sum3A_31 : vector<576xi32> to vector<1x576xi32>
    tpu.vector_store %arg2[%swap3A_32, %swap3A_33], %swap3A_36 {strides = array<i32>} : memref<8x576xi32, #tpu.memory_space<vmem>>, vector<1x576xi32>,
    %get3A_37 = arith.constant 2 : index
    %get3A_38 = arith.constant 0 : index
    %get3A_39 = vector.load %arg1[%get3A_37, %get3A_38] : memref<8x576xf32, #tpu.memory_space<vmem>>, vector<1x576xf32>
    %get3A_40 = vector.shape_cast %get3A_39 : vector<1x576xf32> to vector<576xf32>
    %broadcast_in_dim3A_41 = vector.shape_cast %get3A_40 : vector<576xf32> to vector<576x1xf32>
    %broadcast_in_dim3A_42 = vector.shape_cast %get3A_40 : vector<576xf32> to vector<1x576xf32>
    %lt3A_43 = vector.broadcast %broadcast_in_dim3A_42 : vector<1x576xf32> to vector<576x576xf32>
    %lt3A_44 = vector.broadcast %broadcast_in_dim3A_41 : vector<576x1xf32> to vector<576x576xf32>
    %lt3A_45 = arith.cmpf olt, %lt3A_43, %lt3A_44 : vector<576x576xf32>
    %eq3A_46 = vector.broadcast %broadcast_in_dim3A_42 : vector<1x576xf32> to vector<576x576xf32>
    %eq3A_47 = vector.broadcast %broadcast_in_dim3A_41 : vector<576x1xf32> to vector<576x576xf32>
    %eq3A_48 = arith.cmpf oeq, %eq3A_46, %eq3A_47 : vector<576x576xf32>
    %and3A_49 = arith.andi %eq3A_48, %lt3A : vector<576x576xi1>
    %or3A_50 = arith.ori %lt3A_45, %and3A_49 : vector<576x576xi1>
    %convert_element_type3A_51 = arith.extui %or3A_50 : vector<576x576xi1> to vector<576x576xi32>
    %reduce_sum3A_52 = arith.constant dense<0> : vector<576xi32>
    %reduce_sum3A_53 = vector.multi_reduction <add>, %convert_element_type3A_51, %reduce_sum3A_52 [1] : vector<576x576xi32> to vector<576xi32>
    %swap3A_54 = arith.constant 2 : index
    %swap3A_55 = arith.constant 0 : index
    %swap3A_56 = vector.load %arg2[%swap3A_54, %swap3A_55] : memref<8x576xi32, #tpu.memory_space<vmem>>, vector<1x576xi32>
    %swap3A_57 = vector.shape_cast %swap3A_56 : vector<1x576xi32> to vector<576xi32>
    %swap3A_58 = vector.shape_cast %reduce_sum3A_53 : vector<576xi32> to vector<1x576xi32>
    tpu.vector_store %arg2[%swap3A_54, %swap3A_55], %swap3A_58 {strides = array<i32>} : memref<8x576xi32, #tpu.memory_space<vmem>>, vector<1x576xi32>,
    %get3A_59 = arith.constant 3 : index
    %get3A_60 = arith.constant 0 : index
    %get3A_61 = vector.load %arg1[%get3A_59, %get3A_60] : memref<8x576xf32, #tpu.memory_space<vmem>>, vector<1x576xf32>
    %get3A_62 = vector.shape_cast %get3A_61 : vector<1x576xf32> to vector<576xf32>
    %broadcast_in_dim3A_63 = vector.shape_cast %get3A_62 : vector<576xf32> to vector<576x1xf32>
    %broadcast_in_dim3A_64 = vector.shape_cast %get3A_62 : vector<576xf32> to vector<1x576xf32>
    %lt3A_65 = vector.broadcast %broadcast_in_dim3A_64 : vector<1x576xf32> to vector<576x576xf32>
    %lt3A_66 = vector.broadcast %broadcast_in_dim3A_63 : vector<576x1xf32> to vector<576x576xf32>
    %lt3A_67 = arith.cmpf olt, %lt3A_65, %lt3A_66 : vector<576x576xf32>
    %eq3A_68 = vector.broadcast %broadcast_in_dim3A_64 : vector<1x576xf32> to vector<576x576xf32>
    %eq3A_69 = vector.broadcast %broadcast_in_dim3A_63 : vector<576x1xf32> to vector<576x576xf32>
    %eq3A_70 = arith.cmpf oeq, %eq3A_68, %eq3A_69 : vector<576x576xf32>
    %and3A_71 = arith.andi %eq3A_70, %lt3A : vector<576x576xi1>
    %or3A_72 = arith.ori %lt3A_67, %and3A_71 : vector<576x576xi1>
    %convert_element_type3A_73 = arith.extui %or3A_72 : vector<576x576xi1> to vector<576x576xi32>
    %reduce_sum3A_74 = arith.constant dense<0> : vector<576xi32>
    %reduce_sum3A_75 = vector.multi_reduction <add>, %convert_element_type3A_73, %reduce_sum3A_74 [1] : vector<576x576xi32> to vector<576xi32>
    %swap3A_76 = arith.constant 3 : index
    %swap3A_77 = arith.constant 0 : index
    %swap3A_78 = vector.load %arg2[%swap3A_76, %swap3A_77] : memref<8x576xi32, #tpu.memory_space<vmem>>, vector<1x576xi32>
    %swap3A_79 = vector.shape_cast %swap3A_78 : vector<1x576xi32> to vector<576xi32>
    %swap3A_80 = vector.shape_cast %reduce_sum3A_75 : vector<576xi32> to vector<1x576xi32>
    tpu.vector_store %arg2[%swap3A_76, %swap3A_77], %swap3A_80 {strides = array<i32>} : memref<8x576xi32, #tpu.memory_space<vmem>>, vector<1x576xi32>,
    %get3A_81 = arith.constant 4 : index
    %get3A_82 = arith.constant 0 : index
    %get3A_83 = vector.load %arg1[%get3A_81, %get3A_82] : memref<8x576xf32, #tpu.memory_space<vmem>>, vector<1x576xf32>
    %get3A_84 = vector.shape_cast %get3A_83 : vector<1x576xf32> to vector<576xf32>
    %broadcast_in_dim3A_85 = vector.shape_cast %get3A_84 : vector<576xf32> to vector<576x1xf32>
    %broadcast_in_dim3A_86 = vector.shape_cast %get3A_84 : vector<576xf32> to vector<1x576xf32>
    %lt3A_87 = vector.broadcast %broadcast_in_dim3A_86 : vector<1x576xf32> to vector<576x576xf32>
    %lt3A_88 = vector.broadcast %broadcast_in_dim3A_85 : vector<576x1xf32> to vector<576x576xf32>
    %lt3A_89 = arith.cmpf olt, %lt3A_87, %lt3A_88 : vector<576x576xf32>
    %eq3A_90 = vector.broadcast %broadcast_in_dim3A_86 : vector<1x576xf32> to vector<576x576xf32>
    %eq3A_91 = vector.broadcast %broadcast_in_dim3A_85 : vector<576x1xf32> to vector<576x576xf32>
    %eq3A_92 = arith.cmpf oeq, %eq3A_90, %eq3A_91 : vector<576x576xf32>
    %and3A_93 = arith.andi %eq3A_92, %lt3A : vector<576x576xi1>
    %or3A_94 = arith.ori %lt3A_89, %and3A_93 : vector<576x576xi1>
    %convert_element_type3A_95 = arith.extui %or3A_94 : vector<576x576xi1> to vector<576x576xi32>
    %reduce_sum3A_96 = arith.constant dense<0> : vector<576xi32>
    %reduce_sum3A_97 = vector.multi_reduction <add>, %convert_element_type3A_95, %reduce_sum3A_96 [1] : vector<576x576xi32> to vector<576xi32>
    %swap3A_98 = arith.constant 4 : index
    %swap3A_99 = arith.constant 0 : index
    %swap3A_100 = vector.load %arg2[%swap3A_98, %swap3A_99] : memref<8x576xi32, #tpu.memory_space<vmem>>, vector<1x576xi32>
    %swap3A_101 = vector.shape_cast %swap3A_100 : vector<1x576xi32> to vector<576xi32>
    %swap3A_102 = vector.shape_cast %reduce_sum3A_97 : vector<576xi32> to vector<1x576xi32>
    tpu.vector_store %arg2[%swap3A_98, %swap3A_99], %swap3A_102 {strides = array<i32>} : memref<8x576xi32, #tpu.memory_space<vmem>>, vector<1x576xi32>,
    %get3A_103 = arith.constant 5 : index
    %get3A_104 = arith.constant 0 : index
    %get3A_105 = vector.load %arg1[%get3A_103, %get3A_104] : memref<8x576xf32, #tpu.memory_space<vmem>>, vector<1x576xf32>
    %get3A_106 = vector.shape_cast %get3A_105 : vector<1x576xf32> to vector<576xf32>
    %broadcast_in_dim3A_107 = vector.shape_cast %get3A_106 : vector<576xf32> to vector<576x1xf32>
    %broadcast_in_dim3A_108 = vector.shape_cast %get3A_106 : vector<576xf32> to vector<1x576xf32>
    %lt3A_109 = vector.broadcast %broadcast_in_dim3A_108 : vector<1x576xf32> to vector<576x576xf32>
    %lt3A_110 = vector.broadcast %broadcast_in_dim3A_107 : vector<576x1xf32> to vector<576x576xf32>
    %lt3A_111 = arith.cmpf olt, %lt3A_109, %lt3A_110 : vector<576x576xf32>
    %eq3A_112 = vector.broadcast %broadcast_in_dim3A_108 : vector<1x576xf32> to vector<576x576xf32>
    %eq3A_113 = vector.broadcast %broadcast_in_dim3A_107 : vector<576x1xf32> to vector<576x576xf32>
    %eq3A_114 = arith.cmpf oeq, %eq3A_112, %eq3A_113 : vector<576x576xf32>
    %and3A_115 = arith.andi %eq3A_114, %lt3A : vector<576x576xi1>
    %or3A_116 = arith.ori %lt3A_111, %and3A_115 : vector<576x576xi1>
    %convert_element_type3A_117 = arith.extui %or3A_116 : vector<576x576xi1> to vector<576x576xi32>
    %reduce_sum3A_118 = arith.constant dense<0> : vector<576xi32>
    %reduce_sum3A_119 = vector.multi_reduction <add>, %convert_element_type3A_117, %reduce_sum3A_118 [1] : vector<576x576xi32> to vector<576xi32>
    %swap3A_120 = arith.constant 5 : index
    %swap3A_121 = arith.constant 0 : index
    %swap3A_122 = vector.load %arg2[%swap3A_120, %swap3A_121] : memref<8x576xi32, #tpu.memory_space<vmem>>, vector<1x576xi32>
    %swap3A_123 = vector.shape_cast %swap3A_122 : vector<1x576xi32> to vector<576xi32>
    %swap3A_124 = vector.shape_cast %reduce_sum3A_119 : vector<576xi32> to vector<1x576xi32>
    tpu.vector_store %arg2[%swap3A_120, %swap3A_121], %swap3A_124 {strides = array<i32>} : memref<8x576xi32, #tpu.memory_space<vmem>>, vector<1x576xi32>,
    %get3A_125 = arith.constant 6 : index
    %get3A_126 = arith.constant 0 : index
    %get3A_127 = vector.load %arg1[%get3A_125, %get3A_126] : memref<8x576xf32, #tpu.memory_space<vmem>>, vector<1x576xf32>
    %get3A_128 = vector.shape_cast %get3A_127 : vector<1x576xf32> to vector<576xf32>
    %broadcast_in_dim3A_129 = vector.shape_cast %get3A_128 : vector<576xf32> to vector<576x1xf32>
    %broadcast_in_dim3A_130 = vector.shape_cast %get3A_128 : vector<576xf32> to vector<1x576xf32>
    %lt3A_131 = vector.broadcast %broadcast_in_dim3A_130 : vector<1x576xf32> to vector<576x576xf32>
    %lt3A_132 = vector.broadcast %broadcast_in_dim3A_129 : vector<576x1xf32> to vector<576x576xf32>
    %lt3A_133 = arith.cmpf olt, %lt3A_131, %lt3A_132 : vector<576x576xf32>
    %eq3A_134 = vector.broadcast %broadcast_in_dim3A_130 : vector<1x576xf32> to vector<576x576xf32>
    %eq3A_135 = vector.broadcast %broadcast_in_dim3A_129 : vector<576x1xf32> to vector<576x576xf32>
    %eq3A_136 = arith.cmpf oeq, %eq3A_134, %eq3A_135 : vector<576x576xf32>
    %and3A_137 = arith.andi %eq3A_136, %lt3A : vector<576x576xi1>
    %or3A_138 = arith.ori %lt3A_133, %and3A_137 : vector<576x576xi1>
    %convert_element_type3A_139 = arith.extui %or3A_138 : vector<576x576xi1> to vector<576x576xi32>
    %reduce_sum3A_140 = arith.constant dense<0> : vector<576xi32>
    %reduce_sum3A_141 = vector.multi_reduction <add>, %convert_element_type3A_139, %reduce_sum3A_140 [1] : vector<576x576xi32> to vector<576xi32>
    %swap3A_142 = arith.constant 6 : index
    %swap3A_143 = arith.constant 0 : index
    %swap3A_144 = vector.load %arg2[%swap3A_142, %swap3A_143] : memref<8x576xi32, #tpu.memory_space<vmem>>, vector<1x576xi32>
    %swap3A_145 = vector.shape_cast %swap3A_144 : vector<1x576xi32> to vector<576xi32>
    %swap3A_146 = vector.shape_cast %reduce_sum3A_141 : vector<576xi32> to vector<1x576xi32>
    tpu.vector_store %arg2[%swap3A_142, %swap3A_143], %swap3A_146 {strides = array<i32>} : memref<8x576xi32, #tpu.memory_space<vmem>>, vector<1x576xi32>,
    %get3A_147 = arith.constant 7 : index
    %get3A_148 = arith.constant 0 : index
    %get3A_149 = vector.load %arg1[%get3A_147, %get3A_148] : memref<8x576xf32, #tpu.memory_space<vmem>>, vector<1x576xf32>
    %get3A_150 = vector.shape_cast %get3A_149 : vector<1x576xf32> to vector<576xf32>
    %broadcast_in_dim3A_151 = vector.shape_cast %get3A_150 : vector<576xf32> to vector<576x1xf32>
    %broadcast_in_dim3A_152 = vector.shape_cast %get3A_150 : vector<576xf32> to vector<1x576xf32>
    %lt3A_153 = vector.broadcast %broadcast_in_dim3A_152 : vector<1x576xf32> to vector<576x576xf32>
    %lt3A_154 = vector.broadcast %broadcast_in_dim3A_151 : vector<576x1xf32> to vector<576x576xf32>
    %lt3A_155 = arith.cmpf olt, %lt3A_153, %lt3A_154 : vector<576x576xf32>
    %eq3A_156 = vector.broadcast %broadcast_in_dim3A_152 : vector<1x576xf32> to vector<576x576xf32>
    %eq3A_157 = vector.broadcast %broadcast_in_dim3A_151 : vector<576x1xf32> to vector<576x576xf32>
    %eq3A_158 = arith.cmpf oeq, %eq3A_156, %eq3A_157 : vector<576x576xf32>
    %and3A_159 = arith.andi %eq3A_158, %lt3A : vector<576x576xi1>
    %or3A_160 = arith.ori %lt3A_155, %and3A_159 : vector<576x576xi1>
    %convert_element_type3A_161 = arith.extui %or3A_160 : vector<576x576xi1> to vector<576x576xi32>
    %reduce_sum3A_162 = arith.constant dense<0> : vector<576xi32>
    %reduce_sum3A_163 = vector.multi_reduction <add>, %convert_element_type3A_161, %reduce_sum3A_162 [1] : vector<576x576xi32> to vector<576xi32>
    %swap3A_164 = arith.constant 7 : index
    %swap3A_165 = arith.constant 0 : index
    %swap3A_166 = vector.load %arg2[%swap3A_164, %swap3A_165] : memref<8x576xi32, #tpu.memory_space<vmem>>, vector<1x576xi32>
    %swap3A_167 = vector.shape_cast %swap3A_166 : vector<1x576xi32> to vector<576xi32>
    %swap3A_168 = vector.shape_cast %reduce_sum3A_163 : vector<576xi32> to vector<1x576xi32>
    tpu.vector_store %arg2[%swap3A_164, %swap3A_165], %swap3A_168 {strides = array<i32>} : memref<8x576xi32, #tpu.memory_space<vmem>>, vector<1x576xi32>,
    return
  }
  func.func @transform_0(%arg0: i32) -> (i32, i32) {
    %c0_i32 = arith.constant 0 : i32
    %c0_i32_0 = arith.constant 0 : i32
    return %arg0, %c0_i32 : i32, i32
  }
  func.func @transform_1(%arg0: i32) -> (i32, i32) {
    %c0_i32 = arith.constant 0 : i32
    %c0_i32_0 = arith.constant 0 : i32
    return %arg0, %c0_i32 : i32, i32
  }
}

</mosaic_0001>

<sc_bundles>
// kernel: kernel.4.cloned.1.call-start
scs
__scs_entry_jumppad:
0x0: {  	(pc) =	sbr.rel $0x88, $3  }
0x1: {  	(tag) =	ssettag $0x0;
	lr =	simm.s32 $0x1  }
0x2: {  	[smem:$0x3FA0] =	sst lr;
	_ =	strace $0xD0000000  }
0x3: {  	_ = 	snop  }
0x4: {  	_ = 	snop  }
0x5: {  	_ = 	snop  }
0x6: {  	_ = 	snop  }
0x7: {  	_ = 	snop  }
__scs_overlays_trampoline_lowered:
0x8: {  	[smem:$0x3FAF] =	sst s0  }
0x9: {  	[smem:$0x3FB0] =	sst s1  }
0xa: {  	[smem:$0x3FB1] =	sst s2  }
0xb: {  	[smem:$0x3FB2] =	sst s3  }
0xc: {  	[smem:$0x3FB3] =	sst s4  }
0xd: {  	[smem:$0x3FB4] =	sst s5  }
0xe: {  	[smem:$0x3FB5] =	sst s6  }
0xf: {  	[smem:$0x3FB6] =	sst s7  }
0x10: {  	[smem:$0x3FB7] =	sst s8  }
0x11: {  	[smem:$0x3FB8] =	sst s9;
	s0 =	simm.s32 @!p0 $0x0  }
0x12: {  	s1 =	sld [smem:$0x3F9E];
	s0 =	simm.s32 @p0 $0x1  }
0x13: {  	[smem:$0x3FB9] =	sst s0;
	s0 =	simm.s32 @!p1 $0x0  }
0x14: {  	s2 =	sld [smem:$0x3F9D];
	s0 =	simm.s32 @p1 $0x1  }
0x15: {  	[smem:$0x3FBA] =	sst s0;
	s0 =	simm.s32 @!p2 $0x0  }
0x16: {  	s3 =	sld [smem:$0x3FDB];
	s0 =	simm.s32 @p2 $0x1  }
0x17: {  	s4 =	simm.s32 $0x1BF5;
	[smem:$0x3FBC] =	sst s0  }
0x18: {  	s0 =	sld [smem:$0x3F9F];
	_ =	swait.ge [sflag:s4], $0x0  }
0x19: {  	s7 =	sld [smem:$0x3FA0]  }
0x1a: {  	s8 =	sadd.s32 $0xFFFFE003, lr  }
0x1b: {  	s9 =	sadd.s32 $0xFFFFFEF7, lr;
	s5 =	simm.s32 $0xFFFFFFFF;
	p2 =	slt.u32 s8, $0xFFFFF086  }
0x1c: {  	p1 =	slt.u32 s9, $0xF7A;
	s5 =	simm.s32 @!p2 $0x0  }
0x1d: {  	s5 =	simm.s32 @p1 $0x1;
	p0 =	seq.s32 s7, s2  }
0x1e: {  	s7 =	smul.u32 @!p0 $0xF7A, s2;
	p2 =	seq.s32 @!p0 s5, $0x0  }
0x1f: {  	s9 =	smul.u32 $0xF7A, s1;
	s8 =	simm.s32 @!p0 $0x1BF5;
	p2 =	por !p2, p0  }
0x20: {  	[sflag:s8] =	ssyncset.s32 @!p0 $0xFFFFF086;
	s6 =	sadd.s32 @!p0 s3, s7;
	s7 =	simm.s32 @!p0 $0x108  }
0x21: {  	s3 =	sadd.s32 s3, s9;
	s6 =	sadd.s32 @!p0 $0x88, s6;
	s7 =	simm.s32 @p2 $0x1082  }
0x22: {  	[simem:s7], [sflag:s8] =	dma.local @!p0 [hbm:s6], $0xF7A  }
0x23: {  	s9 =	sor.u32 $0xD0000000, s2;
	s6 =	simm.s32 $0x108;
	_ =	swait.ge @!p0 [sflag:s8], $0x0  }
0x24: {  	s3 =	sadd.s32 $0x88, s3;
	s6 =	simm.s32 @!p1 $0x1082;
	[sflag:s4] =	ssyncset.s32 $0xFFFFF086  }
0x25: {  	[simem:s6], [sflag:s4] =	dma.local [hbm:s3], $0xF7A  }
0x26: {  	[smem:$0x3FA0] =	sst s1;
	(tag) =	ssettag s2;
	_ =	strace s9  }
0x27: {  	s1 =	sld [smem:$0x3FB0]  }
0x28: {  	s2 =	sld [smem:$0x3FB1]  }
0x29: {  	s4 =	sld [smem:$0x3FB3]  }
0x2a: {  	p0 =	seq.s32 s5, $0x0;
	s5 =	sld [smem:$0x3FB4]  }
0x2b: {  	s6 =	sld [smem:$0x3FB5]  }
0x2c: {  	s7 =	sld [smem:$0x3FB6]  }
0x2d: {  	s3 =	simm.s32 $0x108;
	s8 =	sld [smem:$0x3FB7]  }
0x2e: {  	s3 =	simm.s32 @!p0 $0x1082;
	s9 =	sld [smem:$0x3FB8]  }
0x2f: {  	lr =	sadd.s32 s0, s3;
	s0 =	sld [smem:$0x3FAF]  }
0x30: {  	s3 =	sld [smem:$0x3FB2]  }
0x31: {  	[smem:$0x3FBB] =	sst s10  }
0x32: {  	s10 =	sld [smem:$0x3FB9];
	_ =	sdelay $0x3  }
0x33: {  	p0 =	seq.s32 s10, $0x1;
	s10 =	sld [smem:$0x3FBB];
	_ =	sdelay $0x3  }
0x34: {  	[smem:$0x3FBB] =	sst s10  }
0x35: {  	s10 =	sld [smem:$0x3FBA];
	_ =	sdelay $0x3  }
0x36: {  	p1 =	seq.s32 s10, $0x1;
	s10 =	sld [smem:$0x3FBB];
	_ =	sdelay $0x3  }
0x37: {  	[smem:$0x3FBB] =	sst s10  }
0x38: {  	s10 =	sld [smem:$0x3FBC]  }
0x39: {  	_ = 	snop;
	(pc) =	sbr.ind lr, $3  }
0x3a: {  	_ = 	snop  }
0x3b: {  	_ = 	snop  }
0x3c: {  	p2 =	seq.s32 s10, $0x1;
	s10 =	sld [smem:$0x3FBB]  }
0x3d: {  	_ =	shalt  }
0x3e: {  	_ =	shalt  }
0x3f: {  	_ =	shalt  }
0x40: {  	_ =	shalt  }
0x41: {  	_ =	shalt  }
0x42: {  	_ =	shalt  }
0x43: {  	_ =	shalt  }
0x44: {  	_ =	shalt  }
0x45: {  	_ =	shalt  }
0x46: {  	_ =	shalt  }
0x47: {  	_ =	shalt  }
0x48: {  	_ =	shalt  }
0x49: {  	_ =	shalt  }
0x4a: {  	_ =	shalt  }
0x4b: {  	_ =	shalt  }
0x4c: {  	_ =	shalt  }
0x4d: {  	_ =	shalt  }
0x4e: {  	_ =	shalt  }
0x4f: {  	_ =	shalt  }
0x50: {  	_ =	shalt  }
0x51: {  	_ =	shalt  }
0x52: {  	_ =	shalt  }
0x53: {  	_ =	shalt  }
0x54: {  	_ =	shalt  }
0x55: {  	_ =	shalt  }
0x56: {  	_ =	shalt  }
0x57: {  	_ =	shalt  }
0x58: {  	_ =	shalt  }
0x59: {  	_ =	shalt  }
0x5a: {  	_ =	shalt  }
0x5b: {  	_ =	shalt  }
0x5c: {  	_ =	shalt  }
0x5d: {  	_ =	shalt  }
0x5e: {  	_ =	shalt  }
0x5f: {  	_ =	shalt  }
0x60: {  	_ =	shalt  }
0x61: {  	_ =	shalt  }
0x62: {  	_ =	shalt  }
0x63: {  	_ =	shalt  }
0x64: {  	_ =	shalt  }
0x65: {  	_ =	shalt  }
0x66: {  	_ =	shalt  }
0x67: {  	_ =	shalt  }
0x68: {  	_ =	shalt  }
0x69: {  	_ =	shalt  }
0x6a: {  	_ =	shalt  }
0x6b: {  	_ =	shalt  }
0x6c: {  	_ =	shalt  }
0x6d: {  	_ =	shalt  }
0x6e: {  	_ =	shalt  }
0x6f: {  	_ =	shalt  }
0x70: {  	_ =	shalt  }
0x71: {  	_ =	shalt  }
0x72: {  	_ =	shalt  }
0x73: {  	_ =	shalt  }
0x74: {  	_ =	shalt  }
0x75: {  	_ =	shalt  }
0x76: {  	_ =	shalt  }
0x77: {  	_ =	shalt  }
0x78: {  	_ =	shalt  }
0x79: {  	_ =	shalt  }
0x7a: {  	_ =	shalt  }
0x7b: {  	_ =	shalt  }
0x7c: {  	_ =	shalt  }
0x7d: {  	_ =	shalt  }
0x7e: {  	_ =	shalt  }
0x7f: {  	_ =	shalt  }
0x80: {  	_ =	shalt  }
0x81: {  	_ =	shalt  }
0x82: {  	_ =	shalt  }
0x83: {  	_ =	shalt  }
0x84: {  	_ =	shalt  }
0x85: {  	_ =	shalt  }
0x86: {  	_ =	shalt  }
0x87: {  	_ =	shalt  }
.Lfunc_end0:
.L_simem_size_0:
called_computation_lowered:
.L_overlay_start_0:
0x88: {  	s2 =	sld [smem:$0x3FD9]  }
0x89: {  	s3 =	sld [smem:$0x3FFE];
	_ =	sdelay $0x1  }
0x8a: {  	s1 =	srdreg.scid  }
0x8b: {  	s0 =	sand.u32 $0x1, s1  }
0x8c: {  	s14 =	sshll.u32 s0, $0xA;
	s2 =	sadd.s32 s3, s2  }
0x8d: {  	s2 =	sadd.s32 s2, s14  }
0x8e: {  	[smem:$0x3FC7] =	sst s2  }
0x8f: {  	_ = 	snop  }
0x90: {  	s2 =	sld [smem:$0x3FD0];
	_ =	sdelay $0x2  }
0x91: {  	s15 =	simm.s32 $0xA;
	s4 =	simm.s32 $0x10  }
0x92: {  	[smem:s4], [sflag:s15] =	dma.local [hbm:s2], $0x1  }
0x93: {  	_ =	swait.eq [sflag:s15], $0x1  }
0x94: {  	s16 =	sld [smem:$0x10]  }
0x95: {  	s17 =	sld [smem:$0x11];
	[sflag:s15] =	ssyncset.done $0x0  }
0x96: {  	s5 =	sld [smem:$0x12];
	[sflag:s15] =	ssyncadd.s32 $0xFFFFFFFF  }
0x97: {  	s18 =	sld [smem:$0x13];
	(tm) =	ssettm $0x1  }
0x98: {  	s6 =	sld [smem:$0x3FFB];
	_ =	sdelay $0x3  }
0x99: {  	_ =	strace s6  }
0x9a: {  	s6 =	sld [smem:$0x3FFC];
	_ =	sdelay $0x3  }
0x9b: {  	_ =	strace s6  }
0x9c: {  	s6 =	sld [smem:$0x3FFD];
	_ =	sdelay $0x3  }
0x9d: {  	_ =	strace s6  }
0x9e: {  	_ =	strace $0x8FFFFFFF  }
0x9f: {  	s19 =	sld [smem:$0x3FDB];
	_ =	sdelay $0x1  }
0xa0: {  	s7 =	simm.s32 $_scs_section_size  }
0xa1: {  	s8 =	simm.s32 $_size__tile_overlayer_lowered;
	s9 =	simm.s32 $_tile_overlayer_lowered  }
0xa2: {  	s22 =	simm.s32 $0x1BFF;
	s21 =	sshll.u32 s9, $0x1;
	s6 =	sadd.s32 s7, s19  }
0xa3: {  	s10 =	simm.s32 $0x0;
	s20 =	sshll.u32 s8, $0x1;
	s8 =	sadd.s32 s21, s6  }
0xa4: {  	[timem:s10], [sflag:s22] =	dma.local [hbm:s8], s20  }
0xa5: {  	_ =	swait.ge [sflag:s22], s20  }
0xa6: {  	s7 =	ssub.s32 $0x0, s20;
	[sflag:s22] =	ssyncset.done $0x0  }
0xa7: {  	[sflag:s22] =	ssyncadd.s32 s7;
	_ =	sdelay $0x1  }
0xa8: {  	s23 =	simm.s32 $0x1B8B  }
0xa9: {  	_ =	swait.ge [sflag:s23], $0x1  }
0xaa: {  	[sflag:s23] =	ssyncset.done $0x0  }
0xab: {  	s25 =	simm.s32 $0x1B8E;
	s24 =	sld [smem:$0x3FFE];
	[sflag:s23] =	ssyncadd.s32 $0xFFFFFFFF  }
0xac: {  	s26 =	simm.s32 $execute0_lowered;
	[smem:$0x3FD2] =	sst s25  }
0xad: {  	s8 =	sshll.u32 s26, $0x1;
	_ =	strace $0x80000046;
	[dreg:$0x1] =	wrdreg $0xFFFFFFFF  }
0xae: {  	s28 =	simm.s32 $_size_execute0_lowered;
	s6 =	sadd.s32 s6, s8;
	[dreg:$0x0] =	wrdreg $0x0  }
0xaf: {  	s8 =	sshll.u32 s28, $0x1;
	[dreg:$0x2] =	wrdreg s6  }
0xb0: {  	[dreg:$0x3] =	wrdreg s8  }
0xb1: {  	[dreg:$0x4] =	wrdreg $0xC0  }
0xb2: {  	_ =	task [dreg:s10], $0x5FFFF  }
0xb3: {  	[dreg:$0x1] =	wrdreg $0xFFFFFFFF  }
0xb4: {  	[dreg:$0x0] =	wrdreg $0x60  }
0xb5: {  	[dreg:$0x2] =	wrdreg s18  }
0xb6: {  	[dreg:$0x3] =	wrdreg s24  }
0xb7: {  	[dreg:$0x4] =	wrdreg s16  }
0xb8: {  	[dreg:$0x5] =	wrdreg s5  }
0xb9: {  	[dreg:$0x6] =	wrdreg s17  }
0xba: {  	[dreg:$0x7] =	wrdreg $0x9  }
0xbb: {  	_ =	task.clear_ibuf [dreg:s10], $0x8FFFF;
	_ =	strace $0x90000046  }
0xbc: {  	s29 =	simm.s32 $0x9;
	_ =	strace $0x80000048  }
0xbd: {  	_ =	swait.ge [sflag:s29], $0x1  }
0xbe: {  	[sflag:s29] =	ssyncadd.s32 $0xFFFFFFFF  }
0xbf: {  	_ =	strace $0x90000048  }
0xc0: {  	_ =	sfence  }
0xc1: {  	s30 =	sld [smem:$0x0];
	_ =	sdelay $0x2  }
0xc2: {  	s31 =	sshll.u32 s1, $0xD;
	s1 =	sshrl.u32 s1, $0x2  }
0xc3: {  	s3 =	sand.u32 $0x4000, s31;
	s1 =	sadd.s32 s1, s30  }
0xc4: {  	s0 =	sor.u32 s3, s0;
	s1 =	sshll.u32 s1, $0x11  }
0xc5: {  	s0 =	sor.u32 s1, s0  }
0xc6: {  	s0 =	sadd.s32 $0x8F2B, s0  }
0xc7: {  	[sflag:s0] =	ssyncadd.remote.s32 $0x1  }
0xc8: {  	_ =	sfence.sel $0xFFFF  }
0xc9: {  	[dreg:$0x0] =	wrdreg $0xFFFFFFFF;
	(pc) =	sbr.abs _section_cstart, $3  }
0xca: {  	[dreg:$0x1] =	wrdreg $0xFFFFFFFF  }
0xcb: {  	_ =	task.clear_ibuf [dreg:s10], $0x2FFFF;
	_ =	strace $0x9FFFFFFF  }
0xcc: {  	(tm) =	ssettm $0x7FFFFFFF  }
0xcd: {  	_ =	shalt  }
tec
execute0_lowered:
.L_overlay_start_1:
0x0: {  	(tag) =	ssettag $0x1  }
0x1: {  	s12 =	rddreg [dreg:$0x0]  }
0x2: {  	s8 =	rddreg [dreg:$0x1]  }
0x3: {  	s1 =	rddreg [dreg:$0x2];
	v0 =	vlaneseq.u32  }
0x4: {  	s2 =	rddreg [dreg:$0x3];
	v1 =	vimm.f32 $1.000000000e+00;
	v2 =	vor.u32 $0x10, v0;
	v3 =	vor.u32 $0x20, v0  }
0x5: {  	s3 =	rddreg [dreg:$0x4];
	s5 =	simm.s32 $0x0;
	v4 =	vor.u32 $0x30, v0;
	v5 =	vor.u32 $0x40, v0;
	v6 =	vor.u32 $0x50, v0  }
0x6: {  	s6 =	srdreg.scid;
	s4 =	stileid.u32;
	s17 =	simm.s32 $0x2;
	v7 =	vor.u32 $0x60, v0;
	v8 =	vor.u32 $0x70, v0;
	v9 =	vor.u32 $0x80, v0  }
0x7: {  	s18 =	simm.s32 $0x280;
	s19 =	simm.s32 $0x380;
	s20 =	simm.s32 $0x1;
	v10 =	vor.u32 $0x90, v0;
	v11 =	vor.u32 $0xA0, v0;
	v12 =	vor.u32 $0xB0, v0  }
0x8: {  	s21 =	simm.s32 $0x600;
	s7 =	sand.u32 $0x1, s6;
	s31 =	sshll.u32 s4, $0x1;
	v13 =	vor.u32 $0xC0, v0;
	v14 =	vor.u32 $0xD0, v0;
	v15 =	vor.u32 $0xE0, v0  }
0x9: {  	s22 =	simm.s32 $0x0;
	[smem:$0x7FF] =	sst s5;
	v16 =	vor.u32 $0xF0, v0;
	v17 =	vor.u32 $0x100, v0;
	v18 =	vor.u32 $0x110, v0;
	s11 =	sor.u32 s7, s31  }
0xa: {  	s6 =	sadd.s32 $0xC00, s8;
	s8 =	sadd.s32 $0x900C00, s8;
	v19 =	vor.u32 $0x120, v0;
	v20 =	vor.u32 $0x130, v0;
	v21 =	vor.u32 $0x140, v0;
	s9 =	smul.u32 $0x90, s11  }
0xb: {  	v22 =	vor.u32 $0x150, v0;
	v23 =	vor.u32 $0x160, v0;
	v24 =	vor.u32 $0x170, v0;
	s10 =	ssub.s32 $0x2, s7;
	s7 =	smul.u32 $0x240000, s11;
	s15 =	sshllo.u32 s11, $0x1  }
0xc: {  	v25 =	vor.u32 $0x180, v0;
	v26 =	vor.u32 $0x190, v0;
	v27 =	vor.u32 $0x1A0, v0;
	_ =	strace $0x80000047;
	s13 =	sshrl.u32 s10, $0x1;
	s14 =	smul.u32 $0x48, s15  }
0xd: {  	v28 =	vor.u32 $0x1B0, v0;
	v29 =	vor.u32 $0x1C0, v0;
	v30 =	vor.u32 $0x1D0, v0;
	s16 =	ssub.s32 s10, s13;
	s10 =	smul.u32 $0x90000, s11;
	s11 =	sshll.u32 s11, $0x4  }
0xe: {  	v31 =	vor.u32 $0x1E0, v0;
	v32 =	vor.u32 $0x1F0, v0;
	v33 =	vor.u32 $0x200, v0;
	s13 =	smul.u32 $0x120000, s15;
	s9 =	sadd.s32 s12, s9;
	s16 =	smax.u32 s16, $0x1  }
0xf: {  	v34 =	vor.u32 $0x210, v0;
	v35 =	vor.u32 $0x220, v0;
	v36 =	vor.u32 $0x230, v0;
	s12 =	sadd.s32 s12, s14;
	s14 =	sshll.u32 s15, $0x3;
	s15 =	smul.u32 $0x48000, s15  }
.LBB2_1:
0x10: {  	[tilespmem:s5], [sflag:$0x2] =	stream.linear.gather [hbm4b:s9+s5], $0x240, $0x38;
	[tilespmem:$0x9600] =	vst v63  }
0x11: {  	_ =	swait.ge [sflag:s17], $0x240  }
0x12: {  	[sflag:s17] =	ssyncset.done $0x0  }
0x13: {  	[sflag:s17] =	ssyncadd.s32 $0xFFFFFDC0  }
0x14: {  	v37 =	vld [tilespmem:$0x0];
	_ =	sdelay $0x4  }
0x15: {  	vm0 =	vlt.s32 v37, $0x90  }
0x16: {  	v37 =	vnsel vm0, $0x0, v37;
	_ =	sdelay $0x4  }
0x17: {  	[tilespmem:v37+s18+$0x0] =	vst.idx.msk vm0, v0  }
0x18: {  	v37 =	vld [tilespmem:$0x10];
	_ =	sdelay $0x4  }
0x19: {  	vm1 =	vlt.s32 v37, $0x90  }
0x1a: {  	v37 =	vnsel vm1, $0x0, v37;
	_ =	sdelay $0x2  }
0x1b: {  	v38 =	vsel vm0, $0x0, v1  }
0x1c: {  	[tilespmem:$0x380] =	vst v38  }
0x1d: {  	[tilespmem:v37+s18+$0x0] =	vst.idx.msk vm1, v2  }
0x1e: {  	v37 =	vld [tilespmem:$0x20];
	_ =	sdelay $0x4  }
0x1f: {  	vm6 =	vlt.s32 v37, $0x90  }
0x20: {  	v37 =	vnsel vm6, $0x0, v37;
	_ =	sdelay $0x2  }
0x21: {  	v53 =	vsel vm1, $0x0, v1  }
0x22: {  	[tilespmem:$0x390] =	vst v53  }
0x23: {  	[tilespmem:v37+s18+$0x0] =	vst.idx.msk vm6, v3  }
0x24: {  	v37 =	vld [tilespmem:$0x30];
	_ =	sdelay $0x4  }
0x25: {  	vm7 =	vlt.s32 v37, $0x90  }
0x26: {  	v37 =	vnsel vm7, $0x0, v37;
	_ =	sdelay $0x2  }
0x27: {  	v54 =	vsel vm6, $0x0, v1  }
0x28: {  	[tilespmem:$0x3A0] =	vst v54  }
0x29: {  	[tilespmem:v37+s18+$0x0] =	vst.idx.msk vm7, v4  }
0x2a: {  	v37 =	vld [tilespmem:$0x40];
	_ =	sdelay $0x4  }
0x2b: {  	vm8 =	vlt.s32 v37, $0x90  }
0x2c: {  	v37 =	vnsel vm8, $0x0, v37;
	_ =	sdelay $0x2  }
0x2d: {  	v55 =	vsel vm7, $0x0, v1  }
0x2e: {  	[tilespmem:$0x3B0] =	vst v55  }
0x2f: {  	[tilespmem:v37+s18+$0x0] =	vst.idx.msk vm8, v5  }
0x30: {  	v37 =	vld [tilespmem:$0x50];
	_ =	sdelay $0x4  }
0x31: {  	vm9 =	vlt.s32 v37, $0x90  }
0x32: {  	v37 =	vnsel vm9, $0x0, v37;
	_ =	sdelay $0x2  }
0x33: {  	v56 =	vsel vm8, $0x0, v1  }
0x34: {  	[tilespmem:$0x3C0] =	vst v56  }
0x35: {  	[tilespmem:v37+s18+$0x0] =	vst.idx.msk vm9, v6  }
0x36: {  	v37 =	vld [tilespmem:$0x60];
	_ =	sdelay $0x4  }
0x37: {  	vm10 =	vlt.s32 v37, $0x90  }
0x38: {  	v37 =	vnsel vm10, $0x0, v37;
	_ =	sdelay $0x2  }
0x39: {  	v57 =	vsel vm9, $0x0, v1  }
0x3a: {  	[tilespmem:$0x3D0] =	vst v57  }
0x3b: {  	[tilespmem:v37+s18+$0x0] =	vst.idx.msk vm10, v7  }
0x3c: {  	v37 =	vld [tilespmem:$0x70];
	_ =	sdelay $0x4  }
0x3d: {  	vm11 =	vlt.s32 v37, $0x90  }
0x3e: {  	v37 =	vnsel vm11, $0x0, v37;
	_ =	sdelay $0x2  }
0x3f: {  	v58 =	vsel vm10, $0x0, v1  }
0x40: {  	[tilespmem:$0x3E0] =	vst v58  }
0x41: {  	[tilespmem:v37+s18+$0x0] =	vst.idx.msk vm11, v8  }
0x42: {  	v37 =	vld [tilespmem:$0x80];
	_ =	sdelay $0x4  }
0x43: {  	vm12 =	vlt.s32 v37, $0x90  }
0x44: {  	v37 =	vnsel vm12, $0x0, v37;
	_ =	sdelay $0x2  }
0x45: {  	v59 =	vsel vm11, $0x0, v1  }
0x46: {  	[tilespmem:$0x3F0] =	vst v59  }
0x47: {  	[tilespmem:v37+s18+$0x0] =	vst.idx.msk vm12, v9  }
0x48: {  	v37 =	vld [tilespmem:$0x90];
	_ =	sdelay $0x4  }
0x49: {  	vm13 =	vlt.s32 v37, $0x90  }
0x4a: {  	v37 =	vnsel vm13, $0x0, v37;
	_ =	sdelay $0x2  }
0x4b: {  	v60 =	vsel vm12, $0x0, v1  }
0x4c: {  	[tilespmem:$0x400] =	vst v60  }
0x4d: {  	[tilespmem:v37+s18+$0x0] =	vst.idx.msk vm13, v10  }
0x4e: {  	v37 =	vld [tilespmem:$0xA0];
	_ =	sdelay $0x4  }
0x4f: {  	vm14 =	vlt.s32 v37, $0x90  }
0x50: {  	v37 =	vnsel vm14, $0x0, v37;
	_ =	sdelay $0x2  }
0x51: {  	v61 =	vsel vm13, $0x0, v1  }
0x52: {  	[tilespmem:$0x410] =	vst v61  }
0x53: {  	[tilespmem:v37+s18+$0x0] =	vst.idx.msk vm14, v11  }
0x54: {  	v37 =	vld [tilespmem:$0xB0];
	_ =	sdelay $0x4  }
0x55: {  	vm15 =	vlt.s32 v37, $0x90  }
0x56: {  	v37 =	vnsel vm15, $0x0, v37;
	_ =	sdelay $0x2  }
0x57: {  	v62 =	vsel vm14, $0x0, v1  }
0x58: {  	[tilespmem:$0x420] =	vst v62  }
0x59: {  	[tilespmem:v37+s18+$0x0] =	vst.idx.msk vm15, v12  }
0x5a: {  	v37 =	vld [tilespmem:$0xC0];
	_ =	sdelay $0x4  }
0x5b: {  	vm4 =	vlt.s32 v37, $0x90  }
0x5c: {  	v37 =	vnsel vm4, $0x0, v37;
	_ =	sdelay $0x2  }
0x5d: {  	v63 =	vsel vm15, $0x0, v1  }
0x5e: {  	[tilespmem:$0x430] =	vst v63  }
0x5f: {  	[tilespmem:v37+s18+$0x0] =	vst.idx.msk vm4, v13  }
0x60: {  	v37 =	vld [tilespmem:$0xD0];
	_ =	sdelay $0x4  }
0x61: {  	vm5 =	vlt.s32 v37, $0x90  }
0x62: {  	v37 =	vnsel vm5, $0x0, v37;
	_ =	sdelay $0x2  }
0x63: {  	v40 =	vsel vm4, $0x0, v1  }
0x64: {  	[tilespmem:$0x440] =	vst v40  }
0x65: {  	[tilespmem:v37+s18+$0x0] =	vst.idx.msk vm5, v14  }
0x66: {  	v37 =	vld [tilespmem:$0xE0];
	_ =	sdelay $0x4  }
0x67: {  	vm6 =	vlt.s32 v37, $0x90  }
0x68: {  	v37 =	vnsel vm6, $0x0, v37;
	_ =	sdelay $0x2  }
0x69: {  	v41 =	vsel vm5, $0x0, v1  }
0x6a: {  	[tilespmem:$0x450] =	vst v41  }
0x6b: {  	[tilespmem:v37+s18+$0x0] =	vst.idx.msk vm6, v15  }
0x6c: {  	v37 =	vld [tilespmem:$0xF0];
	_ =	sdelay $0x4  }
0x6d: {  	vm7 =	vlt.s32 v37, $0x90  }
0x6e: {  	v37 =	vnsel vm7, $0x0, v37;
	_ =	sdelay $0x2  }
0x6f: {  	v42 =	vsel vm6, $0x0, v1  }
0x70: {  	[tilespmem:$0x460] =	vst v42  }
0x71: {  	[tilespmem:v37+s18+$0x0] =	vst.idx.msk vm7, v16  }
0x72: {  	v37 =	vld [tilespmem:$0x100];
	_ =	sdelay $0x4  }
0x73: {  	vm8 =	vlt.s32 v37, $0x90  }
0x74: {  	v37 =	vnsel vm8, $0x0, v37;
	_ =	sdelay $0x2  }
0x75: {  	v43 =	vsel vm7, $0x0, v1  }
0x76: {  	[tilespmem:$0x470] =	vst v43  }
0x77: {  	[tilespmem:v37+s18+$0x0] =	vst.idx.msk vm8, v17  }
0x78: {  	v37 =	vld [tilespmem:$0x110];
	_ =	sdelay $0x4  }
0x79: {  	vm9 =	vlt.s32 v37, $0x90  }
0x7a: {  	v37 =	vnsel vm9, $0x0, v37;
	_ =	sdelay $0x2  }
0x7b: {  	v44 =	vsel vm8, $0x0, v1  }
0x7c: {  	[tilespmem:$0x480] =	vst v44  }
0x7d: {  	[tilespmem:v37+s18+$0x0] =	vst.idx.msk vm9, v18  }
0x7e: {  	v37 =	vld [tilespmem:$0x120];
	_ =	sdelay $0x4  }
0x7f: {  	vm10 =	vlt.s32 v37, $0x90  }
0x80: {  	v37 =	vnsel vm10, $0x0, v37;
	_ =	sdelay $0x2  }
0x81: {  	v45 =	vsel vm9, $0x0, v1  }
0x82: {  	[tilespmem:$0x490] =	vst v45  }
0x83: {  	[tilespmem:v37+s18+$0x0] =	vst.idx.msk vm10, v19  }
0x84: {  	v37 =	vld [tilespmem:$0x130];
	_ =	sdelay $0x4  }
0x85: {  	vm11 =	vlt.s32 v37, $0x90  }
0x86: {  	v37 =	vnsel vm11, $0x0, v37;
	_ =	sdelay $0x2  }
0x87: {  	v46 =	vsel vm10, $0x0, v1  }
0x88: {  	[tilespmem:$0x4A0] =	vst v46  }
0x89: {  	[tilespmem:v37+s18+$0x0] =	vst.idx.msk vm11, v20  }
0x8a: {  	v37 =	vld [tilespmem:$0x140];
	_ =	sdelay $0x4  }
0x8b: {  	vm12 =	vlt.s32 v37, $0x90  }
0x8c: {  	v37 =	vnsel vm12, $0x0, v37;
	_ =	sdelay $0x2  }
0x8d: {  	v47 =	vsel vm11, $0x0, v1  }
0x8e: {  	[tilespmem:$0x4B0] =	vst v47  }
0x8f: {  	[tilespmem:v37+s18+$0x0] =	vst.idx.msk vm12, v21  }
0x90: {  	v37 =	vld [tilespmem:$0x150];
	_ =	sdelay $0x4  }
0x91: {  	vm13 =	vlt.s32 v37, $0x90  }
0x92: {  	v37 =	vnsel vm13, $0x0, v37;
	_ =	sdelay $0x2  }
0x93: {  	v48 =	vsel vm12, $0x0, v1  }
0x94: {  	[tilespmem:$0x4C0] =	vst v48  }
0x95: {  	[tilespmem:v37+s18+$0x0] =	vst.idx.msk vm13, v22  }
0x96: {  	v37 =	vld [tilespmem:$0x160];
	_ =	sdelay $0x4  }
0x97: {  	vm14 =	vlt.s32 v37, $0x90  }
0x98: {  	v37 =	vnsel vm14, $0x0, v37;
	_ =	sdelay $0x2  }
0x99: {  	v49 =	vsel vm13, $0x0, v1  }
0x9a: {  	[tilespmem:$0x4D0] =	vst v49  }
0x9b: {  	[tilespmem:v37+s18+$0x0] =	vst.idx.msk vm14, v23  }
0x9c: {  	v37 =	vld [tilespmem:$0x170];
	_ =	sdelay $0x4  }
0x9d: {  	vm15 =	vlt.s32 v37, $0x90  }
0x9e: {  	v37 =	vnsel vm15, $0x0, v37;
	_ =	sdelay $0x2  }
0x9f: {  	v50 =	vsel vm14, $0x0, v1  }
0xa0: {  	[tilespmem:$0x4E0] =	vst v50  }
0xa1: {  	[tilespmem:v37+s18+$0x0] =	vst.idx.msk vm15, v24  }
0xa2: {  	v37 =	vld [tilespmem:$0x180];
	_ =	sdelay $0x4  }
0xa3: {  	vm4 =	vlt.s32 v37, $0x90  }
0xa4: {  	v37 =	vnsel vm4, $0x0, v37;
	_ =	sdelay $0x2  }
0xa5: {  	v51 =	vsel vm15, $0x0, v1  }
0xa6: {  	[tilespmem:$0x4F0] =	vst v51  }
0xa7: {  	[tilespmem:v37+s18+$0x0] =	vst.idx.msk vm4, v25  }
0xa8: {  	v37 =	vld [tilespmem:$0x190];
	_ =	sdelay $0x4  }
0xa9: {  	vm5 =	vlt.s32 v37, $0x90  }
0xaa: {  	v37 =	vnsel vm5, $0x0, v37;
	_ =	sdelay $0x2  }
0xab: {  	v52 =	vsel vm4, $0x0, v1  }
0xac: {  	[tilespmem:$0x500] =	vst v52  }
0xad: {  	[tilespmem:v37+s18+$0x0] =	vst.idx.msk vm5, v26  }
0xae: {  	v37 =	vld [tilespmem:$0x1A0];
	_ =	sdelay $0x4  }
0xaf: {  	vm6 =	vlt.s32 v37, $0x90  }
0xb0: {  	v37 =	vnsel vm6, $0x0, v37;
	_ =	sdelay $0x2  }
0xb1: {  	v53 =	vsel vm5, $0x0, v1  }
0xb2: {  	[tilespmem:$0x510] =	vst v53  }
0xb3: {  	[tilespmem:v37+s18+$0x0] =	vst.idx.msk vm6, v27  }
0xb4: {  	v37 =	vld [tilespmem:$0x1B0];
	_ =	sdelay $0x4  }
0xb5: {  	vm7 =	vlt.s32 v37, $0x90  }
0xb6: {  	v37 =	vnsel vm7, $0x0, v37;
	_ =	sdelay $0x2  }
0xb7: {  	v54 =	vsel vm6, $0x0, v1  }
0xb8: {  	[tilespmem:$0x520] =	vst v54  }
0xb9: {  	[tilespmem:v37+s18+$0x0] =	vst.idx.msk vm7, v28  }
0xba: {  	v37 =	vld [tilespmem:$0x1C0];
	_ =	sdelay $0x4  }
0xbb: {  	vm8 =	vlt.s32 v37, $0x90  }
0xbc: {  	v37 =	vnsel vm8, $0x0, v37;
	_ =	sdelay $0x2  }
0xbd: {  	v55 =	vsel vm7, $0x0, v1  }
0xbe: {  	[tilespmem:$0x530] =	vst v55  }
0xbf: {  	[tilespmem:v37+s18+$0x0] =	vst.idx.msk vm8, v29  }
0xc0: {  	v37 =	vld [tilespmem:$0x1D0];
	_ =	sdelay $0x4  }
0xc1: {  	vm9 =	vlt.s32 v37, $0x90  }
0xc2: {  	v37 =	vnsel vm9, $0x0, v37;
	_ =	sdelay $0x2  }
0xc3: {  	v56 =	vsel vm8, $0x0, v1  }
0xc4: {  	[tilespmem:$0x540] =	vst v56  }
0xc5: {  	[tilespmem:v37+s18+$0x0] =	vst.idx.msk vm9, v30  }
0xc6: {  	v37 =	vld [tilespmem:$0x1E0];
	_ =	sdelay $0x4  }
0xc7: {  	vm10 =	vlt.s32 v37, $0x90  }
0xc8: {  	v37 =	vnsel vm10, $0x0, v37;
	_ =	sdelay $0x2  }
0xc9: {  	v57 =	vsel vm9, $0x0, v1  }
0xca: {  	[tilespmem:$0x550] =	vst v57  }
0xcb: {  	[tilespmem:v37+s18+$0x0] =	vst.idx.msk vm10, v31  }
0xcc: {  	v37 =	vld [tilespmem:$0x1F0];
	_ =	sdelay $0x4  }
0xcd: {  	vm11 =	vlt.s32 v37, $0x90  }
0xce: {  	v37 =	vnsel vm11, $0x0, v37;
	_ =	sdelay $0x2  }
0xcf: {  	v58 =	vsel vm10, $0x0, v1  }
0xd0: {  	[tilespmem:$0x560] =	vst v58  }
0xd1: {  	[tilespmem:v37+s18+$0x0] =	vst.idx.msk vm11, v32  }
0xd2: {  	v37 =	vld [tilespmem:$0x200];
	_ =	sdelay $0x4  }
0xd3: {  	vm12 =	vlt.s32 v37, $0x90  }
0xd4: {  	v37 =	vnsel vm12, $0x0, v37;
	_ =	sdelay $0x2  }
0xd5: {  	v59 =	vsel vm11, $0x0, v1  }
0xd6: {  	[tilespmem:$0x570] =	vst v59  }
0xd7: {  	[tilespmem:v37+s18+$0x0] =	vst.idx.msk vm12, v33  }
0xd8: {  	v37 =	vld [tilespmem:$0x210];
	_ =	sdelay $0x4  }
0xd9: {  	vm13 =	vlt.s32 v37, $0x90  }
0xda: {  	v37 =	vnsel vm13, $0x0, v37;
	_ =	sdelay $0x2  }
0xdb: {  	v60 =	vsel vm12, $0x0, v1  }
0xdc: {  	[tilespmem:$0x580] =	vst v60  }
0xdd: {  	[tilespmem:v37+s18+$0x0] =	vst.idx.msk vm13, v34  }
0xde: {  	v37 =	vld [tilespmem:$0x220];
	_ =	sdelay $0x4  }
0xdf: {  	vm14 =	vlt.s32 v37, $0x90  }
0xe0: {  	v37 =	vnsel vm14, $0x0, v37;
	_ =	sdelay $0x2  }
0xe1: {  	v61 =	vsel vm13, $0x0, v1  }
0xe2: {  	[tilespmem:$0x590] =	vst v61  }
0xe3: {  	[tilespmem:v37+s18+$0x0] =	vst.idx.msk vm14, v35  }
0xe4: {  	v37 =	vld [tilespmem:$0x230];
	_ =	sdelay $0x4  }
0xe5: {  	vm15 =	vlt.s32 v37, $0x90  }
0xe6: {  	v37 =	vnsel vm15, $0x0, v37;
	_ =	sdelay $0x2  }
0xe7: {  	v62 =	vsel vm14, $0x0, v1  }
0xe8: {  	[tilespmem:$0x5A0] =	vst v62  }
0xe9: {  	v63 =	vsel vm15, $0x0, v1;
	[tilespmem:v37+s18+$0x0] =	vst.idx.msk vm15, v36  }
0xea: {  	s23 =	simm.s32 $0x0;
	[tilespmem:$0x5B0] =	vst v63  }
.LBB2_2:
0xeb: {  	s24 =	sadd.s32 s11, s23  }
0xec: {  	s26 =	smul.u32 $0x48, s24;
	_ =	sdelay $0x1  }
0xed: {  	s25 =	simm.s32 $0x0;
	s28 =	sadd.s32 s2, s26  }
0xee: {  	[hbm4b:s28+s25] =	stream.linear.scatter [tilespmem:s25], [sflag:$0x2], $0x240, $0x38;
	[tilespmem:$0x9600] =	vst v63  }
0xef: {  	_ =	swait.ge [sflag:s17], $0x240  }
0xf0: {  	[sflag:s17] =	ssyncset.done $0x0  }
0xf1: {  	s26 =	sadd.s32 s8, s26;
	[sflag:s17] =	ssyncadd.s32 $0xFFFFFDC0  }
0xf2: {  	[hbm4b:s26+s25] =	stream.linear.scatter [tilespmem:s19], [sflag:$0x2], $0x240, $0x38;
	[tilespmem:$0x9600] =	vst v63  }
0xf3: {  	s24 =	smul.u32 $0x12, s24;
	_ =	swait.ge [sflag:s17], $0x240  }
0xf4: {  	[sflag:s17] =	ssyncset.done $0x0  }
0xf5: {  	s24 =	sadd.s32 s3, s24;
	[sflag:s17] =	ssyncadd.s32 $0xFFFFFDC0  }
0xf6: {  	[hbm4b:s24+s25] =	stream.linear.scatter [tilespmem:s18], [sflag:$0x2], $0x90, $0x38;
	[tilespmem:$0x9600] =	vst v63  }
0xf7: {  	_ =	swait.ge [sflag:s17], $0x90  }
0xf8: {  	[sflag:s17] =	ssyncset.done $0x0  }
0xf9: {  	[sflag:s17] =	ssyncadd.s32 $0xFFFFFF70  }
0xfa: {  	v37 =	vld [tilespmem:$0x280];
	_ =	sdelay $0x2  }
0xfb: {  	v38 =	vmov s25  }
0xfc: {  	vm0 =	veq.s32 v38, v0  }
0xfd: {  	v38 =	vnsel vm0, $0x0, v37  }
0xfe: {  	(xrf0) =	vadd.scan.msk.s32 $0xffff, v38;
	_ =	sdelay $0x5  }
0xff: {  	v38, _, _ =	vpop (xrf0)  }
0x100: {  	(v2sf) =	vpush v38, $0xF;
	_ =	sdelay $0x3  }
0x101: {  	s0 =	simm.s32 $0x1  }
0x102: {  	v59 =	vmov s0  }
0x103: {  	vm0 =	veq.s32 v59, v0  }
0x104: {  	s26 =	simm.s32 $0x2;
	v39 =	vnsel vm0, $0x0, v37  }
0x105: {  	v60 =	vmov s26;
	(xrf0) =	vadd.scan.msk.s32 $0xffff, v39  }
0x106: {  	vm0 =	veq.s32 v60, v0  }
0x107: {  	v38 =	vnsel vm0, $0x0, v37  }
0x108: {  	(xrf0) =	vadd.scan.msk.s32 $0xffff, v38;
	_ =	sdelay $0x2  }
0x109: {  	v61, _, _ =	vpop (xrf0)  }
0x10a: {  	s30 =	spop (v2sf);
	(v2sf) =	vpush v61, $0xF;
	_ =	sdelay $0x1  }
0x10b: {  	v63, _, _ =	vpop (xrf0)  }
0x10c: {  	(v2sf) =	vpush v63, $0xF;
	_ =	sdelay $0x1  }
0x10d: {  	s31 =	smul.u32 $0x24000, s23  }
0x10e: {  	s0 =	simm.s32 $0x3  }
0x10f: {  	v62 =	vmov s0;
	s28 =	simm.s32 $0x4;
	s24 =	sadd.s32 s7, s31;
	s31 =	sshll.u32 s30, $0x8  }
0x110: {  	s26 =	simm.s32 $0x0;
	vm0 =	veq.s32 v62, v0;
	s30 =	sshll.u32 s30, $0x7;
	s29 =	sand.u32 $0xFFFFF800, s31  }
.LBB2_3:
0x111: {  	p0 =	sne.s32 s28, $0xF;
	v38 =	vnsel vm0, $0x0, v37;
	s29 =	sadd.s32 s29, s24;
	s30 =	sand.u32 $0x380, s30  }
0x112: {  	s31 =	sand.u32 $0x800, s26;
	(xrf0) =	vadd.scan.msk.s32 $0xffff, v38;
	s29 =	sor.u32 s30, s29;
	s30 =	sand.u32 $0x380, s25  }
0x113: {  	s29 =	sshrl.u32 s29, $0x3;
	s30 =	sor.u32 s30, s31  }
0x114: {  	s29 =	sadd.s32 s6, s29;
	s31 =	sadd.s32 $0x600, s30  }
0x115: {  	[tilespmem:s31], [sflag:$0x1] =	stream.linear.gather [hbm4b:s29+s5], $0x80, $0x38;
	[tilespmem:$0x9600] =	vst v63  }
.Ltmp0:
0x116: {  	_ = 	snop;
	(pc) =	sbr.rel @p0 .LBB2_3-.Ltmp0, $4  }
0x117: {  	s30 =	sadd.s32 $0xA00, s30;
	s29 =	sadd.s32 $0x80, s29;
	s31 =	spop (v2sf)  }
0x118: {  	[tilespmem:s30], [sflag:$0x1] =	stream.linear.gather [hbm4b:s29+s5], $0x80, $0x38;
	[tilespmem:$0x9600] =	vst v63  }
0x119: {  	s26 =	sadd.s32 $0x100, s26;
	v38 =	vmov s28;
	s25 =	sadd.s32 $0x80, s25;
	s29 =	sshll.u32 s31, $0x8;
	v39, _, _ =	vpop (xrf0)  }
0x11a: {  	s28 =	sadd.s32 $0x1, s28;
	vm0 =	veq.s32 v38, v0;
	s30 =	sshll.u32 s31, $0x7;
	s29 =	sand.u32 $0xFFFFF800, s29;
	(v2sf) =	vpush v39, $0xF  }
0x11b: {  	v37 =	vnsel vm0, $0x0, v37;
	s28 =	sadd.s32 s29, s24;
	s29 =	sand.u32 $0x380, s30  }
0x11c: {  	s30 =	sand.u32 $0x800, s26;
	(xrf0) =	vadd.scan.msk.s32 $0xffff, v37;
	s28 =	sor.u32 s29, s28;
	s29 =	sand.u32 $0x380, s25  }
0x11d: {  	s28 =	sshrl.u32 s28, $0x3;
	s29 =	sor.u32 s29, s30  }
0x11e: {  	s28 =	sadd.s32 s6, s28;
	s30 =	sadd.s32 $0x600, s29  }
0x11f: {  	[tilespmem:s30], [sflag:$0x1] =	stream.linear.gather [hbm4b:s28+s5], $0x80, $0x38;
	[tilespmem:$0x9600] =	vst v63  }
0x120: {  	s29 =	sadd.s32 $0xA00, s29;
	s30 =	spop (v2sf);
	s28 =	sadd.s32 $0x80, s28  }
0x121: {  	[tilespmem:s29], [sflag:$0x1] =	stream.linear.gather [hbm4b:s28+s5], $0x80, $0x38;
	[tilespmem:$0x9600] =	vst v63  }
0x122: {  	s28 =	sshll.u32 s30, $0x8;
	v37, _, _ =	vpop (xrf0)  }
0x123: {  	s31 =	sadd.s32 $0x80, s25;
	s29 =	sshll.u32 s30, $0x7;
	s28 =	sand.u32 $0xFFFFF800, s28;
	(v2sf) =	vpush v37, $0xF  }
0x124: {  	s0 =	sadd.s32 $0x100, s26;
	s29 =	sand.u32 $0x380, s29;
	s28 =	sadd.s32 s28, s24  }
0x125: {  	s30 =	sand.u32 $0x800, s0;
	s28 =	sor.u32 s29, s28;
	s29 =	sand.u32 $0x380, s31  }
0x126: {  	s28 =	sshrl.u32 s28, $0x3;
	s29 =	sor.u32 s29, s30  }
0x127: {  	s28 =	sadd.s32 s6, s28;
	s30 =	sadd.s32 $0x600, s29  }
0x128: {  	[tilespmem:s30], [sflag:$0x1] =	stream.linear.gather [hbm4b:s28+s5], $0x80, $0x38;
	[tilespmem:$0x9600] =	vst v63  }
0x129: {  	s29 =	sadd.s32 $0xA00, s29;
	s28 =	sadd.s32 $0x80, s28;
	s30 =	spop (v2sf)  }
0x12a: {  	[tilespmem:s29], [sflag:$0x1] =	stream.linear.gather [hbm4b:s28+s5], $0x80, $0x38;
	[tilespmem:$0x9600] =	vst v63  }
0x12b: {  	s28 =	sshll.u32 s30, $0x8  }
0x12c: {  	s25 =	sadd.s32 $0x80, s31;
	s29 =	sshll.u32 s30, $0x7;
	s28 =	sand.u32 $0xFFFFF800, s28  }
0x12d: {  	s26 =	sadd.s32 $0x100, s0;
	s29 =	sand.u32 $0x380, s29;
	s28 =	sadd.s32 s28, s24  }
0x12e: {  	s30 =	sand.u32 $0x800, s26;
	s28 =	sor.u32 s29, s28;
	s29 =	sand.u32 $0x380, s25  }
0x12f: {  	s28 =	sshrl.u32 s28, $0x3;
	s29 =	sor.u32 s29, s30  }
0x130: {  	s28 =	sadd.s32 s6, s28;
	s30 =	sadd.s32 $0x600, s29  }
0x131: {  	[tilespmem:s30], [sflag:$0x1] =	stream.linear.gather [hbm4b:s28+s5], $0x80, $0x38;
	[tilespmem:$0x9600] =	vst v63  }
0x132: {  	s29 =	sadd.s32 $0xA00, s29;
	s28 =	sadd.s32 $0x80, s28;
	s30 =	spop (v2sf)  }
0x133: {  	[tilespmem:s29], [sflag:$0x1] =	stream.linear.gather [hbm4b:s28+s5], $0x80, $0x38;
	[tilespmem:$0x9600] =	vst v63  }
0x134: {  	s28 =	sshll.u32 s30, $0x8  }
0x135: {  	s26 =	sadd.s32 $0x100, s26;
	s29 =	sshll.u32 s30, $0x7;
	s28 =	sand.u32 $0xFFFFF800, s28  }
0x136: {  	s25 =	sadd.s32 $0x80, s25;
	s29 =	sand.u32 $0x380, s29;
	s28 =	sadd.s32 s28, s24  }
0x137: {  	s26 =	sand.u32 $0x800, s26;
	s25 =	sand.u32 $0x380, s25;
	s28 =	sor.u32 s29, s28  }
0x138: {  	s25 =	sor.u32 s25, s26;
	s28 =	sshrl.u32 s28, $0x3  }
0x139: {  	s31 =	sadd.s32 s6, s28;
	s28 =	sadd.s32 $0x600, s25  }
0x13a: {  	[tilespmem:s28], [sflag:$0x1] =	stream.linear.gather [hbm4b:s31+s5], $0x80, $0x38;
	[tilespmem:$0x9600] =	vst v63  }
0x13b: {  	s25 =	sadd.s32 $0xA00, s25;
	s26 =	sadd.s32 $0x80, s31  }
0x13c: {  	[tilespmem:s25], [sflag:$0x1] =	stream.linear.gather [hbm4b:s26+s5], $0x80, $0x38;
	[tilespmem:$0x9600] =	vst v63  }
0x13d: {  	v37 =	vld [tilespmem:$0x290];
	_ =	sdelay $0x1  }
0x13e: {  	s25 =	simm.s32 $0x0  }
0x13f: {  	v38 =	vmov s25  }
0x140: {  	vm0 =	veq.s32 v38, v0  }
0x141: {  	v38 =	vnsel vm0, $0x0, v37  }
0x142: {  	(xrf0) =	vadd.scan.msk.s32 $0xffff, v38;
	_ =	sdelay $0x5  }
0x143: {  	v38, _, _ =	vpop (xrf0)  }
0x144: {  	(v2sf) =	vpush v38, $0xF  }
0x145: {  	s0 =	simm.s32 $0x1  }
0x146: {  	v59 =	vmov s0  }
0x147: {  	vm0 =	veq.s32 v59, v0  }
0x148: {  	s31 =	simm.s32 $0x2;
	v39 =	vnsel vm0, $0x0, v37  }
0x149: {  	v60 =	vmov s31;
	(xrf0) =	vadd.scan.msk.s32 $0xffff, v39  }
0x14a: {  	vm0 =	veq.s32 v60, v0  }
0x14b: {  	v38 =	vnsel vm0, $0x0, v37  }
0x14c: {  	(xrf0) =	vadd.scan.msk.s32 $0xffff, v38;
	_ =	sdelay $0x2  }
0x14d: {  	v61, _, _ =	vpop (xrf0)  }
0x14e: {  	(v2sf) =	vpush v61, $0xF;
	_ =	sdelay $0x1  }
0x14f: {  	v63, _, _ =	vpop (xrf0)  }
0x150: {  	s30 =	spop (v2sf);
	(v2sf) =	vpush v63, $0xF;
	_ =	sdelay $0x2  }
0x151: {  	s0 =	simm.s32 $0x3  }
0x152: {  	v62 =	vmov s0;
	s28 =	simm.s32 $0x4;
	s31 =	sshll.u32 s30, $0x8  }
0x153: {  	s26 =	simm.s32 $0x0;
	vm0 =	veq.s32 v62, v0;
	s30 =	sshll.u32 s30, $0x7;
	s29 =	sand.u32 $0xFFFFF800, s31  }
.LBB2_5:
0x154: {  	p0 =	sne.s32 s28, $0xF;
	v38 =	vnsel vm0, $0x0, v37;
	s29 =	sadd.s32 s29, s24;
	s30 =	sand.u32 $0x380, s30  }
0x155: {  	s31 =	sand.u32 $0x800, s26;
	(xrf0) =	vadd.scan.msk.s32 $0xffff, v38;
	s29 =	sor.u32 s30, s29;
	s30 =	sand.u32 $0x380, s25  }
0x156: {  	s29 =	sshrl.u32 s29, $0x3;
	s30 =	sor.u32 s30, s31  }
0x157: {  	s29 =	sadd.s32 s6, s29;
	s31 =	sadd.s32 $0x1600, s30  }
0x158: {  	[tilespmem:s31], [sflag:$0x1] =	stream.linear.gather [hbm4b:s29+s5], $0x80, $0x38;
	[tilespmem:$0x9600] =	vst v63  }
.Ltmp1:
0x159: {  	_ = 	snop;
	(pc) =	sbr.rel @p0 .LBB2_5-.Ltmp1, $4  }
0x15a: {  	s30 =	sadd.s32 $0x1A00, s30;
	s29 =	sadd.s32 $0x80, s29;
	s31 =	spop (v2sf)  }
0x15b: {  	[tilespmem:s30], [sflag:$0x1] =	stream.linear.gather [hbm4b:s29+s5], $0x80, $0x38;
	[tilespmem:$0x9600] =	vst v63  }
0x15c: {  	s26 =	sadd.s32 $0x100, s26;
	v38 =	vmov s28;
	s25 =	sadd.s32 $0x80, s25;
	s29 =	sshll.u32 s31, $0x8;
	v39, _, _ =	vpop (xrf0)  }
0x15d: {  	s28 =	sadd.s32 $0x1, s28;
	vm0 =	veq.s32 v38, v0;
	s30 =	sshll.u32 s31, $0x7;
	s29 =	sand.u32 $0xFFFFF800, s29;
	(v2sf) =	vpush v39, $0xF  }
0x15e: {  	v37 =	vnsel vm0, $0x0, v37;
	s28 =	sadd.s32 s29, s24;
	s29 =	sand.u32 $0x380, s30  }
0x15f: {  	s30 =	sand.u32 $0x800, s26;
	(xrf0) =	vadd.scan.msk.s32 $0xffff, v37;
	s28 =	sor.u32 s29, s28;
	s29 =	sand.u32 $0x380, s25  }
0x160: {  	s28 =	sshrl.u32 s28, $0x3;
	s29 =	sor.u32 s29, s30  }
0x161: {  	s28 =	sadd.s32 s6, s28;
	s30 =	sadd.s32 $0x1600, s29  }
0x162: {  	[tilespmem:s30], [sflag:$0x1] =	stream.linear.gather [hbm4b:s28+s5], $0x80, $0x38;
	[tilespmem:$0x9600] =	vst v63  }
0x163: {  	s29 =	sadd.s32 $0x1A00, s29;
	s30 =	spop (v2sf);
	s28 =	sadd.s32 $0x80, s28  }
0x164: {  	[tilespmem:s29], [sflag:$0x1] =	stream.linear.gather [hbm4b:s28+s5], $0x80, $0x38;
	[tilespmem:$0x9600] =	vst v63  }
0x165: {  	s28 =	sshll.u32 s30, $0x8;
	v37, _, _ =	vpop (xrf0)  }
0x166: {  	s31 =	sadd.s32 $0x80, s25;
	s29 =	sshll.u32 s30, $0x7;
	s28 =	sand.u32 $0xFFFFF800, s28;
	(v2sf) =	vpush v37, $0xF  }
0x167: {  	s0 =	sadd.s32 $0x100, s26;
	s29 =	sand.u32 $0x380, s29;
	s28 =	sadd.s32 s28, s24  }
0x168: {  	s30 =	sand.u32 $0x800, s0;
	s28 =	sor.u32 s29, s28;
	s29 =	sand.u32 $0x380, s31  }
0x169: {  	s28 =	sshrl.u32 s28, $0x3;
	s29 =	sor.u32 s29, s30  }
0x16a: {  	s28 =	sadd.s32 s6, s28;
	s30 =	sadd.s32 $0x1600, s29  }
0x16b: {  	[tilespmem:s30], [sflag:$0x1] =	stream.linear.gather [hbm4b:s28+s5], $0x80, $0x38;
	[tilespmem:$0x9600] =	vst v63  }
0x16c: {  	s29 =	sadd.s32 $0x1A00, s29;
	s28 =	sadd.s32 $0x80, s28;
	s30 =	spop (v2sf)  }
0x16d: {  	[tilespmem:s29], [sflag:$0x1] =	stream.linear.gather [hbm4b:s28+s5], $0x80, $0x38;
	[tilespmem:$0x9600] =	vst v63  }
0x16e: {  	s28 =	sshll.u32 s30, $0x8  }
0x16f: {  	s25 =	sadd.s32 $0x80, s31;
	s29 =	sshll.u32 s30, $0x7;
	s28 =	sand.u32 $0xFFFFF800, s28  }
0x170: {  	s26 =	sadd.s32 $0x100, s0;
	s29 =	sand.u32 $0x380, s29;
	s28 =	sadd.s32 s28, s24  }
0x171: {  	s30 =	sand.u32 $0x800, s26;
	s28 =	sor.u32 s29, s28;
	s29 =	sand.u32 $0x380, s25  }
0x172: {  	s28 =	sshrl.u32 s28, $0x3;
	s29 =	sor.u32 s29, s30  }
0x173: {  	s28 =	sadd.s32 s6, s28;
	s30 =	sadd.s32 $0x1600, s29  }
0x174: {  	[tilespmem:s30], [sflag:$0x1] =	stream.linear.gather [hbm4b:s28+s5], $0x80, $0x38;
	[tilespmem:$0x9600] =	vst v63  }
0x175: {  	s29 =	sadd.s32 $0x1A00, s29;
	s28 =	sadd.s32 $0x80, s28;
	s30 =	spop (v2sf)  }
0x176: {  	[tilespmem:s29], [sflag:$0x1] =	stream.linear.gather [hbm4b:s28+s5], $0x80, $0x38;
	[tilespmem:$0x9600] =	vst v63  }
0x177: {  	s28 =	sshll.u32 s30, $0x8  }
0x178: {  	s26 =	sadd.s32 $0x100, s26;
	s29 =	sshll.u32 s30, $0x7;
	s28 =	sand.u32 $0xFFFFF800, s28  }
0x179: {  	s25 =	sadd.s32 $0x80, s25;
	s29 =	sand.u32 $0x380, s29;
	s28 =	sadd.s32 s28, s24  }
0x17a: {  	s26 =	sand.u32 $0x800, s26;
	s25 =	sand.u32 $0x380, s25;
	s28 =	sor.u32 s29, s28  }
0x17b: {  	s25 =	sor.u32 s25, s26;
	s28 =	sshrl.u32 s28, $0x3  }
0x17c: {  	s31 =	sadd.s32 s6, s28;
	s28 =	sadd.s32 $0x1600, s25  }
0x17d: {  	[tilespmem:s28], [sflag:$0x1] =	stream.linear.gather [hbm4b:s31+s5], $0x80, $0x38;
	[tilespmem:$0x9600] =	vst v63  }
0x17e: {  	s25 =	sadd.s32 $0x1A00, s25;
	s26 =	sadd.s32 $0x80, s31  }
0x17f: {  	[tilespmem:s25], [sflag:$0x1] =	stream.linear.gather [hbm4b:s26+s5], $0x80, $0x38;
	[tilespmem:$0x9600] =	vst v63  }
0x180: {  	v37 =	vld [tilespmem:$0x2A0];
	_ =	sdelay $0x1  }
0x181: {  	s25 =	simm.s32 $0x0  }
0x182: {  	v38 =	vmov s25  }
0x183: {  	vm0 =	veq.s32 v38, v0  }
0x184: {  	v38 =	vnsel vm0, $0x0, v37  }
0x185: {  	(xrf0) =	vadd.scan.msk.s32 $0xffff, v38;
	_ =	sdelay $0x5  }
0x186: {  	v38, _, _ =	vpop (xrf0)  }
0x187: {  	(v2sf) =	vpush v38, $0xF  }
0x188: {  	s0 =	simm.s32 $0x1  }
0x189: {  	v59 =	vmov s0  }
0x18a: {  	vm0 =	veq.s32 v59, v0  }
0x18b: {  	s31 =	simm.s32 $0x2;
	v39 =	vnsel vm0, $0x0, v37  }
0x18c: {  	v60 =	vmov s31;
	(xrf0) =	vadd.scan.msk.s32 $0xffff, v39  }
0x18d: {  	vm0 =	veq.s32 v60, v0  }
0x18e: {  	v38 =	vnsel vm0, $0x0, v37  }
0x18f: {  	(xrf0) =	vadd.scan.msk.s32 $0xffff, v38;
	_ =	sdelay $0x2  }
0x190: {  	v61, _, _ =	vpop (xrf0)  }
0x191: {  	(v2sf) =	vpush v61, $0xF;
	_ =	sdelay $0x1  }
0x192: {  	v63, _, _ =	vpop (xrf0)  }
0x193: {  	s30 =	spop (v2sf);
	(v2sf) =	vpush v63, $0xF;
	_ =	sdelay $0x2  }
0x194: {  	s0 =	simm.s32 $0x3  }
0x195: {  	v62 =	vmov s0;
	s28 =	simm.s32 $0x4;
	s31 =	sshll.u32 s30, $0x8  }
0x196: {  	s26 =	simm.s32 $0x0;
	vm0 =	veq.s32 v62, v0;
	s30 =	sshll.u32 s30, $0x7;
	s29 =	sand.u32 $0xFFFFF800, s31  }
.LBB2_7:
0x197: {  	p0 =	sne.s32 s28, $0xF;
	v38 =	vnsel vm0, $0x0, v37;
	s29 =	sadd.s32 s29, s24;
	s30 =	sand.u32 $0x380, s30  }
0x198: {  	s31 =	sand.u32 $0x800, s26;
	(xrf0) =	vadd.scan.msk.s32 $0xffff, v38;
	s29 =	sor.u32 s30, s29;
	s30 =	sand.u32 $0x380, s25  }
0x199: {  	s29 =	sshrl.u32 s29, $0x3;
	s30 =	sor.u32 s30, s31  }
0x19a: {  	s29 =	sadd.s32 s6, s29;
	s31 =	sadd.s32 $0x2600, s30  }
0x19b: {  	[tilespmem:s31], [sflag:$0x1] =	stream.linear.gather [hbm4b:s29+s5], $0x80, $0x38;
	[tilespmem:$0x9600] =	vst v63  }
.Ltmp2:
0x19c: {  	_ = 	snop;
	(pc) =	sbr.rel @p0 .LBB2_7-.Ltmp2, $4  }
0x19d: {  	s30 =	sadd.s32 $0x2A00, s30;
	s29 =	sadd.s32 $0x80, s29;
	s31 =	spop (v2sf)  }
0x19e: {  	[tilespmem:s30], [sflag:$0x1] =	stream.linear.gather [hbm4b:s29+s5], $0x80, $0x38;
	[tilespmem:$0x9600] =	vst v63  }
0x19f: {  	s26 =	sadd.s32 $0x100, s26;
	v38 =	vmov s28;
	s25 =	sadd.s32 $0x80, s25;
	s29 =	sshll.u32 s31, $0x8;
	v39, _, _ =	vpop (xrf0)  }
0x1a0: {  	s28 =	sadd.s32 $0x1, s28;
	vm0 =	veq.s32 v38, v0;
	s30 =	sshll.u32 s31, $0x7;
	s29 =	sand.u32 $0xFFFFF800, s29;
	(v2sf) =	vpush v39, $0xF  }
0x1a1: {  	v37 =	vnsel vm0, $0x0, v37;
	s28 =	sadd.s32 s29, s24;
	s29 =	sand.u32 $0x380, s30  }
0x1a2: {  	s30 =	sand.u32 $0x800, s26;
	(xrf0) =	vadd.scan.msk.s32 $0xffff, v37;
	s28 =	sor.u32 s29, s28;
	s29 =	sand.u32 $0x380, s25  }
0x1a3: {  	s28 =	sshrl.u32 s28, $0x3;
	s29 =	sor.u32 s29, s30  }
0x1a4: {  	s28 =	sadd.s32 s6, s28;
	s30 =	sadd.s32 $0x2600, s29  }
0x1a5: {  	[tilespmem:s30], [sflag:$0x1] =	stream.linear.gather [hbm4b:s28+s5], $0x80, $0x38;
	[tilespmem:$0x9600] =	vst v63  }
0x1a6: {  	s29 =	sadd.s32 $0x2A00, s29;
	s30 =	spop (v2sf);
	s28 =	sadd.s32 $0x80, s28  }
0x1a7: {  	[tilespmem:s29], [sflag:$0x1] =	stream.linear.gather [hbm4b:s28+s5], $0x80, $0x38;
	[tilespmem:$0x9600] =	vst v63  }
0x1a8: {  	s28 =	sshll.u32 s30, $0x8;
	v37, _, _ =	vpop (xrf0)  }
0x1a9: {  	s31 =	sadd.s32 $0x80, s25;
	s29 =	sshll.u32 s30, $0x7;
	s28 =	sand.u32 $0xFFFFF800, s28;
	(v2sf) =	vpush v37, $0xF  }
0x1aa: {  	s0 =	sadd.s32 $0x100, s26;
	s29 =	sand.u32 $0x380, s29;
	s28 =	sadd.s32 s28, s24  }
0x1ab: {  	s30 =	sand.u32 $0x800, s0;
	s28 =	sor.u32 s29, s28;
	s29 =	sand.u32 $0x380, s31  }
0x1ac: {  	s28 =	sshrl.u32 s28, $0x3;
	s29 =	sor.u32 s29, s30  }
0x1ad: {  	s28 =	sadd.s32 s6, s28;
	s30 =	sadd.s32 $0x2600, s29  }
0x1ae: {  	[tilespmem:s30], [sflag:$0x1] =	stream.linear.gather [hbm4b:s28+s5], $0x80, $0x38;
	[tilespmem:$0x9600] =	vst v63  }
0x1af: {  	s29 =	sadd.s32 $0x2A00, s29;
	s28 =	sadd.s32 $0x80, s28;
	s30 =	spop (v2sf)  }
0x1b0: {  	[tilespmem:s29], [sflag:$0x1] =	stream.linear.gather [hbm4b:s28+s5], $0x80, $0x38;
	[tilespmem:$0x9600] =	vst v63  }
0x1b1: {  	s28 =	sshll.u32 s30, $0x8  }
0x1b2: {  	s25 =	sadd.s32 $0x80, s31;
	s29 =	sshll.u32 s30, $0x7;
	s28 =	sand.u32 $0xFFFFF800, s28  }
0x1b3: {  	s26 =	sadd.s32 $0x100, s0;
	s29 =	sand.u32 $0x380, s29;
	s28 =	sadd.s32 s28, s24  }
0x1b4: {  	s30 =	sand.u32 $0x800, s26;
	s28 =	sor.u32 s29, s28;
	s29 =	sand.u32 $0x380, s25  }
0x1b5: {  	s28 =	sshrl.u32 s28, $0x3;
	s29 =	sor.u32 s29, s30  }
0x1b6: {  	s28 =	sadd.s32 s6, s28;
	s30 =	sadd.s32 $0x2600, s29  }
0x1b7: {  	[tilespmem:s30], [sflag:$0x1] =	stream.linear.gather [hbm4b:s28+s5], $0x80, $0x38;
	[tilespmem:$0x9600] =	vst v63  }
0x1b8: {  	s29 =	sadd.s32 $0x2A00, s29;
	s28 =	sadd.s32 $0x80, s28;
	s30 =	spop (v2sf)  }
0x1b9: {  	[tilespmem:s29], [sflag:$0x1] =	stream.linear.gather [hbm4b:s28+s5], $0x80, $0x38;
	[tilespmem:$0x9600] =	vst v63  }
0x1ba: {  	s28 =	sshll.u32 s30, $0x8  }
0x1bb: {  	s26 =	sadd.s32 $0x100, s26;
	s29 =	sshll.u32 s30, $0x7;
	s28 =	sand.u32 $0xFFFFF800, s28  }
0x1bc: {  	s25 =	sadd.s32 $0x80, s25;
	s29 =	sand.u32 $0x380, s29;
	s28 =	sadd.s32 s28, s24  }
0x1bd: {  	s26 =	sand.u32 $0x800, s26;
	s25 =	sand.u32 $0x380, s25;
	s28 =	sor.u32 s29, s28  }
0x1be: {  	s25 =	sor.u32 s25, s26;
	s28 =	sshrl.u32 s28, $0x3  }
0x1bf: {  	s31 =	sadd.s32 s6, s28;
	s28 =	sadd.s32 $0x2600, s25  }
0x1c0: {  	[tilespmem:s28], [sflag:$0x1] =	stream.linear.gather [hbm4b:s31+s5], $0x80, $0x38;
	[tilespmem:$0x9600] =	vst v63  }
0x1c1: {  	s25 =	sadd.s32 $0x2A00, s25;
	s26 =	sadd.s32 $0x80, s31  }
0x1c2: {  	[tilespmem:s25], [sflag:$0x1] =	stream.linear.gather [hbm4b:s26+s5], $0x80, $0x38;
	[tilespmem:$0x9600] =	vst v63  }
0x1c3: {  	v37 =	vld [tilespmem:$0x2B0];
	_ =	sdelay $0x1  }
0x1c4: {  	s25 =	simm.s32 $0x0  }
0x1c5: {  	v38 =	vmov s25  }
0x1c6: {  	vm0 =	veq.s32 v38, v0  }
0x1c7: {  	v38 =	vnsel vm0, $0x0, v37  }
0x1c8: {  	(xrf0) =	vadd.scan.msk.s32 $0xffff, v38;
	_ =	sdelay $0x5  }
0x1c9: {  	v38, _, _ =	vpop (xrf0)  }
0x1ca: {  	(v2sf) =	vpush v38, $0xF  }
0x1cb: {  	s0 =	simm.s32 $0x1  }
0x1cc: {  	v59 =	vmov s0  }
0x1cd: {  	vm0 =	veq.s32 v59, v0  }
0x1ce: {  	s31 =	simm.s32 $0x2;
	v39 =	vnsel vm0, $0x0, v37  }
0x1cf: {  	v60 =	vmov s31;
	(xrf0) =	vadd.scan.msk.s32 $0xffff, v39  }
0x1d0: {  	vm0 =	veq.s32 v60, v0  }
0x1d1: {  	v38 =	vnsel vm0, $0x0, v37  }
0x1d2: {  	(xrf0) =	vadd.scan.msk.s32 $0xffff, v38;
	_ =	sdelay $0x2  }
0x1d3: {  	v61, _, _ =	vpop (xrf0)  }
0x1d4: {  	(v2sf) =	vpush v61, $0xF;
	_ =	sdelay $0x1  }
0x1d5: {  	v63, _, _ =	vpop (xrf0)  }
0x1d6: {  	s30 =	spop (v2sf);
	(v2sf) =	vpush v63, $0xF;
	_ =	sdelay $0x2  }
0x1d7: {  	s0 =	simm.s32 $0x3  }
0x1d8: {  	v62 =	vmov s0;
	s28 =	simm.s32 $0x4;
	s31 =	sshll.u32 s30, $0x8  }
0x1d9: {  	s26 =	simm.s32 $0x0;
	vm0 =	veq.s32 v62, v0;
	s30 =	sshll.u32 s30, $0x7;
	s29 =	sand.u32 $0xFFFFF800, s31  }
.LBB2_9:
0x1da: {  	p0 =	sne.s32 s28, $0xF;
	v38 =	vnsel vm0, $0x0, v37;
	s29 =	sadd.s32 s29, s24;
	s30 =	sand.u32 $0x380, s30  }
0x1db: {  	s31 =	sand.u32 $0x800, s26;
	(xrf0) =	vadd.scan.msk.s32 $0xffff, v38;
	s29 =	sor.u32 s30, s29;
	s30 =	sand.u32 $0x380, s25  }
0x1dc: {  	s29 =	sshrl.u32 s29, $0x3;
	s30 =	sor.u32 s30, s31  }
0x1dd: {  	s29 =	sadd.s32 s6, s29;
	s31 =	sadd.s32 $0x3600, s30  }
0x1de: {  	[tilespmem:s31], [sflag:$0x1] =	stream.linear.gather [hbm4b:s29+s5], $0x80, $0x38;
	[tilespmem:$0x9600] =	vst v63  }
.Ltmp3:
0x1df: {  	_ = 	snop;
	(pc) =	sbr.rel @p0 .LBB2_9-.Ltmp3, $4  }
0x1e0: {  	s30 =	sadd.s32 $0x3A00, s30;
	s29 =	sadd.s32 $0x80, s29;
	s31 =	spop (v2sf)  }
0x1e1: {  	[tilespmem:s30], [sflag:$0x1] =	stream.linear.gather [hbm4b:s29+s5], $0x80, $0x38;
	[tilespmem:$0x9600] =	vst v63  }
0x1e2: {  	s26 =	sadd.s32 $0x100, s26;
	v38 =	vmov s28;
	s25 =	sadd.s32 $0x80, s25;
	s29 =	sshll.u32 s31, $0x8;
	v39, _, _ =	vpop (xrf0)  }
0x1e3: {  	s28 =	sadd.s32 $0x1, s28;
	vm0 =	veq.s32 v38, v0;
	s30 =	sshll.u32 s31, $0x7;
	s29 =	sand.u32 $0xFFFFF800, s29;
	(v2sf) =	vpush v39, $0xF  }
0x1e4: {  	v37 =	vnsel vm0, $0x0, v37;
	s28 =	sadd.s32 s29, s24;
	s29 =	sand.u32 $0x380, s30  }
0x1e5: {  	s30 =	sand.u32 $0x800, s26;
	(xrf0) =	vadd.scan.msk.s32 $0xffff, v37;
	s28 =	sor.u32 s29, s28;
	s29 =	sand.u32 $0x380, s25  }
0x1e6: {  	s28 =	sshrl.u32 s28, $0x3;
	s29 =	sor.u32 s29, s30  }
0x1e7: {  	s28 =	sadd.s32 s6, s28;
	s30 =	sadd.s32 $0x3600, s29  }
0x1e8: {  	[tilespmem:s30], [sflag:$0x1] =	stream.linear.gather [hbm4b:s28+s5], $0x80, $0x38;
	[tilespmem:$0x9600] =	vst v63  }
0x1e9: {  	s29 =	sadd.s32 $0x3A00, s29;
	s30 =	spop (v2sf);
	s28 =	sadd.s32 $0x80, s28  }
0x1ea: {  	[tilespmem:s29], [sflag:$0x1] =	stream.linear.gather [hbm4b:s28+s5], $0x80, $0x38;
	[tilespmem:$0x9600] =	vst v63  }
0x1eb: {  	s28 =	sshll.u32 s30, $0x8;
	v37, _, _ =	vpop (xrf0)  }
0x1ec: {  	s31 =	sadd.s32 $0x80, s25;
	s29 =	sshll.u32 s30, $0x7;
	s28 =	sand.u32 $0xFFFFF800, s28;
	(v2sf) =	vpush v37, $0xF  }
0x1ed: {  	s0 =	sadd.s32 $0x100, s26;
	s29 =	sand.u32 $0x380, s29;
	s28 =	sadd.s32 s28, s24  }
0x1ee: {  	s30 =	sand.u32 $0x800, s0;
	s28 =	sor.u32 s29, s28;
	s29 =	sand.u32 $0x380, s31  }
0x1ef: {  	s28 =	sshrl.u32 s28, $0x3;
	s29 =	sor.u32 s29, s30  }
0x1f0: {  	s28 =	sadd.s32 s6, s28;
	s30 =	sadd.s32 $0x3600, s29  }
0x1f1: {  	[tilespmem:s30], [sflag:$0x1] =	stream.linear.gather [hbm4b:s28+s5], $0x80, $0x38;
	[tilespmem:$0x9600] =	vst v63  }
0x1f2: {  	s29 =	sadd.s32 $0x3A00, s29;
	s28 =	sadd.s32 $0x80, s28;
	s30 =	spop (v2sf)  }
0x1f3: {  	[tilespmem:s29], [sflag:$0x1] =	stream.linear.gather [hbm4b:s28+s5], $0x80, $0x38;
	[tilespmem:$0x9600] =	vst v63  }
0x1f4: {  	s28 =	sshll.u32 s30, $0x8  }
0x1f5: {  	s25 =	sadd.s32 $0x80, s31;
	s29 =	sshll.u32 s30, $0x7;
	s28 =	sand.u32 $0xFFFFF800, s28  }
0x1f6: {  	s26 =	sadd.s32 $0x100, s0;
	s29 =	sand.u32 $0x380, s29;
	s28 =	sadd.s32 s28, s24  }
0x1f7: {  	s30 =	sand.u32 $0x800, s26;
	s28 =	sor.u32 s29, s28;
	s29 =	sand.u32 $0x380, s25  }
0x1f8: {  	s28 =	sshrl.u32 s28, $0x3;
	s29 =	sor.u32 s29, s30  }
0x1f9: {  	s28 =	sadd.s32 s6, s28;
	s30 =	sadd.s32 $0x3600, s29  }
0x1fa: {  	[tilespmem:s30], [sflag:$0x1] =	stream.linear.gather [hbm4b:s28+s5], $0x80, $0x38;
	[tilespmem:$0x9600] =	vst v63  }
0x1fb: {  	s29 =	sadd.s32 $0x3A00, s29;
	s28 =	sadd.s32 $0x80, s28;
	s30 =	spop (v2sf)  }
0x1fc: {  	[tilespmem:s29], [sflag:$0x1] =	stream.linear.gather [hbm4b:s28+s5], $0x80, $0x38;
	[tilespmem:$0x9600] =	vst v63  }
0x1fd: {  	s28 =	sshll.u32 s30, $0x8  }
0x1fe: {  	s26 =	sadd.s32 $0x100, s26;
	s29 =	sshll.u32 s30, $0x7;
	s28 =	sand.u32 $0xFFFFF800, s28  }
0x1ff: {  	s25 =	sadd.s32 $0x80, s25;
	s29 =	sand.u32 $0x380, s29;
	s28 =	sadd.s32 s28, s24  }
0x200: {  	s26 =	sand.u32 $0x800, s26;
	s25 =	sand.u32 $0x380, s25;
	s28 =	sor.u32 s29, s28  }
0x201: {  	s25 =	sor.u32 s25, s26;
	s28 =	sshrl.u32 s28, $0x3  }
0x202: {  	s31 =	sadd.s32 s6, s28;
	s28 =	sadd.s32 $0x3600, s25  }
0x203: {  	[tilespmem:s28], [sflag:$0x1] =	stream.linear.gather [hbm4b:s31+s5], $0x80, $0x38;
	[tilespmem:$0x9600] =	vst v63  }
0x204: {  	s25 =	sadd.s32 $0x3A00, s25;
	s26 =	sadd.s32 $0x80, s31  }
0x205: {  	[tilespmem:s25], [sflag:$0x1] =	stream.linear.gather [hbm4b:s26+s5], $0x80, $0x38;
	[tilespmem:$0x9600] =	vst v63  }
0x206: {  	v37 =	vld [tilespmem:$0x2C0];
	_ =	sdelay $0x1  }
0x207: {  	s25 =	simm.s32 $0x0  }
0x208: {  	v38 =	vmov s25  }
0x209: {  	vm0 =	veq.s32 v38, v0  }
0x20a: {  	v38 =	vnsel vm0, $0x0, v37  }
0x20b: {  	(xrf0) =	vadd.scan.msk.s32 $0xffff, v38;
	_ =	sdelay $0x5  }
0x20c: {  	v38, _, _ =	vpop (xrf0)  }
0x20d: {  	(v2sf) =	vpush v38, $0xF  }
0x20e: {  	s0 =	simm.s32 $0x1  }
0x20f: {  	v59 =	vmov s0  }
0x210: {  	vm0 =	veq.s32 v59, v0  }
0x211: {  	s31 =	simm.s32 $0x2;
	v39 =	vnsel vm0, $0x0, v37  }
0x212: {  	v60 =	vmov s31;
	(xrf0) =	vadd.scan.msk.s32 $0xffff, v39  }
0x213: {  	vm0 =	veq.s32 v60, v0  }
0x214: {  	v38 =	vnsel vm0, $0x0, v37  }
0x215: {  	(xrf0) =	vadd.scan.msk.s32 $0xffff, v38;
	_ =	sdelay $0x2  }
0x216: {  	v61, _, _ =	vpop (xrf0)  }
0x217: {  	(v2sf) =	vpush v61, $0xF;
	_ =	sdelay $0x1  }
0x218: {  	v63, _, _ =	vpop (xrf0)  }
0x219: {  	s30 =	spop (v2sf);
	(v2sf) =	vpush v63, $0xF;
	_ =	sdelay $0x2  }
0x21a: {  	s0 =	simm.s32 $0x3  }
0x21b: {  	v62 =	vmov s0;
	s28 =	simm.s32 $0x4;
	s31 =	sshll.u32 s30, $0x8  }
0x21c: {  	s26 =	simm.s32 $0x0;
	vm0 =	veq.s32 v62, v0;
	s30 =	sshll.u32 s30, $0x7;
	s29 =	sand.u32 $0xFFFFF800, s31  }
.LBB2_11:
0x21d: {  	p0 =	sne.s32 s28, $0xF;
	v38 =	vnsel vm0, $0x0, v37;
	s29 =	sadd.s32 s29, s24;
	s30 =	sand.u32 $0x380, s30  }
0x21e: {  	s31 =	sand.u32 $0x800, s26;
	(xrf0) =	vadd.scan.msk.s32 $0xffff, v38;
	s29 =	sor.u32 s30, s29;
	s30 =	sand.u32 $0x380, s25  }
0x21f: {  	s29 =	sshrl.u32 s29, $0x3;
	s30 =	sor.u32 s30, s31  }
0x220: {  	s29 =	sadd.s32 s6, s29;
	s31 =	sadd.s32 $0x4600, s30  }
0x221: {  	[tilespmem:s31], [sflag:$0x1] =	stream.linear.gather [hbm4b:s29+s5], $0x80, $0x38;
	[tilespmem:$0x9600] =	vst v63  }
.Ltmp4:
0x222: {  	_ = 	snop;
	(pc) =	sbr.rel @p0 .LBB2_11-.Ltmp4, $4  }
0x223: {  	s30 =	sadd.s32 $0x4A00, s30;
	s29 =	sadd.s32 $0x80, s29;
	s31 =	spop (v2sf)  }
0x224: {  	[tilespmem:s30], [sflag:$0x1] =	stream.linear.gather [hbm4b:s29+s5], $0x80, $0x38;
	[tilespmem:$0x9600] =	vst v63  }
0x225: {  	s26 =	sadd.s32 $0x100, s26;
	v38 =	vmov s28;
	s25 =	sadd.s32 $0x80, s25;
	s29 =	sshll.u32 s31, $0x8;
	v39, _, _ =	vpop (xrf0)  }
0x226: {  	s28 =	sadd.s32 $0x1, s28;
	vm0 =	veq.s32 v38, v0;
	s30 =	sshll.u32 s31, $0x7;
	s29 =	sand.u32 $0xFFFFF800, s29;
	(v2sf) =	vpush v39, $0xF  }
0x227: {  	v37 =	vnsel vm0, $0x0, v37;
	s28 =	sadd.s32 s29, s24;
	s29 =	sand.u32 $0x380, s30  }
0x228: {  	s30 =	sand.u32 $0x800, s26;
	(xrf0) =	vadd.scan.msk.s32 $0xffff, v37;
	s28 =	sor.u32 s29, s28;
	s29 =	sand.u32 $0x380, s25  }
0x229: {  	s28 =	sshrl.u32 s28, $0x3;
	s29 =	sor.u32 s29, s30  }
0x22a: {  	s28 =	sadd.s32 s6, s28;
	s30 =	sadd.s32 $0x4600, s29  }
0x22b: {  	[tilespmem:s30], [sflag:$0x1] =	stream.linear.gather [hbm4b:s28+s5], $0x80, $0x38;
	[tilespmem:$0x9600] =	vst v63  }
0x22c: {  	s29 =	sadd.s32 $0x4A00, s29;
	s30 =	spop (v2sf);
	s28 =	sadd.s32 $0x80, s28  }
0x22d: {  	[tilespmem:s29], [sflag:$0x1] =	stream.linear.gather [hbm4b:s28+s5], $0x80, $0x38;
	[tilespmem:$0x9600] =	vst v63  }
0x22e: {  	s28 =	sshll.u32 s30, $0x8;
	v37, _, _ =	vpop (xrf0)  }
0x22f: {  	s31 =	sadd.s32 $0x80, s25;
	s29 =	sshll.u32 s30, $0x7;
	s28 =	sand.u32 $0xFFFFF800, s28;
	(v2sf) =	vpush v37, $0xF  }
0x230: {  	s0 =	sadd.s32 $0x100, s26;
	s29 =	sand.u32 $0x380, s29;
	s28 =	sadd.s32 s28, s24  }
0x231: {  	s30 =	sand.u32 $0x800, s0;
	s28 =	sor.u32 s29, s28;
	s29 =	sand.u32 $0x380, s31  }
0x232: {  	s28 =	sshrl.u32 s28, $0x3;
	s29 =	sor.u32 s29, s30  }
0x233: {  	s28 =	sadd.s32 s6, s28;
	s30 =	sadd.s32 $0x4600, s29  }
0x234: {  	[tilespmem:s30], [sflag:$0x1] =	stream.linear.gather [hbm4b:s28+s5], $0x80, $0x38;
	[tilespmem:$0x9600] =	vst v63  }
0x235: {  	s29 =	sadd.s32 $0x4A00, s29;
	s28 =	sadd.s32 $0x80, s28;
	s30 =	spop (v2sf)  }
0x236: {  	[tilespmem:s29], [sflag:$0x1] =	stream.linear.gather [hbm4b:s28+s5], $0x80, $0x38;
	[tilespmem:$0x9600] =	vst v63  }
0x237: {  	s28 =	sshll.u32 s30, $0x8  }
0x238: {  	s25 =	sadd.s32 $0x80, s31;
	s29 =	sshll.u32 s30, $0x7;
	s28 =	sand.u32 $0xFFFFF800, s28  }
0x239: {  	s26 =	sadd.s32 $0x100, s0;
	s29 =	sand.u32 $0x380, s29;
	s28 =	sadd.s32 s28, s24  }
0x23a: {  	s30 =	sand.u32 $0x800, s26;
	s28 =	sor.u32 s29, s28;
	s29 =	sand.u32 $0x380, s25  }
0x23b: {  	s28 =	sshrl.u32 s28, $0x3;
	s29 =	sor.u32 s29, s30  }
0x23c: {  	s28 =	sadd.s32 s6, s28;
	s30 =	sadd.s32 $0x4600, s29  }
0x23d: {  	[tilespmem:s30], [sflag:$0x1] =	stream.linear.gather [hbm4b:s28+s5], $0x80, $0x38;
	[tilespmem:$0x9600] =	vst v63  }
0x23e: {  	s29 =	sadd.s32 $0x4A00, s29;
	s28 =	sadd.s32 $0x80, s28;
	s30 =	spop (v2sf)  }
0x23f: {  	[tilespmem:s29], [sflag:$0x1] =	stream.linear.gather [hbm4b:s28+s5], $0x80, $0x38;
	[tilespmem:$0x9600] =	vst v63  }
0x240: {  	s28 =	sshll.u32 s30, $0x8  }
0x241: {  	s26 =	sadd.s32 $0x100, s26;
	s29 =	sshll.u32 s30, $0x7;
	s28 =	sand.u32 $0xFFFFF800, s28  }
0x242: {  	s25 =	sadd.s32 $0x80, s25;
	s29 =	sand.u32 $0x380, s29;
	s28 =	sadd.s32 s28, s24  }
0x243: {  	s26 =	sand.u32 $0x800, s26;
	s25 =	sand.u32 $0x380, s25;
	s28 =	sor.u32 s29, s28  }
0x244: {  	s25 =	sor.u32 s25, s26;
	s28 =	sshrl.u32 s28, $0x3  }
0x245: {  	s31 =	sadd.s32 s6, s28;
	s28 =	sadd.s32 $0x4600, s25  }
0x246: {  	[tilespmem:s28], [sflag:$0x1] =	stream.linear.gather [hbm4b:s31+s5], $0x80, $0x38;
	[tilespmem:$0x9600] =	vst v63  }
0x247: {  	s25 =	sadd.s32 $0x4A00, s25;
	s26 =	sadd.s32 $0x80, s31  }
0x248: {  	[tilespmem:s25], [sflag:$0x1] =	stream.linear.gather [hbm4b:s26+s5], $0x80, $0x38;
	[tilespmem:$0x9600] =	vst v63  }
0x249: {  	v37 =	vld [tilespmem:$0x2D0];
	_ =	sdelay $0x1  }
0x24a: {  	s25 =	simm.s32 $0x0  }
0x24b: {  	v38 =	vmov s25  }
0x24c: {  	vm0 =	veq.s32 v38, v0  }
0x24d: {  	v38 =	vnsel vm0, $0x0, v37  }
0x24e: {  	(xrf0) =	vadd.scan.msk.s32 $0xffff, v38;
	_ =	sdelay $0x5  }
0x24f: {  	v38, _, _ =	vpop (xrf0)  }
0x250: {  	(v2sf) =	vpush v38, $0xF  }
0x251: {  	s0 =	simm.s32 $0x1  }
0x252: {  	v59 =	vmov s0  }
0x253: {  	vm0 =	veq.s32 v59, v0  }
0x254: {  	s31 =	simm.s32 $0x2;
	v39 =	vnsel vm0, $0x0, v37  }
0x255: {  	v60 =	vmov s31;
	(xrf0) =	vadd.scan.msk.s32 $0xffff, v39  }
0x256: {  	vm0 =	veq.s32 v60, v0  }
0x257: {  	v38 =	vnsel vm0, $0x0, v37  }
0x258: {  	(xrf0) =	vadd.scan.msk.s32 $0xffff, v38;
	_ =	sdelay $0x2  }
0x259: {  	v61, _, _ =	vpop (xrf0)  }
0x25a: {  	(v2sf) =	vpush v61, $0xF;
	_ =	sdelay $0x1  }
0x25b: {  	v63, _, _ =	vpop (xrf0)  }
0x25c: {  	s30 =	spop (v2sf);
	(v2sf) =	vpush v63, $0xF;
	_ =	sdelay $0x2  }
0x25d: {  	s0 =	simm.s32 $0x3  }
0x25e: {  	v62 =	vmov s0;
	s28 =	simm.s32 $0x4;
	s31 =	sshll.u32 s30, $0x8  }
0x25f: {  	s26 =	simm.s32 $0x0;
	vm0 =	veq.s32 v62, v0;
	s30 =	sshll.u32 s30, $0x7;
	s29 =	sand.u32 $0xFFFFF800, s31  }
.LBB2_13:
0x260: {  	p0 =	sne.s32 s28, $0xF;
	v38 =	vnsel vm0, $0x0, v37;
	s29 =	sadd.s32 s29, s24;
	s30 =	sand.u32 $0x380, s30  }
0x261: {  	s31 =	sand.u32 $0x800, s26;
	(xrf0) =	vadd.scan.msk.s32 $0xffff, v38;
	s29 =	sor.u32 s30, s29;
	s30 =	sand.u32 $0x380, s25  }
0x262: {  	s29 =	sshrl.u32 s29, $0x3;
	s30 =	sor.u32 s30, s31  }
0x263: {  	s29 =	sadd.s32 s6, s29;
	s31 =	sadd.s32 $0x5600, s30  }
0x264: {  	[tilespmem:s31], [sflag:$0x1] =	stream.linear.gather [hbm4b:s29+s5], $0x80, $0x38;
	[tilespmem:$0x9600] =	vst v63  }
.Ltmp5:
0x265: {  	_ = 	snop;
	(pc) =	sbr.rel @p0 .LBB2_13-.Ltmp5, $4  }
0x266: {  	s30 =	sadd.s32 $0x5A00, s30;
	s29 =	sadd.s32 $0x80, s29;
	s31 =	spop (v2sf)  }
0x267: {  	[tilespmem:s30], [sflag:$0x1] =	stream.linear.gather [hbm4b:s29+s5], $0x80, $0x38;
	[tilespmem:$0x9600] =	vst v63  }
0x268: {  	s26 =	sadd.s32 $0x100, s26;
	v38 =	vmov s28;
	s25 =	sadd.s32 $0x80, s25;
	s29 =	sshll.u32 s31, $0x8;
	v39, _, _ =	vpop (xrf0)  }
0x269: {  	s28 =	sadd.s32 $0x1, s28;
	vm0 =	veq.s32 v38, v0;
	s30 =	sshll.u32 s31, $0x7;
	s29 =	sand.u32 $0xFFFFF800, s29;
	(v2sf) =	vpush v39, $0xF  }
0x26a: {  	v37 =	vnsel vm0, $0x0, v37;
	s28 =	sadd.s32 s29, s24;
	s29 =	sand.u32 $0x380, s30  }
0x26b: {  	s30 =	sand.u32 $0x800, s26;
	(xrf0) =	vadd.scan.msk.s32 $0xffff, v37;
	s28 =	sor.u32 s29, s28;
	s29 =	sand.u32 $0x380, s25  }
0x26c: {  	s28 =	sshrl.u32 s28, $0x3;
	s29 =	sor.u32 s29, s30  }
0x26d: {  	s28 =	sadd.s32 s6, s28;
	s30 =	sadd.s32 $0x5600, s29  }
0x26e: {  	[tilespmem:s30], [sflag:$0x1] =	stream.linear.gather [hbm4b:s28+s5], $0x80, $0x38;
	[tilespmem:$0x9600] =	vst v63  }
0x26f: {  	s29 =	sadd.s32 $0x5A00, s29;
	s30 =	spop (v2sf);
	s28 =	sadd.s32 $0x80, s28  }
0x270: {  	[tilespmem:s29], [sflag:$0x1] =	stream.linear.gather [hbm4b:s28+s5], $0x80, $0x38;
	[tilespmem:$0x9600] =	vst v63  }
0x271: {  	s28 =	sshll.u32 s30, $0x8;
	v37, _, _ =	vpop (xrf0)  }
0x272: {  	s31 =	sadd.s32 $0x80, s25;
	s29 =	sshll.u32 s30, $0x7;
	s28 =	sand.u32 $0xFFFFF800, s28;
	(v2sf) =	vpush v37, $0xF  }
0x273: {  	s0 =	sadd.s32 $0x100, s26;
	s29 =	sand.u32 $0x380, s29;
	s28 =	sadd.s32 s28, s24  }
0x274: {  	s30 =	sand.u32 $0x800, s0;
	s28 =	sor.u32 s29, s28;
	s29 =	sand.u32 $0x380, s31  }
0x275: {  	s28 =	sshrl.u32 s28, $0x3;
	s29 =	sor.u32 s29, s30  }
0x276: {  	s28 =	sadd.s32 s6, s28;
	s30 =	sadd.s32 $0x5600, s29  }
0x277: {  	[tilespmem:s30], [sflag:$0x1] =	stream.linear.gather [hbm4b:s28+s5], $0x80, $0x38;
	[tilespmem:$0x9600] =	vst v63  }
0x278: {  	s29 =	sadd.s32 $0x5A00, s29;
	s28 =	sadd.s32 $0x80, s28;
	s30 =	spop (v2sf)  }
0x279: {  	[tilespmem:s29], [sflag:$0x1] =	stream.linear.gather [hbm4b:s28+s5], $0x80, $0x38;
	[tilespmem:$0x9600] =	vst v63  }
0x27a: {  	s28 =	sshll.u32 s30, $0x8  }
0x27b: {  	s25 =	sadd.s32 $0x80, s31;
	s29 =	sshll.u32 s30, $0x7;
	s28 =	sand.u32 $0xFFFFF800, s28  }
0x27c: {  	s26 =	sadd.s32 $0x100, s0;
	s29 =	sand.u32 $0x380, s29;
	s28 =	sadd.s32 s28, s24  }
0x27d: {  	s30 =	sand.u32 $0x800, s26;
	s28 =	sor.u32 s29, s28;
	s29 =	sand.u32 $0x380, s25  }
0x27e: {  	s28 =	sshrl.u32 s28, $0x3;
	s29 =	sor.u32 s29, s30  }
0x27f: {  	s28 =	sadd.s32 s6, s28;
	s30 =	sadd.s32 $0x5600, s29  }
0x280: {  	[tilespmem:s30], [sflag:$0x1] =	stream.linear.gather [hbm4b:s28+s5], $0x80, $0x38;
	[tilespmem:$0x9600] =	vst v63  }
0x281: {  	s29 =	sadd.s32 $0x5A00, s29;
	s28 =	sadd.s32 $0x80, s28;
	s30 =	spop (v2sf)  }
0x282: {  	[tilespmem:s29], [sflag:$0x1] =	stream.linear.gather [hbm4b:s28+s5], $0x80, $0x38;
	[tilespmem:$0x9600] =	vst v63  }
0x283: {  	s28 =	sshll.u32 s30, $0x8  }
0x284: {  	s26 =	sadd.s32 $0x100, s26;
	s29 =	sshll.u32 s30, $0x7;
	s28 =	sand.u32 $0xFFFFF800, s28  }
0x285: {  	s25 =	sadd.s32 $0x80, s25;
	s29 =	sand.u32 $0x380, s29;
	s28 =	sadd.s32 s28, s24  }
0x286: {  	s26 =	sand.u32 $0x800, s26;
	s25 =	sand.u32 $0x380, s25;
	s28 =	sor.u32 s29, s28  }
0x287: {  	s25 =	sor.u32 s25, s26;
	s28 =	sshrl.u32 s28, $0x3  }
0x288: {  	s31 =	sadd.s32 s6, s28;
	s28 =	sadd.s32 $0x5600, s25  }
0x289: {  	[tilespmem:s28], [sflag:$0x1] =	stream.linear.gather [hbm4b:s31+s5], $0x80, $0x38;
	[tilespmem:$0x9600] =	vst v63  }
0x28a: {  	s25 =	sadd.s32 $0x5A00, s25;
	s26 =	sadd.s32 $0x80, s31  }
0x28b: {  	[tilespmem:s25], [sflag:$0x1] =	stream.linear.gather [hbm4b:s26+s5], $0x80, $0x38;
	[tilespmem:$0x9600] =	vst v63  }
0x28c: {  	v37 =	vld [tilespmem:$0x2E0];
	_ =	sdelay $0x1  }
0x28d: {  	s25 =	simm.s32 $0x0  }
0x28e: {  	v38 =	vmov s25  }
0x28f: {  	vm0 =	veq.s32 v38, v0  }
0x290: {  	v38 =	vnsel vm0, $0x0, v37  }
0x291: {  	(xrf0) =	vadd.scan.msk.s32 $0xffff, v38;
	_ =	sdelay $0x5  }
0x292: {  	v38, _, _ =	vpop (xrf0)  }
0x293: {  	(v2sf) =	vpush v38, $0xF  }
0x294: {  	s0 =	simm.s32 $0x1  }
0x295: {  	v59 =	vmov s0  }
0x296: {  	vm0 =	veq.s32 v59, v0  }
0x297: {  	s31 =	simm.s32 $0x2;
	v39 =	vnsel vm0, $0x0, v37  }
0x298: {  	v60 =	vmov s31;
	(xrf0) =	vadd.scan.msk.s32 $0xffff, v39  }
0x299: {  	vm0 =	veq.s32 v60, v0  }
0x29a: {  	v38 =	vnsel vm0, $0x0, v37  }
0x29b: {  	(xrf0) =	vadd.scan.msk.s32 $0xffff, v38;
	_ =	sdelay $0x2  }
0x29c: {  	v61, _, _ =	vpop (xrf0)  }
0x29d: {  	(v2sf) =	vpush v61, $0xF;
	_ =	sdelay $0x1  }
0x29e: {  	v63, _, _ =	vpop (xrf0)  }
0x29f: {  	s30 =	spop (v2sf);
	(v2sf) =	vpush v63, $0xF;
	_ =	sdelay $0x2  }
0x2a0: {  	s0 =	simm.s32 $0x3  }
0x2a1: {  	v62 =	vmov s0;
	s28 =	simm.s32 $0x4;
	s31 =	sshll.u32 s30, $0x8  }
0x2a2: {  	s26 =	simm.s32 $0x0;
	vm0 =	veq.s32 v62, v0;
	s30 =	sshll.u32 s30, $0x7;
	s29 =	sand.u32 $0xFFFFF800, s31  }
.LBB2_15:
0x2a3: {  	p0 =	sne.s32 s28, $0xF;
	v38 =	vnsel vm0, $0x0, v37;
	s29 =	sadd.s32 s29, s24;
	s30 =	sand.u32 $0x380, s30  }
0x2a4: {  	s31 =	sand.u32 $0x800, s26;
	(xrf0) =	vadd.scan.msk.s32 $0xffff, v38;
	s29 =	sor.u32 s30, s29;
	s30 =	sand.u32 $0x380, s25  }
0x2a5: {  	s29 =	sshrl.u32 s29, $0x3;
	s30 =	sor.u32 s30, s31  }
0x2a6: {  	s29 =	sadd.s32 s6, s29;
	s31 =	sadd.s32 $0x6600, s30  }
0x2a7: {  	[tilespmem:s31], [sflag:$0x1] =	stream.linear.gather [hbm4b:s29+s5], $0x80, $0x38;
	[tilespmem:$0x9600] =	vst v63  }
.Ltmp6:
0x2a8: {  	_ = 	snop;
	(pc) =	sbr.rel @p0 .LBB2_15-.Ltmp6, $4  }
0x2a9: {  	s30 =	sadd.s32 $0x6A00, s30;
	s29 =	sadd.s32 $0x80, s29;
	s31 =	spop (v2sf)  }
0x2aa: {  	[tilespmem:s30], [sflag:$0x1] =	stream.linear.gather [hbm4b:s29+s5], $0x80, $0x38;
	[tilespmem:$0x9600] =	vst v63  }
0x2ab: {  	s26 =	sadd.s32 $0x100, s26;
	v38 =	vmov s28;
	s25 =	sadd.s32 $0x80, s25;
	s29 =	sshll.u32 s31, $0x8;
	v39, _, _ =	vpop (xrf0)  }
0x2ac: {  	s28 =	sadd.s32 $0x1, s28;
	vm0 =	veq.s32 v38, v0;
	s30 =	sshll.u32 s31, $0x7;
	s29 =	sand.u32 $0xFFFFF800, s29;
	(v2sf) =	vpush v39, $0xF  }
0x2ad: {  	v37 =	vnsel vm0, $0x0, v37;
	s28 =	sadd.s32 s29, s24;
	s29 =	sand.u32 $0x380, s30  }
0x2ae: {  	s30 =	sand.u32 $0x800, s26;
	(xrf0) =	vadd.scan.msk.s32 $0xffff, v37;
	s28 =	sor.u32 s29, s28;
	s29 =	sand.u32 $0x380, s25  }
0x2af: {  	s28 =	sshrl.u32 s28, $0x3;
	s29 =	sor.u32 s29, s30  }
0x2b0: {  	s28 =	sadd.s32 s6, s28;
	s30 =	sadd.s32 $0x6600, s29  }
0x2b1: {  	[tilespmem:s30], [sflag:$0x1] =	stream.linear.gather [hbm4b:s28+s5], $0x80, $0x38;
	[tilespmem:$0x9600] =	vst v63  }
0x2b2: {  	s29 =	sadd.s32 $0x6A00, s29;
	s30 =	spop (v2sf);
	s28 =	sadd.s32 $0x80, s28  }
0x2b3: {  	[tilespmem:s29], [sflag:$0x1] =	stream.linear.gather [hbm4b:s28+s5], $0x80, $0x38;
	[tilespmem:$0x9600] =	vst v63  }
0x2b4: {  	s28 =	sshll.u32 s30, $0x8;
	v37, _, _ =	vpop (xrf0)  }
0x2b5: {  	s31 =	sadd.s32 $0x80, s25;
	s29 =	sshll.u32 s30, $0x7;
	s28 =	sand.u32 $0xFFFFF800, s28;
	(v2sf) =	vpush v37, $0xF  }
0x2b6: {  	s0 =	sadd.s32 $0x100, s26;
	s29 =	sand.u32 $0x380, s29;
	s28 =	sadd.s32 s28, s24  }
0x2b7: {  	s30 =	sand.u32 $0x800, s0;
	s28 =	sor.u32 s29, s28;
	s29 =	sand.u32 $0x380, s31  }
0x2b8: {  	s28 =	sshrl.u32 s28, $0x3;
	s29 =	sor.u32 s29, s30  }
0x2b9: {  	s28 =	sadd.s32 s6, s28;
	s30 =	sadd.s32 $0x6600, s29  }
0x2ba: {  	[tilespmem:s30], [sflag:$0x1] =	stream.linear.gather [hbm4b:s28+s5], $0x80, $0x38;
	[tilespmem:$0x9600] =	vst v63  }
0x2bb: {  	s29 =	sadd.s32 $0x6A00, s29;
	s28 =	sadd.s32 $0x80, s28;
	s30 =	spop (v2sf)  }
0x2bc: {  	[tilespmem:s29], [sflag:$0x1] =	stream.linear.gather [hbm4b:s28+s5], $0x80, $0x38;
	[tilespmem:$0x9600] =	vst v63  }
0x2bd: {  	s28 =	sshll.u32 s30, $0x8  }
0x2be: {  	s25 =	sadd.s32 $0x80, s31;
	s29 =	sshll.u32 s30, $0x7;
	s28 =	sand.u32 $0xFFFFF800, s28  }
0x2bf: {  	s26 =	sadd.s32 $0x100, s0;
	s29 =	sand.u32 $0x380, s29;
	s28 =	sadd.s32 s28, s24  }
0x2c0: {  	s30 =	sand.u32 $0x800, s26;
	s28 =	sor.u32 s29, s28;
	s29 =	sand.u32 $0x380, s25  }
0x2c1: {  	s28 =	sshrl.u32 s28, $0x3;
	s29 =	sor.u32 s29, s30  }
0x2c2: {  	s28 =	sadd.s32 s6, s28;
	s30 =	sadd.s32 $0x6600, s29  }
0x2c3: {  	[tilespmem:s30], [sflag:$0x1] =	stream.linear.gather [hbm4b:s28+s5], $0x80, $0x38;
	[tilespmem:$0x9600] =	vst v63  }
0x2c4: {  	s29 =	sadd.s32 $0x6A00, s29;
	s28 =	sadd.s32 $0x80, s28;
	s30 =	spop (v2sf)  }
0x2c5: {  	[tilespmem:s29], [sflag:$0x1] =	stream.linear.gather [hbm4b:s28+s5], $0x80, $0x38;
	[tilespmem:$0x9600] =	vst v63  }
0x2c6: {  	s28 =	sshll.u32 s30, $0x8  }
0x2c7: {  	s26 =	sadd.s32 $0x100, s26;
	s29 =	sshll.u32 s30, $0x7;
	s28 =	sand.u32 $0xFFFFF800, s28  }
0x2c8: {  	s25 =	sadd.s32 $0x80, s25;
	s29 =	sand.u32 $0x380, s29;
	s28 =	sadd.s32 s28, s24  }
0x2c9: {  	s26 =	sand.u32 $0x800, s26;
	s25 =	sand.u32 $0x380, s25;
	s28 =	sor.u32 s29, s28  }
0x2ca: {  	s25 =	sor.u32 s25, s26;
	s28 =	sshrl.u32 s28, $0x3  }
0x2cb: {  	s31 =	sadd.s32 s6, s28;
	s28 =	sadd.s32 $0x6600, s25  }
0x2cc: {  	[tilespmem:s28], [sflag:$0x1] =	stream.linear.gather [hbm4b:s31+s5], $0x80, $0x38;
	[tilespmem:$0x9600] =	vst v63  }
0x2cd: {  	s25 =	sadd.s32 $0x6A00, s25;
	s26 =	sadd.s32 $0x80, s31  }
0x2ce: {  	[tilespmem:s25], [sflag:$0x1] =	stream.linear.gather [hbm4b:s26+s5], $0x80, $0x38;
	[tilespmem:$0x9600] =	vst v63  }
0x2cf: {  	v37 =	vld [tilespmem:$0x2F0];
	_ =	sdelay $0x1  }
0x2d0: {  	s25 =	simm.s32 $0x0  }
0x2d1: {  	v38 =	vmov s25  }
0x2d2: {  	vm0 =	veq.s32 v38, v0  }
0x2d3: {  	v38 =	vnsel vm0, $0x0, v37  }
0x2d4: {  	(xrf0) =	vadd.scan.msk.s32 $0xffff, v38;
	_ =	sdelay $0x5  }
0x2d5: {  	v38, _, _ =	vpop (xrf0)  }
0x2d6: {  	(v2sf) =	vpush v38, $0xF  }
0x2d7: {  	s0 =	simm.s32 $0x1  }
0x2d8: {  	v59 =	vmov s0  }
0x2d9: {  	vm0 =	veq.s32 v59, v0  }
0x2da: {  	s31 =	simm.s32 $0x2;
	v39 =	vnsel vm0, $0x0, v37  }
0x2db: {  	v60 =	vmov s31;
	(xrf0) =	vadd.scan.msk.s32 $0xffff, v39  }
0x2dc: {  	vm0 =	veq.s32 v60, v0  }
0x2dd: {  	v38 =	vnsel vm0, $0x0, v37  }
0x2de: {  	(xrf0) =	vadd.scan.msk.s32 $0xffff, v38;
	_ =	sdelay $0x2  }
0x2df: {  	v61, _, _ =	vpop (xrf0)  }
0x2e0: {  	(v2sf) =	vpush v61, $0xF;
	_ =	sdelay $0x1  }
0x2e1: {  	v63, _, _ =	vpop (xrf0)  }
0x2e2: {  	s30 =	spop (v2sf);
	(v2sf) =	vpush v63, $0xF;
	_ =	sdelay $0x2  }
0x2e3: {  	s0 =	simm.s32 $0x3  }
0x2e4: {  	v62 =	vmov s0;
	s28 =	simm.s32 $0x4;
	s31 =	sshll.u32 s30, $0x8  }
0x2e5: {  	s26 =	simm.s32 $0x0;
	vm0 =	veq.s32 v62, v0;
	s30 =	sshll.u32 s30, $0x7;
	s29 =	sand.u32 $0xFFFFF800, s31  }
.LBB2_17:
0x2e6: {  	p0 =	sne.s32 s28, $0xF;
	v38 =	vnsel vm0, $0x0, v37;
	s29 =	sadd.s32 s29, s24;
	s30 =	sand.u32 $0x380, s30  }
0x2e7: {  	s31 =	sand.u32 $0x800, s26;
	(xrf0) =	vadd.scan.msk.s32 $0xffff, v38;
	s29 =	sor.u32 s30, s29;
	s30 =	sand.u32 $0x380, s25  }
0x2e8: {  	s29 =	sshrl.u32 s29, $0x3;
	s30 =	sor.u32 s30, s31  }
0x2e9: {  	s29 =	sadd.s32 s6, s29;
	s31 =	sadd.s32 $0x7600, s30  }
0x2ea: {  	[tilespmem:s31], [sflag:$0x1] =	stream.linear.gather [hbm4b:s29+s5], $0x80, $0x38;
	[tilespmem:$0x9600] =	vst v63  }
.Ltmp7:
0x2eb: {  	_ = 	snop;
	(pc) =	sbr.rel @p0 .LBB2_17-.Ltmp7, $4  }
0x2ec: {  	s30 =	sadd.s32 $0x7A00, s30;
	s29 =	sadd.s32 $0x80, s29;
	s31 =	spop (v2sf)  }
0x2ed: {  	[tilespmem:s30], [sflag:$0x1] =	stream.linear.gather [hbm4b:s29+s5], $0x80, $0x38;
	[tilespmem:$0x9600] =	vst v63  }
0x2ee: {  	s26 =	sadd.s32 $0x100, s26;
	v38 =	vmov s28;
	s25 =	sadd.s32 $0x80, s25;
	s29 =	sshll.u32 s31, $0x8;
	v39, _, _ =	vpop (xrf0)  }
0x2ef: {  	s28 =	sadd.s32 $0x1, s28;
	vm0 =	veq.s32 v38, v0;
	s30 =	sshll.u32 s31, $0x7;
	s29 =	sand.u32 $0xFFFFF800, s29;
	(v2sf) =	vpush v39, $0xF  }
0x2f0: {  	v37 =	vnsel vm0, $0x0, v37;
	s28 =	sadd.s32 s29, s24;
	s29 =	sand.u32 $0x380, s30  }
0x2f1: {  	s30 =	sand.u32 $0x800, s26;
	(xrf0) =	vadd.scan.msk.s32 $0xffff, v37;
	s28 =	sor.u32 s29, s28;
	s29 =	sand.u32 $0x380, s25  }
0x2f2: {  	s28 =	sshrl.u32 s28, $0x3;
	s29 =	sor.u32 s29, s30  }
0x2f3: {  	s28 =	sadd.s32 s6, s28;
	s30 =	sadd.s32 $0x7600, s29  }
0x2f4: {  	[tilespmem:s30], [sflag:$0x1] =	stream.linear.gather [hbm4b:s28+s5], $0x80, $0x38;
	[tilespmem:$0x9600] =	vst v63  }
0x2f5: {  	s29 =	sadd.s32 $0x7A00, s29;
	s30 =	spop (v2sf);
	s28 =	sadd.s32 $0x80, s28  }
0x2f6: {  	[tilespmem:s29], [sflag:$0x1] =	stream.linear.gather [hbm4b:s28+s5], $0x80, $0x38;
	[tilespmem:$0x9600] =	vst v63  }
0x2f7: {  	s28 =	sshll.u32 s30, $0x8;
	v37, _, _ =	vpop (xrf0)  }
0x2f8: {  	s31 =	sadd.s32 $0x80, s25;
	s29 =	sshll.u32 s30, $0x7;
	s28 =	sand.u32 $0xFFFFF800, s28;
	(v2sf) =	vpush v37, $0xF  }
0x2f9: {  	s0 =	sadd.s32 $0x100, s26;
	s29 =	sand.u32 $0x380, s29;
	s28 =	sadd.s32 s28, s24  }
0x2fa: {  	s30 =	sand.u32 $0x800, s0;
	s28 =	sor.u32 s29, s28;
	s29 =	sand.u32 $0x380, s31  }
0x2fb: {  	s28 =	sshrl.u32 s28, $0x3;
	s29 =	sor.u32 s29, s30  }
0x2fc: {  	s28 =	sadd.s32 s6, s28;
	s30 =	sadd.s32 $0x7600, s29  }
0x2fd: {  	[tilespmem:s30], [sflag:$0x1] =	stream.linear.gather [hbm4b:s28+s5], $0x80, $0x38;
	[tilespmem:$0x9600] =	vst v63  }
0x2fe: {  	s29 =	sadd.s32 $0x7A00, s29;
	s28 =	sadd.s32 $0x80, s28;
	s30 =	spop (v2sf)  }
0x2ff: {  	[tilespmem:s29], [sflag:$0x1] =	stream.linear.gather [hbm4b:s28+s5], $0x80, $0x38;
	[tilespmem:$0x9600] =	vst v63  }
0x300: {  	s28 =	sshll.u32 s30, $0x8  }
0x301: {  	s25 =	sadd.s32 $0x80, s31;
	s29 =	sshll.u32 s30, $0x7;
	s28 =	sand.u32 $0xFFFFF800, s28  }
0x302: {  	s26 =	sadd.s32 $0x100, s0;
	s29 =	sand.u32 $0x380, s29;
	s28 =	sadd.s32 s28, s24  }
0x303: {  	s30 =	sand.u32 $0x800, s26;
	s28 =	sor.u32 s29, s28;
	s29 =	sand.u32 $0x380, s25  }
0x304: {  	s28 =	sshrl.u32 s28, $0x3;
	s29 =	sor.u32 s29, s30  }
0x305: {  	s28 =	sadd.s32 s6, s28;
	s30 =	sadd.s32 $0x7600, s29  }
0x306: {  	[tilespmem:s30], [sflag:$0x1] =	stream.linear.gather [hbm4b:s28+s5], $0x80, $0x38;
	[tilespmem:$0x9600] =	vst v63  }
0x307: {  	s29 =	sadd.s32 $0x7A00, s29;
	s28 =	sadd.s32 $0x80, s28;
	s30 =	spop (v2sf)  }
0x308: {  	[tilespmem:s29], [sflag:$0x1] =	stream.linear.gather [hbm4b:s28+s5], $0x80, $0x38;
	[tilespmem:$0x9600] =	vst v63  }
0x309: {  	s28 =	sshll.u32 s30, $0x8  }
0x30a: {  	s26 =	sadd.s32 $0x100, s26;
	s29 =	sshll.u32 s30, $0x7;
	s28 =	sand.u32 $0xFFFFF800, s28  }
0x30b: {  	s25 =	sadd.s32 $0x80, s25;
	s29 =	sand.u32 $0x380, s29;
	s28 =	sadd.s32 s28, s24  }
0x30c: {  	s26 =	sand.u32 $0x800, s26;
	s25 =	sand.u32 $0x380, s25;
	s28 =	sor.u32 s29, s28  }
0x30d: {  	s25 =	sor.u32 s25, s26;
	s28 =	sshrl.u32 s28, $0x3  }
0x30e: {  	s31 =	sadd.s32 s6, s28;
	s28 =	sadd.s32 $0x7600, s25  }
0x30f: {  	[tilespmem:s28], [sflag:$0x1] =	stream.linear.gather [hbm4b:s31+s5], $0x80, $0x38;
	[tilespmem:$0x9600] =	vst v63  }
0x310: {  	s25 =	sadd.s32 $0x7A00, s25;
	s26 =	sadd.s32 $0x80, s31  }
0x311: {  	[tilespmem:s25], [sflag:$0x1] =	stream.linear.gather [hbm4b:s26+s5], $0x80, $0x38;
	[tilespmem:$0x9600] =	vst v63  }
0x312: {  	v37 =	vld [tilespmem:$0x300];
	_ =	sdelay $0x1  }
0x313: {  	s25 =	simm.s32 $0x0  }
0x314: {  	v38 =	vmov s25  }
0x315: {  	vm0 =	veq.s32 v38, v0  }
0x316: {  	v38 =	vnsel vm0, $0x0, v37  }
0x317: {  	(xrf0) =	vadd.scan.msk.s32 $0xffff, v38;
	_ =	sdelay $0x5  }
0x318: {  	v38, _, _ =	vpop (xrf0)  }
0x319: {  	(v2sf) =	vpush v38, $0xF  }
0x31a: {  	s0 =	simm.s32 $0x1  }
0x31b: {  	v59 =	vmov s0  }
0x31c: {  	vm0 =	veq.s32 v59, v0  }
0x31d: {  	s31 =	simm.s32 $0x2;
	v39 =	vnsel vm0, $0x0, v37  }
0x31e: {  	v60 =	vmov s31;
	(xrf0) =	vadd.scan.msk.s32 $0xffff, v39  }
0x31f: {  	vm0 =	veq.s32 v60, v0  }
0x320: {  	v38 =	vnsel vm0, $0x0, v37  }
0x321: {  	(xrf0) =	vadd.scan.msk.s32 $0xffff, v38;
	_ =	sdelay $0x2  }
0x322: {  	v61, _, _ =	vpop (xrf0)  }
0x323: {  	(v2sf) =	vpush v61, $0xF;
	_ =	sdelay $0x1  }
0x324: {  	v63, _, _ =	vpop (xrf0)  }
0x325: {  	s30 =	spop (v2sf);
	(v2sf) =	vpush v63, $0xF;
	_ =	sdelay $0x2  }
0x326: {  	s0 =	simm.s32 $0x3  }
0x327: {  	v62 =	vmov s0;
	s28 =	simm.s32 $0x4;
	s31 =	sshll.u32 s30, $0x8  }
0x328: {  	s26 =	simm.s32 $0x0;
	vm0 =	veq.s32 v62, v0;
	s30 =	sshll.u32 s30, $0x7;
	s29 =	sand.u32 $0xFFFFF800, s31  }
.LBB2_19:
0x329: {  	p0 =	sne.s32 s28, $0xF;
	v38 =	vnsel vm0, $0x0, v37;
	s29 =	sadd.s32 s29, s24;
	s30 =	sand.u32 $0x380, s30  }
0x32a: {  	s31 =	sand.u32 $0x800, s26;
	(xrf0) =	vadd.scan.msk.s32 $0xffff, v38;
	s29 =	sor.u32 s30, s29;
	s30 =	sand.u32 $0x380, s25  }
0x32b: {  	s29 =	sshrl.u32 s29, $0x3;
	s30 =	sor.u32 s30, s31  }
0x32c: {  	s29 =	sadd.s32 s6, s29;
	s31 =	sadd.s32 $0x8600, s30  }
0x32d: {  	[tilespmem:s31], [sflag:$0x1] =	stream.linear.gather [hbm4b:s29+s5], $0x80, $0x38;
	[tilespmem:$0x9600] =	vst v63  }
.Ltmp8:
0x32e: {  	_ = 	snop;
	(pc) =	sbr.rel @p0 .LBB2_19-.Ltmp8, $4  }
0x32f: {  	s30 =	sadd.s32 $0x8A00, s30;
	s29 =	sadd.s32 $0x80, s29;
	s31 =	spop (v2sf)  }
0x330: {  	[tilespmem:s30], [sflag:$0x1] =	stream.linear.gather [hbm4b:s29+s5], $0x80, $0x38;
	[tilespmem:$0x9600] =	vst v63  }
0x331: {  	s26 =	sadd.s32 $0x100, s26;
	v38 =	vmov s28;
	s25 =	sadd.s32 $0x80, s25;
	s29 =	sshll.u32 s31, $0x8;
	v39, _, _ =	vpop (xrf0)  }
0x332: {  	s28 =	sadd.s32 $0x1, s28;
	vm0 =	veq.s32 v38, v0;
	s30 =	sshll.u32 s31, $0x7;
	s29 =	sand.u32 $0xFFFFF800, s29;
	(v2sf) =	vpush v39, $0xF  }
0x333: {  	v37 =	vnsel vm0, $0x0, v37;
	s28 =	sadd.s32 s29, s24;
	s31 =	sand.u32 $0x380, s30  }
0x334: {  	s0 =	sand.u32 $0x380, s25;
	(xrf0) =	vadd.scan.msk.s32 $0xffff, v37;
	s28 =	sor.u32 s31, s28;
	s31 =	sand.u32 $0x800, s26  }
0x335: {  	s28 =	sshrl.u32 s28, $0x3;
	s29 =	sor.u32 s0, s31  }
0x336: {  	s28 =	sadd.s32 s6, s28;
	s30 =	sadd.s32 $0x8600, s29  }
0x337: {  	[tilespmem:s30], [sflag:$0x1] =	stream.linear.gather [hbm4b:s28+s5], $0x80, $0x38;
	[tilespmem:$0x9600] =	vst v63  }
0x338: {  	s0 =	spop (v2sf);
	s29 =	sadd.s32 $0x8A00, s29;
	s28 =	sadd.s32 $0x80, s28  }
0x339: {  	[tilespmem:s29], [sflag:$0x1] =	stream.linear.gather [hbm4b:s28+s5], $0x80, $0x38;
	[tilespmem:$0x9600] =	vst v63  }
0x33a: {  	s29 =	sshll.u32 s0, $0x8;
	v37, _, _ =	vpop (xrf0)  }
0x33b: {  	s25 =	sadd.s32 $0x80, s25;
	s31 =	sshll.u32 s0, $0x7;
	s28 =	sand.u32 $0xFFFFF800, s29;
	(v2sf) =	vpush v37, $0xF  }
0x33c: {  	s26 =	sadd.s32 $0x100, s26;
	s29 =	sand.u32 $0x380, s31;
	s28 =	sadd.s32 s28, s24  }
0x33d: {  	s0 =	sand.u32 $0x380, s25;
	s31 =	sand.u32 $0x800, s26;
	s28 =	sor.u32 s29, s28  }
0x33e: {  	s29 =	sor.u32 s0, s31;
	s28 =	sshrl.u32 s28, $0x3  }
0x33f: {  	s30 =	sadd.s32 $0x8600, s29;
	s28 =	sadd.s32 s6, s28  }
0x340: {  	[tilespmem:s30], [sflag:$0x1] =	stream.linear.gather [hbm4b:s28+s5], $0x80, $0x38;
	[tilespmem:$0x9600] =	vst v63  }
0x341: {  	s29 =	sadd.s32 $0x8A00, s29;
	s28 =	sadd.s32 $0x80, s28;
	s0 =	spop (v2sf)  }
0x342: {  	[tilespmem:s29], [sflag:$0x1] =	stream.linear.gather [hbm4b:s28+s5], $0x80, $0x38;
	[tilespmem:$0x9600] =	vst v63  }
0x343: {  	s29 =	sshll.u32 s0, $0x8  }
0x344: {  	s25 =	sadd.s32 $0x80, s25;
	s31 =	sshll.u32 s0, $0x7;
	s28 =	sand.u32 $0xFFFFF800, s29  }
0x345: {  	s26 =	sadd.s32 $0x100, s26;
	s29 =	sand.u32 $0x380, s31;
	s28 =	sadd.s32 s28, s24  }
0x346: {  	s0 =	sand.u32 $0x380, s25;
	s31 =	sand.u32 $0x800, s26;
	s28 =	sor.u32 s29, s28  }
0x347: {  	s29 =	sor.u32 s0, s31;
	s28 =	sshrl.u32 s28, $0x3  }
0x348: {  	s30 =	sadd.s32 $0x8600, s29;
	s28 =	sadd.s32 s6, s28  }
0x349: {  	[tilespmem:s30], [sflag:$0x1] =	stream.linear.gather [hbm4b:s28+s5], $0x80, $0x38;
	[tilespmem:$0x9600] =	vst v63  }
0x34a: {  	s29 =	sadd.s32 $0x8A00, s29;
	s28 =	sadd.s32 $0x80, s28;
	s0 =	spop (v2sf)  }
0x34b: {  	[tilespmem:s29], [sflag:$0x1] =	stream.linear.gather [hbm4b:s28+s5], $0x80, $0x38;
	[tilespmem:$0x9600] =	vst v63  }
0x34c: {  	s31 =	sshll.u32 s0, $0x8  }
0x34d: {  	s25 =	sadd.s32 $0x80, s25;
	s0 =	sshll.u32 s0, $0x7;
	s28 =	sand.u32 $0xFFFFF800, s31  }
0x34e: {  	s26 =	sadd.s32 $0x100, s26;
	s31 =	sand.u32 $0x380, s0;
	s30 =	sadd.s32 s28, s24  }
0x34f: {  	s25 =	sand.u32 $0x380, s25;
	s26 =	sand.u32 $0x800, s26;
	s24 =	sor.u32 s31, s30  }
0x350: {  	s25 =	sor.u32 s25, s26;
	s24 =	sshrl.u32 s24, $0x3  }
0x351: {  	s26 =	sadd.s32 $0x8600, s25;
	s24 =	sadd.s32 s6, s24  }
0x352: {  	[tilespmem:s26], [sflag:$0x1] =	stream.linear.gather [hbm4b:s24+s5], $0x80, $0x38;
	[tilespmem:$0x9600] =	vst v63  }
0x353: {  	s25 =	sadd.s32 $0x8A00, s25;
	s24 =	sadd.s32 $0x80, s24  }
0x354: {  	[tilespmem:s25], [sflag:$0x1] =	stream.linear.gather [hbm4b:s24+s5], $0x80, $0x38;
	[tilespmem:$0x9600] =	vst v63  }
0x355: {  	_ =	swait.ge [sflag:s20], $0x100  }
0x356: {  	s24 =	simm.s32 $0x8F;
	[sflag:s20] =	ssyncset.done $0x0  }
.LBB2_21:
0x357: {  	p0 =	sne.s32 s24, $0x1;
	s24 =	sadd.s32 $0xFFFFFFFF, s24;
	[sflag:s20] =	ssyncadd.s32 $0xFFFFFF00  }
.Ltmp9:
0x358: {  	(pc) =	sbr.rel @p0 .LBB2_21-.Ltmp9, $3  }
0x359: {  	_ =	sdelay $0x1  }
0x35a: {  	_ =	swait.ge [sflag:s20], $0x100  }
0x35b: {  	[sflag:s20] =	ssyncset.done $0x0  }
0x35c: {  	s24 =	smul.u32 $0x9000, s23;
	_ =	sdelay $0x1  }
0x35d: {  	s23 =	sadd.s32 $0x1, s23;
	s24 =	sadd.s32 s10, s24  }
0x35e: {  	p0 =	sne.s32 s23, $0x8;
	s24 =	sshrl.u32 s24, $0x3  }
.Ltmp10:
0x35f: {  	[sflag:s20] =	ssyncadd.s32 $0xFFFFFF00;
	s24 =	sadd.s32 s1, s24;
	(pc) =	sbr.rel @p0 .LBB2_2-.Ltmp10, $4  }
0x360: {  	[hbm4b:s24+s5] =	stream.linear.scatter [tilespmem:s21], [sflag:$0x2], $0x9000, $0x38;
	[tilespmem:$0x9600] =	vst v63  }
0x361: {  	_ =	swait.ge [sflag:s17], $0x9000  }
0x362: {  	[sflag:s17] =	ssyncset.done $0x0  }
0x363: {  	[sflag:s17] =	ssyncadd.s32 $0xFFFF7000  }
0x364: {  	s23 =	simm.s32 $0x0  }
0x365: {  	[tilespmem:s23], [sflag:$0x2] =	stream.linear.gather [hbm4b:s12+s23], $0x240, $0x38;
	[tilespmem:$0x9600] =	vst v63  }
0x366: {  	_ =	swait.ge [sflag:s17], $0x240  }
0x367: {  	[sflag:s17] =	ssyncset.done $0x0  }
0x368: {  	[sflag:s17] =	ssyncadd.s32 $0xFFFFFDC0  }
0x369: {  	v37 =	vld [tilespmem:$0x0];
	_ =	sdelay $0x4  }
0x36a: {  	vm0 =	vlt.s32 v37, $0x90  }
0x36b: {  	v37 =	vnsel vm0, $0x0, v37;
	_ =	sdelay $0x4  }
0x36c: {  	[tilespmem:v37+s18+$0x0] =	vst.idx.msk vm0, v0  }
0x36d: {  	v37 =	vld [tilespmem:$0x10];
	_ =	sdelay $0x4  }
0x36e: {  	vm1 =	vlt.s32 v37, $0x90  }
0x36f: {  	v37 =	vnsel vm1, $0x0, v37;
	_ =	sdelay $0x2  }
0x370: {  	v38 =	vsel vm0, $0x0, v1  }
0x371: {  	[tilespmem:$0x380] =	vst v38  }
0x372: {  	[tilespmem:v37+s18+$0x0] =	vst.idx.msk vm1, v2  }
0x373: {  	v37 =	vld [tilespmem:$0x20];
	_ =	sdelay $0x4  }
0x374: {  	vm6 =	vlt.s32 v37, $0x90  }
0x375: {  	v37 =	vnsel vm6, $0x0, v37;
	_ =	sdelay $0x2  }
0x376: {  	v53 =	vsel vm1, $0x0, v1  }
0x377: {  	[tilespmem:$0x390] =	vst v53  }
0x378: {  	[tilespmem:v37+s18+$0x0] =	vst.idx.msk vm6, v3  }
0x379: {  	v37 =	vld [tilespmem:$0x30];
	_ =	sdelay $0x4  }
0x37a: {  	vm7 =	vlt.s32 v37, $0x90  }
0x37b: {  	v37 =	vnsel vm7, $0x0, v37;
	_ =	sdelay $0x2  }
0x37c: {  	v54 =	vsel vm6, $0x0, v1  }
0x37d: {  	[tilespmem:$0x3A0] =	vst v54  }
0x37e: {  	[tilespmem:v37+s18+$0x0] =	vst.idx.msk vm7, v4  }
0x37f: {  	v37 =	vld [tilespmem:$0x40];
	_ =	sdelay $0x4  }
0x380: {  	vm8 =	vlt.s32 v37, $0x90  }
0x381: {  	v37 =	vnsel vm8, $0x0, v37;
	_ =	sdelay $0x2  }
0x382: {  	v55 =	vsel vm7, $0x0, v1  }
0x383: {  	[tilespmem:$0x3B0] =	vst v55  }
0x384: {  	[tilespmem:v37+s18+$0x0] =	vst.idx.msk vm8, v5  }
0x385: {  	v37 =	vld [tilespmem:$0x50];
	_ =	sdelay $0x4  }
0x386: {  	vm9 =	vlt.s32 v37, $0x90  }
0x387: {  	v37 =	vnsel vm9, $0x0, v37;
	_ =	sdelay $0x2  }
0x388: {  	v56 =	vsel vm8, $0x0, v1  }
0x389: {  	[tilespmem:$0x3C0] =	vst v56  }
0x38a: {  	[tilespmem:v37+s18+$0x0] =	vst.idx.msk vm9, v6  }
0x38b: {  	v37 =	vld [tilespmem:$0x60];
	_ =	sdelay $0x4  }
0x38c: {  	vm10 =	vlt.s32 v37, $0x90  }
0x38d: {  	v37 =	vnsel vm10, $0x0, v37;
	_ =	sdelay $0x2  }
0x38e: {  	v57 =	vsel vm9, $0x0, v1  }
0x38f: {  	[tilespmem:$0x3D0] =	vst v57  }
0x390: {  	[tilespmem:v37+s18+$0x0] =	vst.idx.msk vm10, v7  }
0x391: {  	v37 =	vld [tilespmem:$0x70];
	_ =	sdelay $0x4  }
0x392: {  	vm11 =	vlt.s32 v37, $0x90  }
0x393: {  	v37 =	vnsel vm11, $0x0, v37;
	_ =	sdelay $0x2  }
0x394: {  	v58 =	vsel vm10, $0x0, v1  }
0x395: {  	[tilespmem:$0x3E0] =	vst v58  }
0x396: {  	[tilespmem:v37+s18+$0x0] =	vst.idx.msk vm11, v8  }
0x397: {  	v37 =	vld [tilespmem:$0x80];
	_ =	sdelay $0x4  }
0x398: {  	vm12 =	vlt.s32 v37, $0x90  }
0x399: {  	v37 =	vnsel vm12, $0x0, v37;
	_ =	sdelay $0x2  }
0x39a: {  	v59 =	vsel vm11, $0x0, v1  }
0x39b: {  	[tilespmem:$0x3F0] =	vst v59  }
0x39c: {  	[tilespmem:v37+s18+$0x0] =	vst.idx.msk vm12, v9  }
0x39d: {  	v37 =	vld [tilespmem:$0x90];
	_ =	sdelay $0x4  }
0x39e: {  	vm13 =	vlt.s32 v37, $0x90  }
0x39f: {  	v37 =	vnsel vm13, $0x0, v37;
	_ =	sdelay $0x2  }
0x3a0: {  	v60 =	vsel vm12, $0x0, v1  }
0x3a1: {  	[tilespmem:$0x400] =	vst v60  }
0x3a2: {  	[tilespmem:v37+s18+$0x0] =	vst.idx.msk vm13, v10  }
0x3a3: {  	v37 =	vld [tilespmem:$0xA0];
	_ =	sdelay $0x4  }
0x3a4: {  	vm14 =	vlt.s32 v37, $0x90  }
0x3a5: {  	v37 =	vnsel vm14, $0x0, v37;
	_ =	sdelay $0x2  }
0x3a6: {  	v61 =	vsel vm13, $0x0, v1  }
0x3a7: {  	[tilespmem:$0x410] =	vst v61  }
0x3a8: {  	[tilespmem:v37+s18+$0x0] =	vst.idx.msk vm14, v11  }
0x3a9: {  	v37 =	vld [tilespmem:$0xB0];
	_ =	sdelay $0x4  }
0x3aa: {  	vm15 =	vlt.s32 v37, $0x90  }
0x3ab: {  	v37 =	vnsel vm15, $0x0, v37;
	_ =	sdelay $0x2  }
0x3ac: {  	v62 =	vsel vm14, $0x0, v1  }
0x3ad: {  	[tilespmem:$0x420] =	vst v62  }
0x3ae: {  	[tilespmem:v37+s18+$0x0] =	vst.idx.msk vm15, v12  }
0x3af: {  	v37 =	vld [tilespmem:$0xC0];
	_ =	sdelay $0x4  }
0x3b0: {  	vm4 =	vlt.s32 v37, $0x90  }
0x3b1: {  	v37 =	vnsel vm4, $0x0, v37;
	_ =	sdelay $0x2  }
0x3b2: {  	v63 =	vsel vm15, $0x0, v1  }
0x3b3: {  	[tilespmem:$0x430] =	vst v63  }
0x3b4: {  	[tilespmem:v37+s18+$0x0] =	vst.idx.msk vm4, v13  }
0x3b5: {  	v37 =	vld [tilespmem:$0xD0];
	_ =	sdelay $0x4  }
0x3b6: {  	vm5 =	vlt.s32 v37, $0x90  }
0x3b7: {  	v37 =	vnsel vm5, $0x0, v37;
	_ =	sdelay $0x2  }
0x3b8: {  	v40 =	vsel vm4, $0x0, v1  }
0x3b9: {  	[tilespmem:$0x440] =	vst v40  }
0x3ba: {  	[tilespmem:v37+s18+$0x0] =	vst.idx.msk vm5, v14  }
0x3bb: {  	v37 =	vld [tilespmem:$0xE0];
	_ =	sdelay $0x4  }
0x3bc: {  	vm6 =	vlt.s32 v37, $0x90  }
0x3bd: {  	v37 =	vnsel vm6, $0x0, v37;
	_ =	sdelay $0x2  }
0x3be: {  	v41 =	vsel vm5, $0x0, v1  }
0x3bf: {  	[tilespmem:$0x450] =	vst v41  }
0x3c0: {  	[tilespmem:v37+s18+$0x0] =	vst.idx.msk vm6, v15  }
0x3c1: {  	v37 =	vld [tilespmem:$0xF0];
	_ =	sdelay $0x4  }
0x3c2: {  	vm7 =	vlt.s32 v37, $0x90  }
0x3c3: {  	v37 =	vnsel vm7, $0x0, v37;
	_ =	sdelay $0x2  }
0x3c4: {  	v42 =	vsel vm6, $0x0, v1  }
0x3c5: {  	[tilespmem:$0x460] =	vst v42  }
0x3c6: {  	[tilespmem:v37+s18+$0x0] =	vst.idx.msk vm7, v16  }
0x3c7: {  	v37 =	vld [tilespmem:$0x100];
	_ =	sdelay $0x4  }
0x3c8: {  	vm8 =	vlt.s32 v37, $0x90  }
0x3c9: {  	v37 =	vnsel vm8, $0x0, v37;
	_ =	sdelay $0x2  }
0x3ca: {  	v43 =	vsel vm7, $0x0, v1  }
0x3cb: {  	[tilespmem:$0x470] =	vst v43  }
0x3cc: {  	[tilespmem:v37+s18+$0x0] =	vst.idx.msk vm8, v17  }
0x3cd: {  	v37 =	vld [tilespmem:$0x110];
	_ =	sdelay $0x4  }
0x3ce: {  	vm9 =	vlt.s32 v37, $0x90  }
0x3cf: {  	v37 =	vnsel vm9, $0x0, v37;
	_ =	sdelay $0x2  }
0x3d0: {  	v44 =	vsel vm8, $0x0, v1  }
0x3d1: {  	[tilespmem:$0x480] =	vst v44  }
0x3d2: {  	[tilespmem:v37+s18+$0x0] =	vst.idx.msk vm9, v18  }
0x3d3: {  	v37 =	vld [tilespmem:$0x120];
	_ =	sdelay $0x4  }
0x3d4: {  	vm10 =	vlt.s32 v37, $0x90  }
0x3d5: {  	v37 =	vnsel vm10, $0x0, v37;
	_ =	sdelay $0x2  }
0x3d6: {  	v45 =	vsel vm9, $0x0, v1  }
0x3d7: {  	[tilespmem:$0x490] =	vst v45  }
0x3d8: {  	[tilespmem:v37+s18+$0x0] =	vst.idx.msk vm10, v19  }
0x3d9: {  	v37 =	vld [tilespmem:$0x130];
	_ =	sdelay $0x4  }
0x3da: {  	vm11 =	vlt.s32 v37, $0x90  }
0x3db: {  	v37 =	vnsel vm11, $0x0, v37;
	_ =	sdelay $0x2  }
0x3dc: {  	v46 =	vsel vm10, $0x0, v1  }
0x3dd: {  	[tilespmem:$0x4A0] =	vst v46  }
0x3de: {  	[tilespmem:v37+s18+$0x0] =	vst.idx.msk vm11, v20  }
0x3df: {  	v37 =	vld [tilespmem:$0x140];
	_ =	sdelay $0x4  }
0x3e0: {  	vm12 =	vlt.s32 v37, $0x90  }
0x3e1: {  	v37 =	vnsel vm12, $0x0, v37;
	_ =	sdelay $0x2  }
0x3e2: {  	v47 =	vsel vm11, $0x0, v1  }
0x3e3: {  	[tilespmem:$0x4B0] =	vst v47  }
0x3e4: {  	[tilespmem:v37+s18+$0x0] =	vst.idx.msk vm12, v21  }
0x3e5: {  	v37 =	vld [tilespmem:$0x150];
	_ =	sdelay $0x4  }
0x3e6: {  	vm13 =	vlt.s32 v37, $0x90  }
0x3e7: {  	v37 =	vnsel vm13, $0x0, v37;
	_ =	sdelay $0x2  }
0x3e8: {  	v48 =	vsel vm12, $0x0, v1  }
0x3e9: {  	[tilespmem:$0x4C0] =	vst v48  }
0x3ea: {  	[tilespmem:v37+s18+$0x0] =	vst.idx.msk vm13, v22  }
0x3eb: {  	v37 =	vld [tilespmem:$0x160];
	_ =	sdelay $0x4  }
0x3ec: {  	vm14 =	vlt.s32 v37, $0x90  }
0x3ed: {  	v37 =	vnsel vm14, $0x0, v37;
	_ =	sdelay $0x2  }
0x3ee: {  	v49 =	vsel vm13, $0x0, v1  }
0x3ef: {  	[tilespmem:$0x4D0] =	vst v49  }
0x3f0: {  	[tilespmem:v37+s18+$0x0] =	vst.idx.msk vm14, v23  }
0x3f1: {  	v37 =	vld [tilespmem:$0x170];
	_ =	sdelay $0x4  }
0x3f2: {  	vm15 =	vlt.s32 v37, $0x90  }
0x3f3: {  	v37 =	vnsel vm15, $0x0, v37;
	_ =	sdelay $0x2  }
0x3f4: {  	v50 =	vsel vm14, $0x0, v1  }
0x3f5: {  	[tilespmem:$0x4E0] =	vst v50  }
0x3f6: {  	[tilespmem:v37+s18+$0x0] =	vst.idx.msk vm15, v24  }
0x3f7: {  	v37 =	vld [tilespmem:$0x180];
	_ =	sdelay $0x4  }
0x3f8: {  	vm4 =	vlt.s32 v37, $0x90  }
0x3f9: {  	v37 =	vnsel vm4, $0x0, v37;
	_ =	sdelay $0x2  }
0x3fa: {  	v51 =	vsel vm15, $0x0, v1  }
0x3fb: {  	[tilespmem:$0x4F0] =	vst v51  }
0x3fc: {  	[tilespmem:v37+s18+$0x0] =	vst.idx.msk vm4, v25  }
0x3fd: {  	v37 =	vld [tilespmem:$0x190];
	_ =	sdelay $0x4  }
0x3fe: {  	vm5 =	vlt.s32 v37, $0x90  }
0x3ff: {  	v37 =	vnsel vm5, $0x0, v37;
	_ =	sdelay $0x2  }
0x400: {  	v52 =	vsel vm4, $0x0, v1  }
0x401: {  	[tilespmem:$0x500] =	vst v52  }
0x402: {  	[tilespmem:v37+s18+$0x0] =	vst.idx.msk vm5, v26  }
0x403: {  	v37 =	vld [tilespmem:$0x1A0];
	_ =	sdelay $0x4  }
0x404: {  	vm6 =	vlt.s32 v37, $0x90  }
0x405: {  	v37 =	vnsel vm6, $0x0, v37;
	_ =	sdelay $0x2  }
0x406: {  	v53 =	vsel vm5, $0x0, v1  }
0x407: {  	[tilespmem:$0x510] =	vst v53  }
0x408: {  	[tilespmem:v37+s18+$0x0] =	vst.idx.msk vm6, v27  }
0x409: {  	v37 =	vld [tilespmem:$0x1B0];
	_ =	sdelay $0x4  }
0x40a: {  	vm7 =	vlt.s32 v37, $0x90  }
0x40b: {  	v37 =	vnsel vm7, $0x0, v37;
	_ =	sdelay $0x2  }
0x40c: {  	v54 =	vsel vm6, $0x0, v1  }
0x40d: {  	[tilespmem:$0x520] =	vst v54  }
0x40e: {  	[tilespmem:v37+s18+$0x0] =	vst.idx.msk vm7, v28  }
0x40f: {  	v37 =	vld [tilespmem:$0x1C0];
	_ =	sdelay $0x4  }
0x410: {  	vm8 =	vlt.s32 v37, $0x90  }
0x411: {  	v37 =	vnsel vm8, $0x0, v37;
	_ =	sdelay $0x2  }
0x412: {  	v55 =	vsel vm7, $0x0, v1  }
0x413: {  	[tilespmem:$0x530] =	vst v55  }
0x414: {  	[tilespmem:v37+s18+$0x0] =	vst.idx.msk vm8, v29  }
0x415: {  	v37 =	vld [tilespmem:$0x1D0];
	_ =	sdelay $0x4  }
0x416: {  	vm9 =	vlt.s32 v37, $0x90  }
0x417: {  	v37 =	vnsel vm9, $0x0, v37;
	_ =	sdelay $0x2  }
0x418: {  	v56 =	vsel vm8, $0x0, v1  }
0x419: {  	[tilespmem:$0x540] =	vst v56  }
0x41a: {  	[tilespmem:v37+s18+$0x0] =	vst.idx.msk vm9, v30  }
0x41b: {  	v37 =	vld [tilespmem:$0x1E0];
	_ =	sdelay $0x4  }
0x41c: {  	vm10 =	vlt.s32 v37, $0x90  }
0x41d: {  	v37 =	vnsel vm10, $0x0, v37;
	_ =	sdelay $0x2  }
0x41e: {  	v57 =	vsel vm9, $0x0, v1  }
0x41f: {  	[tilespmem:$0x550] =	vst v57  }
0x420: {  	[tilespmem:v37+s18+$0x0] =	vst.idx.msk vm10, v31  }
0x421: {  	v37 =	vld [tilespmem:$0x1F0];
	_ =	sdelay $0x4  }
0x422: {  	vm11 =	vlt.s32 v37, $0x90  }
0x423: {  	v37 =	vnsel vm11, $0x0, v37;
	_ =	sdelay $0x2  }
0x424: {  	v58 =	vsel vm10, $0x0, v1  }
0x425: {  	[tilespmem:$0x560] =	vst v58  }
0x426: {  	[tilespmem:v37+s18+$0x0] =	vst.idx.msk vm11, v32  }
0x427: {  	v37 =	vld [tilespmem:$0x200];
	_ =	sdelay $0x4  }
0x428: {  	vm12 =	vlt.s32 v37, $0x90  }
0x429: {  	v37 =	vnsel vm12, $0x0, v37;
	_ =	sdelay $0x2  }
0x42a: {  	v59 =	vsel vm11, $0x0, v1  }
0x42b: {  	[tilespmem:$0x570] =	vst v59  }
0x42c: {  	[tilespmem:v37+s18+$0x0] =	vst.idx.msk vm12, v33  }
0x42d: {  	v37 =	vld [tilespmem:$0x210];
	_ =	sdelay $0x4  }
0x42e: {  	vm13 =	vlt.s32 v37, $0x90  }
0x42f: {  	v37 =	vnsel vm13, $0x0, v37;
	_ =	sdelay $0x2  }
0x430: {  	v60 =	vsel vm12, $0x0, v1  }
0x431: {  	[tilespmem:$0x580] =	vst v60  }
0x432: {  	[tilespmem:v37+s18+$0x0] =	vst.idx.msk vm13, v34  }
0x433: {  	v37 =	vld [tilespmem:$0x220];
	_ =	sdelay $0x4  }
0x434: {  	vm14 =	vlt.s32 v37, $0x90  }
0x435: {  	v37 =	vnsel vm14, $0x0, v37;
	_ =	sdelay $0x2  }
0x436: {  	v61 =	vsel vm13, $0x0, v1  }
0x437: {  	[tilespmem:$0x590] =	vst v61  }
0x438: {  	[tilespmem:v37+s18+$0x0] =	vst.idx.msk vm14, v35  }
0x439: {  	v37 =	vld [tilespmem:$0x230];
	_ =	sdelay $0x4  }
0x43a: {  	vm15 =	vlt.s32 v37, $0x90  }
0x43b: {  	v37 =	vnsel vm15, $0x0, v37;
	_ =	sdelay $0x2  }
0x43c: {  	v62 =	vsel vm14, $0x0, v1  }
0x43d: {  	[tilespmem:$0x5A0] =	vst v62  }
0x43e: {  	v63 =	vsel vm15, $0x0, v1;
	[tilespmem:v37+s18+$0x0] =	vst.idx.msk vm15, v36  }
0x43f: {  	s24 =	simm.s32 $0x0;
	[tilespmem:$0x5B0] =	vst v63  }
.LBB2_24:
0x440: {  	s25 =	sadd.s32 s14, s24  }
0x441: {  	s26 =	smul.u32 $0x48, s25;
	_ =	sdelay $0x1  }
0x442: {  	s28 =	sadd.s32 s2, s26  }
0x443: {  	[hbm4b:s28+s23] =	stream.linear.scatter [tilespmem:s23], [sflag:$0x2], $0x240, $0x38;
	[tilespmem:$0x9600] =	vst v63  }
0x444: {  	_ =	swait.ge [sflag:s17], $0x240  }
0x445: {  	[sflag:s17] =	ssyncset.done $0x0  }
0x446: {  	s26 =	sadd.s32 s8, s26;
	[sflag:s17] =	ssyncadd.s32 $0xFFFFFDC0  }
0x447: {  	[hbm4b:s26+s23] =	stream.linear.scatter [tilespmem:s19], [sflag:$0x2], $0x240, $0x38;
	[tilespmem:$0x9600] =	vst v63  }
0x448: {  	s25 =	smul.u32 $0x12, s25;
	_ =	swait.ge [sflag:s17], $0x240  }
0x449: {  	[sflag:s17] =	ssyncset.done $0x0  }
0x44a: {  	s25 =	sadd.s32 s3, s25;
	[sflag:s17] =	ssyncadd.s32 $0xFFFFFDC0  }
0x44b: {  	[hbm4b:s25+s23] =	stream.linear.scatter [tilespmem:s18], [sflag:$0x2], $0x90, $0x38;
	[tilespmem:$0x9600] =	vst v63  }
0x44c: {  	_ =	swait.ge [sflag:s17], $0x90  }
0x44d: {  	[sflag:s17] =	ssyncset.done $0x0  }
0x44e: {  	[sflag:s17] =	ssyncadd.s32 $0xFFFFFF70  }
0x44f: {  	v37 =	vld [tilespmem:$0x280];
	_ =	sdelay $0x2  }
0x450: {  	v38 =	vmov s23  }
0x451: {  	vm0 =	veq.s32 v38, v0  }
0x452: {  	v38 =	vnsel vm0, $0x0, v37  }
0x453: {  	(xrf0) =	vadd.scan.msk.s32 $0xffff, v38;
	_ =	sdelay $0x5  }
0x454: {  	v38, _, _ =	vpop (xrf0)  }
0x455: {  	(v2sf) =	vpush v38, $0xF;
	_ =	sdelay $0x3  }
0x456: {  	s26 =	simm.s32 $0x1  }
0x457: {  	v59 =	vmov s26  }
0x458: {  	vm0 =	veq.s32 v59, v0  }
0x459: {  	s0 =	simm.s32 $0x2;
	v39 =	vnsel vm0, $0x0, v37  }
0x45a: {  	v60 =	vmov s0;
	(xrf0) =	vadd.scan.msk.s32 $0xffff, v39  }
0x45b: {  	vm0 =	veq.s32 v60, v0  }
0x45c: {  	v38 =	vnsel vm0, $0x0, v37  }
0x45d: {  	(xrf0) =	vadd.scan.msk.s32 $0xffff, v38;
	_ =	sdelay $0x2  }
0x45e: {  	v61, _, _ =	vpop (xrf0)  }
0x45f: {  	s0 =	spop (v2sf);
	(v2sf) =	vpush v61, $0xF;
	_ =	sdelay $0x1  }
0x460: {  	v63, _, _ =	vpop (xrf0)  }
0x461: {  	(v2sf) =	vpush v63, $0xF;
	_ =	sdelay $0x1  }
0x462: {  	s26 =	smul.u32 $0x24000, s24  }
0x463: {  	s29 =	simm.s32 $0x4;
	s28 =	simm.s32 $0x3  }
0x464: {  	v62 =	vmov s28;
	s28 =	simm.s32 $0x0;
	s25 =	sadd.s32 s13, s26;
	s30 =	sshll.u32 s0, $0x8  }
0x465: {  	s26 =	simm.s32 $0x0;
	vm0 =	veq.s32 v62, v0;
	s31 =	sshll.u32 s0, $0x7;
	s30 =	sand.u32 $0xFFFFF800, s30  }
.LBB2_25:
0x466: {  	p0 =	sne.s32 s29, $0xF;
	v38 =	vnsel vm0, $0x0, v37;
	s30 =	sadd.s32 s30, s25;
	s31 =	sand.u32 $0x380, s31  }
0x467: {  	s0 =	sand.u32 $0x800, s26;
	(xrf0) =	vadd.scan.msk.s32 $0xffff, v38;
	s30 =	sor.u32 s31, s30;
	s31 =	sand.u32 $0x380, s28  }
0x468: {  	s30 =	sshrl.u32 s30, $0x3;
	s0 =	sor.u32 s31, s0  }
0x469: {  	s30 =	sadd.s32 s6, s30;
	s31 =	sadd.s32 $0x600, s0  }
0x46a: {  	[tilespmem:s31], [sflag:$0x1] =	stream.linear.gather [hbm4b:s30+s5], $0x80, $0x38;
	[tilespmem:$0x9600] =	vst v63  }
.Ltmp11:
0x46b: {  	_ = 	snop;
	(pc) =	sbr.rel @p0 .LBB2_25-.Ltmp11, $4  }
0x46c: {  	s0 =	sadd.s32 $0xA00, s0;
	s30 =	sadd.s32 $0x80, s30;
	s31 =	spop (v2sf)  }
0x46d: {  	[tilespmem:s0], [sflag:$0x1] =	stream.linear.gather [hbm4b:s30+s5], $0x80, $0x38;
	[tilespmem:$0x9600] =	vst v63  }
0x46e: {  	s26 =	sadd.s32 $0x100, s26;
	v38 =	vmov s29;
	s28 =	sadd.s32 $0x80, s28;
	s0 =	sshll.u32 s31, $0x8;
	v39, _, _ =	vpop (xrf0)  }
0x46f: {  	s29 =	sadd.s32 $0x1, s29;
	vm0 =	veq.s32 v38, v0;
	s31 =	sshll.u32 s31, $0x7;
	s30 =	sand.u32 $0xFFFFF800, s0;
	(v2sf) =	vpush v39, $0xF  }
0x470: {  	v37 =	vnsel vm0, $0x0, v37;
	s0 =	sadd.s32 s30, s25;
	s29 =	sand.u32 $0x380, s31  }
0x471: {  	s30 =	sand.u32 $0x800, s26;
	(xrf0) =	vadd.scan.msk.s32 $0xffff, v37;
	s0 =	sor.u32 s29, s0;
	s29 =	sand.u32 $0x380, s28  }
0x472: {  	s0 =	sshrl.u32 s0, $0x3;
	s29 =	sor.u32 s29, s30  }
0x473: {  	s0 =	sadd.s32 s6, s0;
	s30 =	sadd.s32 $0x600, s29  }
0x474: {  	[tilespmem:s30], [sflag:$0x1] =	stream.linear.gather [hbm4b:s0+s5], $0x80, $0x38;
	[tilespmem:$0x9600] =	vst v63  }
0x475: {  	s29 =	sadd.s32 $0xA00, s29;
	s30 =	spop (v2sf);
	s0 =	sadd.s32 $0x80, s0  }
0x476: {  	[tilespmem:s29], [sflag:$0x1] =	stream.linear.gather [hbm4b:s0+s5], $0x80, $0x38;
	[tilespmem:$0x9600] =	vst v63  }
0x477: {  	s0 =	sshll.u32 s30, $0x8;
	v37, _, _ =	vpop (xrf0)  }
0x478: {  	s26 =	sadd.s32 $0x100, s26;
	s29 =	sshll.u32 s30, $0x7;
	s0 =	sand.u32 $0xFFFFF800, s0;
	(v2sf) =	vpush v37, $0xF  }
0x479: {  	s28 =	sadd.s32 $0x80, s28;
	s29 =	sand.u32 $0x380, s29;
	s0 =	sadd.s32 s0, s25  }
0x47a: {  	s30 =	sand.u32 $0x800, s26;
	s0 =	sor.u32 s29, s0;
	s29 =	sand.u32 $0x380, s28  }
0x47b: {  	s0 =	sshrl.u32 s0, $0x3;
	s29 =	sor.u32 s29, s30  }
0x47c: {  	s0 =	sadd.s32 s6, s0;
	s30 =	sadd.s32 $0x600, s29  }
0x47d: {  	[tilespmem:s30], [sflag:$0x1] =	stream.linear.gather [hbm4b:s0+s5], $0x80, $0x38;
	[tilespmem:$0x9600] =	vst v63  }
0x47e: {  	s29 =	sadd.s32 $0xA00, s29;
	s0 =	sadd.s32 $0x80, s0;
	s30 =	spop (v2sf)  }
0x47f: {  	[tilespmem:s29], [sflag:$0x1] =	stream.linear.gather [hbm4b:s0+s5], $0x80, $0x38;
	[tilespmem:$0x9600] =	vst v63  }
0x480: {  	s0 =	sshll.u32 s30, $0x8  }
0x481: {  	s26 =	sadd.s32 $0x100, s26;
	s29 =	sshll.u32 s30, $0x7;
	s0 =	sand.u32 $0xFFFFF800, s0  }
0x482: {  	s28 =	sadd.s32 $0x80, s28;
	s29 =	sand.u32 $0x380, s29;
	s0 =	sadd.s32 s0, s25  }
0x483: {  	s30 =	sand.u32 $0x800, s26;
	s0 =	sor.u32 s29, s0;
	s29 =	sand.u32 $0x380, s28  }
0x484: {  	s0 =	sshrl.u32 s0, $0x3;
	s29 =	sor.u32 s29, s30  }
0x485: {  	s0 =	sadd.s32 s6, s0;
	s30 =	sadd.s32 $0x600, s29  }
0x486: {  	[tilespmem:s30], [sflag:$0x1] =	stream.linear.gather [hbm4b:s0+s5], $0x80, $0x38;
	[tilespmem:$0x9600] =	vst v63  }
0x487: {  	s29 =	sadd.s32 $0xA00, s29;
	s0 =	sadd.s32 $0x80, s0;
	s30 =	spop (v2sf)  }
0x488: {  	[tilespmem:s29], [sflag:$0x1] =	stream.linear.gather [hbm4b:s0+s5], $0x80, $0x38;
	[tilespmem:$0x9600] =	vst v63  }
0x489: {  	s0 =	sshll.u32 s30, $0x8  }
0x48a: {  	s26 =	sadd.s32 $0x100, s26;
	s29 =	sshll.u32 s30, $0x7;
	s0 =	sand.u32 $0xFFFFF800, s0  }
0x48b: {  	s28 =	sadd.s32 $0x80, s28;
	s29 =	sand.u32 $0x380, s29;
	s0 =	sadd.s32 s0, s25  }
0x48c: {  	s26 =	sand.u32 $0x800, s26;
	s28 =	sand.u32 $0x380, s28;
	s0 =	sor.u32 s29, s0  }
0x48d: {  	s26 =	sor.u32 s28, s26;
	s0 =	sshrl.u32 s0, $0x3  }
0x48e: {  	s28 =	sadd.s32 $0x600, s26;
	s0 =	sadd.s32 s6, s0  }
0x48f: {  	[tilespmem:s28], [sflag:$0x1] =	stream.linear.gather [hbm4b:s0+s5], $0x80, $0x38;
	[tilespmem:$0x9600] =	vst v63  }
0x490: {  	s26 =	sadd.s32 $0xA00, s26;
	s0 =	sadd.s32 $0x80, s0  }
0x491: {  	[tilespmem:s26], [sflag:$0x1] =	stream.linear.gather [hbm4b:s0+s5], $0x80, $0x38;
	[tilespmem:$0x9600] =	vst v63  }
0x492: {  	v37 =	vld [tilespmem:$0x290];
	_ =	sdelay $0x1  }
0x493: {  	s26 =	simm.s32 $0x0  }
0x494: {  	v38 =	vmov s26  }
0x495: {  	vm0 =	veq.s32 v38, v0  }
0x496: {  	v38 =	vnsel vm0, $0x0, v37  }
0x497: {  	(xrf0) =	vadd.scan.msk.s32 $0xffff, v38;
	_ =	sdelay $0x5  }
0x498: {  	v38, _, _ =	vpop (xrf0)  }
0x499: {  	(v2sf) =	vpush v38, $0xF  }
0x49a: {  	s0 =	simm.s32 $0x1  }
0x49b: {  	v59 =	vmov s0  }
0x49c: {  	vm0 =	veq.s32 v59, v0  }
0x49d: {  	s0 =	simm.s32 $0x2;
	v39 =	vnsel vm0, $0x0, v37  }
0x49e: {  	v60 =	vmov s0;
	(xrf0) =	vadd.scan.msk.s32 $0xffff, v39  }
0x49f: {  	vm0 =	veq.s32 v60, v0  }
0x4a0: {  	v38 =	vnsel vm0, $0x0, v37  }
0x4a1: {  	(xrf0) =	vadd.scan.msk.s32 $0xffff, v38;
	_ =	sdelay $0x2  }
0x4a2: {  	v61, _, _ =	vpop (xrf0)  }
0x4a3: {  	(v2sf) =	vpush v61, $0xF;
	_ =	sdelay $0x1  }
0x4a4: {  	v63, _, _ =	vpop (xrf0)  }
0x4a5: {  	s28 =	spop (v2sf);
	(v2sf) =	vpush v63, $0xF;
	_ =	sdelay $0x2  }
0x4a6: {  	s0 =	simm.s32 $0x3  }
0x4a7: {  	s29 =	simm.s32 $0x4;
	v62 =	vmov s0;
	s0 =	sshll.u32 s28, $0x8  }
0x4a8: {  	vm0 =	veq.s32 v62, v0;
	s31 =	sshll.u32 s28, $0x7;
	s28 =	simm.s32 $0x0;
	s30 =	sand.u32 $0xFFFFF800, s0  }
.LBB2_27:
0x4a9: {  	p0 =	sne.s32 s29, $0xF;
	v38 =	vnsel vm0, $0x0, v37;
	s0 =	sadd.s32 s30, s25;
	s30 =	sand.u32 $0x380, s31  }
0x4aa: {  	s31 =	sand.u32 $0x800, s28;
	(xrf0) =	vadd.scan.msk.s32 $0xffff, v38;
	s0 =	sor.u32 s30, s0;
	s30 =	sand.u32 $0x380, s26  }
0x4ab: {  	s0 =	sshrl.u32 s0, $0x3;
	s30 =	sor.u32 s30, s31  }
0x4ac: {  	s0 =	sadd.s32 s6, s0;
	s31 =	sadd.s32 $0x1600, s30  }
0x4ad: {  	[tilespmem:s31], [sflag:$0x1] =	stream.linear.gather [hbm4b:s0+s5], $0x80, $0x38;
	[tilespmem:$0x9600] =	vst v63  }
.Ltmp12:
0x4ae: {  	_ = 	snop;
	(pc) =	sbr.rel @p0 .LBB2_27-.Ltmp12, $4  }
0x4af: {  	s30 =	sadd.s32 $0x1A00, s30;
	s0 =	sadd.s32 $0x80, s0;
	s31 =	spop (v2sf)  }
0x4b0: {  	[tilespmem:s30], [sflag:$0x1] =	stream.linear.gather [hbm4b:s0+s5], $0x80, $0x38;
	[tilespmem:$0x9600] =	vst v63  }
0x4b1: {  	s28 =	sadd.s32 $0x100, s28;
	v38 =	vmov s29;
	s26 =	sadd.s32 $0x80, s26;
	s0 =	sshll.u32 s31, $0x8;
	v39, _, _ =	vpop (xrf0)  }
0x4b2: {  	s29 =	sadd.s32 $0x1, s29;
	vm0 =	veq.s32 v38, v0;
	s31 =	sshll.u32 s31, $0x7;
	s30 =	sand.u32 $0xFFFFF800, s0;
	(v2sf) =	vpush v39, $0xF  }
0x4b3: {  	v37 =	vnsel vm0, $0x0, v37;
	s0 =	sadd.s32 s30, s25;
	s29 =	sand.u32 $0x380, s31  }
0x4b4: {  	s30 =	sand.u32 $0x800, s28;
	(xrf0) =	vadd.scan.msk.s32 $0xffff, v37;
	s0 =	sor.u32 s29, s0;
	s29 =	sand.u32 $0x380, s26  }
0x4b5: {  	s0 =	sshrl.u32 s0, $0x3;
	s29 =	sor.u32 s29, s30  }
0x4b6: {  	s0 =	sadd.s32 s6, s0;
	s30 =	sadd.s32 $0x1600, s29  }
0x4b7: {  	[tilespmem:s30], [sflag:$0x1] =	stream.linear.gather [hbm4b:s0+s5], $0x80, $0x38;
	[tilespmem:$0x9600] =	vst v63  }
0x4b8: {  	s29 =	sadd.s32 $0x1A00, s29;
	s30 =	spop (v2sf);
	s0 =	sadd.s32 $0x80, s0  }
0x4b9: {  	[tilespmem:s29], [sflag:$0x1] =	stream.linear.gather [hbm4b:s0+s5], $0x80, $0x38;
	[tilespmem:$0x9600] =	vst v63  }
0x4ba: {  	s0 =	sshll.u32 s30, $0x8;
	v37, _, _ =	vpop (xrf0)  }
0x4bb: {  	s28 =	sadd.s32 $0x100, s28;
	s29 =	sshll.u32 s30, $0x7;
	s0 =	sand.u32 $0xFFFFF800, s0;
	(v2sf) =	vpush v37, $0xF  }
0x4bc: {  	s26 =	sadd.s32 $0x80, s26;
	s29 =	sand.u32 $0x380, s29;
	s0 =	sadd.s32 s0, s25  }
0x4bd: {  	s30 =	sand.u32 $0x800, s28;
	s0 =	sor.u32 s29, s0;
	s29 =	sand.u32 $0x380, s26  }
0x4be: {  	s0 =	sshrl.u32 s0, $0x3;
	s29 =	sor.u32 s29, s30  }
0x4bf: {  	s0 =	sadd.s32 s6, s0;
	s30 =	sadd.s32 $0x1600, s29  }
0x4c0: {  	[tilespmem:s30], [sflag:$0x1] =	stream.linear.gather [hbm4b:s0+s5], $0x80, $0x38;
	[tilespmem:$0x9600] =	vst v63  }
0x4c1: {  	s29 =	sadd.s32 $0x1A00, s29;
	s0 =	sadd.s32 $0x80, s0;
	s30 =	spop (v2sf)  }
0x4c2: {  	[tilespmem:s29], [sflag:$0x1] =	stream.linear.gather [hbm4b:s0+s5], $0x80, $0x38;
	[tilespmem:$0x9600] =	vst v63  }
0x4c3: {  	s0 =	sshll.u32 s30, $0x8  }
0x4c4: {  	s28 =	sadd.s32 $0x100, s28;
	s29 =	sshll.u32 s30, $0x7;
	s0 =	sand.u32 $0xFFFFF800, s0  }
0x4c5: {  	s26 =	sadd.s32 $0x80, s26;
	s29 =	sand.u32 $0x380, s29;
	s0 =	sadd.s32 s0, s25  }
0x4c6: {  	s30 =	sand.u32 $0x800, s28;
	s0 =	sor.u32 s29, s0;
	s29 =	sand.u32 $0x380, s26  }
0x4c7: {  	s0 =	sshrl.u32 s0, $0x3;
	s29 =	sor.u32 s29, s30  }
0x4c8: {  	s0 =	sadd.s32 s6, s0;
	s30 =	sadd.s32 $0x1600, s29  }
0x4c9: {  	[tilespmem:s30], [sflag:$0x1] =	stream.linear.gather [hbm4b:s0+s5], $0x80, $0x38;
	[tilespmem:$0x9600] =	vst v63  }
0x4ca: {  	s29 =	sadd.s32 $0x1A00, s29;
	s0 =	sadd.s32 $0x80, s0;
	s30 =	spop (v2sf)  }
0x4cb: {  	[tilespmem:s29], [sflag:$0x1] =	stream.linear.gather [hbm4b:s0+s5], $0x80, $0x38;
	[tilespmem:$0x9600] =	vst v63  }
0x4cc: {  	s0 =	sshll.u32 s30, $0x8  }
0x4cd: {  	s28 =	sadd.s32 $0x100, s28;
	s29 =	sshll.u32 s30, $0x7;
	s0 =	sand.u32 $0xFFFFF800, s0  }
0x4ce: {  	s26 =	sadd.s32 $0x80, s26;
	s29 =	sand.u32 $0x380, s29;
	s0 =	sadd.s32 s0, s25  }
0x4cf: {  	s28 =	sand.u32 $0x800, s28;
	s26 =	sand.u32 $0x380, s26;
	s0 =	sor.u32 s29, s0  }
0x4d0: {  	s26 =	sor.u32 s26, s28;
	s0 =	sshrl.u32 s0, $0x3  }
0x4d1: {  	s28 =	sadd.s32 $0x1600, s26;
	s0 =	sadd.s32 s6, s0  }
0x4d2: {  	[tilespmem:s28], [sflag:$0x1] =	stream.linear.gather [hbm4b:s0+s5], $0x80, $0x38;
	[tilespmem:$0x9600] =	vst v63  }
0x4d3: {  	s26 =	sadd.s32 $0x1A00, s26;
	s0 =	sadd.s32 $0x80, s0  }
0x4d4: {  	[tilespmem:s26], [sflag:$0x1] =	stream.linear.gather [hbm4b:s0+s5], $0x80, $0x38;
	[tilespmem:$0x9600] =	vst v63  }
0x4d5: {  	v37 =	vld [tilespmem:$0x2A0];
	_ =	sdelay $0x1  }
0x4d6: {  	s26 =	simm.s32 $0x0  }
0x4d7: {  	v38 =	vmov s26  }
0x4d8: {  	vm0 =	veq.s32 v38, v0  }
0x4d9: {  	v38 =	vnsel vm0, $0x0, v37  }
0x4da: {  	(xrf0) =	vadd.scan.msk.s32 $0xffff, v38;
	_ =	sdelay $0x5  }
0x4db: {  	v38, _, _ =	vpop (xrf0)  }
0x4dc: {  	(v2sf) =	vpush v38, $0xF  }
0x4dd: {  	s0 =	simm.s32 $0x1  }
0x4de: {  	v59 =	vmov s0  }
0x4df: {  	vm0 =	veq.s32 v59, v0  }
0x4e0: {  	s0 =	simm.s32 $0x2;
	v39 =	vnsel vm0, $0x0, v37  }
0x4e1: {  	v60 =	vmov s0;
	(xrf0) =	vadd.scan.msk.s32 $0xffff, v39  }
0x4e2: {  	vm0 =	veq.s32 v60, v0  }
0x4e3: {  	v38 =	vnsel vm0, $0x0, v37  }
0x4e4: {  	(xrf0) =	vadd.scan.msk.s32 $0xffff, v38;
	_ =	sdelay $0x2  }
0x4e5: {  	v61, _, _ =	vpop (xrf0)  }
0x4e6: {  	(v2sf) =	vpush v61, $0xF;
	_ =	sdelay $0x1  }
0x4e7: {  	v63, _, _ =	vpop (xrf0)  }
0x4e8: {  	s28 =	spop (v2sf);
	(v2sf) =	vpush v63, $0xF;
	_ =	sdelay $0x2  }
0x4e9: {  	s0 =	simm.s32 $0x3  }
0x4ea: {  	s29 =	simm.s32 $0x4;
	v62 =	vmov s0;
	s0 =	sshll.u32 s28, $0x8  }
0x4eb: {  	vm0 =	veq.s32 v62, v0;
	s31 =	sshll.u32 s28, $0x7;
	s28 =	simm.s32 $0x0;
	s30 =	sand.u32 $0xFFFFF800, s0  }
.LBB2_29:
0x4ec: {  	p0 =	sne.s32 s29, $0xF;
	v38 =	vnsel vm0, $0x0, v37;
	s0 =	sadd.s32 s30, s25;
	s30 =	sand.u32 $0x380, s31  }
0x4ed: {  	s31 =	sand.u32 $0x800, s28;
	(xrf0) =	vadd.scan.msk.s32 $0xffff, v38;
	s0 =	sor.u32 s30, s0;
	s30 =	sand.u32 $0x380, s26  }
0x4ee: {  	s0 =	sshrl.u32 s0, $0x3;
	s30 =	sor.u32 s30, s31  }
0x4ef: {  	s0 =	sadd.s32 s6, s0;
	s31 =	sadd.s32 $0x2600, s30  }
0x4f0: {  	[tilespmem:s31], [sflag:$0x1] =	stream.linear.gather [hbm4b:s0+s5], $0x80, $0x38;
	[tilespmem:$0x9600] =	vst v63  }
.Ltmp13:
0x4f1: {  	_ = 	snop;
	(pc) =	sbr.rel @p0 .LBB2_29-.Ltmp13, $4  }
0x4f2: {  	s30 =	sadd.s32 $0x2A00, s30;
	s0 =	sadd.s32 $0x80, s0;
	s31 =	spop (v2sf)  }
0x4f3: {  	[tilespmem:s30], [sflag:$0x1] =	stream.linear.gather [hbm4b:s0+s5], $0x80, $0x38;
	[tilespmem:$0x9600] =	vst v63  }
0x4f4: {  	s28 =	sadd.s32 $0x100, s28;
	v38 =	vmov s29;
	s26 =	sadd.s32 $0x80, s26;
	s0 =	sshll.u32 s31, $0x8;
	v39, _, _ =	vpop (xrf0)  }
0x4f5: {  	s29 =	sadd.s32 $0x1, s29;
	vm0 =	veq.s32 v38, v0;
	s31 =	sshll.u32 s31, $0x7;
	s30 =	sand.u32 $0xFFFFF800, s0;
	(v2sf) =	vpush v39, $0xF  }
0x4f6: {  	v37 =	vnsel vm0, $0x0, v37;
	s0 =	sadd.s32 s30, s25;
	s29 =	sand.u32 $0x380, s31  }
0x4f7: {  	s30 =	sand.u32 $0x800, s28;
	(xrf0) =	vadd.scan.msk.s32 $0xffff, v37;
	s0 =	sor.u32 s29, s0;
	s29 =	sand.u32 $0x380, s26  }
0x4f8: {  	s0 =	sshrl.u32 s0, $0x3;
	s29 =	sor.u32 s29, s30  }
0x4f9: {  	s0 =	sadd.s32 s6, s0;
	s30 =	sadd.s32 $0x2600, s29  }
0x4fa: {  	[tilespmem:s30], [sflag:$0x1] =	stream.linear.gather [hbm4b:s0+s5], $0x80, $0x38;
	[tilespmem:$0x9600] =	vst v63  }
0x4fb: {  	s29 =	sadd.s32 $0x2A00, s29;
	s30 =	spop (v2sf);
	s0 =	sadd.s32 $0x80, s0  }
0x4fc: {  	[tilespmem:s29], [sflag:$0x1] =	stream.linear.gather [hbm4b:s0+s5], $0x80, $0x38;
	[tilespmem:$0x9600] =	vst v63  }
0x4fd: {  	s0 =	sshll.u32 s30, $0x8;
	v37, _, _ =	vpop (xrf0)  }
0x4fe: {  	s28 =	sadd.s32 $0x100, s28;
	s29 =	sshll.u32 s30, $0x7;
	s0 =	sand.u32 $0xFFFFF800, s0;
	(v2sf) =	vpush v37, $0xF  }
0x4ff: {  	s26 =	sadd.s32 $0x80, s26;
	s29 =	sand.u32 $0x380, s29;
	s0 =	sadd.s32 s0, s25  }
0x500: {  	s30 =	sand.u32 $0x800, s28;
	s0 =	sor.u32 s29, s0;
	s29 =	sand.u32 $0x380, s26  }
0x501: {  	s0 =	sshrl.u32 s0, $0x3;
	s29 =	sor.u32 s29, s30  }
0x502: {  	s0 =	sadd.s32 s6, s0;
	s30 =	sadd.s32 $0x2600, s29  }
0x503: {  	[tilespmem:s30], [sflag:$0x1] =	stream.linear.gather [hbm4b:s0+s5], $0x80, $0x38;
	[tilespmem:$0x9600] =	vst v63  }
0x504: {  	s29 =	sadd.s32 $0x2A00, s29;
	s0 =	sadd.s32 $0x80, s0;
	s30 =	spop (v2sf)  }
0x505: {  	[tilespmem:s29], [sflag:$0x1] =	stream.linear.gather [hbm4b:s0+s5], $0x80, $0x38;
	[tilespmem:$0x9600] =	vst v63  }
0x506: {  	s0 =	sshll.u32 s30, $0x8  }
0x507: {  	s28 =	sadd.s32 $0x100, s28;
	s29 =	sshll.u32 s30, $0x7;
	s0 =	sand.u32 $0xFFFFF800, s0  }
0x508: {  	s26 =	sadd.s32 $0x80, s26;
	s29 =	sand.u32 $0x380, s29;
	s0 =	sadd.s32 s0, s25  }
0x509: {  	s30 =	sand.u32 $0x800, s28;
	s0 =	sor.u32 s29, s0;
	s29 =	sand.u32 $0x380, s26  }
0x50a: {  	s0 =	sshrl.u32 s0, $0x3;
	s29 =	sor.u32 s29, s30  }
0x50b: {  	s0 =	sadd.s32 s6, s0;
	s30 =	sadd.s32 $0x2600, s29  }
0x50c: {  	[tilespmem:s30], [sflag:$0x1] =	stream.linear.gather [hbm4b:s0+s5], $0x80, $0x38;
	[tilespmem:$0x9600] =	vst v63  }
0x50d: {  	s29 =	sadd.s32 $0x2A00, s29;
	s0 =	sadd.s32 $0x80, s0;
	s30 =	spop (v2sf)  }
0x50e: {  	[tilespmem:s29], [sflag:$0x1] =	stream.linear.gather [hbm4b:s0+s5], $0x80, $0x38;
	[tilespmem:$0x9600] =	vst v63  }
0x50f: {  	s0 =	sshll.u32 s30, $0x8  }
0x510: {  	s28 =	sadd.s32 $0x100, s28;
	s29 =	sshll.u32 s30, $0x7;
	s0 =	sand.u32 $0xFFFFF800, s0  }
0x511: {  	s26 =	sadd.s32 $0x80, s26;
	s29 =	sand.u32 $0x380, s29;
	s0 =	sadd.s32 s0, s25  }
0x512: {  	s28 =	sand.u32 $0x800, s28;
	s26 =	sand.u32 $0x380, s26;
	s0 =	sor.u32 s29, s0  }
0x513: {  	s26 =	sor.u32 s26, s28;
	s0 =	sshrl.u32 s0, $0x3  }
0x514: {  	s28 =	sadd.s32 $0x2600, s26;
	s0 =	sadd.s32 s6, s0  }
0x515: {  	[tilespmem:s28], [sflag:$0x1] =	stream.linear.gather [hbm4b:s0+s5], $0x80, $0x38;
	[tilespmem:$0x9600] =	vst v63  }
0x516: {  	s26 =	sadd.s32 $0x2A00, s26;
	s0 =	sadd.s32 $0x80, s0  }
0x517: {  	[tilespmem:s26], [sflag:$0x1] =	stream.linear.gather [hbm4b:s0+s5], $0x80, $0x38;
	[tilespmem:$0x9600] =	vst v63  }
0x518: {  	v37 =	vld [tilespmem:$0x2B0];
	_ =	sdelay $0x1  }
0x519: {  	s26 =	simm.s32 $0x0  }
0x51a: {  	v38 =	vmov s26  }
0x51b: {  	vm0 =	veq.s32 v38, v0  }
0x51c: {  	v38 =	vnsel vm0, $0x0, v37  }
0x51d: {  	(xrf0) =	vadd.scan.msk.s32 $0xffff, v38;
	_ =	sdelay $0x5  }
0x51e: {  	v38, _, _ =	vpop (xrf0)  }
0x51f: {  	(v2sf) =	vpush v38, $0xF  }
0x520: {  	s0 =	simm.s32 $0x1  }
0x521: {  	v59 =	vmov s0  }
0x522: {  	vm0 =	veq.s32 v59, v0  }
0x523: {  	s0 =	simm.s32 $0x2;
	v39 =	vnsel vm0, $0x0, v37  }
0x524: {  	v60 =	vmov s0;
	(xrf0) =	vadd.scan.msk.s32 $0xffff, v39  }
0x525: {  	vm0 =	veq.s32 v60, v0  }
0x526: {  	v38 =	vnsel vm0, $0x0, v37  }
0x527: {  	(xrf0) =	vadd.scan.msk.s32 $0xffff, v38;
	_ =	sdelay $0x2  }
0x528: {  	v61, _, _ =	vpop (xrf0)  }
0x529: {  	(v2sf) =	vpush v61, $0xF;
	_ =	sdelay $0x1  }
0x52a: {  	v63, _, _ =	vpop (xrf0)  }
0x52b: {  	s28 =	spop (v2sf);
	(v2sf) =	vpush v63, $0xF;
	_ =	sdelay $0x2  }
0x52c: {  	s0 =	simm.s32 $0x3  }
0x52d: {  	s29 =	simm.s32 $0x4;
	v62 =	vmov s0;
	s0 =	sshll.u32 s28, $0x8  }
0x52e: {  	vm0 =	veq.s32 v62, v0;
	s31 =	sshll.u32 s28, $0x7;
	s28 =	simm.s32 $0x0;
	s30 =	sand.u32 $0xFFFFF800, s0  }
.LBB2_31:
0x52f: {  	p0 =	sne.s32 s29, $0xF;
	v38 =	vnsel vm0, $0x0, v37;
	s0 =	sadd.s32 s30, s25;
	s30 =	sand.u32 $0x380, s31  }
0x530: {  	s31 =	sand.u32 $0x800, s28;
	(xrf0) =	vadd.scan.msk.s32 $0xffff, v38;
	s0 =	sor.u32 s30, s0;
	s30 =	sand.u32 $0x380, s26  }
0x531: {  	s0 =	sshrl.u32 s0, $0x3;
	s30 =	sor.u32 s30, s31  }
0x532: {  	s0 =	sadd.s32 s6, s0;
	s31 =	sadd.s32 $0x3600, s30  }
0x533: {  	[tilespmem:s31], [sflag:$0x1] =	stream.linear.gather [hbm4b:s0+s5], $0x80, $0x38;
	[tilespmem:$0x9600] =	vst v63  }
.Ltmp14:
0x534: {  	_ = 	snop;
	(pc) =	sbr.rel @p0 .LBB2_31-.Ltmp14, $4  }
0x535: {  	s30 =	sadd.s32 $0x3A00, s30;
	s0 =	sadd.s32 $0x80, s0;
	s31 =	spop (v2sf)  }
0x536: {  	[tilespmem:s30], [sflag:$0x1] =	stream.linear.gather [hbm4b:s0+s5], $0x80, $0x38;
	[tilespmem:$0x9600] =	vst v63  }
0x537: {  	s28 =	sadd.s32 $0x100, s28;
	v38 =	vmov s29;
	s26 =	sadd.s32 $0x80, s26;
	s0 =	sshll.u32 s31, $0x8;
	v39, _, _ =	vpop (xrf0)  }
0x538: {  	s29 =	sadd.s32 $0x1, s29;
	vm0 =	veq.s32 v38, v0;
	s31 =	sshll.u32 s31, $0x7;
	s30 =	sand.u32 $0xFFFFF800, s0;
	(v2sf) =	vpush v39, $0xF  }
0x539: {  	v37 =	vnsel vm0, $0x0, v37;
	s0 =	sadd.s32 s30, s25;
	s29 =	sand.u32 $0x380, s31  }
0x53a: {  	s30 =	sand.u32 $0x800, s28;
	(xrf0) =	vadd.scan.msk.s32 $0xffff, v37;
	s0 =	sor.u32 s29, s0;
	s29 =	sand.u32 $0x380, s26  }
0x53b: {  	s0 =	sshrl.u32 s0, $0x3;
	s29 =	sor.u32 s29, s30  }
0x53c: {  	s0 =	sadd.s32 s6, s0;
	s30 =	sadd.s32 $0x3600, s29  }
0x53d: {  	[tilespmem:s30], [sflag:$0x1] =	stream.linear.gather [hbm4b:s0+s5], $0x80, $0x38;
	[tilespmem:$0x9600] =	vst v63  }
0x53e: {  	s29 =	sadd.s32 $0x3A00, s29;
	s30 =	spop (v2sf);
	s0 =	sadd.s32 $0x80, s0  }
0x53f: {  	[tilespmem:s29], [sflag:$0x1] =	stream.linear.gather [hbm4b:s0+s5], $0x80, $0x38;
	[tilespmem:$0x9600] =	vst v63  }
0x540: {  	s0 =	sshll.u32 s30, $0x8;
	v37, _, _ =	vpop (xrf0)  }
0x541: {  	s28 =	sadd.s32 $0x100, s28;
	s29 =	sshll.u32 s30, $0x7;
	s0 =	sand.u32 $0xFFFFF800, s0;
	(v2sf) =	vpush v37, $0xF  }
0x542: {  	s26 =	sadd.s32 $0x80, s26;
	s29 =	sand.u32 $0x380, s29;
	s0 =	sadd.s32 s0, s25  }
0x543: {  	s30 =	sand.u32 $0x800, s28;
	s0 =	sor.u32 s29, s0;
	s29 =	sand.u32 $0x380, s26  }
0x544: {  	s0 =	sshrl.u32 s0, $0x3;
	s29 =	sor.u32 s29, s30  }
0x545: {  	s0 =	sadd.s32 s6, s0;
	s30 =	sadd.s32 $0x3600, s29  }
0x546: {  	[tilespmem:s30], [sflag:$0x1] =	stream.linear.gather [hbm4b:s0+s5], $0x80, $0x38;
	[tilespmem:$0x9600] =	vst v63  }
0x547: {  	s29 =	sadd.s32 $0x3A00, s29;
	s0 =	sadd.s32 $0x80, s0;
	s30 =	spop (v2sf)  }
0x548: {  	[tilespmem:s29], [sflag:$0x1] =	stream.linear.gather [hbm4b:s0+s5], $0x80, $0x38;
	[tilespmem:$0x9600] =	vst v63  }
0x549: {  	s0 =	sshll.u32 s30, $0x8  }
0x54a: {  	s28 =	sadd.s32 $0x100, s28;
	s29 =	sshll.u32 s30, $0x7;
	s0 =	sand.u32 $0xFFFFF800, s0  }
0x54b: {  	s26 =	sadd.s32 $0x80, s26;
	s29 =	sand.u32 $0x380, s29;
	s0 =	sadd.s32 s0, s25  }
0x54c: {  	s30 =	sand.u32 $0x800, s28;
	s0 =	sor.u32 s29, s0;
	s29 =	sand.u32 $0x380, s26  }
0x54d: {  	s0 =	sshrl.u32 s0, $0x3;
	s29 =	sor.u32 s29, s30  }
0x54e: {  	s0 =	sadd.s32 s6, s0;
	s30 =	sadd.s32 $0x3600, s29  }
0x54f: {  	[tilespmem:s30], [sflag:$0x1] =	stream.linear.gather [hbm4b:s0+s5], $0x80, $0x38;
	[tilespmem:$0x9600] =	vst v63  }
0x550: {  	s29 =	sadd.s32 $0x3A00, s29;
	s0 =	sadd.s32 $0x80, s0;
	s30 =	spop (v2sf)  }
0x551: {  	[tilespmem:s29], [sflag:$0x1] =	stream.linear.gather [hbm4b:s0+s5], $0x80, $0x38;
	[tilespmem:$0x9600] =	vst v63  }
0x552: {  	s0 =	sshll.u32 s30, $0x8  }
0x553: {  	s28 =	sadd.s32 $0x100, s28;
	s29 =	sshll.u32 s30, $0x7;
	s0 =	sand.u32 $0xFFFFF800, s0  }
0x554: {  	s26 =	sadd.s32 $0x80, s26;
	s29 =	sand.u32 $0x380, s29;
	s0 =	sadd.s32 s0, s25  }
0x555: {  	s28 =	sand.u32 $0x800, s28;
	s26 =	sand.u32 $0x380, s26;
	s0 =	sor.u32 s29, s0  }
0x556: {  	s26 =	sor.u32 s26, s28;
	s0 =	sshrl.u32 s0, $0x3  }
0x557: {  	s28 =	sadd.s32 $0x3600, s26;
	s0 =	sadd.s32 s6, s0  }
0x558: {  	[tilespmem:s28], [sflag:$0x1] =	stream.linear.gather [hbm4b:s0+s5], $0x80, $0x38;
	[tilespmem:$0x9600] =	vst v63  }
0x559: {  	s26 =	sadd.s32 $0x3A00, s26;
	s0 =	sadd.s32 $0x80, s0  }
0x55a: {  	[tilespmem:s26], [sflag:$0x1] =	stream.linear.gather [hbm4b:s0+s5], $0x80, $0x38;
	[tilespmem:$0x9600] =	vst v63  }
0x55b: {  	v37 =	vld [tilespmem:$0x2C0];
	_ =	sdelay $0x1  }
0x55c: {  	s26 =	simm.s32 $0x0  }
0x55d: {  	v38 =	vmov s26  }
0x55e: {  	vm0 =	veq.s32 v38, v0  }
0x55f: {  	v38 =	vnsel vm0, $0x0, v37  }
0x560: {  	(xrf0) =	vadd.scan.msk.s32 $0xffff, v38;
	_ =	sdelay $0x5  }
0x561: {  	v38, _, _ =	vpop (xrf0)  }
0x562: {  	(v2sf) =	vpush v38, $0xF  }
0x563: {  	s0 =	simm.s32 $0x1  }
0x564: {  	v59 =	vmov s0  }
0x565: {  	vm0 =	veq.s32 v59, v0  }
0x566: {  	s0 =	simm.s32 $0x2;
	v39 =	vnsel vm0, $0x0, v37  }
0x567: {  	v60 =	vmov s0;
	(xrf0) =	vadd.scan.msk.s32 $0xffff, v39  }
0x568: {  	vm0 =	veq.s32 v60, v0  }
0x569: {  	v38 =	vnsel vm0, $0x0, v37  }
0x56a: {  	(xrf0) =	vadd.scan.msk.s32 $0xffff, v38;
	_ =	sdelay $0x2  }
0x56b: {  	v61, _, _ =	vpop (xrf0)  }
0x56c: {  	(v2sf) =	vpush v61, $0xF;
	_ =	sdelay $0x1  }
0x56d: {  	v63, _, _ =	vpop (xrf0)  }
0x56e: {  	s28 =	spop (v2sf);
	(v2sf) =	vpush v63, $0xF;
	_ =	sdelay $0x2  }
0x56f: {  	s0 =	simm.s32 $0x3  }
0x570: {  	s29 =	simm.s32 $0x4;
	v62 =	vmov s0;
	s0 =	sshll.u32 s28, $0x8  }
0x571: {  	vm0 =	veq.s32 v62, v0;
	s31 =	sshll.u32 s28, $0x7;
	s28 =	simm.s32 $0x0;
	s30 =	sand.u32 $0xFFFFF800, s0  }
.LBB2_33:
0x572: {  	p0 =	sne.s32 s29, $0xF;
	v38 =	vnsel vm0, $0x0, v37;
	s0 =	sadd.s32 s30, s25;
	s30 =	sand.u32 $0x380, s31  }
0x573: {  	s31 =	sand.u32 $0x800, s28;
	(xrf0) =	vadd.scan.msk.s32 $0xffff, v38;
	s0 =	sor.u32 s30, s0;
	s30 =	sand.u32 $0x380, s26  }
0x574: {  	s0 =	sshrl.u32 s0, $0x3;
	s30 =	sor.u32 s30, s31  }
0x575: {  	s0 =	sadd.s32 s6, s0;
	s31 =	sadd.s32 $0x4600, s30  }
0x576: {  	[tilespmem:s31], [sflag:$0x1] =	stream.linear.gather [hbm4b:s0+s5], $0x80, $0x38;
	[tilespmem:$0x9600] =	vst v63  }
.Ltmp15:
0x577: {  	_ = 	snop;
	(pc) =	sbr.rel @p0 .LBB2_33-.Ltmp15, $4  }
0x578: {  	s30 =	sadd.s32 $0x4A00, s30;
	s0 =	sadd.s32 $0x80, s0;
	s31 =	spop (v2sf)  }
0x579: {  	[tilespmem:s30], [sflag:$0x1] =	stream.linear.gather [hbm4b:s0+s5], $0x80, $0x38;
	[tilespmem:$0x9600] =	vst v63  }
0x57a: {  	s28 =	sadd.s32 $0x100, s28;
	v38 =	vmov s29;
	s26 =	sadd.s32 $0x80, s26;
	s0 =	sshll.u32 s31, $0x8;
	v39, _, _ =	vpop (xrf0)  }
0x57b: {  	s29 =	sadd.s32 $0x1, s29;
	vm0 =	veq.s32 v38, v0;
	s31 =	sshll.u32 s31, $0x7;
	s30 =	sand.u32 $0xFFFFF800, s0;
	(v2sf) =	vpush v39, $0xF  }
0x57c: {  	v37 =	vnsel vm0, $0x0, v37;
	s0 =	sadd.s32 s30, s25;
	s29 =	sand.u32 $0x380, s31  }
0x57d: {  	s30 =	sand.u32 $0x800, s28;
	(xrf0) =	vadd.scan.msk.s32 $0xffff, v37;
	s0 =	sor.u32 s29, s0;
	s29 =	sand.u32 $0x380, s26  }
0x57e: {  	s0 =	sshrl.u32 s0, $0x3;
	s29 =	sor.u32 s29, s30  }
0x57f: {  	s0 =	sadd.s32 s6, s0;
	s30 =	sadd.s32 $0x4600, s29  }
0x580: {  	[tilespmem:s30], [sflag:$0x1] =	stream.linear.gather [hbm4b:s0+s5], $0x80, $0x38;
	[tilespmem:$0x9600] =	vst v63  }
0x581: {  	s29 =	sadd.s32 $0x4A00, s29;
	s30 =	spop (v2sf);
	s0 =	sadd.s32 $0x80, s0  }
0x582: {  	[tilespmem:s29], [sflag:$0x1] =	stream.linear.gather [hbm4b:s0+s5], $0x80, $0x38;
	[tilespmem:$0x9600] =	vst v63  }
0x583: {  	s0 =	sshll.u32 s30, $0x8;
	v37, _, _ =	vpop (xrf0)  }
0x584: {  	s28 =	sadd.s32 $0x100, s28;
	s29 =	sshll.u32 s30, $0x7;
	s0 =	sand.u32 $0xFFFFF800, s0;
	(v2sf) =	vpush v37, $0xF  }
0x585: {  	s26 =	sadd.s32 $0x80, s26;
	s29 =	sand.u32 $0x380, s29;
	s0 =	sadd.s32 s0, s25  }
0x586: {  	s30 =	sand.u32 $0x800, s28;
	s0 =	sor.u32 s29, s0;
	s29 =	sand.u32 $0x380, s26  }
0x587: {  	s0 =	sshrl.u32 s0, $0x3;
	s29 =	sor.u32 s29, s30  }
0x588: {  	s0 =	sadd.s32 s6, s0;
	s30 =	sadd.s32 $0x4600, s29  }
0x589: {  	[tilespmem:s30], [sflag:$0x1] =	stream.linear.gather [hbm4b:s0+s5], $0x80, $0x38;
	[tilespmem:$0x9600] =	vst v63  }
0x58a: {  	s29 =	sadd.s32 $0x4A00, s29;
	s0 =	sadd.s32 $0x80, s0;
	s30 =	spop (v2sf)  }
0x58b: {  	[tilespmem:s29], [sflag:$0x1] =	stream.linear.gather [hbm4b:s0+s5], $0x80, $0x38;
	[tilespmem:$0x9600] =	vst v63  }
0x58c: {  	s0 =	sshll.u32 s30, $0x8  }
0x58d: {  	s28 =	sadd.s32 $0x100, s28;
	s29 =	sshll.u32 s30, $0x7;
	s0 =	sand.u32 $0xFFFFF800, s0  }
0x58e: {  	s26 =	sadd.s32 $0x80, s26;
	s29 =	sand.u32 $0x380, s29;
	s0 =	sadd.s32 s0, s25  }
0x58f: {  	s30 =	sand.u32 $0x800, s28;
	s0 =	sor.u32 s29, s0;
	s29 =	sand.u32 $0x380, s26  }
0x590: {  	s0 =	sshrl.u32 s0, $0x3;
	s29 =	sor.u32 s29, s30  }
0x591: {  	s0 =	sadd.s32 s6, s0;
	s30 =	sadd.s32 $0x4600, s29  }
0x592: {  	[tilespmem:s30], [sflag:$0x1] =	stream.linear.gather [hbm4b:s0+s5], $0x80, $0x38;
	[tilespmem:$0x9600] =	vst v63  }
0x593: {  	s29 =	sadd.s32 $0x4A00, s29;
	s0 =	sadd.s32 $0x80, s0;
	s30 =	spop (v2sf)  }
0x594: {  	[tilespmem:s29], [sflag:$0x1] =	stream.linear.gather [hbm4b:s0+s5], $0x80, $0x38;
	[tilespmem:$0x9600] =	vst v63  }
0x595: {  	s0 =	sshll.u32 s30, $0x8  }
0x596: {  	s28 =	sadd.s32 $0x100, s28;
	s29 =	sshll.u32 s30, $0x7;
	s0 =	sand.u32 $0xFFFFF800, s0  }
0x597: {  	s26 =	sadd.s32 $0x80, s26;
	s29 =	sand.u32 $0x380, s29;
	s0 =	sadd.s32 s0, s25  }
0x598: {  	s28 =	sand.u32 $0x800, s28;
	s26 =	sand.u32 $0x380, s26;
	s0 =	sor.u32 s29, s0  }
0x599: {  	s26 =	sor.u32 s26, s28;
	s0 =	sshrl.u32 s0, $0x3  }
0x59a: {  	s28 =	sadd.s32 $0x4600, s26;
	s0 =	sadd.s32 s6, s0  }
0x59b: {  	[tilespmem:s28], [sflag:$0x1] =	stream.linear.gather [hbm4b:s0+s5], $0x80, $0x38;
	[tilespmem:$0x9600] =	vst v63  }
0x59c: {  	s26 =	sadd.s32 $0x4A00, s26;
	s0 =	sadd.s32 $0x80, s0  }
0x59d: {  	[tilespmem:s26], [sflag:$0x1] =	stream.linear.gather [hbm4b:s0+s5], $0x80, $0x38;
	[tilespmem:$0x9600] =	vst v63  }
0x59e: {  	v37 =	vld [tilespmem:$0x2D0];
	_ =	sdelay $0x1  }
0x59f: {  	s26 =	simm.s32 $0x0  }
0x5a0: {  	v38 =	vmov s26  }
0x5a1: {  	vm0 =	veq.s32 v38, v0  }
0x5a2: {  	v38 =	vnsel vm0, $0x0, v37  }
0x5a3: {  	(xrf0) =	vadd.scan.msk.s32 $0xffff, v38;
	_ =	sdelay $0x5  }
0x5a4: {  	v38, _, _ =	vpop (xrf0)  }
0x5a5: {  	(v2sf) =	vpush v38, $0xF  }
0x5a6: {  	s0 =	simm.s32 $0x1  }
0x5a7: {  	v59 =	vmov s0  }
0x5a8: {  	vm0 =	veq.s32 v59, v0  }
0x5a9: {  	s0 =	simm.s32 $0x2;
	v39 =	vnsel vm0, $0x0, v37  }
0x5aa: {  	v60 =	vmov s0;
	(xrf0) =	vadd.scan.msk.s32 $0xffff, v39  }
0x5ab: {  	vm0 =	veq.s32 v60, v0  }
0x5ac: {  	v38 =	vnsel vm0, $0x0, v37  }
0x5ad: {  	(xrf0) =	vadd.scan.msk.s32 $0xffff, v38;
	_ =	sdelay $0x2  }
0x5ae: {  	v61, _, _ =	vpop (xrf0)  }
0x5af: {  	(v2sf) =	vpush v61, $0xF;
	_ =	sdelay $0x1  }
0x5b0: {  	v63, _, _ =	vpop (xrf0)  }
0x5b1: {  	s28 =	spop (v2sf);
	(v2sf) =	vpush v63, $0xF;
	_ =	sdelay $0x2  }
0x5b2: {  	s0 =	simm.s32 $0x3  }
0x5b3: {  	s29 =	simm.s32 $0x4;
	v62 =	vmov s0;
	s0 =	sshll.u32 s28, $0x8  }
0x5b4: {  	vm0 =	veq.s32 v62, v0;
	s31 =	sshll.u32 s28, $0x7;
	s28 =	simm.s32 $0x0;
	s30 =	sand.u32 $0xFFFFF800, s0  }
.LBB2_35:
0x5b5: {  	p0 =	sne.s32 s29, $0xF;
	v38 =	vnsel vm0, $0x0, v37;
	s0 =	sadd.s32 s30, s25;
	s30 =	sand.u32 $0x380, s31  }
0x5b6: {  	s31 =	sand.u32 $0x800, s28;
	(xrf0) =	vadd.scan.msk.s32 $0xffff, v38;
	s0 =	sor.u32 s30, s0;
	s30 =	sand.u32 $0x380, s26  }
0x5b7: {  	s0 =	sshrl.u32 s0, $0x3;
	s30 =	sor.u32 s30, s31  }
0x5b8: {  	s0 =	sadd.s32 s6, s0;
	s31 =	sadd.s32 $0x5600, s30  }
0x5b9: {  	[tilespmem:s31], [sflag:$0x1] =	stream.linear.gather [hbm4b:s0+s5], $0x80, $0x38;
	[tilespmem:$0x9600] =	vst v63  }
.Ltmp16:
0x5ba: {  	_ = 	snop;
	(pc) =	sbr.rel @p0 .LBB2_35-.Ltmp16, $4  }
0x5bb: {  	s30 =	sadd.s32 $0x5A00, s30;
	s0 =	sadd.s32 $0x80, s0;
	s31 =	spop (v2sf)  }
0x5bc: {  	[tilespmem:s30], [sflag:$0x1] =	stream.linear.gather [hbm4b:s0+s5], $0x80, $0x38;
	[tilespmem:$0x9600] =	vst v63  }
0x5bd: {  	s28 =	sadd.s32 $0x100, s28;
	v38 =	vmov s29;
	s26 =	sadd.s32 $0x80, s26;
	s0 =	sshll.u32 s31, $0x8;
	v39, _, _ =	vpop (xrf0)  }
0x5be: {  	s29 =	sadd.s32 $0x1, s29;
	vm0 =	veq.s32 v38, v0;
	s31 =	sshll.u32 s31, $0x7;
	s30 =	sand.u32 $0xFFFFF800, s0;
	(v2sf) =	vpush v39, $0xF  }
0x5bf: {  	v37 =	vnsel vm0, $0x0, v37;
	s0 =	sadd.s32 s30, s25;
	s29 =	sand.u32 $0x380, s31  }
0x5c0: {  	s30 =	sand.u32 $0x800, s28;
	(xrf0) =	vadd.scan.msk.s32 $0xffff, v37;
	s0 =	sor.u32 s29, s0;
	s29 =	sand.u32 $0x380, s26  }
0x5c1: {  	s0 =	sshrl.u32 s0, $0x3;
	s29 =	sor.u32 s29, s30  }
0x5c2: {  	s0 =	sadd.s32 s6, s0;
	s30 =	sadd.s32 $0x5600, s29  }
0x5c3: {  	[tilespmem:s30], [sflag:$0x1] =	stream.linear.gather [hbm4b:s0+s5], $0x80, $0x38;
	[tilespmem:$0x9600] =	vst v63  }
0x5c4: {  	s29 =	sadd.s32 $0x5A00, s29;
	s30 =	spop (v2sf);
	s0 =	sadd.s32 $0x80, s0  }
0x5c5: {  	[tilespmem:s29], [sflag:$0x1] =	stream.linear.gather [hbm4b:s0+s5], $0x80, $0x38;
	[tilespmem:$0x9600] =	vst v63  }
0x5c6: {  	s0 =	sshll.u32 s30, $0x8;
	v37, _, _ =	vpop (xrf0)  }
0x5c7: {  	s28 =	sadd.s32 $0x100, s28;
	s29 =	sshll.u32 s30, $0x7;
	s0 =	sand.u32 $0xFFFFF800, s0;
	(v2sf) =	vpush v37, $0xF  }
0x5c8: {  	s26 =	sadd.s32 $0x80, s26;
	s29 =	sand.u32 $0x380, s29;
	s0 =	sadd.s32 s0, s25  }
0x5c9: {  	s30 =	sand.u32 $0x800, s28;
	s0 =	sor.u32 s29, s0;
	s29 =	sand.u32 $0x380, s26  }
0x5ca: {  	s0 =	sshrl.u32 s0, $0x3;
	s29 =	sor.u32 s29, s30  }
0x5cb: {  	s0 =	sadd.s32 s6, s0;
	s30 =	sadd.s32 $0x5600, s29  }
0x5cc: {  	[tilespmem:s30], [sflag:$0x1] =	stream.linear.gather [hbm4b:s0+s5], $0x80, $0x38;
	[tilespmem:$0x9600] =	vst v63  }
0x5cd: {  	s29 =	sadd.s32 $0x5A00, s29;
	s0 =	sadd.s32 $0x80, s0;
	s30 =	spop (v2sf)  }
0x5ce: {  	[tilespmem:s29], [sflag:$0x1] =	stream.linear.gather [hbm4b:s0+s5], $0x80, $0x38;
	[tilespmem:$0x9600] =	vst v63  }
0x5cf: {  	s0 =	sshll.u32 s30, $0x8  }
0x5d0: {  	s28 =	sadd.s32 $0x100, s28;
	s29 =	sshll.u32 s30, $0x7;
	s0 =	sand.u32 $0xFFFFF800, s0  }
0x5d1: {  	s26 =	sadd.s32 $0x80, s26;
	s29 =	sand.u32 $0x380, s29;
	s0 =	sadd.s32 s0, s25  }
0x5d2: {  	s30 =	sand.u32 $0x800, s28;
	s0 =	sor.u32 s29, s0;
	s29 =	sand.u32 $0x380, s26  }
0x5d3: {  	s0 =	sshrl.u32 s0, $0x3;
	s29 =	sor.u32 s29, s30  }
0x5d4: {  	s0 =	sadd.s32 s6, s0;
	s30 =	sadd.s32 $0x5600, s29  }
0x5d5: {  	[tilespmem:s30], [sflag:$0x1] =	stream.linear.gather [hbm4b:s0+s5], $0x80, $0x38;
	[tilespmem:$0x9600] =	vst v63  }
0x5d6: {  	s29 =	sadd.s32 $0x5A00, s29;
	s0 =	sadd.s32 $0x80, s0;
	s30 =	spop (v2sf)  }
0x5d7: {  	[tilespmem:s29], [sflag:$0x1] =	stream.linear.gather [hbm4b:s0+s5], $0x80, $0x38;
	[tilespmem:$0x9600] =	vst v63  }
0x5d8: {  	s0 =	sshll.u32 s30, $0x8  }
0x5d9: {  	s28 =	sadd.s32 $0x100, s28;
	s29 =	sshll.u32 s30, $0x7;
	s0 =	sand.u32 $0xFFFFF800, s0  }
0x5da: {  	s26 =	sadd.s32 $0x80, s26;
	s29 =	sand.u32 $0x380, s29;
	s0 =	sadd.s32 s0, s25  }
0x5db: {  	s28 =	sand.u32 $0x800, s28;
	s26 =	sand.u32 $0x380, s26;
	s0 =	sor.u32 s29, s0  }
0x5dc: {  	s26 =	sor.u32 s26, s28;
	s0 =	sshrl.u32 s0, $0x3  }
0x5dd: {  	s28 =	sadd.s32 $0x5600, s26;
	s0 =	sadd.s32 s6, s0  }
0x5de: {  	[tilespmem:s28], [sflag:$0x1] =	stream.linear.gather [hbm4b:s0+s5], $0x80, $0x38;
	[tilespmem:$0x9600] =	vst v63  }
0x5df: {  	s26 =	sadd.s32 $0x5A00, s26;
	s0 =	sadd.s32 $0x80, s0  }
0x5e0: {  	[tilespmem:s26], [sflag:$0x1] =	stream.linear.gather [hbm4b:s0+s5], $0x80, $0x38;
	[tilespmem:$0x9600] =	vst v63  }
0x5e1: {  	v37 =	vld [tilespmem:$0x2E0];
	_ =	sdelay $0x1  }
0x5e2: {  	s26 =	simm.s32 $0x0  }
0x5e3: {  	v38 =	vmov s26  }
0x5e4: {  	vm0 =	veq.s32 v38, v0  }
0x5e5: {  	v38 =	vnsel vm0, $0x0, v37  }
0x5e6: {  	(xrf0) =	vadd.scan.msk.s32 $0xffff, v38;
	_ =	sdelay $0x5  }
0x5e7: {  	v38, _, _ =	vpop (xrf0)  }
0x5e8: {  	(v2sf) =	vpush v38, $0xF  }
0x5e9: {  	s0 =	simm.s32 $0x1  }
0x5ea: {  	v59 =	vmov s0  }
0x5eb: {  	vm0 =	veq.s32 v59, v0  }
0x5ec: {  	s0 =	simm.s32 $0x2;
	v39 =	vnsel vm0, $0x0, v37  }
0x5ed: {  	v60 =	vmov s0;
	(xrf0) =	vadd.scan.msk.s32 $0xffff, v39  }
0x5ee: {  	vm0 =	veq.s32 v60, v0  }
0x5ef: {  	v38 =	vnsel vm0, $0x0, v37  }
0x5f0: {  	(xrf0) =	vadd.scan.msk.s32 $0xffff, v38;
	_ =	sdelay $0x2  }
0x5f1: {  	v61, _, _ =	vpop (xrf0)  }
0x5f2: {  	(v2sf) =	vpush v61, $0xF;
	_ =	sdelay $0x1  }
0x5f3: {  	v63, _, _ =	vpop (xrf0)  }
0x5f4: {  	s28 =	spop (v2sf);
	(v2sf) =	vpush v63, $0xF;
	_ =	sdelay $0x2  }
0x5f5: {  	s0 =	simm.s32 $0x3  }
0x5f6: {  	s29 =	simm.s32 $0x4;
	v62 =	vmov s0;
	s0 =	sshll.u32 s28, $0x8  }
0x5f7: {  	vm0 =	veq.s32 v62, v0;
	s31 =	sshll.u32 s28, $0x7;
	s28 =	simm.s32 $0x0;
	s30 =	sand.u32 $0xFFFFF800, s0  }
.LBB2_37:
0x5f8: {  	p0 =	sne.s32 s29, $0xF;
	v38 =	vnsel vm0, $0x0, v37;
	s0 =	sadd.s32 s30, s25;
	s30 =	sand.u32 $0x380, s31  }
0x5f9: {  	s31 =	sand.u32 $0x800, s28;
	(xrf0) =	vadd.scan.msk.s32 $0xffff, v38;
	s0 =	sor.u32 s30, s0;
	s30 =	sand.u32 $0x380, s26  }
0x5fa: {  	s0 =	sshrl.u32 s0, $0x3;
	s30 =	sor.u32 s30, s31  }
0x5fb: {  	s0 =	sadd.s32 s6, s0;
	s31 =	sadd.s32 $0x6600, s30  }
0x5fc: {  	[tilespmem:s31], [sflag:$0x1] =	stream.linear.gather [hbm4b:s0+s5], $0x80, $0x38;
	[tilespmem:$0x9600] =	vst v63  }
.Ltmp17:
0x5fd: {  	_ = 	snop;
	(pc) =	sbr.rel @p0 .LBB2_37-.Ltmp17, $4  }
0x5fe: {  	s30 =	sadd.s32 $0x6A00, s30;
	s0 =	sadd.s32 $0x80, s0;
	s31 =	spop (v2sf)  }
0x5ff: {  	[tilespmem:s30], [sflag:$0x1] =	stream.linear.gather [hbm4b:s0+s5], $0x80, $0x38;
	[tilespmem:$0x9600] =	vst v63  }
0x600: {  	s28 =	sadd.s32 $0x100, s28;
	v38 =	vmov s29;
	s26 =	sadd.s32 $0x80, s26;
	s0 =	sshll.u32 s31, $0x8;
	v39, _, _ =	vpop (xrf0)  }
0x601: {  	s29 =	sadd.s32 $0x1, s29;
	vm0 =	veq.s32 v38, v0;
	s31 =	sshll.u32 s31, $0x7;
	s30 =	sand.u32 $0xFFFFF800, s0;
	(v2sf) =	vpush v39, $0xF  }
0x602: {  	v37 =	vnsel vm0, $0x0, v37;
	s0 =	sadd.s32 s30, s25;
	s29 =	sand.u32 $0x380, s31  }
0x603: {  	s30 =	sand.u32 $0x800, s28;
	(xrf0) =	vadd.scan.msk.s32 $0xffff, v37;
	s0 =	sor.u32 s29, s0;
	s29 =	sand.u32 $0x380, s26  }
0x604: {  	s0 =	sshrl.u32 s0, $0x3;
	s29 =	sor.u32 s29, s30  }
0x605: {  	s0 =	sadd.s32 s6, s0;
	s30 =	sadd.s32 $0x6600, s29  }
0x606: {  	[tilespmem:s30], [sflag:$0x1] =	stream.linear.gather [hbm4b:s0+s5], $0x80, $0x38;
	[tilespmem:$0x9600] =	vst v63  }
0x607: {  	s29 =	sadd.s32 $0x6A00, s29;
	s30 =	spop (v2sf);
	s0 =	sadd.s32 $0x80, s0  }
0x608: {  	[tilespmem:s29], [sflag:$0x1] =	stream.linear.gather [hbm4b:s0+s5], $0x80, $0x38;
	[tilespmem:$0x9600] =	vst v63  }
0x609: {  	s0 =	sshll.u32 s30, $0x8;
	v37, _, _ =	vpop (xrf0)  }
0x60a: {  	s28 =	sadd.s32 $0x100, s28;
	s29 =	sshll.u32 s30, $0x7;
	s0 =	sand.u32 $0xFFFFF800, s0;
	(v2sf) =	vpush v37, $0xF  }
0x60b: {  	s26 =	sadd.s32 $0x80, s26;
	s29 =	sand.u32 $0x380, s29;
	s0 =	sadd.s32 s0, s25  }
0x60c: {  	s30 =	sand.u32 $0x800, s28;
	s0 =	sor.u32 s29, s0;
	s29 =	sand.u32 $0x380, s26  }
0x60d: {  	s0 =	sshrl.u32 s0, $0x3;
	s29 =	sor.u32 s29, s30  }
0x60e: {  	s0 =	sadd.s32 s6, s0;
	s30 =	sadd.s32 $0x6600, s29  }
0x60f: {  	[tilespmem:s30], [sflag:$0x1] =	stream.linear.gather [hbm4b:s0+s5], $0x80, $0x38;
	[tilespmem:$0x9600] =	vst v63  }
0x610: {  	s29 =	sadd.s32 $0x6A00, s29;
	s0 =	sadd.s32 $0x80, s0;
	s30 =	spop (v2sf)  }
0x611: {  	[tilespmem:s29], [sflag:$0x1] =	stream.linear.gather [hbm4b:s0+s5], $0x80, $0x38;
	[tilespmem:$0x9600] =	vst v63  }
0x612: {  	s0 =	sshll.u32 s30, $0x8  }
0x613: {  	s28 =	sadd.s32 $0x100, s28;
	s29 =	sshll.u32 s30, $0x7;
	s0 =	sand.u32 $0xFFFFF800, s0  }
0x614: {  	s26 =	sadd.s32 $0x80, s26;
	s29 =	sand.u32 $0x380, s29;
	s0 =	sadd.s32 s0, s25  }
0x615: {  	s30 =	sand.u32 $0x800, s28;
	s0 =	sor.u32 s29, s0;
	s29 =	sand.u32 $0x380, s26  }
0x616: {  	s0 =	sshrl.u32 s0, $0x3;
	s29 =	sor.u32 s29, s30  }
0x617: {  	s0 =	sadd.s32 s6, s0;
	s30 =	sadd.s32 $0x6600, s29  }
0x618: {  	[tilespmem:s30], [sflag:$0x1] =	stream.linear.gather [hbm4b:s0+s5], $0x80, $0x38;
	[tilespmem:$0x9600] =	vst v63  }
0x619: {  	s29 =	sadd.s32 $0x6A00, s29;
	s0 =	sadd.s32 $0x80, s0;
	s30 =	spop (v2sf)  }
0x61a: {  	[tilespmem:s29], [sflag:$0x1] =	stream.linear.gather [hbm4b:s0+s5], $0x80, $0x38;
	[tilespmem:$0x9600] =	vst v63  }
0x61b: {  	s0 =	sshll.u32 s30, $0x8  }
0x61c: {  	s28 =	sadd.s32 $0x100, s28;
	s29 =	sshll.u32 s30, $0x7;
	s0 =	sand.u32 $0xFFFFF800, s0  }
0x61d: {  	s26 =	sadd.s32 $0x80, s26;
	s29 =	sand.u32 $0x380, s29;
	s0 =	sadd.s32 s0, s25  }
0x61e: {  	s28 =	sand.u32 $0x800, s28;
	s26 =	sand.u32 $0x380, s26;
	s0 =	sor.u32 s29, s0  }
0x61f: {  	s26 =	sor.u32 s26, s28;
	s0 =	sshrl.u32 s0, $0x3  }
0x620: {  	s28 =	sadd.s32 $0x6600, s26;
	s0 =	sadd.s32 s6, s0  }
0x621: {  	[tilespmem:s28], [sflag:$0x1] =	stream.linear.gather [hbm4b:s0+s5], $0x80, $0x38;
	[tilespmem:$0x9600] =	vst v63  }
0x622: {  	s26 =	sadd.s32 $0x6A00, s26;
	s0 =	sadd.s32 $0x80, s0  }
0x623: {  	[tilespmem:s26], [sflag:$0x1] =	stream.linear.gather [hbm4b:s0+s5], $0x80, $0x38;
	[tilespmem:$0x9600] =	vst v63  }
0x624: {  	v37 =	vld [tilespmem:$0x2F0];
	_ =	sdelay $0x1  }
0x625: {  	s26 =	simm.s32 $0x0  }
0x626: {  	v38 =	vmov s26  }
0x627: {  	vm0 =	veq.s32 v38, v0  }
0x628: {  	v38 =	vnsel vm0, $0x0, v37  }
0x629: {  	(xrf0) =	vadd.scan.msk.s32 $0xffff, v38;
	_ =	sdelay $0x5  }
0x62a: {  	v38, _, _ =	vpop (xrf0)  }
0x62b: {  	(v2sf) =	vpush v38, $0xF  }
0x62c: {  	s0 =	simm.s32 $0x1  }
0x62d: {  	v59 =	vmov s0  }
0x62e: {  	vm0 =	veq.s32 v59, v0  }
0x62f: {  	s0 =	simm.s32 $0x2;
	v39 =	vnsel vm0, $0x0, v37  }
0x630: {  	v60 =	vmov s0;
	(xrf0) =	vadd.scan.msk.s32 $0xffff, v39  }
0x631: {  	vm0 =	veq.s32 v60, v0  }
0x632: {  	v38 =	vnsel vm0, $0x0, v37  }
0x633: {  	(xrf0) =	vadd.scan.msk.s32 $0xffff, v38;
	_ =	sdelay $0x2  }
0x634: {  	v61, _, _ =	vpop (xrf0)  }
0x635: {  	(v2sf) =	vpush v61, $0xF;
	_ =	sdelay $0x1  }
0x636: {  	v63, _, _ =	vpop (xrf0)  }
0x637: {  	s28 =	spop (v2sf);
	(v2sf) =	vpush v63, $0xF;
	_ =	sdelay $0x2  }
0x638: {  	s0 =	simm.s32 $0x3  }
0x639: {  	s29 =	simm.s32 $0x4;
	v62 =	vmov s0;
	s0 =	sshll.u32 s28, $0x8  }
0x63a: {  	vm0 =	veq.s32 v62, v0;
	s31 =	sshll.u32 s28, $0x7;
	s28 =	simm.s32 $0x0;
	s30 =	sand.u32 $0xFFFFF800, s0  }
.LBB2_39:
0x63b: {  	p0 =	sne.s32 s29, $0xF;
	v38 =	vnsel vm0, $0x0, v37;
	s0 =	sadd.s32 s30, s25;
	s30 =	sand.u32 $0x380, s31  }
0x63c: {  	s31 =	sand.u32 $0x800, s28;
	(xrf0) =	vadd.scan.msk.s32 $0xffff, v38;
	s0 =	sor.u32 s30, s0;
	s30 =	sand.u32 $0x380, s26  }
0x63d: {  	s0 =	sshrl.u32 s0, $0x3;
	s30 =	sor.u32 s30, s31  }
0x63e: {  	s0 =	sadd.s32 s6, s0;
	s31 =	sadd.s32 $0x7600, s30  }
0x63f: {  	[tilespmem:s31], [sflag:$0x1] =	stream.linear.gather [hbm4b:s0+s5], $0x80, $0x38;
	[tilespmem:$0x9600] =	vst v63  }
.Ltmp18:
0x640: {  	_ = 	snop;
	(pc) =	sbr.rel @p0 .LBB2_39-.Ltmp18, $4  }
0x641: {  	s30 =	sadd.s32 $0x7A00, s30;
	s0 =	sadd.s32 $0x80, s0;
	s31 =	spop (v2sf)  }
0x642: {  	[tilespmem:s30], [sflag:$0x1] =	stream.linear.gather [hbm4b:s0+s5], $0x80, $0x38;
	[tilespmem:$0x9600] =	vst v63  }
0x643: {  	s28 =	sadd.s32 $0x100, s28;
	v38 =	vmov s29;
	s26 =	sadd.s32 $0x80, s26;
	s0 =	sshll.u32 s31, $0x8;
	v39, _, _ =	vpop (xrf0)  }
0x644: {  	s29 =	sadd.s32 $0x1, s29;
	vm0 =	veq.s32 v38, v0;
	s31 =	sshll.u32 s31, $0x7;
	s30 =	sand.u32 $0xFFFFF800, s0;
	(v2sf) =	vpush v39, $0xF  }
0x645: {  	v37 =	vnsel vm0, $0x0, v37;
	s0 =	sadd.s32 s30, s25;
	s29 =	sand.u32 $0x380, s31  }
0x646: {  	s30 =	sand.u32 $0x800, s28;
	(xrf0) =	vadd.scan.msk.s32 $0xffff, v37;
	s0 =	sor.u32 s29, s0;
	s29 =	sand.u32 $0x380, s26  }
0x647: {  	s0 =	sshrl.u32 s0, $0x3;
	s29 =	sor.u32 s29, s30  }
0x648: {  	s0 =	sadd.s32 s6, s0;
	s30 =	sadd.s32 $0x7600, s29  }
0x649: {  	[tilespmem:s30], [sflag:$0x1] =	stream.linear.gather [hbm4b:s0+s5], $0x80, $0x38;
	[tilespmem:$0x9600] =	vst v63  }
0x64a: {  	s29 =	sadd.s32 $0x7A00, s29;
	s30 =	spop (v2sf);
	s0 =	sadd.s32 $0x80, s0  }
0x64b: {  	[tilespmem:s29], [sflag:$0x1] =	stream.linear.gather [hbm4b:s0+s5], $0x80, $0x38;
	[tilespmem:$0x9600] =	vst v63  }
0x64c: {  	s0 =	sshll.u32 s30, $0x8;
	v37, _, _ =	vpop (xrf0)  }
0x64d: {  	s28 =	sadd.s32 $0x100, s28;
	s29 =	sshll.u32 s30, $0x7;
	s0 =	sand.u32 $0xFFFFF800, s0;
	(v2sf) =	vpush v37, $0xF  }
0x64e: {  	s26 =	sadd.s32 $0x80, s26;
	s29 =	sand.u32 $0x380, s29;
	s0 =	sadd.s32 s0, s25  }
0x64f: {  	s30 =	sand.u32 $0x800, s28;
	s0 =	sor.u32 s29, s0;
	s29 =	sand.u32 $0x380, s26  }
0x650: {  	s0 =	sshrl.u32 s0, $0x3;
	s29 =	sor.u32 s29, s30  }
0x651: {  	s0 =	sadd.s32 s6, s0;
	s30 =	sadd.s32 $0x7600, s29  }
0x652: {  	[tilespmem:s30], [sflag:$0x1] =	stream.linear.gather [hbm4b:s0+s5], $0x80, $0x38;
	[tilespmem:$0x9600] =	vst v63  }
0x653: {  	s29 =	sadd.s32 $0x7A00, s29;
	s0 =	sadd.s32 $0x80, s0;
	s30 =	spop (v2sf)  }
0x654: {  	[tilespmem:s29], [sflag:$0x1] =	stream.linear.gather [hbm4b:s0+s5], $0x80, $0x38;
	[tilespmem:$0x9600] =	vst v63  }
0x655: {  	s0 =	sshll.u32 s30, $0x8  }
0x656: {  	s28 =	sadd.s32 $0x100, s28;
	s29 =	sshll.u32 s30, $0x7;
	s0 =	sand.u32 $0xFFFFF800, s0  }
0x657: {  	s26 =	sadd.s32 $0x80, s26;
	s29 =	sand.u32 $0x380, s29;
	s0 =	sadd.s32 s0, s25  }
0x658: {  	s30 =	sand.u32 $0x800, s28;
	s0 =	sor.u32 s29, s0;
	s29 =	sand.u32 $0x380, s26  }
0x659: {  	s0 =	sshrl.u32 s0, $0x3;
	s29 =	sor.u32 s29, s30  }
0x65a: {  	s0 =	sadd.s32 s6, s0;
	s30 =	sadd.s32 $0x7600, s29  }
0x65b: {  	[tilespmem:s30], [sflag:$0x1] =	stream.linear.gather [hbm4b:s0+s5], $0x80, $0x38;
	[tilespmem:$0x9600] =	vst v63  }
0x65c: {  	s29 =	sadd.s32 $0x7A00, s29;
	s0 =	sadd.s32 $0x80, s0;
	s30 =	spop (v2sf)  }
0x65d: {  	[tilespmem:s29], [sflag:$0x1] =	stream.linear.gather [hbm4b:s0+s5], $0x80, $0x38;
	[tilespmem:$0x9600] =	vst v63  }
0x65e: {  	s0 =	sshll.u32 s30, $0x8  }
0x65f: {  	s28 =	sadd.s32 $0x100, s28;
	s29 =	sshll.u32 s30, $0x7;
	s0 =	sand.u32 $0xFFFFF800, s0  }
0x660: {  	s26 =	sadd.s32 $0x80, s26;
	s29 =	sand.u32 $0x380, s29;
	s0 =	sadd.s32 s0, s25  }
0x661: {  	s28 =	sand.u32 $0x800, s28;
	s26 =	sand.u32 $0x380, s26;
	s0 =	sor.u32 s29, s0  }
0x662: {  	s26 =	sor.u32 s26, s28;
	s0 =	sshrl.u32 s0, $0x3  }
0x663: {  	s28 =	sadd.s32 $0x7600, s26;
	s0 =	sadd.s32 s6, s0  }
0x664: {  	[tilespmem:s28], [sflag:$0x1] =	stream.linear.gather [hbm4b:s0+s5], $0x80, $0x38;
	[tilespmem:$0x9600] =	vst v63  }
0x665: {  	s26 =	sadd.s32 $0x7A00, s26;
	s0 =	sadd.s32 $0x80, s0  }
0x666: {  	[tilespmem:s26], [sflag:$0x1] =	stream.linear.gather [hbm4b:s0+s5], $0x80, $0x38;
	[tilespmem:$0x9600] =	vst v63  }
0x667: {  	v37 =	vld [tilespmem:$0x300];
	_ =	sdelay $0x1  }
0x668: {  	s26 =	simm.s32 $0x0  }
0x669: {  	v38 =	vmov s26  }
0x66a: {  	vm0 =	veq.s32 v38, v0  }
0x66b: {  	v38 =	vnsel vm0, $0x0, v37  }
0x66c: {  	(xrf0) =	vadd.scan.msk.s32 $0xffff, v38;
	_ =	sdelay $0x5  }
0x66d: {  	v38, _, _ =	vpop (xrf0)  }
0x66e: {  	(v2sf) =	vpush v38, $0xF  }
0x66f: {  	s0 =	simm.s32 $0x1  }
0x670: {  	v59 =	vmov s0  }
0x671: {  	vm0 =	veq.s32 v59, v0  }
0x672: {  	s0 =	simm.s32 $0x2;
	v39 =	vnsel vm0, $0x0, v37  }
0x673: {  	v60 =	vmov s0;
	(xrf0) =	vadd.scan.msk.s32 $0xffff, v39  }
0x674: {  	vm0 =	veq.s32 v60, v0  }
0x675: {  	v38 =	vnsel vm0, $0x0, v37  }
0x676: {  	(xrf0) =	vadd.scan.msk.s32 $0xffff, v38;
	_ =	sdelay $0x2  }
0x677: {  	v61, _, _ =	vpop (xrf0)  }
0x678: {  	(v2sf) =	vpush v61, $0xF;
	_ =	sdelay $0x1  }
0x679: {  	v63, _, _ =	vpop (xrf0)  }
0x67a: {  	s28 =	spop (v2sf);
	(v2sf) =	vpush v63, $0xF;
	_ =	sdelay $0x2  }
0x67b: {  	s0 =	simm.s32 $0x3  }
0x67c: {  	s29 =	simm.s32 $0x4;
	v62 =	vmov s0;
	s0 =	sshll.u32 s28, $0x8  }
0x67d: {  	vm0 =	veq.s32 v62, v0;
	s31 =	sshll.u32 s28, $0x7;
	s28 =	simm.s32 $0x0;
	s30 =	sand.u32 $0xFFFFF800, s0  }
.LBB2_41:
0x67e: {  	p0 =	sne.s32 s29, $0xF;
	v38 =	vnsel vm0, $0x0, v37;
	s0 =	sadd.s32 s30, s25;
	s30 =	sand.u32 $0x380, s31  }
0x67f: {  	s31 =	sand.u32 $0x800, s28;
	(xrf0) =	vadd.scan.msk.s32 $0xffff, v38;
	s0 =	sor.u32 s30, s0;
	s30 =	sand.u32 $0x380, s26  }
0x680: {  	s0 =	sshrl.u32 s0, $0x3;
	s30 =	sor.u32 s30, s31  }
0x681: {  	s0 =	sadd.s32 s6, s0;
	s31 =	sadd.s32 $0x8600, s30  }
0x682: {  	[tilespmem:s31], [sflag:$0x1] =	stream.linear.gather [hbm4b:s0+s5], $0x80, $0x38;
	[tilespmem:$0x9600] =	vst v63  }
.Ltmp19:
0x683: {  	_ = 	snop;
	(pc) =	sbr.rel @p0 .LBB2_41-.Ltmp19, $4  }
0x684: {  	s30 =	sadd.s32 $0x8A00, s30;
	s0 =	sadd.s32 $0x80, s0;
	s31 =	spop (v2sf)  }
0x685: {  	[tilespmem:s30], [sflag:$0x1] =	stream.linear.gather [hbm4b:s0+s5], $0x80, $0x38;
	[tilespmem:$0x9600] =	vst v63  }
0x686: {  	s28 =	sadd.s32 $0x100, s28;
	v38 =	vmov s29;
	s26 =	sadd.s32 $0x80, s26;
	s0 =	sshll.u32 s31, $0x8;
	v39, _, _ =	vpop (xrf0)  }
0x687: {  	s29 =	sadd.s32 $0x1, s29;
	vm0 =	veq.s32 v38, v0;
	s31 =	sshll.u32 s31, $0x7;
	s30 =	sand.u32 $0xFFFFF800, s0;
	(v2sf) =	vpush v39, $0xF  }
0x688: {  	v37 =	vnsel vm0, $0x0, v37;
	s0 =	sadd.s32 s30, s25;
	s29 =	sand.u32 $0x380, s31  }
0x689: {  	s31 =	sand.u32 $0x800, s28;
	(xrf0) =	vadd.scan.msk.s32 $0xffff, v37;
	s0 =	sor.u32 s29, s0;
	s29 =	sand.u32 $0x380, s26  }
0x68a: {  	s0 =	sshrl.u32 s0, $0x3;
	s29 =	sor.u32 s29, s31  }
0x68b: {  	s0 =	sadd.s32 s6, s0;
	s30 =	sadd.s32 $0x8600, s29  }
0x68c: {  	[tilespmem:s30], [sflag:$0x1] =	stream.linear.gather [hbm4b:s0+s5], $0x80, $0x38;
	[tilespmem:$0x9600] =	vst v63  }
0x68d: {  	s31 =	spop (v2sf);
	s29 =	sadd.s32 $0x8A00, s29;
	s0 =	sadd.s32 $0x80, s0  }
0x68e: {  	[tilespmem:s29], [sflag:$0x1] =	stream.linear.gather [hbm4b:s0+s5], $0x80, $0x38;
	[tilespmem:$0x9600] =	vst v63  }
0x68f: {  	s29 =	sshll.u32 s31, $0x8;
	v37, _, _ =	vpop (xrf0)  }
0x690: {  	s28 =	sadd.s32 $0x100, s28;
	s30 =	sshll.u32 s31, $0x7;
	s0 =	sand.u32 $0xFFFFF800, s29;
	(v2sf) =	vpush v37, $0xF  }
0x691: {  	s26 =	sadd.s32 $0x80, s26;
	s29 =	sand.u32 $0x380, s30;
	s0 =	sadd.s32 s0, s25  }
0x692: {  	s31 =	sand.u32 $0x800, s28;
	s0 =	sor.u32 s29, s0;
	s29 =	sand.u32 $0x380, s26  }
0x693: {  	s0 =	sshrl.u32 s0, $0x3;
	s29 =	sor.u32 s29, s31  }
0x694: {  	s0 =	sadd.s32 s6, s0;
	s30 =	sadd.s32 $0x8600, s29  }
0x695: {  	[tilespmem:s30], [sflag:$0x1] =	stream.linear.gather [hbm4b:s0+s5], $0x80, $0x38;
	[tilespmem:$0x9600] =	vst v63  }
0x696: {  	s29 =	sadd.s32 $0x8A00, s29;
	s0 =	sadd.s32 $0x80, s0;
	s31 =	spop (v2sf)  }
0x697: {  	[tilespmem:s29], [sflag:$0x1] =	stream.linear.gather [hbm4b:s0+s5], $0x80, $0x38;
	[tilespmem:$0x9600] =	vst v63  }
0x698: {  	s29 =	sshll.u32 s31, $0x8  }
0x699: {  	s28 =	sadd.s32 $0x100, s28;
	s30 =	sshll.u32 s31, $0x7;
	s0 =	sand.u32 $0xFFFFF800, s29  }
0x69a: {  	s26 =	sadd.s32 $0x80, s26;
	s29 =	sand.u32 $0x380, s30;
	s0 =	sadd.s32 s0, s25  }
0x69b: {  	s31 =	sand.u32 $0x800, s28;
	s0 =	sor.u32 s29, s0;
	s29 =	sand.u32 $0x380, s26  }
0x69c: {  	s0 =	sshrl.u32 s0, $0x3;
	s29 =	sor.u32 s29, s31  }
0x69d: {  	s0 =	sadd.s32 s6, s0;
	s30 =	sadd.s32 $0x8600, s29  }
0x69e: {  	[tilespmem:s30], [sflag:$0x1] =	stream.linear.gather [hbm4b:s0+s5], $0x80, $0x38;
	[tilespmem:$0x9600] =	vst v63  }
0x69f: {  	s29 =	sadd.s32 $0x8A00, s29;
	s0 =	sadd.s32 $0x80, s0;
	s31 =	spop (v2sf)  }
0x6a0: {  	[tilespmem:s29], [sflag:$0x1] =	stream.linear.gather [hbm4b:s0+s5], $0x80, $0x38;
	[tilespmem:$0x9600] =	vst v63  }
0x6a1: {  	s29 =	sshll.u32 s31, $0x8  }
0x6a2: {  	s28 =	sadd.s32 $0x100, s28;
	s31 =	sshll.u32 s31, $0x7;
	s0 =	sand.u32 $0xFFFFF800, s29  }
0x6a3: {  	s26 =	sadd.s32 $0x80, s26;
	s29 =	sand.u32 $0x380, s31;
	s0 =	sadd.s32 s0, s25  }
0x6a4: {  	s30 =	sand.u32 $0x380, s26;
	s31 =	sand.u32 $0x800, s28;
	s0 =	sor.u32 s29, s0  }
0x6a5: {  	s25 =	sor.u32 s30, s31;
	s0 =	sshrl.u32 s0, $0x3  }
0x6a6: {  	s26 =	sadd.s32 $0x8600, s25;
	s0 =	sadd.s32 s6, s0  }
0x6a7: {  	[tilespmem:s26], [sflag:$0x1] =	stream.linear.gather [hbm4b:s0+s5], $0x80, $0x38;
	[tilespmem:$0x9600] =	vst v63  }
0x6a8: {  	s25 =	sadd.s32 $0x8A00, s25;
	s0 =	sadd.s32 $0x80, s0  }
0x6a9: {  	[tilespmem:s25], [sflag:$0x1] =	stream.linear.gather [hbm4b:s0+s5], $0x80, $0x38;
	[tilespmem:$0x9600] =	vst v63  }
0x6aa: {  	_ =	swait.ge [sflag:s20], $0x100  }
0x6ab: {  	s25 =	simm.s32 $0x8F;
	[sflag:s20] =	ssyncset.done $0x0  }
.LBB2_43:
0x6ac: {  	p0 =	sne.s32 s25, $0x1;
	s25 =	sadd.s32 $0xFFFFFFFF, s25;
	[sflag:s20] =	ssyncadd.s32 $0xFFFFFF00  }
.Ltmp20:
0x6ad: {  	(pc) =	sbr.rel @p0 .LBB2_43-.Ltmp20, $3  }
0x6ae: {  	_ =	sdelay $0x1  }
0x6af: {  	_ =	swait.ge [sflag:s20], $0x100  }
0x6b0: {  	[sflag:s20] =	ssyncset.done $0x0  }
0x6b1: {  	s0 =	smul.u32 $0x9000, s24;
	_ =	sdelay $0x1  }
0x6b2: {  	s24 =	sadd.s32 $0x1, s24;
	s0 =	sadd.s32 s15, s0  }
0x6b3: {  	p0 =	sne.s32 s24, $0x8;
	s0 =	sshrl.u32 s0, $0x3  }
.Ltmp21:
0x6b4: {  	[sflag:s20] =	ssyncadd.s32 $0xFFFFFF00;
	s0 =	sadd.s32 s1, s0;
	(pc) =	sbr.rel @p0 .LBB2_24-.Ltmp21, $4  }
0x6b5: {  	[hbm4b:s0+s5] =	stream.linear.scatter [tilespmem:s21], [sflag:$0x2], $0x9000, $0x38;
	[tilespmem:$0x9600] =	vst v63  }
0x6b6: {  	_ =	swait.ge [sflag:s17], $0x9000  }
0x6b7: {  	[sflag:s17] =	ssyncset.done $0x0  }
0x6b8: {  	[sflag:s17] =	ssyncadd.s32 $0xFFFF7000  }
0x6b9: {  	s22 =	sadd.s32 $0x1, s22  }
0x6ba: {  	p0 =	sne.s32 s22, s16  }
.Ltmp22:
0x6bb: {  	_ = 	snop;
	(pc) =	sbr.rel @p0 .LBB2_1-.Ltmp22, $1  }
0x6bc: {  	_ =	sdelay $0x3  }
0x6bd: {  	_ =	sfence.sel $0x180000  }
0x6be: {  	[bflag:$0x0] =	sbarrier.arrive $0xFFFF  }
0x6bf: {  	_ =	strace $0x90000047  }
0x6c0: {  	[bflag:$0x2] =	sbarrier.arrive $0xFFFF  }
0x6c1: {  	p0 =	sne.s32 s4, $0x0;
	s0 =	rddreg [dreg:$0x5]  }
0x6c2: {  	s0 =	sadd.s32 @!p0 $0x100000, s0  }
0x6c3: {  	[sflag:s0] =	ssyncadd.tile.s32 @!p0 $0x1;
	_ =	shalt  }
.Lfunc_end2:
_tile_overlayer_lowered:
.L_overlay_start_2:
0x6c4: {  	(tag) =	ssettag $0x2  }
0x6c5: {  	s0 =	rddreg [dreg:$0x0];
	s2 =	stileid.u32  }
0x6c6: {  	s1 =	rddreg [dreg:$0x1];
	p0 =	sne.s32 s2, $0x0  }
0x6c7: {  	s3 =	rddreg [dreg:$0x2];
	[bflag:$0x3] =	sbarrier.arrive $0xFFFF;
	s2 =	simm.s32 @!p0 $0x1C02  }
0x6c8: {  	[timem:s3], [sflag:s2] =	dma.local @!p0 [hbm:s0], s1  }
0x6c9: {  	s0 =	simm.s32 @!p0 $0x2  }
0x6ca: {  	_ =	swait.ge @!p0 [sflag:s0], s1  }
0x6cb: {  	s1 =	ssub.s32 @!p0 $0x0, s1;
	[sflag:s0] =	ssyncset.done @!p0 $0x0  }
0x6cc: {  	[sflag:s0] =	ssyncadd.s32 @!p0 s1  }
0x6cd: {  	[bflag:$0x3] =	sbarrier.arrive $0xFFFF  }
0x6ce: {  	_ =	shalt  }

</sc_bundles>
